<compile_context>
chip_gen: v7x
topology: tpu7x:2x2x1
jax: 0.10.2.dev20260603
libtpu: 0.0.44.dev20260713+nightly
codegen_flags: <defaults>
</compile_context>

<pallas_src>
import functools

import jax
import jax.numpy as jnp
from jax import lax
from jax.experimental import pallas as pl
from jax.experimental.pallas import tpu as pltpu
from jax.experimental.pallas import tpu_sc as plsc

_N = 10000
_D = 128
_H = 64
_C = 10

_NC = 2
_NS = 16
_NW = _NC * _NS
_CW = 128
_CH0 = 116
_CH1 = 44
_CH_PAIR = _CH0 + _CH1
_CH_MAX = max(_CH0, _CH1)
_NBUF = 4
_N_ACC = 10240
_RPT = _N_ACC // _NS

_ROWS_BLK = 1000


def _edge_agg_body(src_hbm, dst_hbm, y_hbm, zeros_hbm, out_hbm,
                   src_v, dst_v, rows_v, acc_sh, sem_g, sem_s):
    c = lax.axis_index("c")
    s = lax.axis_index("s")
    pltpu.sync_copy(zeros_hbm, acc_sh.at[pl.ds(s * _RPT, _RPT)])
    plsc.subcore_barrier()

    def run(chunk_lo, n_chunks):
        pltpu.sync_copy(src_hbm.at[s, pl.ds(chunk_lo, n_chunks)],
                        src_v.at[pl.ds(0, n_chunks)])
        pltpu.sync_copy(dst_hbm.at[s, pl.ds(chunk_lo, n_chunks)],
                        dst_v.at[pl.ds(0, n_chunks)])

        def body(g, carry):
            for b in range(_NBUF):
                pltpu.async_copy(y_hbm.at[src_v.at[g * _NBUF + b]],
                                 rows_v.at[b], sem_g)
            for b in range(_NBUF):
                pltpu.make_async_copy(y_hbm.at[pl.ds(0, _CW)],
                                      rows_v.at[b], sem_g).wait()
            for b in range(_NBUF):
                pltpu.async_copy(rows_v.at[b],
                                 acc_sh.at[dst_v.at[g * _NBUF + b]], sem_s,
                                 add=True)
            for b in range(_NBUF):
                pltpu.make_async_copy(rows_v.at[b],
                                      acc_sh.at[pl.ds(0, _CW)], sem_s).wait()
            return carry

        lax.fori_loop(0, n_chunks // _NBUF, body, 0)

    @pl.when(c == 0)
    def _():
        run(0, _CH0)

    @pl.when(c == 1)
    def _():
        run(_CH0, _CH1)

    plsc.subcore_barrier()
    pltpu.sync_copy(acc_sh.at[pl.ds(s * _RPT, _RPT)],
                    out_hbm.at[c, pl.ds(s * _RPT, _RPT)])


@functools.cache
def _get_edge_agg():
    mesh = plsc.VectorSubcoreMesh(core_axis_name="c", subcore_axis_name="s",
                                  num_cores=_NC, num_subcores=_NS)
    return pl.kernel(
        _edge_agg_body,
        out_type=jax.ShapeDtypeStruct((_NC, _N_ACC, _H), jnp.float32),
        mesh=mesh,
        scratch_types=[
            pltpu.VMEM((_CH_MAX, _CW), jnp.int32),
            pltpu.VMEM((_CH_MAX, _CW), jnp.int32),
            pltpu.VMEM((_NBUF, _CW, _H), jnp.float32),
            pltpu.VMEM_SHARED((_N_ACC, _H), jnp.float32),
            pltpu.SemaphoreType.DMA,
            pltpu.SemaphoreType.DMA,
        ],
        compiler_params=pltpu.CompilerParams(use_tc_tiling_on_sc=False),
    )


def _l1_body(x_ref, wr_ref, wo_ref, y_ref, r_ref):
    xv = x_ref[...]
    y_ref[...] = jnp.dot(xv, wr_ref[...], preferred_element_type=jnp.float32)
    r_ref[...] = jnp.dot(xv, wo_ref[...], preferred_element_type=jnp.float32)


def _layer1(x, w_rel, w_root):
    return pl.pallas_call(
        _l1_body,
        grid=(_N // _ROWS_BLK,),
        in_specs=[pl.BlockSpec((_ROWS_BLK, _D), lambda i: (i, 0)),
                  pl.BlockSpec((_D, _H), lambda i: (0, 0)),
                  pl.BlockSpec((_D, _H), lambda i: (0, 0))],
        out_specs=[pl.BlockSpec((_ROWS_BLK, _H), lambda i: (i, 0)),
                   pl.BlockSpec((_ROWS_BLK, _H), lambda i: (i, 0))],
        out_shape=[jax.ShapeDtypeStruct((_N, _H), jnp.float32)] * 2,
    )(x, w_rel, w_root)


def _mid_body(agg_ref, r_ref, wr_ref, wo_ref, y_ref, rn_ref):
    h = jnp.maximum(agg_ref[0] + agg_ref[1] + r_ref[...], 0.0)
    y_ref[...] = jnp.dot(h, wr_ref[...], preferred_element_type=jnp.float32)
    rn_ref[...] = jnp.dot(h, wo_ref[...], preferred_element_type=jnp.float32)


def _mid(agg, r, w_rel, w_root):
    return pl.pallas_call(
        _mid_body,
        grid=(_N // _ROWS_BLK,),
        in_specs=[pl.BlockSpec((_NC, _ROWS_BLK, _H), lambda i: (0, i, 0)),
                  pl.BlockSpec((_ROWS_BLK, _H), lambda i: (i, 0)),
                  pl.BlockSpec((_H, _H), lambda i: (0, 0)),
                  pl.BlockSpec((_H, _H), lambda i: (0, 0))],
        out_specs=[pl.BlockSpec((_ROWS_BLK, _H), lambda i: (i, 0)),
                   pl.BlockSpec((_ROWS_BLK, _H), lambda i: (i, 0))],
        out_shape=[jax.ShapeDtypeStruct((_N, _H), jnp.float32)] * 2,
    )(agg, r, w_rel, w_root)


def _final_body(agg_ref, r_ref, b_ref, wfc_ref, bfc_ref, o_ref):
    mask = (b_ref[...] == 0).astype(jnp.float32)
    h = jnp.maximum(agg_ref[0] + agg_ref[1] + r_ref[...], 0.0)
    s = jnp.sum(h * mask, axis=0, keepdims=True)
    cnt = jnp.sum(mask)
    pooled = s / jnp.maximum(cnt, 1.0)
    logits = jnp.dot(pooled, wfc_ref[...],
                     preferred_element_type=jnp.float32) + bfc_ref[...]
    m = jnp.max(logits, axis=-1, keepdims=True)
    e = jnp.exp(logits - m)
    o_ref[...] = e / jnp.sum(e, axis=-1, keepdims=True)


def _final(agg, r, batch2, w_fc, b_fc2):
    return pl.pallas_call(
        _final_body,
        grid=(1,),
        in_specs=[pl.BlockSpec((_NC, _N, _H), lambda i: (0, 0, 0)),
                  pl.BlockSpec((_N, _H), lambda i: (0, 0)),
                  pl.BlockSpec((_N, 1), lambda i: (0, 0)),
                  pl.BlockSpec((_H, _C), lambda i: (0, 0)),
                  pl.BlockSpec((1, _C), lambda i: (0, 0))],
        out_specs=pl.BlockSpec((1, _C), lambda i: (0, 0)),
        out_shape=jax.ShapeDtypeStruct((1, _C), jnp.float32),
    )(agg, r, batch2, w_fc, b_fc2)


def kernel(x, edge_index, batch, W1_rel, W1_root, W2_rel, W2_root,
           W3_rel, W3_root, W_fc, b_fc):
    src = edge_index[0]
    dst = edge_index[1]
    e = src.shape[0]
    e_pad = _NS * _CH_PAIR * _CW
    pad = e_pad - e
    src_p = jnp.concatenate(
        [src, jnp.zeros((pad,), jnp.int32)]).reshape(_NS, _CH_PAIR, _CW)
    trash = _N + jnp.arange(pad, dtype=jnp.int32) % (_N_ACC - _N)
    dst_p = jnp.concatenate([dst, trash]).reshape(_NS, _CH_PAIR, _CW)
    zeros = jnp.zeros((_RPT, _H), jnp.float32)
    batch2 = batch.reshape(_N, 1)

    edge_agg = _get_edge_agg()
    y1, r1 = _layer1(x, W1_rel, W1_root)
    agg1 = edge_agg(src_p, dst_p, y1, zeros)
    y2, r2 = _mid(agg1, r1, W2_rel, W2_root)
    agg2 = edge_agg(src_p, dst_p, y2, zeros)
    y3, r3 = _mid(agg2, r2, W3_rel, W3_root)
    agg3 = edge_agg(src_p, dst_p, y3, zeros)
    probs = _final(agg3, r3, batch2, W_fc, b_fc.reshape(1, _C))
    return probs[0]

# --- scband reference (transcript-rebuilt; emitter-appended) ---
"""Pipeline reference for scband-classifier-89696097010223 (READ-ONLY COPY).

The authoritative reference and input builder live on the scoring server;
editing this copy changes nothing except your own understanding.
"""

import jax, jax.numpy as jnp
import numpy as np

N_NODES = 10000
N_EDGES = 320000
D_FEAT = 128
HIDDEN = 64
N_CLASSES = 10
N_GRAPHS = 32


def setup_inputs(seed: int = 0) -> dict:
    key = jax.random.key(seed)
    ks = jax.random.split(key, 12)
    x = jax.random.normal(ks[0], (N_NODES, D_FEAT), dtype=jnp.float32)
    edge_index = jax.random.randint(ks[1], (2, N_EDGES), 0, N_NODES, dtype=jnp.int32)
    batch = jnp.sort(jax.random.randint(ks[2], (N_NODES,), 0, N_GRAPHS, dtype=jnp.int32))
    s1 = 1.0 / np.sqrt(D_FEAT)
    s2 = 1.0 / np.sqrt(HIDDEN)
    W1_rel = jax.random.normal(ks[3], (D_FEAT, HIDDEN), dtype=jnp.float32) * s1
    W1_root = jax.random.normal(ks[4], (D_FEAT, HIDDEN), dtype=jnp.float32) * s1
    W2_rel = jax.random.normal(ks[5], (HIDDEN, HIDDEN), dtype=jnp.float32) * s2
    W2_root = jax.random.normal(ks[6], (HIDDEN, HIDDEN), dtype=jnp.float32) * s2
    W3_rel = jax.random.normal(ks[7], (HIDDEN, HIDDEN), dtype=jnp.float32) * s2
    W3_root = jax.random.normal(ks[8], (HIDDEN, HIDDEN), dtype=jnp.float32) * s2
    W_fc = jax.random.normal(ks[9], (HIDDEN, N_CLASSES), dtype=jnp.float32) * s2
    b_fc = jax.random.normal(ks[10], (N_CLASSES,), dtype=jnp.float32) * s2
    return {"x": x, "edge_index": edge_index, "batch": batch,
            "W1_rel": W1_rel, "W1_root": W1_root,
            "W2_rel": W2_rel, "W2_root": W2_root,
            "W3_rel": W3_rel, "W3_root": W3_root,
            "W_fc": W_fc, "b_fc": b_fc}


def _graph_conv(x, edge_index, W_rel, W_root):
    # PyG GraphConv (bias=False): out = sum-aggregated neighbor feats @ W_rel + x @ W_root
    src, dst = edge_index[0], edge_index[1]
    msgs = jnp.take(x, src, axis=0)
    agg = jax.ops.segment_sum(msgs, dst, num_segments=x.shape[0])
    return agg @ W_rel + x @ W_root


def reference(x, edge_index, batch, W1_rel, W1_root, W2_rel, W2_root, W3_rel, W3_root, W_fc, b_fc):
    h = jax.nn.relu(_graph_conv(x, edge_index, W1_rel, W1_root))
    h = jax.nn.relu(_graph_conv(h, edge_index, W2_rel, W2_root))
    h = jax.nn.relu(_graph_conv(h, edge_index, W3_rel, W3_root))
    # global_mean_pool
    sums = jax.ops.segment_sum(h, batch, num_segments=N_GRAPHS)
    counts = jax.ops.segment_sum(jnp.ones((h.shape[0],), dtype=h.dtype), batch, num_segments=N_GRAPHS)
    pooled = sums / jnp.maximum(counts, 1.0)[:, None]
    logits = pooled @ W_fc + b_fc
    probs = jax.nn.softmax(logits, axis=-1)
    return probs[0]

if __name__ == "__main__":
    import jax
    _d = setup_inputs()
    print(jax.jit(kernel)(*tuple(_d.values())))

</pallas_src>

<mosaic_0001>
#map = affine_map<(d0, d1) -> (0, 0, 0)>
#map1 = affine_map<(d0, d1) -> (0, 0)>
module attributes {stable_mosaic.version = 14 : i64} {
  func.func @_edge_agg_body(%arg0: i32, %arg1: i32, %arg2: memref<16x160x128xi32, #tpu.memory_space<hbm>>, %arg3: memref<16x160x128xi32, #tpu.memory_space<hbm>>, %arg4: memref<10000x64xf32, #tpu.memory_space<hbm>>, %arg5: memref<640x64xf32, #tpu.memory_space<hbm>>, %arg6: memref<2x10240x64xf32, #tpu.memory_space<hbm>>, %arg7: memref<116x128xi32, #tpu.memory_space<vmem>>, %arg8: memref<116x128xi32, #tpu.memory_space<vmem>>, %arg9: memref<4x128x64xf32, #tpu.memory_space<vmem>>, %arg10: memref<10240x64xf32, #tpu.memory_space<vmem_shared>>, %arg11: memref<!tpu.dma_semaphore, #tpu.memory_space<semaphore_mem>>, %arg12: memref<!tpu.dma_semaphore, #tpu.memory_space<semaphore_mem>>) attributes {dimension_semantics = [#tpu.dimension_semantics<core_parallel>, #tpu.dimension_semantics<subcore_parallel>], iteration_bounds = array<i64: 2, 16>, scalar_prefetch = 0 : i64, scratch_operands = 6 : i64, tpu.core_type = #tpu.core_type<sc_vector_subcore>, window_params = [{transform_indices = #map}, {transform_indices = #map}, {transform_indices = #map1}, {transform_indices = #map1}, {transform_indices = #map}]} {
    %mul3A = arith.constant 640 : i32
    %mul3A_0 = arith.muli %arg1, %mul3A : i32
    "tpu.region"() ({
      %run_scoped3A = tpu.sem_alloc : memref<!tpu.dma_semaphore, #tpu.memory_space<semaphore_mem>>
      %dma_start3A = arith.constant 0 : i32
      %dma_start3A_13 = tpu.memref_slice %arg10[%mul3A_0, %dma_start3A] : memref<10240x64xf32, #tpu.memory_space<vmem_shared>> -> memref<640x64xf32, #tpu.memory_space<vmem_shared>>
      tpu.enqueue_dma source(%arg5 : memref<640x64xf32, #tpu.memory_space<hbm>>) target(%dma_start3A_13 : memref<640x64xf32, #tpu.memory_space<vmem_shared>>) target_semaphore(%run_scoped3A : memref<!tpu.dma_semaphore, #tpu.memory_space<semaphore_mem>>)
      %dma_wait3A = arith.constant 0 : i32
      %dma_wait3A_14 = tpu.memref_slice %arg10[%mul3A_0, %dma_wait3A] : memref<10240x64xf32, #tpu.memory_space<vmem_shared>> -> memref<640x64xf32, #tpu.memory_space<vmem_shared>>
      tpu.wait_dma2 semaphore(%run_scoped3A : memref<!tpu.dma_semaphore, #tpu.memory_space<semaphore_mem>>) src(%arg5 : memref<640x64xf32, #tpu.memory_space<hbm>>) dst(%dma_wait3A_14 : memref<640x64xf32, #tpu.memory_space<vmem_shared>>)
      tpu.yield
    }) : () -> ()
    %barrier3A = arith.constant 0 : index
    tpu.barrier barrier_id(%barrier3A)
    %eq3A = arith.constant 0 : i32
    %eq3A_1 = arith.cmpi eq, %arg0, %eq3A : i32
    %convert_element_type3A = arith.extui %eq3A_1 : i1 to i32
    %cond3A = arith.constant 0 : i32
    %cond3A_2 = arith.cmpi ne, %convert_element_type3A, %cond3A : i32
    scf.if %cond3A_2 {
      "tpu.region"() ({
        %run_scoped3A = tpu.sem_alloc : memref<!tpu.dma_semaphore, #tpu.memory_space<semaphore_mem>>
        %dma_start3A = arith.constant 0 : i32
        %dma_start3A_18 = arith.constant 0 : i32
        %dma_start3A_19 = tpu.memref_slice %arg7[%dma_start3A, %dma_start3A_18] : memref<116x128xi32, #tpu.memory_space<vmem>> -> memref<116x128xi32, #tpu.memory_space<vmem>>
        %dma_start3A_20 = arith.constant 0 : i32
        %dma_start3A_21 = arith.constant 0 : i32
        %dma_start3A_22 = tpu.memref_slice %arg2[%arg1, %dma_start3A_20, %dma_start3A_21] : memref<16x160x128xi32, #tpu.memory_space<hbm>> -> memref<1x116x128xi32, #tpu.memory_space<hbm>>
        %dma_start3A_23 = tpu.memref_squeeze %dma_start3A_22 : memref<1x116x128xi32, #tpu.memory_space<hbm>> -> memref<116x128xi32, #tpu.memory_space<hbm>>
        %dma_start3A_24 = arith.constant 0 : i32
        %dma_start3A_25 = arith.constant 0 : i32
        %dma_start3A_26 = tpu.memref_slice %arg7[%dma_start3A_24, %dma_start3A_25] : memref<116x128xi32, #tpu.memory_space<vmem>> -> memref<116x128xi32, #tpu.memory_space<vmem>>
        %dma_start3A_27 = arith.constant 0 : i32
        %dma_start3A_28 = arith.constant 0 : i32
        %dma_start3A_29 = tpu.memref_slice %arg2[%arg1, %dma_start3A_27, %dma_start3A_28] : memref<16x160x128xi32, #tpu.memory_space<hbm>> -> memref<1x116x128xi32, #tpu.memory_space<hbm>>
        %dma_start3A_30 = tpu.memref_squeeze %dma_start3A_29 : memref<1x116x128xi32, #tpu.memory_space<hbm>> -> memref<116x128xi32, #tpu.memory_space<hbm>>
        tpu.enqueue_dma source(%dma_start3A_30 : memref<116x128xi32, #tpu.memory_space<hbm>>) target(%dma_start3A_26 : memref<116x128xi32, #tpu.memory_space<vmem>>) target_semaphore(%run_scoped3A : memref<!tpu.dma_semaphore, #tpu.memory_space<semaphore_mem>>)
        %dma_wait3A = arith.constant 0 : i32
        %dma_wait3A_31 = arith.constant 0 : i32
        %dma_wait3A_32 = tpu.memref_slice %arg7[%dma_wait3A, %dma_wait3A_31] : memref<116x128xi32, #tpu.memory_space<vmem>> -> memref<116x128xi32, #tpu.memory_space<vmem>>
        %dma_wait3A_33 = arith.constant 0 : i32
        %dma_wait3A_34 = arith.constant 0 : i32
        %dma_wait3A_35 = tpu.memref_slice %arg2[%arg1, %dma_wait3A_33, %dma_wait3A_34] : memref<16x160x128xi32, #tpu.memory_space<hbm>> -> memref<1x116x128xi32, #tpu.memory_space<hbm>>
        %dma_wait3A_36 = tpu.memref_squeeze %dma_wait3A_35 : memref<1x116x128xi32, #tpu.memory_space<hbm>> -> memref<116x128xi32, #tpu.memory_space<hbm>>
        %dma_wait3A_37 = arith.constant 0 : i32
        %dma_wait3A_38 = arith.constant 0 : i32
        %dma_wait3A_39 = tpu.memref_slice %arg7[%dma_wait3A_37, %dma_wait3A_38] : memref<116x128xi32, #tpu.memory_space<vmem>> -> memref<116x128xi32, #tpu.memory_space<vmem>>
        %dma_wait3A_40 = arith.constant 0 : i32
        %dma_wait3A_41 = arith.constant 0 : i32
        %dma_wait3A_42 = tpu.memref_slice %arg2[%arg1, %dma_wait3A_40, %dma_wait3A_41] : memref<16x160x128xi32, #tpu.memory_space<hbm>> -> memref<1x116x128xi32, #tpu.memory_space<hbm>>
        %dma_wait3A_43 = tpu.memref_squeeze %dma_wait3A_42 : memref<1x116x128xi32, #tpu.memory_space<hbm>> -> memref<116x128xi32, #tpu.memory_space<hbm>>
        tpu.wait_dma2 semaphore(%run_scoped3A : memref<!tpu.dma_semaphore, #tpu.memory_space<semaphore_mem>>) src(%dma_wait3A_43 : memref<116x128xi32, #tpu.memory_space<hbm>>) dst(%dma_wait3A_39 : memref<116x128xi32, #tpu.memory_space<vmem>>)
        tpu.yield
      }) : () -> ()
      "tpu.region"() ({
        %run_scoped3A = tpu.sem_alloc : memref<!tpu.dma_semaphore, #tpu.memory_space<semaphore_mem>>
        %dma_start3A = arith.constant 0 : i32
        %dma_start3A_18 = arith.constant 0 : i32
        %dma_start3A_19 = tpu.memref_slice %arg8[%dma_start3A, %dma_start3A_18] : memref<116x128xi32, #tpu.memory_space<vmem>> -> memref<116x128xi32, #tpu.memory_space<vmem>>
        %dma_start3A_20 = arith.constant 0 : i32
        %dma_start3A_21 = arith.constant 0 : i32
        %dma_start3A_22 = tpu.memref_slice %arg3[%arg1, %dma_start3A_20, %dma_start3A_21] : memref<16x160x128xi32, #tpu.memory_space<hbm>> -> memref<1x116x128xi32, #tpu.memory_space<hbm>>
        %dma_start3A_23 = tpu.memref_squeeze %dma_start3A_22 : memref<1x116x128xi32, #tpu.memory_space<hbm>> -> memref<116x128xi32, #tpu.memory_space<hbm>>
        %dma_start3A_24 = arith.constant 0 : i32
        %dma_start3A_25 = arith.constant 0 : i32
        %dma_start3A_26 = tpu.memref_slice %arg8[%dma_start3A_24, %dma_start3A_25] : memref<116x128xi32, #tpu.memory_space<vmem>> -> memref<116x128xi32, #tpu.memory_space<vmem>>
        %dma_start3A_27 = arith.constant 0 : i32
        %dma_start3A_28 = arith.constant 0 : i32
        %dma_start3A_29 = tpu.memref_slice %arg3[%arg1, %dma_start3A_27, %dma_start3A_28] : memref<16x160x128xi32, #tpu.memory_space<hbm>> -> memref<1x116x128xi32, #tpu.memory_space<hbm>>
        %dma_start3A_30 = tpu.memref_squeeze %dma_start3A_29 : memref<1x116x128xi32, #tpu.memory_space<hbm>> -> memref<116x128xi32, #tpu.memory_space<hbm>>
        tpu.enqueue_dma source(%dma_start3A_30 : memref<116x128xi32, #tpu.memory_space<hbm>>) target(%dma_start3A_26 : memref<116x128xi32, #tpu.memory_space<vmem>>) target_semaphore(%run_scoped3A : memref<!tpu.dma_semaphore, #tpu.memory_space<semaphore_mem>>)
        %dma_wait3A = arith.constant 0 : i32
        %dma_wait3A_31 = arith.constant 0 : i32
        %dma_wait3A_32 = tpu.memref_slice %arg8[%dma_wait3A, %dma_wait3A_31] : memref<116x128xi32, #tpu.memory_space<vmem>> -> memref<116x128xi32, #tpu.memory_space<vmem>>
        %dma_wait3A_33 = arith.constant 0 : i32
        %dma_wait3A_34 = arith.constant 0 : i32
        %dma_wait3A_35 = tpu.memref_slice %arg3[%arg1, %dma_wait3A_33, %dma_wait3A_34] : memref<16x160x128xi32, #tpu.memory_space<hbm>> -> memref<1x116x128xi32, #tpu.memory_space<hbm>>
        %dma_wait3A_36 = tpu.memref_squeeze %dma_wait3A_35 : memref<1x116x128xi32, #tpu.memory_space<hbm>> -> memref<116x128xi32, #tpu.memory_space<hbm>>
        %dma_wait3A_37 = arith.constant 0 : i32
        %dma_wait3A_38 = arith.constant 0 : i32
        %dma_wait3A_39 = tpu.memref_slice %arg8[%dma_wait3A_37, %dma_wait3A_38] : memref<116x128xi32, #tpu.memory_space<vmem>> -> memref<116x128xi32, #tpu.memory_space<vmem>>
        %dma_wait3A_40 = arith.constant 0 : i32
        %dma_wait3A_41 = arith.constant 0 : i32
        %dma_wait3A_42 = tpu.memref_slice %arg3[%arg1, %dma_wait3A_40, %dma_wait3A_41] : memref<16x160x128xi32, #tpu.memory_space<hbm>> -> memref<1x116x128xi32, #tpu.memory_space<hbm>>
        %dma_wait3A_43 = tpu.memref_squeeze %dma_wait3A_42 : memref<1x116x128xi32, #tpu.memory_space<hbm>> -> memref<116x128xi32, #tpu.memory_space<hbm>>
        tpu.wait_dma2 semaphore(%run_scoped3A : memref<!tpu.dma_semaphore, #tpu.memory_space<semaphore_mem>>) src(%dma_wait3A_43 : memref<116x128xi32, #tpu.memory_space<hbm>>) dst(%dma_wait3A_39 : memref<116x128xi32, #tpu.memory_space<vmem>>)
        tpu.yield
      }) : () -> ()
      %scan3A = arith.constant 0 : i32
      %scan3A_13 = arith.constant 0 : i32
      %scan3A_14 = arith.constant 29 : i32
      %scan3A_15 = arith.addi %scan3A_13, %scan3A_14 : i32
      %scan3A_16 = arith.constant 1 : i32
      scf.for %scan3A_18 = %scan3A_13 to %scan3A_15 step %scan3A_16  : i32 {
        %mul3A_19 = arith.constant 4 : i32
        %mul3A_20 = arith.muli %scan3A_18, %mul3A_19 : i32
        %add3A = arith.constant 0 : i32
        %add3A_21 = arith.addi %mul3A_20, %add3A : i32
        %dma_start3A = arith.constant 0 : i32
        %dma_start3A_22 = arith.constant 0 : i32
        %dma_start3A_23 = arith.constant 0 : i32
        %dma_start3A_24 = tpu.memref_slice %arg9[%dma_start3A, %dma_start3A_22, %dma_start3A_23] : memref<4x128x64xf32, #tpu.memory_space<vmem>> -> memref<1x128x64xf32, #tpu.memory_space<vmem>>
        %dma_start3A_25 = tpu.memref_squeeze %dma_start3A_24 : memref<1x128x64xf32, #tpu.memory_space<vmem>> -> memref<128x64xf32, #tpu.memory_space<vmem>>
        %dma_start3A_26 = arith.constant 0 : i32
        %dma_start3A_27 = tpu.memref_slice %arg7[%add3A_21, %dma_start3A_26] : memref<116x128xi32, #tpu.memory_space<vmem>> -> memref<1x128xi32, #tpu.memory_space<vmem>>
        %dma_start3A_28 = tpu.memref_squeeze %dma_start3A_27 : memref<1x128xi32, #tpu.memory_space<vmem>> -> memref<128xi32, #tpu.memory_space<vmem>>
        %dma_start3A_29 = arith.constant 0 : i32
        %dma_start3A_30 = arith.constant 0 : i32
        %dma_start3A_31 = tpu.memref_slice %arg4[%dma_start3A_29, %dma_start3A_30] : memref<10000x64xf32, #tpu.memory_space<hbm>> -> memref<10000x64xf32, #tpu.memory_space<hbm>>
        tpu.enqueue_indirect_dma source(%dma_start3A_31 : memref<10000x64xf32, #tpu.memory_space<hbm>>) target(%dma_start3A_25 : memref<128x64xf32, #tpu.memory_space<vmem>>) offsets(%dma_start3A_28 : memref<128xi32, #tpu.memory_space<vmem>>) semaphore(%arg11 : memref<!tpu.dma_semaphore, #tpu.memory_space<semaphore_mem>>)
        %mul3A_32 = arith.constant 4 : i32
        %mul3A_33 = arith.muli %scan3A_18, %mul3A_32 : i32
        %add3A_34 = arith.constant 1 : i32
        %add3A_35 = arith.addi %mul3A_33, %add3A_34 : i32
        %dma_start3A_36 = arith.constant 1 : i32
        %dma_start3A_37 = arith.constant 0 : i32
        %dma_start3A_38 = arith.constant 0 : i32
        %dma_start3A_39 = tpu.memref_slice %arg9[%dma_start3A_36, %dma_start3A_37, %dma_start3A_38] : memref<4x128x64xf32, #tpu.memory_space<vmem>> -> memref<1x128x64xf32, #tpu.memory_space<vmem>>
        %dma_start3A_40 = tpu.memref_squeeze %dma_start3A_39 : memref<1x128x64xf32, #tpu.memory_space<vmem>> -> memref<128x64xf32, #tpu.memory_space<vmem>>
        %dma_start3A_41 = arith.constant 0 : i32
        %dma_start3A_42 = tpu.memref_slice %arg7[%add3A_35, %dma_start3A_41] : memref<116x128xi32, #tpu.memory_space<vmem>> -> memref<1x128xi32, #tpu.memory_space<vmem>>
        %dma_start3A_43 = tpu.memref_squeeze %dma_start3A_42 : memref<1x128xi32, #tpu.memory_space<vmem>> -> memref<128xi32, #tpu.memory_space<vmem>>
        %dma_start3A_44 = arith.constant 0 : i32
        %dma_start3A_45 = arith.constant 0 : i32
        %dma_start3A_46 = tpu.memref_slice %arg4[%dma_start3A_44, %dma_start3A_45] : memref<10000x64xf32, #tpu.memory_space<hbm>> -> memref<10000x64xf32, #tpu.memory_space<hbm>>
        tpu.enqueue_indirect_dma source(%dma_start3A_46 : memref<10000x64xf32, #tpu.memory_space<hbm>>) target(%dma_start3A_40 : memref<128x64xf32, #tpu.memory_space<vmem>>) offsets(%dma_start3A_43 : memref<128xi32, #tpu.memory_space<vmem>>) semaphore(%arg11 : memref<!tpu.dma_semaphore, #tpu.memory_space<semaphore_mem>>)
        %mul3A_47 = arith.constant 4 : i32
        %mul3A_48 = arith.muli %scan3A_18, %mul3A_47 : i32
        %add3A_49 = arith.constant 2 : i32
        %add3A_50 = arith.addi %mul3A_48, %add3A_49 : i32
        %dma_start3A_51 = arith.constant 2 : i32
        %dma_start3A_52 = arith.constant 0 : i32
        %dma_start3A_53 = arith.constant 0 : i32
        %dma_start3A_54 = tpu.memref_slice %arg9[%dma_start3A_51, %dma_start3A_52, %dma_start3A_53] : memref<4x128x64xf32, #tpu.memory_space<vmem>> -> memref<1x128x64xf32, #tpu.memory_space<vmem>>
        %dma_start3A_55 = tpu.memref_squeeze %dma_start3A_54 : memref<1x128x64xf32, #tpu.memory_space<vmem>> -> memref<128x64xf32, #tpu.memory_space<vmem>>
        %dma_start3A_56 = arith.constant 0 : i32
        %dma_start3A_57 = tpu.memref_slice %arg7[%add3A_50, %dma_start3A_56] : memref<116x128xi32, #tpu.memory_space<vmem>> -> memref<1x128xi32, #tpu.memory_space<vmem>>
        %dma_start3A_58 = tpu.memref_squeeze %dma_start3A_57 : memref<1x128xi32, #tpu.memory_space<vmem>> -> memref<128xi32, #tpu.memory_space<vmem>>
        %dma_start3A_59 = arith.constant 0 : i32
        %dma_start3A_60 = arith.constant 0 : i32
        %dma_start3A_61 = tpu.memref_slice %arg4[%dma_start3A_59, %dma_start3A_60] : memref<10000x64xf32, #tpu.memory_space<hbm>> -> memref<10000x64xf32, #tpu.memory_space<hbm>>
        tpu.enqueue_indirect_dma source(%dma_start3A_61 : memref<10000x64xf32, #tpu.memory_space<hbm>>) target(%dma_start3A_55 : memref<128x64xf32, #tpu.memory_space<vmem>>) offsets(%dma_start3A_58 : memref<128xi32, #tpu.memory_space<vmem>>) semaphore(%arg11 : memref<!tpu.dma_semaphore, #tpu.memory_space<semaphore_mem>>)
        %mul3A_62 = arith.constant 4 : i32
        %mul3A_63 = arith.muli %scan3A_18, %mul3A_62 : i32
        %add3A_64 = arith.constant 3 : i32
        %add3A_65 = arith.addi %mul3A_63, %add3A_64 : i32
        %dma_start3A_66 = arith.constant 3 : i32
        %dma_start3A_67 = arith.constant 0 : i32
        %dma_start3A_68 = arith.constant 0 : i32
        %dma_start3A_69 = tpu.memref_slice %arg9[%dma_start3A_66, %dma_start3A_67, %dma_start3A_68] : memref<4x128x64xf32, #tpu.memory_space<vmem>> -> memref<1x128x64xf32, #tpu.memory_space<vmem>>
        %dma_start3A_70 = tpu.memref_squeeze %dma_start3A_69 : memref<1x128x64xf32, #tpu.memory_space<vmem>> -> memref<128x64xf32, #tpu.memory_space<vmem>>
        %dma_start3A_71 = arith.constant 0 : i32
        %dma_start3A_72 = tpu.memref_slice %arg7[%add3A_65, %dma_start3A_71] : memref<116x128xi32, #tpu.memory_space<vmem>> -> memref<1x128xi32, #tpu.memory_space<vmem>>
        %dma_start3A_73 = tpu.memref_squeeze %dma_start3A_72 : memref<1x128xi32, #tpu.memory_space<vmem>> -> memref<128xi32, #tpu.memory_space<vmem>>
        %dma_start3A_74 = arith.constant 0 : i32
        %dma_start3A_75 = arith.constant 0 : i32
        %dma_start3A_76 = tpu.memref_slice %arg4[%dma_start3A_74, %dma_start3A_75] : memref<10000x64xf32, #tpu.memory_space<hbm>> -> memref<10000x64xf32, #tpu.memory_space<hbm>>
        tpu.enqueue_indirect_dma source(%dma_start3A_76 : memref<10000x64xf32, #tpu.memory_space<hbm>>) target(%dma_start3A_70 : memref<128x64xf32, #tpu.memory_space<vmem>>) offsets(%dma_start3A_73 : memref<128xi32, #tpu.memory_space<vmem>>) semaphore(%arg11 : memref<!tpu.dma_semaphore, #tpu.memory_space<semaphore_mem>>)
        %dma_wait3A = arith.constant 0 : i32
        %dma_wait3A_77 = arith.constant 0 : i32
        %dma_wait3A_78 = arith.constant 0 : i32
        %dma_wait3A_79 = tpu.memref_slice %arg9[%dma_wait3A, %dma_wait3A_77, %dma_wait3A_78] : memref<4x128x64xf32, #tpu.memory_space<vmem>> -> memref<1x128x64xf32, #tpu.memory_space<vmem>>
        %dma_wait3A_80 = tpu.memref_squeeze %dma_wait3A_79 : memref<1x128x64xf32, #tpu.memory_space<vmem>> -> memref<128x64xf32, #tpu.memory_space<vmem>>
        %dma_wait3A_81 = arith.constant 0 : i32
        %dma_wait3A_82 = arith.constant 0 : i32
        %dma_wait3A_83 = tpu.memref_slice %arg4[%dma_wait3A_81, %dma_wait3A_82] : memref<10000x64xf32, #tpu.memory_space<hbm>> -> memref<128x64xf32, #tpu.memory_space<hbm>>
        %dma_wait3A_84 = arith.constant 0 : i32
        %dma_wait3A_85 = arith.constant 0 : i32
        %dma_wait3A_86 = tpu.memref_slice %arg9[%dma_wait3A, %dma_wait3A_84, %dma_wait3A_85] : memref<4x128x64xf32, #tpu.memory_space<vmem>> -> memref<1x128x64xf32, #tpu.memory_space<vmem>>
        %dma_wait3A_87 = tpu.memref_squeeze %dma_wait3A_86 : memref<1x128x64xf32, #tpu.memory_space<vmem>> -> memref<128x64xf32, #tpu.memory_space<vmem>>
        %dma_wait3A_88 = arith.constant 0 : i32
        %dma_wait3A_89 = arith.constant 0 : i32
        %dma_wait3A_90 = tpu.memref_slice %arg4[%dma_wait3A_88, %dma_wait3A_89] : memref<10000x64xf32, #tpu.memory_space<hbm>> -> memref<128x64xf32, #tpu.memory_space<hbm>>
        tpu.wait_dma2 semaphore(%arg11 : memref<!tpu.dma_semaphore, #tpu.memory_space<semaphore_mem>>) src(%dma_wait3A_90 : memref<128x64xf32, #tpu.memory_space<hbm>>) dst(%dma_wait3A_87 : memref<128x64xf32, #tpu.memory_space<vmem>>)
        %dma_wait3A_91 = arith.constant 1 : i32
        %dma_wait3A_92 = arith.constant 0 : i32
        %dma_wait3A_93 = arith.constant 0 : i32
        %dma_wait3A_94 = tpu.memref_slice %arg9[%dma_wait3A_91, %dma_wait3A_92, %dma_wait3A_93] : memref<4x128x64xf32, #tpu.memory_space<vmem>> -> memref<1x128x64xf32, #tpu.memory_space<vmem>>
        %dma_wait3A_95 = tpu.memref_squeeze %dma_wait3A_94 : memref<1x128x64xf32, #tpu.memory_space<vmem>> -> memref<128x64xf32, #tpu.memory_space<vmem>>
        %dma_wait3A_96 = arith.constant 0 : i32
        %dma_wait3A_97 = arith.constant 0 : i32
        %dma_wait3A_98 = tpu.memref_slice %arg4[%dma_wait3A_96, %dma_wait3A_97] : memref<10000x64xf32, #tpu.memory_space<hbm>> -> memref<128x64xf32, #tpu.memory_space<hbm>>
        %dma_wait3A_99 = arith.constant 0 : i32
        %dma_wait3A_100 = arith.constant 0 : i32
        %dma_wait3A_101 = tpu.memref_slice %arg9[%dma_wait3A_91, %dma_wait3A_99, %dma_wait3A_100] : memref<4x128x64xf32, #tpu.memory_space<vmem>> -> memref<1x128x64xf32, #tpu.memory_space<vmem>>
        %dma_wait3A_102 = tpu.memref_squeeze %dma_wait3A_101 : memref<1x128x64xf32, #tpu.memory_space<vmem>> -> memref<128x64xf32, #tpu.memory_space<vmem>>
        %dma_wait3A_103 = arith.constant 0 : i32
        %dma_wait3A_104 = arith.constant 0 : i32
        %dma_wait3A_105 = tpu.memref_slice %arg4[%dma_wait3A_103, %dma_wait3A_104] : memref<10000x64xf32, #tpu.memory_space<hbm>> -> memref<128x64xf32, #tpu.memory_space<hbm>>
        tpu.wait_dma2 semaphore(%arg11 : memref<!tpu.dma_semaphore, #tpu.memory_space<semaphore_mem>>) src(%dma_wait3A_105 : memref<128x64xf32, #tpu.memory_space<hbm>>) dst(%dma_wait3A_102 : memref<128x64xf32, #tpu.memory_space<vmem>>)
        %dma_wait3A_106 = arith.constant 2 : i32
        %dma_wait3A_107 = arith.constant 0 : i32
        %dma_wait3A_108 = arith.constant 0 : i32
        %dma_wait3A_109 = tpu.memref_slice %arg9[%dma_wait3A_106, %dma_wait3A_107, %dma_wait3A_108] : memref<4x128x64xf32, #tpu.memory_space<vmem>> -> memref<1x128x64xf32, #tpu.memory_space<vmem>>
        %dma_wait3A_110 = tpu.memref_squeeze %dma_wait3A_109 : memref<1x128x64xf32, #tpu.memory_space<vmem>> -> memref<128x64xf32, #tpu.memory_space<vmem>>
        %dma_wait3A_111 = arith.constant 0 : i32
        %dma_wait3A_112 = arith.constant 0 : i32
        %dma_wait3A_113 = tpu.memref_slice %arg4[%dma_wait3A_111, %dma_wait3A_112] : memref<10000x64xf32, #tpu.memory_space<hbm>> -> memref<128x64xf32, #tpu.memory_space<hbm>>
        %dma_wait3A_114 = arith.constant 0 : i32
        %dma_wait3A_115 = arith.constant 0 : i32
        %dma_wait3A_116 = tpu.memref_slice %arg9[%dma_wait3A_106, %dma_wait3A_114, %dma_wait3A_115] : memref<4x128x64xf32, #tpu.memory_space<vmem>> -> memref<1x128x64xf32, #tpu.memory_space<vmem>>
        %dma_wait3A_117 = tpu.memref_squeeze %dma_wait3A_116 : memref<1x128x64xf32, #tpu.memory_space<vmem>> -> memref<128x64xf32, #tpu.memory_space<vmem>>
        %dma_wait3A_118 = arith.constant 0 : i32
        %dma_wait3A_119 = arith.constant 0 : i32
        %dma_wait3A_120 = tpu.memref_slice %arg4[%dma_wait3A_118, %dma_wait3A_119] : memref<10000x64xf32, #tpu.memory_space<hbm>> -> memref<128x64xf32, #tpu.memory_space<hbm>>
        tpu.wait_dma2 semaphore(%arg11 : memref<!tpu.dma_semaphore, #tpu.memory_space<semaphore_mem>>) src(%dma_wait3A_120 : memref<128x64xf32, #tpu.memory_space<hbm>>) dst(%dma_wait3A_117 : memref<128x64xf32, #tpu.memory_space<vmem>>)
        %dma_wait3A_121 = arith.constant 3 : i32
        %dma_wait3A_122 = arith.constant 0 : i32
        %dma_wait3A_123 = arith.constant 0 : i32
        %dma_wait3A_124 = tpu.memref_slice %arg9[%dma_wait3A_121, %dma_wait3A_122, %dma_wait3A_123] : memref<4x128x64xf32, #tpu.memory_space<vmem>> -> memref<1x128x64xf32, #tpu.memory_space<vmem>>
        %dma_wait3A_125 = tpu.memref_squeeze %dma_wait3A_124 : memref<1x128x64xf32, #tpu.memory_space<vmem>> -> memref<128x64xf32, #tpu.memory_space<vmem>>
        %dma_wait3A_126 = arith.constant 0 : i32
        %dma_wait3A_127 = arith.constant 0 : i32
        %dma_wait3A_128 = tpu.memref_slice %arg4[%dma_wait3A_126, %dma_wait3A_127] : memref<10000x64xf32, #tpu.memory_space<hbm>> -> memref<128x64xf32, #tpu.memory_space<hbm>>
        %dma_wait3A_129 = arith.constant 0 : i32
        %dma_wait3A_130 = arith.constant 0 : i32
        %dma_wait3A_131 = tpu.memref_slice %arg9[%dma_wait3A_121, %dma_wait3A_129, %dma_wait3A_130] : memref<4x128x64xf32, #tpu.memory_space<vmem>> -> memref<1x128x64xf32, #tpu.memory_space<vmem>>
        %dma_wait3A_132 = tpu.memref_squeeze %dma_wait3A_131 : memref<1x128x64xf32, #tpu.memory_space<vmem>> -> memref<128x64xf32, #tpu.memory_space<vmem>>
        %dma_wait3A_133 = arith.constant 0 : i32
        %dma_wait3A_134 = arith.constant 0 : i32
        %dma_wait3A_135 = tpu.memref_slice %arg4[%dma_wait3A_133, %dma_wait3A_134] : memref<10000x64xf32, #tpu.memory_space<hbm>> -> memref<128x64xf32, #tpu.memory_space<hbm>>
        tpu.wait_dma2 semaphore(%arg11 : memref<!tpu.dma_semaphore, #tpu.memory_space<semaphore_mem>>) src(%dma_wait3A_135 : memref<128x64xf32, #tpu.memory_space<hbm>>) dst(%dma_wait3A_132 : memref<128x64xf32, #tpu.memory_space<vmem>>)
        %mul3A_136 = arith.constant 4 : i32
        %mul3A_137 = arith.muli %scan3A_18, %mul3A_136 : i32
        %add3A_138 = arith.constant 0 : i32
        %add3A_139 = arith.addi %mul3A_137, %add3A_138 : i32
        %dma_start3A_140 = arith.constant 0 : i32
        %dma_start3A_141 = arith.constant 0 : i32
        %dma_start3A_142 = arith.constant 0 : i32
        %dma_start3A_143 = tpu.memref_slice %arg9[%dma_start3A_140, %dma_start3A_141, %dma_start3A_142] : memref<4x128x64xf32, #tpu.memory_space<vmem>> -> memref<1x128x64xf32, #tpu.memory_space<vmem>>
        %dma_start3A_144 = tpu.memref_squeeze %dma_start3A_143 : memref<1x128x64xf32, #tpu.memory_space<vmem>> -> memref<128x64xf32, #tpu.memory_space<vmem>>
        %dma_start3A_145 = arith.constant 0 : i32
        %dma_start3A_146 = tpu.memref_slice %arg8[%add3A_139, %dma_start3A_145] : memref<116x128xi32, #tpu.memory_space<vmem>> -> memref<1x128xi32, #tpu.memory_space<vmem>>
        %dma_start3A_147 = tpu.memref_squeeze %dma_start3A_146 : memref<1x128xi32, #tpu.memory_space<vmem>> -> memref<128xi32, #tpu.memory_space<vmem>>
        %dma_start3A_148 = arith.constant 0 : i32
        %dma_start3A_149 = arith.constant 0 : i32
        %dma_start3A_150 = tpu.memref_slice %arg10[%dma_start3A_148, %dma_start3A_149] : memref<10240x64xf32, #tpu.memory_space<vmem_shared>> -> memref<10240x64xf32, #tpu.memory_space<vmem_shared>>
        tpu.enqueue_indirect_dma source(%dma_start3A_144 : memref<128x64xf32, #tpu.memory_space<vmem>>) target(%dma_start3A_150 : memref<10240x64xf32, #tpu.memory_space<vmem_shared>>) offsets(%dma_start3A_147 : memref<128xi32, #tpu.memory_space<vmem>>) semaphore(%arg12 : memref<!tpu.dma_semaphore, #tpu.memory_space<semaphore_mem>>) {add = true}
        %mul3A_151 = arith.constant 4 : i32
        %mul3A_152 = arith.muli %scan3A_18, %mul3A_151 : i32
        %add3A_153 = arith.constant 1 : i32
        %add3A_154 = arith.addi %mul3A_152, %add3A_153 : i32
        %dma_start3A_155 = arith.constant 1 : i32
        %dma_start3A_156 = arith.constant 0 : i32
        %dma_start3A_157 = arith.constant 0 : i32
        %dma_start3A_158 = tpu.memref_slice %arg9[%dma_start3A_155, %dma_start3A_156, %dma_start3A_157] : memref<4x128x64xf32, #tpu.memory_space<vmem>> -> memref<1x128x64xf32, #tpu.memory_space<vmem>>
        %dma_start3A_159 = tpu.memref_squeeze %dma_start3A_158 : memref<1x128x64xf32, #tpu.memory_space<vmem>> -> memref<128x64xf32, #tpu.memory_space<vmem>>
        %dma_start3A_160 = arith.constant 0 : i32
        %dma_start3A_161 = tpu.memref_slice %arg8[%add3A_154, %dma_start3A_160] : memref<116x128xi32, #tpu.memory_space<vmem>> -> memref<1x128xi32, #tpu.memory_space<vmem>>
        %dma_start3A_162 = tpu.memref_squeeze %dma_start3A_161 : memref<1x128xi32, #tpu.memory_space<vmem>> -> memref<128xi32, #tpu.memory_space<vmem>>
        %dma_start3A_163 = arith.constant 0 : i32
        %dma_start3A_164 = arith.constant 0 : i32
        %dma_start3A_165 = tpu.memref_slice %arg10[%dma_start3A_163, %dma_start3A_164] : memref<10240x64xf32, #tpu.memory_space<vmem_shared>> -> memref<10240x64xf32, #tpu.memory_space<vmem_shared>>
        tpu.enqueue_indirect_dma source(%dma_start3A_159 : memref<128x64xf32, #tpu.memory_space<vmem>>) target(%dma_start3A_165 : memref<10240x64xf32, #tpu.memory_space<vmem_shared>>) offsets(%dma_start3A_162 : memref<128xi32, #tpu.memory_space<vmem>>) semaphore(%arg12 : memref<!tpu.dma_semaphore, #tpu.memory_space<semaphore_mem>>) {add = true}
        %mul3A_166 = arith.constant 4 : i32
        %mul3A_167 = arith.muli %scan3A_18, %mul3A_166 : i32
        %add3A_168 = arith.constant 2 : i32
        %add3A_169 = arith.addi %mul3A_167, %add3A_168 : i32
        %dma_start3A_170 = arith.constant 2 : i32
        %dma_start3A_171 = arith.constant 0 : i32
        %dma_start3A_172 = arith.constant 0 : i32
        %dma_start3A_173 = tpu.memref_slice %arg9[%dma_start3A_170, %dma_start3A_171, %dma_start3A_172] : memref<4x128x64xf32, #tpu.memory_space<vmem>> -> memref<1x128x64xf32, #tpu.memory_space<vmem>>
        %dma_start3A_174 = tpu.memref_squeeze %dma_start3A_173 : memref<1x128x64xf32, #tpu.memory_space<vmem>> -> memref<128x64xf32, #tpu.memory_space<vmem>>
        %dma_start3A_175 = arith.constant 0 : i32
        %dma_start3A_176 = tpu.memref_slice %arg8[%add3A_169, %dma_start3A_175] : memref<116x128xi32, #tpu.memory_space<vmem>> -> memref<1x128xi32, #tpu.memory_space<vmem>>
        %dma_start3A_177 = tpu.memref_squeeze %dma_start3A_176 : memref<1x128xi32, #tpu.memory_space<vmem>> -> memref<128xi32, #tpu.memory_space<vmem>>
        %dma_start3A_178 = arith.constant 0 : i32
        %dma_start3A_179 = arith.constant 0 : i32
        %dma_start3A_180 = tpu.memref_slice %arg10[%dma_start3A_178, %dma_start3A_179] : memref<10240x64xf32, #tpu.memory_space<vmem_shared>> -> memref<10240x64xf32, #tpu.memory_space<vmem_shared>>
        tpu.enqueue_indirect_dma source(%dma_start3A_174 : memref<128x64xf32, #tpu.memory_space<vmem>>) target(%dma_start3A_180 : memref<10240x64xf32, #tpu.memory_space<vmem_shared>>) offsets(%dma_start3A_177 : memref<128xi32, #tpu.memory_space<vmem>>) semaphore(%arg12 : memref<!tpu.dma_semaphore, #tpu.memory_space<semaphore_mem>>) {add = true}
        %mul3A_181 = arith.constant 4 : i32
        %mul3A_182 = arith.muli %scan3A_18, %mul3A_181 : i32
        %add3A_183 = arith.constant 3 : i32
        %add3A_184 = arith.addi %mul3A_182, %add3A_183 : i32
        %dma_start3A_185 = arith.constant 3 : i32
        %dma_start3A_186 = arith.constant 0 : i32
        %dma_start3A_187 = arith.constant 0 : i32
        %dma_start3A_188 = tpu.memref_slice %arg9[%dma_start3A_185, %dma_start3A_186, %dma_start3A_187] : memref<4x128x64xf32, #tpu.memory_space<vmem>> -> memref<1x128x64xf32, #tpu.memory_space<vmem>>
        %dma_start3A_189 = tpu.memref_squeeze %dma_start3A_188 : memref<1x128x64xf32, #tpu.memory_space<vmem>> -> memref<128x64xf32, #tpu.memory_space<vmem>>
        %dma_start3A_190 = arith.constant 0 : i32
        %dma_start3A_191 = tpu.memref_slice %arg8[%add3A_184, %dma_start3A_190] : memref<116x128xi32, #tpu.memory_space<vmem>> -> memref<1x128xi32, #tpu.memory_space<vmem>>
        %dma_start3A_192 = tpu.memref_squeeze %dma_start3A_191 : memref<1x128xi32, #tpu.memory_space<vmem>> -> memref<128xi32, #tpu.memory_space<vmem>>
        %dma_start3A_193 = arith.constant 0 : i32
        %dma_start3A_194 = arith.constant 0 : i32
        %dma_start3A_195 = tpu.memref_slice %arg10[%dma_start3A_193, %dma_start3A_194] : memref<10240x64xf32, #tpu.memory_space<vmem_shared>> -> memref<10240x64xf32, #tpu.memory_space<vmem_shared>>
        tpu.enqueue_indirect_dma source(%dma_start3A_189 : memref<128x64xf32, #tpu.memory_space<vmem>>) target(%dma_start3A_195 : memref<10240x64xf32, #tpu.memory_space<vmem_shared>>) offsets(%dma_start3A_192 : memref<128xi32, #tpu.memory_space<vmem>>) semaphore(%arg12 : memref<!tpu.dma_semaphore, #tpu.memory_space<semaphore_mem>>) {add = true}
        %dma_wait3A_196 = arith.constant 0 : i32
        %dma_wait3A_197 = arith.constant 0 : i32
        %dma_wait3A_198 = arith.constant 0 : i32
        %dma_wait3A_199 = tpu.memref_slice %arg9[%dma_wait3A_196, %dma_wait3A_197, %dma_wait3A_198] : memref<4x128x64xf32, #tpu.memory_space<vmem>> -> memref<1x128x64xf32, #tpu.memory_space<vmem>>
        %dma_wait3A_200 = tpu.memref_squeeze %dma_wait3A_199 : memref<1x128x64xf32, #tpu.memory_space<vmem>> -> memref<128x64xf32, #tpu.memory_space<vmem>>
        %dma_wait3A_201 = arith.constant 0 : i32
        %dma_wait3A_202 = arith.constant 0 : i32
        %dma_wait3A_203 = tpu.memref_slice %arg10[%dma_wait3A_201, %dma_wait3A_202] : memref<10240x64xf32, #tpu.memory_space<vmem_shared>> -> memref<128x64xf32, #tpu.memory_space<vmem_shared>>
        %dma_wait3A_204 = arith.constant 0 : i32
        %dma_wait3A_205 = arith.constant 0 : i32
        %dma_wait3A_206 = tpu.memref_slice %arg10[%dma_wait3A_204, %dma_wait3A_205] : memref<10240x64xf32, #tpu.memory_space<vmem_shared>> -> memref<128x64xf32, #tpu.memory_space<vmem_shared>>
        %dma_wait3A_207 = arith.constant 0 : i32
        %dma_wait3A_208 = arith.constant 0 : i32
        %dma_wait3A_209 = tpu.memref_slice %arg9[%dma_wait3A_196, %dma_wait3A_207, %dma_wait3A_208] : memref<4x128x64xf32, #tpu.memory_space<vmem>> -> memref<1x128x64xf32, #tpu.memory_space<vmem>>
        %dma_wait3A_210 = tpu.memref_squeeze %dma_wait3A_209 : memref<1x128x64xf32, #tpu.memory_space<vmem>> -> memref<128x64xf32, #tpu.memory_space<vmem>>
        tpu.wait_dma2 semaphore(%arg12 : memref<!tpu.dma_semaphore, #tpu.memory_space<semaphore_mem>>) src(%dma_wait3A_210 : memref<128x64xf32, #tpu.memory_space<vmem>>) dst(%dma_wait3A_206 : memref<128x64xf32, #tpu.memory_space<vmem_shared>>)
        %dma_wait3A_211 = arith.constant 1 : i32
        %dma_wait3A_212 = arith.constant 0 : i32
        %dma_wait3A_213 = arith.constant 0 : i32
        %dma_wait3A_214 = tpu.memref_slice %arg9[%dma_wait3A_211, %dma_wait3A_212, %dma_wait3A_213] : memref<4x128x64xf32, #tpu.memory_space<vmem>> -> memref<1x128x64xf32, #tpu.memory_space<vmem>>
        %dma_wait3A_215 = tpu.memref_squeeze %dma_wait3A_214 : memref<1x128x64xf32, #tpu.memory_space<vmem>> -> memref<128x64xf32, #tpu.memory_space<vmem>>
        %dma_wait3A_216 = arith.constant 0 : i32
        %dma_wait3A_217 = arith.constant 0 : i32
        %dma_wait3A_218 = tpu.memref_slice %arg10[%dma_wait3A_216, %dma_wait3A_217] : memref<10240x64xf32, #tpu.memory_space<vmem_shared>> -> memref<128x64xf32, #tpu.memory_space<vmem_shared>>
        %dma_wait3A_219 = arith.constant 0 : i32
        %dma_wait3A_220 = arith.constant 0 : i32
        %dma_wait3A_221 = tpu.memref_slice %arg10[%dma_wait3A_219, %dma_wait3A_220] : memref<10240x64xf32, #tpu.memory_space<vmem_shared>> -> memref<128x64xf32, #tpu.memory_space<vmem_shared>>
        %dma_wait3A_222 = arith.constant 0 : i32
        %dma_wait3A_223 = arith.constant 0 : i32
        %dma_wait3A_224 = tpu.memref_slice %arg9[%dma_wait3A_211, %dma_wait3A_222, %dma_wait3A_223] : memref<4x128x64xf32, #tpu.memory_space<vmem>> -> memref<1x128x64xf32, #tpu.memory_space<vmem>>
        %dma_wait3A_225 = tpu.memref_squeeze %dma_wait3A_224 : memref<1x128x64xf32, #tpu.memory_space<vmem>> -> memref<128x64xf32, #tpu.memory_space<vmem>>
        tpu.wait_dma2 semaphore(%arg12 : memref<!tpu.dma_semaphore, #tpu.memory_space<semaphore_mem>>) src(%dma_wait3A_225 : memref<128x64xf32, #tpu.memory_space<vmem>>) dst(%dma_wait3A_221 : memref<128x64xf32, #tpu.memory_space<vmem_shared>>)
        %dma_wait3A_226 = arith.constant 2 : i32
        %dma_wait3A_227 = arith.constant 0 : i32
        %dma_wait3A_228 = arith.constant 0 : i32
        %dma_wait3A_229 = tpu.memref_slice %arg9[%dma_wait3A_226, %dma_wait3A_227, %dma_wait3A_228] : memref<4x128x64xf32, #tpu.memory_space<vmem>> -> memref<1x128x64xf32, #tpu.memory_space<vmem>>
        %dma_wait3A_230 = tpu.memref_squeeze %dma_wait3A_229 : memref<1x128x64xf32, #tpu.memory_space<vmem>> -> memref<128x64xf32, #tpu.memory_space<vmem>>
        %dma_wait3A_231 = arith.constant 0 : i32
        %dma_wait3A_232 = arith.constant 0 : i32
        %dma_wait3A_233 = tpu.memref_slice %arg10[%dma_wait3A_231, %dma_wait3A_232] : memref<10240x64xf32, #tpu.memory_space<vmem_shared>> -> memref<128x64xf32, #tpu.memory_space<vmem_shared>>
        %dma_wait3A_234 = arith.constant 0 : i32
        %dma_wait3A_235 = arith.constant 0 : i32
        %dma_wait3A_236 = tpu.memref_slice %arg10[%dma_wait3A_234, %dma_wait3A_235] : memref<10240x64xf32, #tpu.memory_space<vmem_shared>> -> memref<128x64xf32, #tpu.memory_space<vmem_shared>>
        %dma_wait3A_237 = arith.constant 0 : i32
        %dma_wait3A_238 = arith.constant 0 : i32
        %dma_wait3A_239 = tpu.memref_slice %arg9[%dma_wait3A_226, %dma_wait3A_237, %dma_wait3A_238] : memref<4x128x64xf32, #tpu.memory_space<vmem>> -> memref<1x128x64xf32, #tpu.memory_space<vmem>>
        %dma_wait3A_240 = tpu.memref_squeeze %dma_wait3A_239 : memref<1x128x64xf32, #tpu.memory_space<vmem>> -> memref<128x64xf32, #tpu.memory_space<vmem>>
        tpu.wait_dma2 semaphore(%arg12 : memref<!tpu.dma_semaphore, #tpu.memory_space<semaphore_mem>>) src(%dma_wait3A_240 : memref<128x64xf32, #tpu.memory_space<vmem>>) dst(%dma_wait3A_236 : memref<128x64xf32, #tpu.memory_space<vmem_shared>>)
        %dma_wait3A_241 = arith.constant 3 : i32
        %dma_wait3A_242 = arith.constant 0 : i32
        %dma_wait3A_243 = arith.constant 0 : i32
        %dma_wait3A_244 = tpu.memref_slice %arg9[%dma_wait3A_241, %dma_wait3A_242, %dma_wait3A_243] : memref<4x128x64xf32, #tpu.memory_space<vmem>> -> memref<1x128x64xf32, #tpu.memory_space<vmem>>
        %dma_wait3A_245 = tpu.memref_squeeze %dma_wait3A_244 : memref<1x128x64xf32, #tpu.memory_space<vmem>> -> memref<128x64xf32, #tpu.memory_space<vmem>>
        %dma_wait3A_246 = arith.constant 0 : i32
        %dma_wait3A_247 = arith.constant 0 : i32
        %dma_wait3A_248 = tpu.memref_slice %arg10[%dma_wait3A_246, %dma_wait3A_247] : memref<10240x64xf32, #tpu.memory_space<vmem_shared>> -> memref<128x64xf32, #tpu.memory_space<vmem_shared>>
        %dma_wait3A_249 = arith.constant 0 : i32
        %dma_wait3A_250 = arith.constant 0 : i32
        %dma_wait3A_251 = tpu.memref_slice %arg10[%dma_wait3A_249, %dma_wait3A_250] : memref<10240x64xf32, #tpu.memory_space<vmem_shared>> -> memref<128x64xf32, #tpu.memory_space<vmem_shared>>
        %dma_wait3A_252 = arith.constant 0 : i32
        %dma_wait3A_253 = arith.constant 0 : i32
        %dma_wait3A_254 = tpu.memref_slice %arg9[%dma_wait3A_241, %dma_wait3A_252, %dma_wait3A_253] : memref<4x128x64xf32, #tpu.memory_space<vmem>> -> memref<1x128x64xf32, #tpu.memory_space<vmem>>
        %dma_wait3A_255 = tpu.memref_squeeze %dma_wait3A_254 : memref<1x128x64xf32, #tpu.memory_space<vmem>> -> memref<128x64xf32, #tpu.memory_space<vmem>>
        tpu.wait_dma2 semaphore(%arg12 : memref<!tpu.dma_semaphore, #tpu.memory_space<semaphore_mem>>) src(%dma_wait3A_255 : memref<128x64xf32, #tpu.memory_space<vmem>>) dst(%dma_wait3A_251 : memref<128x64xf32, #tpu.memory_space<vmem_shared>>)
      }
      %scan3A_17 = arith.constant 29 : i32
    } else {
    }
    %eq3A_3 = arith.constant 1 : i32
    %eq3A_4 = arith.cmpi eq, %arg0, %eq3A_3 : i32
    %convert_element_type3A_5 = arith.extui %eq3A_4 : i1 to i32
    %cond3A_6 = arith.constant 0 : i32
    %cond3A_7 = arith.cmpi ne, %convert_element_type3A_5, %cond3A_6 : i32
    scf.if %cond3A_7 {
      "tpu.region"() ({
        %run_scoped3A = tpu.sem_alloc : memref<!tpu.dma_semaphore, #tpu.memory_space<semaphore_mem>>
        %dma_start3A = arith.constant 0 : i32
        %dma_start3A_18 = arith.constant 0 : i32
        %dma_start3A_19 = tpu.memref_slice %arg7[%dma_start3A, %dma_start3A_18] : memref<116x128xi32, #tpu.memory_space<vmem>> -> memref<44x128xi32, #tpu.memory_space<vmem>>
        %dma_start3A_20 = arith.constant 116 : i32
        %dma_start3A_21 = arith.constant 0 : i32
        %dma_start3A_22 = tpu.memref_slice %arg2[%arg1, %dma_start3A_20, %dma_start3A_21] : memref<16x160x128xi32, #tpu.memory_space<hbm>> -> memref<1x44x128xi32, #tpu.memory_space<hbm>>
        %dma_start3A_23 = tpu.memref_squeeze %dma_start3A_22 : memref<1x44x128xi32, #tpu.memory_space<hbm>> -> memref<44x128xi32, #tpu.memory_space<hbm>>
        %dma_start3A_24 = arith.constant 0 : i32
        %dma_start3A_25 = arith.constant 0 : i32
        %dma_start3A_26 = tpu.memref_slice %arg7[%dma_start3A_24, %dma_start3A_25] : memref<116x128xi32, #tpu.memory_space<vmem>> -> memref<44x128xi32, #tpu.memory_space<vmem>>
        %dma_start3A_27 = arith.constant 116 : i32
        %dma_start3A_28 = arith.constant 0 : i32
        %dma_start3A_29 = tpu.memref_slice %arg2[%arg1, %dma_start3A_27, %dma_start3A_28] : memref<16x160x128xi32, #tpu.memory_space<hbm>> -> memref<1x44x128xi32, #tpu.memory_space<hbm>>
        %dma_start3A_30 = tpu.memref_squeeze %dma_start3A_29 : memref<1x44x128xi32, #tpu.memory_space<hbm>> -> memref<44x128xi32, #tpu.memory_space<hbm>>
        tpu.enqueue_dma source(%dma_start3A_30 : memref<44x128xi32, #tpu.memory_space<hbm>>) target(%dma_start3A_26 : memref<44x128xi32, #tpu.memory_space<vmem>>) target_semaphore(%run_scoped3A : memref<!tpu.dma_semaphore, #tpu.memory_space<semaphore_mem>>)
        %dma_wait3A = arith.constant 0 : i32
        %dma_wait3A_31 = arith.constant 0 : i32
        %dma_wait3A_32 = tpu.memref_slice %arg7[%dma_wait3A, %dma_wait3A_31] : memref<116x128xi32, #tpu.memory_space<vmem>> -> memref<44x128xi32, #tpu.memory_space<vmem>>
        %dma_wait3A_33 = arith.constant 116 : i32
        %dma_wait3A_34 = arith.constant 0 : i32
        %dma_wait3A_35 = tpu.memref_slice %arg2[%arg1, %dma_wait3A_33, %dma_wait3A_34] : memref<16x160x128xi32, #tpu.memory_space<hbm>> -> memref<1x44x128xi32, #tpu.memory_space<hbm>>
        %dma_wait3A_36 = tpu.memref_squeeze %dma_wait3A_35 : memref<1x44x128xi32, #tpu.memory_space<hbm>> -> memref<44x128xi32, #tpu.memory_space<hbm>>
        %dma_wait3A_37 = arith.constant 0 : i32
        %dma_wait3A_38 = arith.constant 0 : i32
        %dma_wait3A_39 = tpu.memref_slice %arg7[%dma_wait3A_37, %dma_wait3A_38] : memref<116x128xi32, #tpu.memory_space<vmem>> -> memref<44x128xi32, #tpu.memory_space<vmem>>
        %dma_wait3A_40 = arith.constant 116 : i32
        %dma_wait3A_41 = arith.constant 0 : i32
        %dma_wait3A_42 = tpu.memref_slice %arg2[%arg1, %dma_wait3A_40, %dma_wait3A_41] : memref<16x160x128xi32, #tpu.memory_space<hbm>> -> memref<1x44x128xi32, #tpu.memory_space<hbm>>
        %dma_wait3A_43 = tpu.memref_squeeze %dma_wait3A_42 : memref<1x44x128xi32, #tpu.memory_space<hbm>> -> memref<44x128xi32, #tpu.memory_space<hbm>>
        tpu.wait_dma2 semaphore(%run_scoped3A : memref<!tpu.dma_semaphore, #tpu.memory_space<semaphore_mem>>) src(%dma_wait3A_43 : memref<44x128xi32, #tpu.memory_space<hbm>>) dst(%dma_wait3A_39 : memref<44x128xi32, #tpu.memory_space<vmem>>)
        tpu.yield
      }) : () -> ()
      "tpu.region"() ({
        %run_scoped3A = tpu.sem_alloc : memref<!tpu.dma_semaphore, #tpu.memory_space<semaphore_mem>>
        %dma_start3A = arith.constant 0 : i32
        %dma_start3A_18 = arith.constant 0 : i32
        %dma_start3A_19 = tpu.memref_slice %arg8[%dma_start3A, %dma_start3A_18] : memref<116x128xi32, #tpu.memory_space<vmem>> -> memref<44x128xi32, #tpu.memory_space<vmem>>
        %dma_start3A_20 = arith.constant 116 : i32
        %dma_start3A_21 = arith.constant 0 : i32
        %dma_start3A_22 = tpu.memref_slice %arg3[%arg1, %dma_start3A_20, %dma_start3A_21] : memref<16x160x128xi32, #tpu.memory_space<hbm>> -> memref<1x44x128xi32, #tpu.memory_space<hbm>>
        %dma_start3A_23 = tpu.memref_squeeze %dma_start3A_22 : memref<1x44x128xi32, #tpu.memory_space<hbm>> -> memref<44x128xi32, #tpu.memory_space<hbm>>
        %dma_start3A_24 = arith.constant 0 : i32
        %dma_start3A_25 = arith.constant 0 : i32
        %dma_start3A_26 = tpu.memref_slice %arg8[%dma_start3A_24, %dma_start3A_25] : memref<116x128xi32, #tpu.memory_space<vmem>> -> memref<44x128xi32, #tpu.memory_space<vmem>>
        %dma_start3A_27 = arith.constant 116 : i32
        %dma_start3A_28 = arith.constant 0 : i32
        %dma_start3A_29 = tpu.memref_slice %arg3[%arg1, %dma_start3A_27, %dma_start3A_28] : memref<16x160x128xi32, #tpu.memory_space<hbm>> -> memref<1x44x128xi32, #tpu.memory_space<hbm>>
        %dma_start3A_30 = tpu.memref_squeeze %dma_start3A_29 : memref<1x44x128xi32, #tpu.memory_space<hbm>> -> memref<44x128xi32, #tpu.memory_space<hbm>>
        tpu.enqueue_dma source(%dma_start3A_30 : memref<44x128xi32, #tpu.memory_space<hbm>>) target(%dma_start3A_26 : memref<44x128xi32, #tpu.memory_space<vmem>>) target_semaphore(%run_scoped3A : memref<!tpu.dma_semaphore, #tpu.memory_space<semaphore_mem>>)
        %dma_wait3A = arith.constant 0 : i32
        %dma_wait3A_31 = arith.constant 0 : i32
        %dma_wait3A_32 = tpu.memref_slice %arg8[%dma_wait3A, %dma_wait3A_31] : memref<116x128xi32, #tpu.memory_space<vmem>> -> memref<44x128xi32, #tpu.memory_space<vmem>>
        %dma_wait3A_33 = arith.constant 116 : i32
        %dma_wait3A_34 = arith.constant 0 : i32
        %dma_wait3A_35 = tpu.memref_slice %arg3[%arg1, %dma_wait3A_33, %dma_wait3A_34] : memref<16x160x128xi32, #tpu.memory_space<hbm>> -> memref<1x44x128xi32, #tpu.memory_space<hbm>>
        %dma_wait3A_36 = tpu.memref_squeeze %dma_wait3A_35 : memref<1x44x128xi32, #tpu.memory_space<hbm>> -> memref<44x128xi32, #tpu.memory_space<hbm>>
        %dma_wait3A_37 = arith.constant 0 : i32
        %dma_wait3A_38 = arith.constant 0 : i32
        %dma_wait3A_39 = tpu.memref_slice %arg8[%dma_wait3A_37, %dma_wait3A_38] : memref<116x128xi32, #tpu.memory_space<vmem>> -> memref<44x128xi32, #tpu.memory_space<vmem>>
        %dma_wait3A_40 = arith.constant 116 : i32
        %dma_wait3A_41 = arith.constant 0 : i32
        %dma_wait3A_42 = tpu.memref_slice %arg3[%arg1, %dma_wait3A_40, %dma_wait3A_41] : memref<16x160x128xi32, #tpu.memory_space<hbm>> -> memref<1x44x128xi32, #tpu.memory_space<hbm>>
        %dma_wait3A_43 = tpu.memref_squeeze %dma_wait3A_42 : memref<1x44x128xi32, #tpu.memory_space<hbm>> -> memref<44x128xi32, #tpu.memory_space<hbm>>
        tpu.wait_dma2 semaphore(%run_scoped3A : memref<!tpu.dma_semaphore, #tpu.memory_space<semaphore_mem>>) src(%dma_wait3A_43 : memref<44x128xi32, #tpu.memory_space<hbm>>) dst(%dma_wait3A_39 : memref<44x128xi32, #tpu.memory_space<vmem>>)
        tpu.yield
      }) : () -> ()
      %scan3A = arith.constant 0 : i32
      %scan3A_13 = arith.constant 0 : i32
      %scan3A_14 = arith.constant 11 : i32
      %scan3A_15 = arith.addi %scan3A_13, %scan3A_14 : i32
      %scan3A_16 = arith.constant 1 : i32
      scf.for %scan3A_18 = %scan3A_13 to %scan3A_15 step %scan3A_16  : i32 {
        %mul3A_19 = arith.constant 4 : i32
        %mul3A_20 = arith.muli %scan3A_18, %mul3A_19 : i32
        %add3A = arith.constant 0 : i32
        %add3A_21 = arith.addi %mul3A_20, %add3A : i32
        %dma_start3A = arith.constant 0 : i32
        %dma_start3A_22 = arith.constant 0 : i32
        %dma_start3A_23 = arith.constant 0 : i32
        %dma_start3A_24 = tpu.memref_slice %arg9[%dma_start3A, %dma_start3A_22, %dma_start3A_23] : memref<4x128x64xf32, #tpu.memory_space<vmem>> -> memref<1x128x64xf32, #tpu.memory_space<vmem>>
        %dma_start3A_25 = tpu.memref_squeeze %dma_start3A_24 : memref<1x128x64xf32, #tpu.memory_space<vmem>> -> memref<128x64xf32, #tpu.memory_space<vmem>>
        %dma_start3A_26 = arith.constant 0 : i32
        %dma_start3A_27 = tpu.memref_slice %arg7[%add3A_21, %dma_start3A_26] : memref<116x128xi32, #tpu.memory_space<vmem>> -> memref<1x128xi32, #tpu.memory_space<vmem>>
        %dma_start3A_28 = tpu.memref_squeeze %dma_start3A_27 : memref<1x128xi32, #tpu.memory_space<vmem>> -> memref<128xi32, #tpu.memory_space<vmem>>
        %dma_start3A_29 = arith.constant 0 : i32
        %dma_start3A_30 = arith.constant 0 : i32
        %dma_start3A_31 = tpu.memref_slice %arg4[%dma_start3A_29, %dma_start3A_30] : memref<10000x64xf32, #tpu.memory_space<hbm>> -> memref<10000x64xf32, #tpu.memory_space<hbm>>
        tpu.enqueue_indirect_dma source(%dma_start3A_31 : memref<10000x64xf32, #tpu.memory_space<hbm>>) target(%dma_start3A_25 : memref<128x64xf32, #tpu.memory_space<vmem>>) offsets(%dma_start3A_28 : memref<128xi32, #tpu.memory_space<vmem>>) semaphore(%arg11 : memref<!tpu.dma_semaphore, #tpu.memory_space<semaphore_mem>>)
        %mul3A_32 = arith.constant 4 : i32
        %mul3A_33 = arith.muli %scan3A_18, %mul3A_32 : i32
        %add3A_34 = arith.constant 1 : i32
        %add3A_35 = arith.addi %mul3A_33, %add3A_34 : i32
        %dma_start3A_36 = arith.constant 1 : i32
        %dma_start3A_37 = arith.constant 0 : i32
        %dma_start3A_38 = arith.constant 0 : i32
        %dma_start3A_39 = tpu.memref_slice %arg9[%dma_start3A_36, %dma_start3A_37, %dma_start3A_38] : memref<4x128x64xf32, #tpu.memory_space<vmem>> -> memref<1x128x64xf32, #tpu.memory_space<vmem>>
        %dma_start3A_40 = tpu.memref_squeeze %dma_start3A_39 : memref<1x128x64xf32, #tpu.memory_space<vmem>> -> memref<128x64xf32, #tpu.memory_space<vmem>>
        %dma_start3A_41 = arith.constant 0 : i32
        %dma_start3A_42 = tpu.memref_slice %arg7[%add3A_35, %dma_start3A_41] : memref<116x128xi32, #tpu.memory_space<vmem>> -> memref<1x128xi32, #tpu.memory_space<vmem>>
        %dma_start3A_43 = tpu.memref_squeeze %dma_start3A_42 : memref<1x128xi32, #tpu.memory_space<vmem>> -> memref<128xi32, #tpu.memory_space<vmem>>
        %dma_start3A_44 = arith.constant 0 : i32
        %dma_start3A_45 = arith.constant 0 : i32
        %dma_start3A_46 = tpu.memref_slice %arg4[%dma_start3A_44, %dma_start3A_45] : memref<10000x64xf32, #tpu.memory_space<hbm>> -> memref<10000x64xf32, #tpu.memory_space<hbm>>
        tpu.enqueue_indirect_dma source(%dma_start3A_46 : memref<10000x64xf32, #tpu.memory_space<hbm>>) target(%dma_start3A_40 : memref<128x64xf32, #tpu.memory_space<vmem>>) offsets(%dma_start3A_43 : memref<128xi32, #tpu.memory_space<vmem>>) semaphore(%arg11 : memref<!tpu.dma_semaphore, #tpu.memory_space<semaphore_mem>>)
        %mul3A_47 = arith.constant 4 : i32
        %mul3A_48 = arith.muli %scan3A_18, %mul3A_47 : i32
        %add3A_49 = arith.constant 2 : i32
        %add3A_50 = arith.addi %mul3A_48, %add3A_49 : i32
        %dma_start3A_51 = arith.constant 2 : i32
        %dma_start3A_52 = arith.constant 0 : i32
        %dma_start3A_53 = arith.constant 0 : i32
        %dma_start3A_54 = tpu.memref_slice %arg9[%dma_start3A_51, %dma_start3A_52, %dma_start3A_53] : memref<4x128x64xf32, #tpu.memory_space<vmem>> -> memref<1x128x64xf32, #tpu.memory_space<vmem>>
        %dma_start3A_55 = tpu.memref_squeeze %dma_start3A_54 : memref<1x128x64xf32, #tpu.memory_space<vmem>> -> memref<128x64xf32, #tpu.memory_space<vmem>>
        %dma_start3A_56 = arith.constant 0 : i32
        %dma_start3A_57 = tpu.memref_slice %arg7[%add3A_50, %dma_start3A_56] : memref<116x128xi32, #tpu.memory_space<vmem>> -> memref<1x128xi32, #tpu.memory_space<vmem>>
        %dma_start3A_58 = tpu.memref_squeeze %dma_start3A_57 : memref<1x128xi32, #tpu.memory_space<vmem>> -> memref<128xi32, #tpu.memory_space<vmem>>
        %dma_start3A_59 = arith.constant 0 : i32
        %dma_start3A_60 = arith.constant 0 : i32
        %dma_start3A_61 = tpu.memref_slice %arg4[%dma_start3A_59, %dma_start3A_60] : memref<10000x64xf32, #tpu.memory_space<hbm>> -> memref<10000x64xf32, #tpu.memory_space<hbm>>
        tpu.enqueue_indirect_dma source(%dma_start3A_61 : memref<10000x64xf32, #tpu.memory_space<hbm>>) target(%dma_start3A_55 : memref<128x64xf32, #tpu.memory_space<vmem>>) offsets(%dma_start3A_58 : memref<128xi32, #tpu.memory_space<vmem>>) semaphore(%arg11 : memref<!tpu.dma_semaphore, #tpu.memory_space<semaphore_mem>>)
        %mul3A_62 = arith.constant 4 : i32
        %mul3A_63 = arith.muli %scan3A_18, %mul3A_62 : i32
        %add3A_64 = arith.constant 3 : i32
        %add3A_65 = arith.addi %mul3A_63, %add3A_64 : i32
        %dma_start3A_66 = arith.constant 3 : i32
        %dma_start3A_67 = arith.constant 0 : i32
        %dma_start3A_68 = arith.constant 0 : i32
        %dma_start3A_69 = tpu.memref_slice %arg9[%dma_start3A_66, %dma_start3A_67, %dma_start3A_68] : memref<4x128x64xf32, #tpu.memory_space<vmem>> -> memref<1x128x64xf32, #tpu.memory_space<vmem>>
        %dma_start3A_70 = tpu.memref_squeeze %dma_start3A_69 : memref<1x128x64xf32, #tpu.memory_space<vmem>> -> memref<128x64xf32, #tpu.memory_space<vmem>>
        %dma_start3A_71 = arith.constant 0 : i32
        %dma_start3A_72 = tpu.memref_slice %arg7[%add3A_65, %dma_start3A_71] : memref<116x128xi32, #tpu.memory_space<vmem>> -> memref<1x128xi32, #tpu.memory_space<vmem>>
        %dma_start3A_73 = tpu.memref_squeeze %dma_start3A_72 : memref<1x128xi32, #tpu.memory_space<vmem>> -> memref<128xi32, #tpu.memory_space<vmem>>
        %dma_start3A_74 = arith.constant 0 : i32
        %dma_start3A_75 = arith.constant 0 : i32
        %dma_start3A_76 = tpu.memref_slice %arg4[%dma_start3A_74, %dma_start3A_75] : memref<10000x64xf32, #tpu.memory_space<hbm>> -> memref<10000x64xf32, #tpu.memory_space<hbm>>
        tpu.enqueue_indirect_dma source(%dma_start3A_76 : memref<10000x64xf32, #tpu.memory_space<hbm>>) target(%dma_start3A_70 : memref<128x64xf32, #tpu.memory_space<vmem>>) offsets(%dma_start3A_73 : memref<128xi32, #tpu.memory_space<vmem>>) semaphore(%arg11 : memref<!tpu.dma_semaphore, #tpu.memory_space<semaphore_mem>>)
        %dma_wait3A = arith.constant 0 : i32
        %dma_wait3A_77 = arith.constant 0 : i32
        %dma_wait3A_78 = arith.constant 0 : i32
        %dma_wait3A_79 = tpu.memref_slice %arg9[%dma_wait3A, %dma_wait3A_77, %dma_wait3A_78] : memref<4x128x64xf32, #tpu.memory_space<vmem>> -> memref<1x128x64xf32, #tpu.memory_space<vmem>>
        %dma_wait3A_80 = tpu.memref_squeeze %dma_wait3A_79 : memref<1x128x64xf32, #tpu.memory_space<vmem>> -> memref<128x64xf32, #tpu.memory_space<vmem>>
        %dma_wait3A_81 = arith.constant 0 : i32
        %dma_wait3A_82 = arith.constant 0 : i32
        %dma_wait3A_83 = tpu.memref_slice %arg4[%dma_wait3A_81, %dma_wait3A_82] : memref<10000x64xf32, #tpu.memory_space<hbm>> -> memref<128x64xf32, #tpu.memory_space<hbm>>
        %dma_wait3A_84 = arith.constant 0 : i32
        %dma_wait3A_85 = arith.constant 0 : i32
        %dma_wait3A_86 = tpu.memref_slice %arg9[%dma_wait3A, %dma_wait3A_84, %dma_wait3A_85] : memref<4x128x64xf32, #tpu.memory_space<vmem>> -> memref<1x128x64xf32, #tpu.memory_space<vmem>>
        %dma_wait3A_87 = tpu.memref_squeeze %dma_wait3A_86 : memref<1x128x64xf32, #tpu.memory_space<vmem>> -> memref<128x64xf32, #tpu.memory_space<vmem>>
        %dma_wait3A_88 = arith.constant 0 : i32
        %dma_wait3A_89 = arith.constant 0 : i32
        %dma_wait3A_90 = tpu.memref_slice %arg4[%dma_wait3A_88, %dma_wait3A_89] : memref<10000x64xf32, #tpu.memory_space<hbm>> -> memref<128x64xf32, #tpu.memory_space<hbm>>
        tpu.wait_dma2 semaphore(%arg11 : memref<!tpu.dma_semaphore, #tpu.memory_space<semaphore_mem>>) src(%dma_wait3A_90 : memref<128x64xf32, #tpu.memory_space<hbm>>) dst(%dma_wait3A_87 : memref<128x64xf32, #tpu.memory_space<vmem>>)
        %dma_wait3A_91 = arith.constant 1 : i32
        %dma_wait3A_92 = arith.constant 0 : i32
        %dma_wait3A_93 = arith.constant 0 : i32
        %dma_wait3A_94 = tpu.memref_slice %arg9[%dma_wait3A_91, %dma_wait3A_92, %dma_wait3A_93] : memref<4x128x64xf32, #tpu.memory_space<vmem>> -> memref<1x128x64xf32, #tpu.memory_space<vmem>>
        %dma_wait3A_95 = tpu.memref_squeeze %dma_wait3A_94 : memref<1x128x64xf32, #tpu.memory_space<vmem>> -> memref<128x64xf32, #tpu.memory_space<vmem>>
        %dma_wait3A_96 = arith.constant 0 : i32
        %dma_wait3A_97 = arith.constant 0 : i32
        %dma_wait3A_98 = tpu.memref_slice %arg4[%dma_wait3A_96, %dma_wait3A_97] : memref<10000x64xf32, #tpu.memory_space<hbm>> -> memref<128x64xf32, #tpu.memory_space<hbm>>
        %dma_wait3A_99 = arith.constant 0 : i32
        %dma_wait3A_100 = arith.constant 0 : i32
        %dma_wait3A_101 = tpu.memref_slice %arg9[%dma_wait3A_91, %dma_wait3A_99, %dma_wait3A_100] : memref<4x128x64xf32, #tpu.memory_space<vmem>> -> memref<1x128x64xf32, #tpu.memory_space<vmem>>
        %dma_wait3A_102 = tpu.memref_squeeze %dma_wait3A_101 : memref<1x128x64xf32, #tpu.memory_space<vmem>> -> memref<128x64xf32, #tpu.memory_space<vmem>>
        %dma_wait3A_103 = arith.constant 0 : i32
        %dma_wait3A_104 = arith.constant 0 : i32
        %dma_wait3A_105 = tpu.memref_slice %arg4[%dma_wait3A_103, %dma_wait3A_104] : memref<10000x64xf32, #tpu.memory_space<hbm>> -> memref<128x64xf32, #tpu.memory_space<hbm>>
        tpu.wait_dma2 semaphore(%arg11 : memref<!tpu.dma_semaphore, #tpu.memory_space<semaphore_mem>>) src(%dma_wait3A_105 : memref<128x64xf32, #tpu.memory_space<hbm>>) dst(%dma_wait3A_102 : memref<128x64xf32, #tpu.memory_space<vmem>>)
        %dma_wait3A_106 = arith.constant 2 : i32
        %dma_wait3A_107 = arith.constant 0 : i32
        %dma_wait3A_108 = arith.constant 0 : i32
        %dma_wait3A_109 = tpu.memref_slice %arg9[%dma_wait3A_106, %dma_wait3A_107, %dma_wait3A_108] : memref<4x128x64xf32, #tpu.memory_space<vmem>> -> memref<1x128x64xf32, #tpu.memory_space<vmem>>
        %dma_wait3A_110 = tpu.memref_squeeze %dma_wait3A_109 : memref<1x128x64xf32, #tpu.memory_space<vmem>> -> memref<128x64xf32, #tpu.memory_space<vmem>>
        %dma_wait3A_111 = arith.constant 0 : i32
        %dma_wait3A_112 = arith.constant 0 : i32
        %dma_wait3A_113 = tpu.memref_slice %arg4[%dma_wait3A_111, %dma_wait3A_112] : memref<10000x64xf32, #tpu.memory_space<hbm>> -> memref<128x64xf32, #tpu.memory_space<hbm>>
        %dma_wait3A_114 = arith.constant 0 : i32
        %dma_wait3A_115 = arith.constant 0 : i32
        %dma_wait3A_116 = tpu.memref_slice %arg9[%dma_wait3A_106, %dma_wait3A_114, %dma_wait3A_115] : memref<4x128x64xf32, #tpu.memory_space<vmem>> -> memref<1x128x64xf32, #tpu.memory_space<vmem>>
        %dma_wait3A_117 = tpu.memref_squeeze %dma_wait3A_116 : memref<1x128x64xf32, #tpu.memory_space<vmem>> -> memref<128x64xf32, #tpu.memory_space<vmem>>
        %dma_wait3A_118 = arith.constant 0 : i32
        %dma_wait3A_119 = arith.constant 0 : i32
        %dma_wait3A_120 = tpu.memref_slice %arg4[%dma_wait3A_118, %dma_wait3A_119] : memref<10000x64xf32, #tpu.memory_space<hbm>> -> memref<128x64xf32, #tpu.memory_space<hbm>>
        tpu.wait_dma2 semaphore(%arg11 : memref<!tpu.dma_semaphore, #tpu.memory_space<semaphore_mem>>) src(%dma_wait3A_120 : memref<128x64xf32, #tpu.memory_space<hbm>>) dst(%dma_wait3A_117 : memref<128x64xf32, #tpu.memory_space<vmem>>)
        %dma_wait3A_121 = arith.constant 3 : i32
        %dma_wait3A_122 = arith.constant 0 : i32
        %dma_wait3A_123 = arith.constant 0 : i32
        %dma_wait3A_124 = tpu.memref_slice %arg9[%dma_wait3A_121, %dma_wait3A_122, %dma_wait3A_123] : memref<4x128x64xf32, #tpu.memory_space<vmem>> -> memref<1x128x64xf32, #tpu.memory_space<vmem>>
        %dma_wait3A_125 = tpu.memref_squeeze %dma_wait3A_124 : memref<1x128x64xf32, #tpu.memory_space<vmem>> -> memref<128x64xf32, #tpu.memory_space<vmem>>
        %dma_wait3A_126 = arith.constant 0 : i32
        %dma_wait3A_127 = arith.constant 0 : i32
        %dma_wait3A_128 = tpu.memref_slice %arg4[%dma_wait3A_126, %dma_wait3A_127] : memref<10000x64xf32, #tpu.memory_space<hbm>> -> memref<128x64xf32, #tpu.memory_space<hbm>>
        %dma_wait3A_129 = arith.constant 0 : i32
        %dma_wait3A_130 = arith.constant 0 : i32
        %dma_wait3A_131 = tpu.memref_slice %arg9[%dma_wait3A_121, %dma_wait3A_129, %dma_wait3A_130] : memref<4x128x64xf32, #tpu.memory_space<vmem>> -> memref<1x128x64xf32, #tpu.memory_space<vmem>>
        %dma_wait3A_132 = tpu.memref_squeeze %dma_wait3A_131 : memref<1x128x64xf32, #tpu.memory_space<vmem>> -> memref<128x64xf32, #tpu.memory_space<vmem>>
        %dma_wait3A_133 = arith.constant 0 : i32
        %dma_wait3A_134 = arith.constant 0 : i32
        %dma_wait3A_135 = tpu.memref_slice %arg4[%dma_wait3A_133, %dma_wait3A_134] : memref<10000x64xf32, #tpu.memory_space<hbm>> -> memref<128x64xf32, #tpu.memory_space<hbm>>
        tpu.wait_dma2 semaphore(%arg11 : memref<!tpu.dma_semaphore, #tpu.memory_space<semaphore_mem>>) src(%dma_wait3A_135 : memref<128x64xf32, #tpu.memory_space<hbm>>) dst(%dma_wait3A_132 : memref<128x64xf32, #tpu.memory_space<vmem>>)
        %mul3A_136 = arith.constant 4 : i32
        %mul3A_137 = arith.muli %scan3A_18, %mul3A_136 : i32
        %add3A_138 = arith.constant 0 : i32
        %add3A_139 = arith.addi %mul3A_137, %add3A_138 : i32
        %dma_start3A_140 = arith.constant 0 : i32
        %dma_start3A_141 = arith.constant 0 : i32
        %dma_start3A_142 = arith.constant 0 : i32
        %dma_start3A_143 = tpu.memref_slice %arg9[%dma_start3A_140, %dma_start3A_141, %dma_start3A_142] : memref<4x128x64xf32, #tpu.memory_space<vmem>> -> memref<1x128x64xf32, #tpu.memory_space<vmem>>
        %dma_start3A_144 = tpu.memref_squeeze %dma_start3A_143 : memref<1x128x64xf32, #tpu.memory_space<vmem>> -> memref<128x64xf32, #tpu.memory_space<vmem>>
        %dma_start3A_145 = arith.constant 0 : i32
        %dma_start3A_146 = tpu.memref_slice %arg8[%add3A_139, %dma_start3A_145] : memref<116x128xi32, #tpu.memory_space<vmem>> -> memref<1x128xi32, #tpu.memory_space<vmem>>
        %dma_start3A_147 = tpu.memref_squeeze %dma_start3A_146 : memref<1x128xi32, #tpu.memory_space<vmem>> -> memref<128xi32, #tpu.memory_space<vmem>>
        %dma_start3A_148 = arith.constant 0 : i32
        %dma_start3A_149 = arith.constant 0 : i32
        %dma_start3A_150 = tpu.memref_slice %arg10[%dma_start3A_148, %dma_start3A_149] : memref<10240x64xf32, #tpu.memory_space<vmem_shared>> -> memref<10240x64xf32, #tpu.memory_space<vmem_shared>>
        tpu.enqueue_indirect_dma source(%dma_start3A_144 : memref<128x64xf32, #tpu.memory_space<vmem>>) target(%dma_start3A_150 : memref<10240x64xf32, #tpu.memory_space<vmem_shared>>) offsets(%dma_start3A_147 : memref<128xi32, #tpu.memory_space<vmem>>) semaphore(%arg12 : memref<!tpu.dma_semaphore, #tpu.memory_space<semaphore_mem>>) {add = true}
        %mul3A_151 = arith.constant 4 : i32
        %mul3A_152 = arith.muli %scan3A_18, %mul3A_151 : i32
        %add3A_153 = arith.constant 1 : i32
        %add3A_154 = arith.addi %mul3A_152, %add3A_153 : i32
        %dma_start3A_155 = arith.constant 1 : i32
        %dma_start3A_156 = arith.constant 0 : i32
        %dma_start3A_157 = arith.constant 0 : i32
        %dma_start3A_158 = tpu.memref_slice %arg9[%dma_start3A_155, %dma_start3A_156, %dma_start3A_157] : memref<4x128x64xf32, #tpu.memory_space<vmem>> -> memref<1x128x64xf32, #tpu.memory_space<vmem>>
        %dma_start3A_159 = tpu.memref_squeeze %dma_start3A_158 : memref<1x128x64xf32, #tpu.memory_space<vmem>> -> memref<128x64xf32, #tpu.memory_space<vmem>>
        %dma_start3A_160 = arith.constant 0 : i32
        %dma_start3A_161 = tpu.memref_slice %arg8[%add3A_154, %dma_start3A_160] : memref<116x128xi32, #tpu.memory_space<vmem>> -> memref<1x128xi32, #tpu.memory_space<vmem>>
        %dma_start3A_162 = tpu.memref_squeeze %dma_start3A_161 : memref<1x128xi32, #tpu.memory_space<vmem>> -> memref<128xi32, #tpu.memory_space<vmem>>
        %dma_start3A_163 = arith.constant 0 : i32
        %dma_start3A_164 = arith.constant 0 : i32
        %dma_start3A_165 = tpu.memref_slice %arg10[%dma_start3A_163, %dma_start3A_164] : memref<10240x64xf32, #tpu.memory_space<vmem_shared>> -> memref<10240x64xf32, #tpu.memory_space<vmem_shared>>
        tpu.enqueue_indirect_dma source(%dma_start3A_159 : memref<128x64xf32, #tpu.memory_space<vmem>>) target(%dma_start3A_165 : memref<10240x64xf32, #tpu.memory_space<vmem_shared>>) offsets(%dma_start3A_162 : memref<128xi32, #tpu.memory_space<vmem>>) semaphore(%arg12 : memref<!tpu.dma_semaphore, #tpu.memory_space<semaphore_mem>>) {add = true}
        %mul3A_166 = arith.constant 4 : i32
        %mul3A_167 = arith.muli %scan3A_18, %mul3A_166 : i32
        %add3A_168 = arith.constant 2 : i32
        %add3A_169 = arith.addi %mul3A_167, %add3A_168 : i32
        %dma_start3A_170 = arith.constant 2 : i32
        %dma_start3A_171 = arith.constant 0 : i32
        %dma_start3A_172 = arith.constant 0 : i32
        %dma_start3A_173 = tpu.memref_slice %arg9[%dma_start3A_170, %dma_start3A_171, %dma_start3A_172] : memref<4x128x64xf32, #tpu.memory_space<vmem>> -> memref<1x128x64xf32, #tpu.memory_space<vmem>>
        %dma_start3A_174 = tpu.memref_squeeze %dma_start3A_173 : memref<1x128x64xf32, #tpu.memory_space<vmem>> -> memref<128x64xf32, #tpu.memory_space<vmem>>
        %dma_start3A_175 = arith.constant 0 : i32
        %dma_start3A_176 = tpu.memref_slice %arg8[%add3A_169, %dma_start3A_175] : memref<116x128xi32, #tpu.memory_space<vmem>> -> memref<1x128xi32, #tpu.memory_space<vmem>>
        %dma_start3A_177 = tpu.memref_squeeze %dma_start3A_176 : memref<1x128xi32, #tpu.memory_space<vmem>> -> memref<128xi32, #tpu.memory_space<vmem>>
        %dma_start3A_178 = arith.constant 0 : i32
        %dma_start3A_179 = arith.constant 0 : i32
        %dma_start3A_180 = tpu.memref_slice %arg10[%dma_start3A_178, %dma_start3A_179] : memref<10240x64xf32, #tpu.memory_space<vmem_shared>> -> memref<10240x64xf32, #tpu.memory_space<vmem_shared>>
        tpu.enqueue_indirect_dma source(%dma_start3A_174 : memref<128x64xf32, #tpu.memory_space<vmem>>) target(%dma_start3A_180 : memref<10240x64xf32, #tpu.memory_space<vmem_shared>>) offsets(%dma_start3A_177 : memref<128xi32, #tpu.memory_space<vmem>>) semaphore(%arg12 : memref<!tpu.dma_semaphore, #tpu.memory_space<semaphore_mem>>) {add = true}
        %mul3A_181 = arith.constant 4 : i32
        %mul3A_182 = arith.muli %scan3A_18, %mul3A_181 : i32
        %add3A_183 = arith.constant 3 : i32
        %add3A_184 = arith.addi %mul3A_182, %add3A_183 : i32
        %dma_start3A_185 = arith.constant 3 : i32
        %dma_start3A_186 = arith.constant 0 : i32
        %dma_start3A_187 = arith.constant 0 : i32
        %dma_start3A_188 = tpu.memref_slice %arg9[%dma_start3A_185, %dma_start3A_186, %dma_start3A_187] : memref<4x128x64xf32, #tpu.memory_space<vmem>> -> memref<1x128x64xf32, #tpu.memory_space<vmem>>
        %dma_start3A_189 = tpu.memref_squeeze %dma_start3A_188 : memref<1x128x64xf32, #tpu.memory_space<vmem>> -> memref<128x64xf32, #tpu.memory_space<vmem>>
        %dma_start3A_190 = arith.constant 0 : i32
        %dma_start3A_191 = tpu.memref_slice %arg8[%add3A_184, %dma_start3A_190] : memref<116x128xi32, #tpu.memory_space<vmem>> -> memref<1x128xi32, #tpu.memory_space<vmem>>
        %dma_start3A_192 = tpu.memref_squeeze %dma_start3A_191 : memref<1x128xi32, #tpu.memory_space<vmem>> -> memref<128xi32, #tpu.memory_space<vmem>>
        %dma_start3A_193 = arith.constant 0 : i32
        %dma_start3A_194 = arith.constant 0 : i32
        %dma_start3A_195 = tpu.memref_slice %arg10[%dma_start3A_193, %dma_start3A_194] : memref<10240x64xf32, #tpu.memory_space<vmem_shared>> -> memref<10240x64xf32, #tpu.memory_space<vmem_shared>>
        tpu.enqueue_indirect_dma source(%dma_start3A_189 : memref<128x64xf32, #tpu.memory_space<vmem>>) target(%dma_start3A_195 : memref<10240x64xf32, #tpu.memory_space<vmem_shared>>) offsets(%dma_start3A_192 : memref<128xi32, #tpu.memory_space<vmem>>) semaphore(%arg12 : memref<!tpu.dma_semaphore, #tpu.memory_space<semaphore_mem>>) {add = true}
        %dma_wait3A_196 = arith.constant 0 : i32
        %dma_wait3A_197 = arith.constant 0 : i32
        %dma_wait3A_198 = arith.constant 0 : i32
        %dma_wait3A_199 = tpu.memref_slice %arg9[%dma_wait3A_196, %dma_wait3A_197, %dma_wait3A_198] : memref<4x128x64xf32, #tpu.memory_space<vmem>> -> memref<1x128x64xf32, #tpu.memory_space<vmem>>
        %dma_wait3A_200 = tpu.memref_squeeze %dma_wait3A_199 : memref<1x128x64xf32, #tpu.memory_space<vmem>> -> memref<128x64xf32, #tpu.memory_space<vmem>>
        %dma_wait3A_201 = arith.constant 0 : i32
        %dma_wait3A_202 = arith.constant 0 : i32
        %dma_wait3A_203 = tpu.memref_slice %arg10[%dma_wait3A_201, %dma_wait3A_202] : memref<10240x64xf32, #tpu.memory_space<vmem_shared>> -> memref<128x64xf32, #tpu.memory_space<vmem_shared>>
        %dma_wait3A_204 = arith.constant 0 : i32
        %dma_wait3A_205 = arith.constant 0 : i32
        %dma_wait3A_206 = tpu.memref_slice %arg10[%dma_wait3A_204, %dma_wait3A_205] : memref<10240x64xf32, #tpu.memory_space<vmem_shared>> -> memref<128x64xf32, #tpu.memory_space<vmem_shared>>
        %dma_wait3A_207 = arith.constant 0 : i32
        %dma_wait3A_208 = arith.constant 0 : i32
        %dma_wait3A_209 = tpu.memref_slice %arg9[%dma_wait3A_196, %dma_wait3A_207, %dma_wait3A_208] : memref<4x128x64xf32, #tpu.memory_space<vmem>> -> memref<1x128x64xf32, #tpu.memory_space<vmem>>
        %dma_wait3A_210 = tpu.memref_squeeze %dma_wait3A_209 : memref<1x128x64xf32, #tpu.memory_space<vmem>> -> memref<128x64xf32, #tpu.memory_space<vmem>>
        tpu.wait_dma2 semaphore(%arg12 : memref<!tpu.dma_semaphore, #tpu.memory_space<semaphore_mem>>) src(%dma_wait3A_210 : memref<128x64xf32, #tpu.memory_space<vmem>>) dst(%dma_wait3A_206 : memref<128x64xf32, #tpu.memory_space<vmem_shared>>)
        %dma_wait3A_211 = arith.constant 1 : i32
        %dma_wait3A_212 = arith.constant 0 : i32
        %dma_wait3A_213 = arith.constant 0 : i32
        %dma_wait3A_214 = tpu.memref_slice %arg9[%dma_wait3A_211, %dma_wait3A_212, %dma_wait3A_213] : memref<4x128x64xf32, #tpu.memory_space<vmem>> -> memref<1x128x64xf32, #tpu.memory_space<vmem>>
        %dma_wait3A_215 = tpu.memref_squeeze %dma_wait3A_214 : memref<1x128x64xf32, #tpu.memory_space<vmem>> -> memref<128x64xf32, #tpu.memory_space<vmem>>
        %dma_wait3A_216 = arith.constant 0 : i32
        %dma_wait3A_217 = arith.constant 0 : i32
        %dma_wait3A_218 = tpu.memref_slice %arg10[%dma_wait3A_216, %dma_wait3A_217] : memref<10240x64xf32, #tpu.memory_space<vmem_shared>> -> memref<128x64xf32, #tpu.memory_space<vmem_shared>>
        %dma_wait3A_219 = arith.constant 0 : i32
        %dma_wait3A_220 = arith.constant 0 : i32
        %dma_wait3A_221 = tpu.memref_slice %arg10[%dma_wait3A_219, %dma_wait3A_220] : memref<10240x64xf32, #tpu.memory_space<vmem_shared>> -> memref<128x64xf32, #tpu.memory_space<vmem_shared>>
        %dma_wait3A_222 = arith.constant 0 : i32
        %dma_wait3A_223 = arith.constant 0 : i32
        %dma_wait3A_224 = tpu.memref_slice %arg9[%dma_wait3A_211, %dma_wait3A_222, %dma_wait3A_223] : memref<4x128x64xf32, #tpu.memory_space<vmem>> -> memref<1x128x64xf32, #tpu.memory_space<vmem>>
        %dma_wait3A_225 = tpu.memref_squeeze %dma_wait3A_224 : memref<1x128x64xf32, #tpu.memory_space<vmem>> -> memref<128x64xf32, #tpu.memory_space<vmem>>
        tpu.wait_dma2 semaphore(%arg12 : memref<!tpu.dma_semaphore, #tpu.memory_space<semaphore_mem>>) src(%dma_wait3A_225 : memref<128x64xf32, #tpu.memory_space<vmem>>) dst(%dma_wait3A_221 : memref<128x64xf32, #tpu.memory_space<vmem_shared>>)
        %dma_wait3A_226 = arith.constant 2 : i32
        %dma_wait3A_227 = arith.constant 0 : i32
        %dma_wait3A_228 = arith.constant 0 : i32
        %dma_wait3A_229 = tpu.memref_slice %arg9[%dma_wait3A_226, %dma_wait3A_227, %dma_wait3A_228] : memref<4x128x64xf32, #tpu.memory_space<vmem>> -> memref<1x128x64xf32, #tpu.memory_space<vmem>>
        %dma_wait3A_230 = tpu.memref_squeeze %dma_wait3A_229 : memref<1x128x64xf32, #tpu.memory_space<vmem>> -> memref<128x64xf32, #tpu.memory_space<vmem>>
        %dma_wait3A_231 = arith.constant 0 : i32
        %dma_wait3A_232 = arith.constant 0 : i32
        %dma_wait3A_233 = tpu.memref_slice %arg10[%dma_wait3A_231, %dma_wait3A_232] : memref<10240x64xf32, #tpu.memory_space<vmem_shared>> -> memref<128x64xf32, #tpu.memory_space<vmem_shared>>
        %dma_wait3A_234 = arith.constant 0 : i32
        %dma_wait3A_235 = arith.constant 0 : i32
        %dma_wait3A_236 = tpu.memref_slice %arg10[%dma_wait3A_234, %dma_wait3A_235] : memref<10240x64xf32, #tpu.memory_space<vmem_shared>> -> memref<128x64xf32, #tpu.memory_space<vmem_shared>>
        %dma_wait3A_237 = arith.constant 0 : i32
        %dma_wait3A_238 = arith.constant 0 : i32
        %dma_wait3A_239 = tpu.memref_slice %arg9[%dma_wait3A_226, %dma_wait3A_237, %dma_wait3A_238] : memref<4x128x64xf32, #tpu.memory_space<vmem>> -> memref<1x128x64xf32, #tpu.memory_space<vmem>>
        %dma_wait3A_240 = tpu.memref_squeeze %dma_wait3A_239 : memref<1x128x64xf32, #tpu.memory_space<vmem>> -> memref<128x64xf32, #tpu.memory_space<vmem>>
        tpu.wait_dma2 semaphore(%arg12 : memref<!tpu.dma_semaphore, #tpu.memory_space<semaphore_mem>>) src(%dma_wait3A_240 : memref<128x64xf32, #tpu.memory_space<vmem>>) dst(%dma_wait3A_236 : memref<128x64xf32, #tpu.memory_space<vmem_shared>>)
        %dma_wait3A_241 = arith.constant 3 : i32
        %dma_wait3A_242 = arith.constant 0 : i32
        %dma_wait3A_243 = arith.constant 0 : i32
        %dma_wait3A_244 = tpu.memref_slice %arg9[%dma_wait3A_241, %dma_wait3A_242, %dma_wait3A_243] : memref<4x128x64xf32, #tpu.memory_space<vmem>> -> memref<1x128x64xf32, #tpu.memory_space<vmem>>
        %dma_wait3A_245 = tpu.memref_squeeze %dma_wait3A_244 : memref<1x128x64xf32, #tpu.memory_space<vmem>> -> memref<128x64xf32, #tpu.memory_space<vmem>>
        %dma_wait3A_246 = arith.constant 0 : i32
        %dma_wait3A_247 = arith.constant 0 : i32
        %dma_wait3A_248 = tpu.memref_slice %arg10[%dma_wait3A_246, %dma_wait3A_247] : memref<10240x64xf32, #tpu.memory_space<vmem_shared>> -> memref<128x64xf32, #tpu.memory_space<vmem_shared>>
        %dma_wait3A_249 = arith.constant 0 : i32
        %dma_wait3A_250 = arith.constant 0 : i32
        %dma_wait3A_251 = tpu.memref_slice %arg10[%dma_wait3A_249, %dma_wait3A_250] : memref<10240x64xf32, #tpu.memory_space<vmem_shared>> -> memref<128x64xf32, #tpu.memory_space<vmem_shared>>
        %dma_wait3A_252 = arith.constant 0 : i32
        %dma_wait3A_253 = arith.constant 0 : i32
        %dma_wait3A_254 = tpu.memref_slice %arg9[%dma_wait3A_241, %dma_wait3A_252, %dma_wait3A_253] : memref<4x128x64xf32, #tpu.memory_space<vmem>> -> memref<1x128x64xf32, #tpu.memory_space<vmem>>
        %dma_wait3A_255 = tpu.memref_squeeze %dma_wait3A_254 : memref<1x128x64xf32, #tpu.memory_space<vmem>> -> memref<128x64xf32, #tpu.memory_space<vmem>>
        tpu.wait_dma2 semaphore(%arg12 : memref<!tpu.dma_semaphore, #tpu.memory_space<semaphore_mem>>) src(%dma_wait3A_255 : memref<128x64xf32, #tpu.memory_space<vmem>>) dst(%dma_wait3A_251 : memref<128x64xf32, #tpu.memory_space<vmem_shared>>)
      }
      %scan3A_17 = arith.constant 11 : i32
    } else {
    }
    %barrier3A_8 = arith.constant 0 : index
    tpu.barrier barrier_id(%barrier3A_8)
    %mul3A_9 = arith.constant 640 : i32
    %mul3A_10 = arith.muli %arg1, %mul3A_9 : i32
    %mul3A_11 = arith.constant 640 : i32
    %mul3A_12 = arith.muli %arg1, %mul3A_11 : i32
    "tpu.region"() ({
      %run_scoped3A = tpu.sem_alloc : memref<!tpu.dma_semaphore, #tpu.memory_space<semaphore_mem>>
      %dma_start3A = arith.constant 0 : i32
      %dma_start3A_13 = tpu.memref_slice %arg6[%arg0, %mul3A_12, %dma_start3A] : memref<2x10240x64xf32, #tpu.memory_space<hbm>> -> memref<1x640x64xf32, #tpu.memory_space<hbm>>
      %dma_start3A_14 = tpu.memref_squeeze %dma_start3A_13 : memref<1x640x64xf32, #tpu.memory_space<hbm>> -> memref<640x64xf32, #tpu.memory_space<hbm>>
      %dma_start3A_15 = arith.constant 0 : i32
      %dma_start3A_16 = tpu.memref_slice %arg10[%mul3A_10, %dma_start3A_15] : memref<10240x64xf32, #tpu.memory_space<vmem_shared>> -> memref<640x64xf32, #tpu.memory_space<vmem_shared>>
      tpu.enqueue_dma source(%dma_start3A_16 : memref<640x64xf32, #tpu.memory_space<vmem_shared>>) target(%dma_start3A_14 : memref<640x64xf32, #tpu.memory_space<hbm>>) target_semaphore(%run_scoped3A : memref<!tpu.dma_semaphore, #tpu.memory_space<semaphore_mem>>)
      %dma_wait3A = arith.constant 0 : i32
      %dma_wait3A_17 = tpu.memref_slice %arg6[%arg0, %mul3A_12, %dma_wait3A] : memref<2x10240x64xf32, #tpu.memory_space<hbm>> -> memref<1x640x64xf32, #tpu.memory_space<hbm>>
      %dma_wait3A_18 = tpu.memref_squeeze %dma_wait3A_17 : memref<1x640x64xf32, #tpu.memory_space<hbm>> -> memref<640x64xf32, #tpu.memory_space<hbm>>
      %dma_wait3A_19 = arith.constant 0 : i32
      %dma_wait3A_20 = tpu.memref_slice %arg10[%mul3A_10, %dma_wait3A_19] : memref<10240x64xf32, #tpu.memory_space<vmem_shared>> -> memref<640x64xf32, #tpu.memory_space<vmem_shared>>
      tpu.wait_dma2 semaphore(%run_scoped3A : memref<!tpu.dma_semaphore, #tpu.memory_space<semaphore_mem>>) src(%dma_wait3A_20 : memref<640x64xf32, #tpu.memory_space<vmem_shared>>) dst(%dma_wait3A_18 : memref<640x64xf32, #tpu.memory_space<hbm>>)
      tpu.yield
    }) : () -> ()
    return
  }
}

#map = affine_map<(d0, d1) -> (0, 0, 0)>
#map1 = affine_map<(d0, d1) -> (0, 0)>
module attributes {stable_mosaic.version = 14 : i64} {
  func.func @_edge_agg_body(%arg0: i32, %arg1: i32, %arg2: memref<16x160x128xi32, #tpu.memory_space<hbm>>, %arg3: memref<16x160x128xi32, #tpu.memory_space<hbm>>, %arg4: memref<10000x64xf32, #tpu.memory_space<hbm>>, %arg5: memref<640x64xf32, #tpu.memory_space<hbm>>, %arg6: memref<2x10240x64xf32, #tpu.memory_space<hbm>>, %arg7: memref<116x128xi32, #tpu.memory_space<vmem>>, %arg8: memref<116x128xi32, #tpu.memory_space<vmem>>, %arg9: memref<4x128x64xf32, #tpu.memory_space<vmem>>, %arg10: memref<10240x64xf32, #tpu.memory_space<vmem_shared>>, %arg11: memref<!tpu.dma_semaphore, #tpu.memory_space<semaphore_mem>>, %arg12: memref<!tpu.dma_semaphore, #tpu.memory_space<semaphore_mem>>) attributes {dimension_semantics = [#tpu.dimension_semantics<core_parallel>, #tpu.dimension_semantics<subcore_parallel>], iteration_bounds = array<i64: 2, 16>, scalar_prefetch = 0 : i64, scratch_operands = 6 : i64, tpu.core_type = #tpu.core_type<sc_vector_subcore>, window_params = [{transform_indices = #map}, {transform_indices = #map}, {transform_indices = #map1}, {transform_indices = #map1}, {transform_indices = #map}]} {
    %mul3A = arith.constant 640 : i32
    %mul3A_0 = arith.muli %arg1, %mul3A : i32
    "tpu.region"() ({
      %run_scoped3A = tpu.sem_alloc : memref<!tpu.dma_semaphore, #tpu.memory_space<semaphore_mem>>
      %dma_start3A = arith.constant 0 : i32
      %dma_start3A_13 = tpu.memref_slice %arg10[%mul3A_0, %dma_start3A] : memref<10240x64xf32, #tpu.memory_space<vmem_shared>> -> memref<640x64xf32, #tpu.memory_space<vmem_shared>>
      tpu.enqueue_dma source(%arg5 : memref<640x64xf32, #tpu.memory_space<hbm>>) target(%dma_start3A_13 : memref<640x64xf32, #tpu.memory_space<vmem_shared>>) target_semaphore(%run_scoped3A : memref<!tpu.dma_semaphore, #tpu.memory_space<semaphore_mem>>)
      %dma_wait3A = arith.constant 0 : i32
      %dma_wait3A_14 = tpu.memref_slice %arg10[%mul3A_0, %dma_wait3A] : memref<10240x64xf32, #tpu.memory_space<vmem_shared>> -> memref<640x64xf32, #tpu.memory_space<vmem_shared>>
      tpu.wait_dma2 semaphore(%run_scoped3A : memref<!tpu.dma_semaphore, #tpu.memory_space<semaphore_mem>>) src(%arg5 : memref<640x64xf32, #tpu.memory_space<hbm>>) dst(%dma_wait3A_14 : memref<640x64xf32, #tpu.memory_space<vmem_shared>>)
      tpu.yield
    }) : () -> ()
    %barrier3A = arith.constant 0 : index
    tpu.barrier barrier_id(%barrier3A)
    %eq3A = arith.constant 0 : i32
    %eq3A_1 = arith.cmpi eq, %arg0, %eq3A : i32
    %convert_element_type3A = arith.extui %eq3A_1 : i1 to i32
    %cond3A = arith.constant 0 : i32
    %cond3A_2 = arith.cmpi ne, %convert_element_type3A, %cond3A : i32
    scf.if %cond3A_2 {
      "tpu.region"() ({
        %run_scoped3A = tpu.sem_alloc : memref<!tpu.dma_semaphore, #tpu.memory_space<semaphore_mem>>
        %dma_start3A = arith.constant 0 : i32
        %dma_start3A_18 = arith.constant 0 : i32
        %dma_start3A_19 = tpu.memref_slice %arg7[%dma_start3A, %dma_start3A_18] : memref<116x128xi32, #tpu.memory_space<vmem>> -> memref<116x128xi32, #tpu.memory_space<vmem>>
        %dma_start3A_20 = arith.constant 0 : i32
        %dma_start3A_21 = arith.constant 0 : i32
        %dma_start3A_22 = tpu.memref_slice %arg2[%arg1, %dma_start3A_20, %dma_start3A_21] : memref<16x160x128xi32, #tpu.memory_space<hbm>> -> memref<1x116x128xi32, #tpu.memory_space<hbm>>
        %dma_start3A_23 = tpu.memref_squeeze %dma_start3A_22 : memref<1x116x128xi32, #tpu.memory_space<hbm>> -> memref<116x128xi32, #tpu.memory_space<hbm>>
        %dma_start3A_24 = arith.constant 0 : i32
        %dma_start3A_25 = arith.constant 0 : i32
        %dma_start3A_26 = tpu.memref_slice %arg7[%dma_start3A_24, %dma_start3A_25] : memref<116x128xi32, #tpu.memory_space<vmem>> -> memref<116x128xi32, #tpu.memory_space<vmem>>
        %dma_start3A_27 = arith.constant 0 : i32
        %dma_start3A_28 = arith.constant 0 : i32
        %dma_start3A_29 = tpu.memref_slice %arg2[%arg1, %dma_start3A_27, %dma_start3A_28] : memref<16x160x128xi32, #tpu.memory_space<hbm>> -> memref<1x116x128xi32, #tpu.memory_space<hbm>>
        %dma_start3A_30 = tpu.memref_squeeze %dma_start3A_29 : memref<1x116x128xi32, #tpu.memory_space<hbm>> -> memref<116x128xi32, #tpu.memory_space<hbm>>
        tpu.enqueue_dma source(%dma_start3A_30 : memref<116x128xi32, #tpu.memory_space<hbm>>) target(%dma_start3A_26 : memref<116x128xi32, #tpu.memory_space<vmem>>) target_semaphore(%run_scoped3A : memref<!tpu.dma_semaphore, #tpu.memory_space<semaphore_mem>>)
        %dma_wait3A = arith.constant 0 : i32
        %dma_wait3A_31 = arith.constant 0 : i32
        %dma_wait3A_32 = tpu.memref_slice %arg7[%dma_wait3A, %dma_wait3A_31] : memref<116x128xi32, #tpu.memory_space<vmem>> -> memref<116x128xi32, #tpu.memory_space<vmem>>
        %dma_wait3A_33 = arith.constant 0 : i32
        %dma_wait3A_34 = arith.constant 0 : i32
        %dma_wait3A_35 = tpu.memref_slice %arg2[%arg1, %dma_wait3A_33, %dma_wait3A_34] : memref<16x160x128xi32, #tpu.memory_space<hbm>> -> memref<1x116x128xi32, #tpu.memory_space<hbm>>
        %dma_wait3A_36 = tpu.memref_squeeze %dma_wait3A_35 : memref<1x116x128xi32, #tpu.memory_space<hbm>> -> memref<116x128xi32, #tpu.memory_space<hbm>>
        %dma_wait3A_37 = arith.constant 0 : i32
        %dma_wait3A_38 = arith.constant 0 : i32
        %dma_wait3A_39 = tpu.memref_slice %arg7[%dma_wait3A_37, %dma_wait3A_38] : memref<116x128xi32, #tpu.memory_space<vmem>> -> memref<116x128xi32, #tpu.memory_space<vmem>>
        %dma_wait3A_40 = arith.constant 0 : i32
        %dma_wait3A_41 = arith.constant 0 : i32
        %dma_wait3A_42 = tpu.memref_slice %arg2[%arg1, %dma_wait3A_40, %dma_wait3A_41] : memref<16x160x128xi32, #tpu.memory_space<hbm>> -> memref<1x116x128xi32, #tpu.memory_space<hbm>>
        %dma_wait3A_43 = tpu.memref_squeeze %dma_wait3A_42 : memref<1x116x128xi32, #tpu.memory_space<hbm>> -> memref<116x128xi32, #tpu.memory_space<hbm>>
        tpu.wait_dma2 semaphore(%run_scoped3A : memref<!tpu.dma_semaphore, #tpu.memory_space<semaphore_mem>>) src(%dma_wait3A_43 : memref<116x128xi32, #tpu.memory_space<hbm>>) dst(%dma_wait3A_39 : memref<116x128xi32, #tpu.memory_space<vmem>>)
        tpu.yield
      }) : () -> ()
      "tpu.region"() ({
        %run_scoped3A = tpu.sem_alloc : memref<!tpu.dma_semaphore, #tpu.memory_space<semaphore_mem>>
        %dma_start3A = arith.constant 0 : i32
        %dma_start3A_18 = arith.constant 0 : i32
        %dma_start3A_19 = tpu.memref_slice %arg8[%dma_start3A, %dma_start3A_18] : memref<116x128xi32, #tpu.memory_space<vmem>> -> memref<116x128xi32, #tpu.memory_space<vmem>>
        %dma_start3A_20 = arith.constant 0 : i32
        %dma_start3A_21 = arith.constant 0 : i32
        %dma_start3A_22 = tpu.memref_slice %arg3[%arg1, %dma_start3A_20, %dma_start3A_21] : memref<16x160x128xi32, #tpu.memory_space<hbm>> -> memref<1x116x128xi32, #tpu.memory_space<hbm>>
        %dma_start3A_23 = tpu.memref_squeeze %dma_start3A_22 : memref<1x116x128xi32, #tpu.memory_space<hbm>> -> memref<116x128xi32, #tpu.memory_space<hbm>>
        %dma_start3A_24 = arith.constant 0 : i32
        %dma_start3A_25 = arith.constant 0 : i32
        %dma_start3A_26 = tpu.memref_slice %arg8[%dma_start3A_24, %dma_start3A_25] : memref<116x128xi32, #tpu.memory_space<vmem>> -> memref<116x128xi32, #tpu.memory_space<vmem>>
        %dma_start3A_27 = arith.constant 0 : i32
        %dma_start3A_28 = arith.constant 0 : i32
        %dma_start3A_29 = tpu.memref_slice %arg3[%arg1, %dma_start3A_27, %dma_start3A_28] : memref<16x160x128xi32, #tpu.memory_space<hbm>> -> memref<1x116x128xi32, #tpu.memory_space<hbm>>
        %dma_start3A_30 = tpu.memref_squeeze %dma_start3A_29 : memref<1x116x128xi32, #tpu.memory_space<hbm>> -> memref<116x128xi32, #tpu.memory_space<hbm>>
        tpu.enqueue_dma source(%dma_start3A_30 : memref<116x128xi32, #tpu.memory_space<hbm>>) target(%dma_start3A_26 : memref<116x128xi32, #tpu.memory_space<vmem>>) target_semaphore(%run_scoped3A : memref<!tpu.dma_semaphore, #tpu.memory_space<semaphore_mem>>)
        %dma_wait3A = arith.constant 0 : i32
        %dma_wait3A_31 = arith.constant 0 : i32
        %dma_wait3A_32 = tpu.memref_slice %arg8[%dma_wait3A, %dma_wait3A_31] : memref<116x128xi32, #tpu.memory_space<vmem>> -> memref<116x128xi32, #tpu.memory_space<vmem>>
        %dma_wait3A_33 = arith.constant 0 : i32
        %dma_wait3A_34 = arith.constant 0 : i32
        %dma_wait3A_35 = tpu.memref_slice %arg3[%arg1, %dma_wait3A_33, %dma_wait3A_34] : memref<16x160x128xi32, #tpu.memory_space<hbm>> -> memref<1x116x128xi32, #tpu.memory_space<hbm>>
        %dma_wait3A_36 = tpu.memref_squeeze %dma_wait3A_35 : memref<1x116x128xi32, #tpu.memory_space<hbm>> -> memref<116x128xi32, #tpu.memory_space<hbm>>
        %dma_wait3A_37 = arith.constant 0 : i32
        %dma_wait3A_38 = arith.constant 0 : i32
        %dma_wait3A_39 = tpu.memref_slice %arg8[%dma_wait3A_37, %dma_wait3A_38] : memref<116x128xi32, #tpu.memory_space<vmem>> -> memref<116x128xi32, #tpu.memory_space<vmem>>
        %dma_wait3A_40 = arith.constant 0 : i32
        %dma_wait3A_41 = arith.constant 0 : i32
        %dma_wait3A_42 = tpu.memref_slice %arg3[%arg1, %dma_wait3A_40, %dma_wait3A_41] : memref<16x160x128xi32, #tpu.memory_space<hbm>> -> memref<1x116x128xi32, #tpu.memory_space<hbm>>
        %dma_wait3A_43 = tpu.memref_squeeze %dma_wait3A_42 : memref<1x116x128xi32, #tpu.memory_space<hbm>> -> memref<116x128xi32, #tpu.memory_space<hbm>>
        tpu.wait_dma2 semaphore(%run_scoped3A : memref<!tpu.dma_semaphore, #tpu.memory_space<semaphore_mem>>) src(%dma_wait3A_43 : memref<116x128xi32, #tpu.memory_space<hbm>>) dst(%dma_wait3A_39 : memref<116x128xi32, #tpu.memory_space<vmem>>)
        tpu.yield
      }) : () -> ()
      %scan3A = arith.constant 0 : i32
      %scan3A_13 = arith.constant 0 : i32
      %scan3A_14 = arith.constant 29 : i32
      %scan3A_15 = arith.addi %scan3A_13, %scan3A_14 : i32
      %scan3A_16 = arith.constant 1 : i32
      scf.for %scan3A_18 = %scan3A_13 to %scan3A_15 step %scan3A_16  : i32 {
        %mul3A_19 = arith.constant 4 : i32
        %mul3A_20 = arith.muli %scan3A_18, %mul3A_19 : i32
        %add3A = arith.constant 0 : i32
        %add3A_21 = arith.addi %mul3A_20, %add3A : i32
        %dma_start3A = arith.constant 0 : i32
        %dma_start3A_22 = arith.constant 0 : i32
        %dma_start3A_23 = arith.constant 0 : i32
        %dma_start3A_24 = tpu.memref_slice %arg9[%dma_start3A, %dma_start3A_22, %dma_start3A_23] : memref<4x128x64xf32, #tpu.memory_space<vmem>> -> memref<1x128x64xf32, #tpu.memory_space<vmem>>
        %dma_start3A_25 = tpu.memref_squeeze %dma_start3A_24 : memref<1x128x64xf32, #tpu.memory_space<vmem>> -> memref<128x64xf32, #tpu.memory_space<vmem>>
        %dma_start3A_26 = arith.constant 0 : i32
        %dma_start3A_27 = tpu.memref_slice %arg7[%add3A_21, %dma_start3A_26] : memref<116x128xi32, #tpu.memory_space<vmem>> -> memref<1x128xi32, #tpu.memory_space<vmem>>
        %dma_start3A_28 = tpu.memref_squeeze %dma_start3A_27 : memref<1x128xi32, #tpu.memory_space<vmem>> -> memref<128xi32, #tpu.memory_space<vmem>>
        %dma_start3A_29 = arith.constant 0 : i32
        %dma_start3A_30 = arith.constant 0 : i32
        %dma_start3A_31 = tpu.memref_slice %arg4[%dma_start3A_29, %dma_start3A_30] : memref<10000x64xf32, #tpu.memory_space<hbm>> -> memref<10000x64xf32, #tpu.memory_space<hbm>>
        tpu.enqueue_indirect_dma source(%dma_start3A_31 : memref<10000x64xf32, #tpu.memory_space<hbm>>) target(%dma_start3A_25 : memref<128x64xf32, #tpu.memory_space<vmem>>) offsets(%dma_start3A_28 : memref<128xi32, #tpu.memory_space<vmem>>) semaphore(%arg11 : memref<!tpu.dma_semaphore, #tpu.memory_space<semaphore_mem>>)
        %mul3A_32 = arith.constant 4 : i32
        %mul3A_33 = arith.muli %scan3A_18, %mul3A_32 : i32
        %add3A_34 = arith.constant 1 : i32
        %add3A_35 = arith.addi %mul3A_33, %add3A_34 : i32
        %dma_start3A_36 = arith.constant 1 : i32
        %dma_start3A_37 = arith.constant 0 : i32
        %dma_start3A_38 = arith.constant 0 : i32
        %dma_start3A_39 = tpu.memref_slice %arg9[%dma_start3A_36, %dma_start3A_37, %dma_start3A_38] : memref<4x128x64xf32, #tpu.memory_space<vmem>> -> memref<1x128x64xf32, #tpu.memory_space<vmem>>
        %dma_start3A_40 = tpu.memref_squeeze %dma_start3A_39 : memref<1x128x64xf32, #tpu.memory_space<vmem>> -> memref<128x64xf32, #tpu.memory_space<vmem>>
        %dma_start3A_41 = arith.constant 0 : i32
        %dma_start3A_42 = tpu.memref_slice %arg7[%add3A_35, %dma_start3A_41] : memref<116x128xi32, #tpu.memory_space<vmem>> -> memref<1x128xi32, #tpu.memory_space<vmem>>
        %dma_start3A_43 = tpu.memref_squeeze %dma_start3A_42 : memref<1x128xi32, #tpu.memory_space<vmem>> -> memref<128xi32, #tpu.memory_space<vmem>>
        %dma_start3A_44 = arith.constant 0 : i32
        %dma_start3A_45 = arith.constant 0 : i32
        %dma_start3A_46 = tpu.memref_slice %arg4[%dma_start3A_44, %dma_start3A_45] : memref<10000x64xf32, #tpu.memory_space<hbm>> -> memref<10000x64xf32, #tpu.memory_space<hbm>>
        tpu.enqueue_indirect_dma source(%dma_start3A_46 : memref<10000x64xf32, #tpu.memory_space<hbm>>) target(%dma_start3A_40 : memref<128x64xf32, #tpu.memory_space<vmem>>) offsets(%dma_start3A_43 : memref<128xi32, #tpu.memory_space<vmem>>) semaphore(%arg11 : memref<!tpu.dma_semaphore, #tpu.memory_space<semaphore_mem>>)
        %mul3A_47 = arith.constant 4 : i32
        %mul3A_48 = arith.muli %scan3A_18, %mul3A_47 : i32
        %add3A_49 = arith.constant 2 : i32
        %add3A_50 = arith.addi %mul3A_48, %add3A_49 : i32
        %dma_start3A_51 = arith.constant 2 : i32
        %dma_start3A_52 = arith.constant 0 : i32
        %dma_start3A_53 = arith.constant 0 : i32
        %dma_start3A_54 = tpu.memref_slice %arg9[%dma_start3A_51, %dma_start3A_52, %dma_start3A_53] : memref<4x128x64xf32, #tpu.memory_space<vmem>> -> memref<1x128x64xf32, #tpu.memory_space<vmem>>
        %dma_start3A_55 = tpu.memref_squeeze %dma_start3A_54 : memref<1x128x64xf32, #tpu.memory_space<vmem>> -> memref<128x64xf32, #tpu.memory_space<vmem>>
        %dma_start3A_56 = arith.constant 0 : i32
        %dma_start3A_57 = tpu.memref_slice %arg7[%add3A_50, %dma_start3A_56] : memref<116x128xi32, #tpu.memory_space<vmem>> -> memref<1x128xi32, #tpu.memory_space<vmem>>
        %dma_start3A_58 = tpu.memref_squeeze %dma_start3A_57 : memref<1x128xi32, #tpu.memory_space<vmem>> -> memref<128xi32, #tpu.memory_space<vmem>>
        %dma_start3A_59 = arith.constant 0 : i32
        %dma_start3A_60 = arith.constant 0 : i32
        %dma_start3A_61 = tpu.memref_slice %arg4[%dma_start3A_59, %dma_start3A_60] : memref<10000x64xf32, #tpu.memory_space<hbm>> -> memref<10000x64xf32, #tpu.memory_space<hbm>>
        tpu.enqueue_indirect_dma source(%dma_start3A_61 : memref<10000x64xf32, #tpu.memory_space<hbm>>) target(%dma_start3A_55 : memref<128x64xf32, #tpu.memory_space<vmem>>) offsets(%dma_start3A_58 : memref<128xi32, #tpu.memory_space<vmem>>) semaphore(%arg11 : memref<!tpu.dma_semaphore, #tpu.memory_space<semaphore_mem>>)
        %mul3A_62 = arith.constant 4 : i32
        %mul3A_63 = arith.muli %scan3A_18, %mul3A_62 : i32
        %add3A_64 = arith.constant 3 : i32
        %add3A_65 = arith.addi %mul3A_63, %add3A_64 : i32
        %dma_start3A_66 = arith.constant 3 : i32
        %dma_start3A_67 = arith.constant 0 : i32
        %dma_start3A_68 = arith.constant 0 : i32
        %dma_start3A_69 = tpu.memref_slice %arg9[%dma_start3A_66, %dma_start3A_67, %dma_start3A_68] : memref<4x128x64xf32, #tpu.memory_space<vmem>> -> memref<1x128x64xf32, #tpu.memory_space<vmem>>
        %dma_start3A_70 = tpu.memref_squeeze %dma_start3A_69 : memref<1x128x64xf32, #tpu.memory_space<vmem>> -> memref<128x64xf32, #tpu.memory_space<vmem>>
        %dma_start3A_71 = arith.constant 0 : i32
        %dma_start3A_72 = tpu.memref_slice %arg7[%add3A_65, %dma_start3A_71] : memref<116x128xi32, #tpu.memory_space<vmem>> -> memref<1x128xi32, #tpu.memory_space<vmem>>
        %dma_start3A_73 = tpu.memref_squeeze %dma_start3A_72 : memref<1x128xi32, #tpu.memory_space<vmem>> -> memref<128xi32, #tpu.memory_space<vmem>>
        %dma_start3A_74 = arith.constant 0 : i32
        %dma_start3A_75 = arith.constant 0 : i32
        %dma_start3A_76 = tpu.memref_slice %arg4[%dma_start3A_74, %dma_start3A_75] : memref<10000x64xf32, #tpu.memory_space<hbm>> -> memref<10000x64xf32, #tpu.memory_space<hbm>>
        tpu.enqueue_indirect_dma source(%dma_start3A_76 : memref<10000x64xf32, #tpu.memory_space<hbm>>) target(%dma_start3A_70 : memref<128x64xf32, #tpu.memory_space<vmem>>) offsets(%dma_start3A_73 : memref<128xi32, #tpu.memory_space<vmem>>) semaphore(%arg11 : memref<!tpu.dma_semaphore, #tpu.memory_space<semaphore_mem>>)
        %dma_wait3A = arith.constant 0 : i32
        %dma_wait3A_77 = arith.constant 0 : i32
        %dma_wait3A_78 = arith.constant 0 : i32
        %dma_wait3A_79 = tpu.memref_slice %arg9[%dma_wait3A, %dma_wait3A_77, %dma_wait3A_78] : memref<4x128x64xf32, #tpu.memory_space<vmem>> -> memref<1x128x64xf32, #tpu.memory_space<vmem>>
        %dma_wait3A_80 = tpu.memref_squeeze %dma_wait3A_79 : memref<1x128x64xf32, #tpu.memory_space<vmem>> -> memref<128x64xf32, #tpu.memory_space<vmem>>
        %dma_wait3A_81 = arith.constant 0 : i32
        %dma_wait3A_82 = arith.constant 0 : i32
        %dma_wait3A_83 = tpu.memref_slice %arg4[%dma_wait3A_81, %dma_wait3A_82] : memref<10000x64xf32, #tpu.memory_space<hbm>> -> memref<128x64xf32, #tpu.memory_space<hbm>>
        %dma_wait3A_84 = arith.constant 0 : i32
        %dma_wait3A_85 = arith.constant 0 : i32
        %dma_wait3A_86 = tpu.memref_slice %arg9[%dma_wait3A, %dma_wait3A_84, %dma_wait3A_85] : memref<4x128x64xf32, #tpu.memory_space<vmem>> -> memref<1x128x64xf32, #tpu.memory_space<vmem>>
        %dma_wait3A_87 = tpu.memref_squeeze %dma_wait3A_86 : memref<1x128x64xf32, #tpu.memory_space<vmem>> -> memref<128x64xf32, #tpu.memory_space<vmem>>
        %dma_wait3A_88 = arith.constant 0 : i32
        %dma_wait3A_89 = arith.constant 0 : i32
        %dma_wait3A_90 = tpu.memref_slice %arg4[%dma_wait3A_88, %dma_wait3A_89] : memref<10000x64xf32, #tpu.memory_space<hbm>> -> memref<128x64xf32, #tpu.memory_space<hbm>>
        tpu.wait_dma2 semaphore(%arg11 : memref<!tpu.dma_semaphore, #tpu.memory_space<semaphore_mem>>) src(%dma_wait3A_90 : memref<128x64xf32, #tpu.memory_space<hbm>>) dst(%dma_wait3A_87 : memref<128x64xf32, #tpu.memory_space<vmem>>)
        %dma_wait3A_91 = arith.constant 1 : i32
        %dma_wait3A_92 = arith.constant 0 : i32
        %dma_wait3A_93 = arith.constant 0 : i32
        %dma_wait3A_94 = tpu.memref_slice %arg9[%dma_wait3A_91, %dma_wait3A_92, %dma_wait3A_93] : memref<4x128x64xf32, #tpu.memory_space<vmem>> -> memref<1x128x64xf32, #tpu.memory_space<vmem>>
        %dma_wait3A_95 = tpu.memref_squeeze %dma_wait3A_94 : memref<1x128x64xf32, #tpu.memory_space<vmem>> -> memref<128x64xf32, #tpu.memory_space<vmem>>
        %dma_wait3A_96 = arith.constant 0 : i32
        %dma_wait3A_97 = arith.constant 0 : i32
        %dma_wait3A_98 = tpu.memref_slice %arg4[%dma_wait3A_96, %dma_wait3A_97] : memref<10000x64xf32, #tpu.memory_space<hbm>> -> memref<128x64xf32, #tpu.memory_space<hbm>>
        %dma_wait3A_99 = arith.constant 0 : i32
        %dma_wait3A_100 = arith.constant 0 : i32
        %dma_wait3A_101 = tpu.memref_slice %arg9[%dma_wait3A_91, %dma_wait3A_99, %dma_wait3A_100] : memref<4x128x64xf32, #tpu.memory_space<vmem>> -> memref<1x128x64xf32, #tpu.memory_space<vmem>>
        %dma_wait3A_102 = tpu.memref_squeeze %dma_wait3A_101 : memref<1x128x64xf32, #tpu.memory_space<vmem>> -> memref<128x64xf32, #tpu.memory_space<vmem>>
        %dma_wait3A_103 = arith.constant 0 : i32
        %dma_wait3A_104 = arith.constant 0 : i32
        %dma_wait3A_105 = tpu.memref_slice %arg4[%dma_wait3A_103, %dma_wait3A_104] : memref<10000x64xf32, #tpu.memory_space<hbm>> -> memref<128x64xf32, #tpu.memory_space<hbm>>
        tpu.wait_dma2 semaphore(%arg11 : memref<!tpu.dma_semaphore, #tpu.memory_space<semaphore_mem>>) src(%dma_wait3A_105 : memref<128x64xf32, #tpu.memory_space<hbm>>) dst(%dma_wait3A_102 : memref<128x64xf32, #tpu.memory_space<vmem>>)
        %dma_wait3A_106 = arith.constant 2 : i32
        %dma_wait3A_107 = arith.constant 0 : i32
        %dma_wait3A_108 = arith.constant 0 : i32
        %dma_wait3A_109 = tpu.memref_slice %arg9[%dma_wait3A_106, %dma_wait3A_107, %dma_wait3A_108] : memref<4x128x64xf32, #tpu.memory_space<vmem>> -> memref<1x128x64xf32, #tpu.memory_space<vmem>>
        %dma_wait3A_110 = tpu.memref_squeeze %dma_wait3A_109 : memref<1x128x64xf32, #tpu.memory_space<vmem>> -> memref<128x64xf32, #tpu.memory_space<vmem>>
        %dma_wait3A_111 = arith.constant 0 : i32
        %dma_wait3A_112 = arith.constant 0 : i32
        %dma_wait3A_113 = tpu.memref_slice %arg4[%dma_wait3A_111, %dma_wait3A_112] : memref<10000x64xf32, #tpu.memory_space<hbm>> -> memref<128x64xf32, #tpu.memory_space<hbm>>
        %dma_wait3A_114 = arith.constant 0 : i32
        %dma_wait3A_115 = arith.constant 0 : i32
        %dma_wait3A_116 = tpu.memref_slice %arg9[%dma_wait3A_106, %dma_wait3A_114, %dma_wait3A_115] : memref<4x128x64xf32, #tpu.memory_space<vmem>> -> memref<1x128x64xf32, #tpu.memory_space<vmem>>
        %dma_wait3A_117 = tpu.memref_squeeze %dma_wait3A_116 : memref<1x128x64xf32, #tpu.memory_space<vmem>> -> memref<128x64xf32, #tpu.memory_space<vmem>>
        %dma_wait3A_118 = arith.constant 0 : i32
        %dma_wait3A_119 = arith.constant 0 : i32
        %dma_wait3A_120 = tpu.memref_slice %arg4[%dma_wait3A_118, %dma_wait3A_119] : memref<10000x64xf32, #tpu.memory_space<hbm>> -> memref<128x64xf32, #tpu.memory_space<hbm>>
        tpu.wait_dma2 semaphore(%arg11 : memref<!tpu.dma_semaphore, #tpu.memory_space<semaphore_mem>>) src(%dma_wait3A_120 : memref<128x64xf32, #tpu.memory_space<hbm>>) dst(%dma_wait3A_117 : memref<128x64xf32, #tpu.memory_space<vmem>>)
        %dma_wait3A_121 = arith.constant 3 : i32
        %dma_wait3A_122 = arith.constant 0 : i32
        %dma_wait3A_123 = arith.constant 0 : i32
        %dma_wait3A_124 = tpu.memref_slice %arg9[%dma_wait3A_121, %dma_wait3A_122, %dma_wait3A_123] : memref<4x128x64xf32, #tpu.memory_space<vmem>> -> memref<1x128x64xf32, #tpu.memory_space<vmem>>
        %dma_wait3A_125 = tpu.memref_squeeze %dma_wait3A_124 : memref<1x128x64xf32, #tpu.memory_space<vmem>> -> memref<128x64xf32, #tpu.memory_space<vmem>>
        %dma_wait3A_126 = arith.constant 0 : i32
        %dma_wait3A_127 = arith.constant 0 : i32
        %dma_wait3A_128 = tpu.memref_slice %arg4[%dma_wait3A_126, %dma_wait3A_127] : memref<10000x64xf32, #tpu.memory_space<hbm>> -> memref<128x64xf32, #tpu.memory_space<hbm>>
        %dma_wait3A_129 = arith.constant 0 : i32
        %dma_wait3A_130 = arith.constant 0 : i32
        %dma_wait3A_131 = tpu.memref_slice %arg9[%dma_wait3A_121, %dma_wait3A_129, %dma_wait3A_130] : memref<4x128x64xf32, #tpu.memory_space<vmem>> -> memref<1x128x64xf32, #tpu.memory_space<vmem>>
        %dma_wait3A_132 = tpu.memref_squeeze %dma_wait3A_131 : memref<1x128x64xf32, #tpu.memory_space<vmem>> -> memref<128x64xf32, #tpu.memory_space<vmem>>
        %dma_wait3A_133 = arith.constant 0 : i32
        %dma_wait3A_134 = arith.constant 0 : i32
        %dma_wait3A_135 = tpu.memref_slice %arg4[%dma_wait3A_133, %dma_wait3A_134] : memref<10000x64xf32, #tpu.memory_space<hbm>> -> memref<128x64xf32, #tpu.memory_space<hbm>>
        tpu.wait_dma2 semaphore(%arg11 : memref<!tpu.dma_semaphore, #tpu.memory_space<semaphore_mem>>) src(%dma_wait3A_135 : memref<128x64xf32, #tpu.memory_space<hbm>>) dst(%dma_wait3A_132 : memref<128x64xf32, #tpu.memory_space<vmem>>)
        %mul3A_136 = arith.constant 4 : i32
        %mul3A_137 = arith.muli %scan3A_18, %mul3A_136 : i32
        %add3A_138 = arith.constant 0 : i32
        %add3A_139 = arith.addi %mul3A_137, %add3A_138 : i32
        %dma_start3A_140 = arith.constant 0 : i32
        %dma_start3A_141 = arith.constant 0 : i32
        %dma_start3A_142 = arith.constant 0 : i32
        %dma_start3A_143 = tpu.memref_slice %arg9[%dma_start3A_140, %dma_start3A_141, %dma_start3A_142] : memref<4x128x64xf32, #tpu.memory_space<vmem>> -> memref<1x128x64xf32, #tpu.memory_space<vmem>>
        %dma_start3A_144 = tpu.memref_squeeze %dma_start3A_143 : memref<1x128x64xf32, #tpu.memory_space<vmem>> -> memref<128x64xf32, #tpu.memory_space<vmem>>
        %dma_start3A_145 = arith.constant 0 : i32
        %dma_start3A_146 = tpu.memref_slice %arg8[%add3A_139, %dma_start3A_145] : memref<116x128xi32, #tpu.memory_space<vmem>> -> memref<1x128xi32, #tpu.memory_space<vmem>>
        %dma_start3A_147 = tpu.memref_squeeze %dma_start3A_146 : memref<1x128xi32, #tpu.memory_space<vmem>> -> memref<128xi32, #tpu.memory_space<vmem>>
        %dma_start3A_148 = arith.constant 0 : i32
        %dma_start3A_149 = arith.constant 0 : i32
        %dma_start3A_150 = tpu.memref_slice %arg10[%dma_start3A_148, %dma_start3A_149] : memref<10240x64xf32, #tpu.memory_space<vmem_shared>> -> memref<10240x64xf32, #tpu.memory_space<vmem_shared>>
        tpu.enqueue_indirect_dma source(%dma_start3A_144 : memref<128x64xf32, #tpu.memory_space<vmem>>) target(%dma_start3A_150 : memref<10240x64xf32, #tpu.memory_space<vmem_shared>>) offsets(%dma_start3A_147 : memref<128xi32, #tpu.memory_space<vmem>>) semaphore(%arg12 : memref<!tpu.dma_semaphore, #tpu.memory_space<semaphore_mem>>) {add = true}
        %mul3A_151 = arith.constant 4 : i32
        %mul3A_152 = arith.muli %scan3A_18, %mul3A_151 : i32
        %add3A_153 = arith.constant 1 : i32
        %add3A_154 = arith.addi %mul3A_152, %add3A_153 : i32
        %dma_start3A_155 = arith.constant 1 : i32
        %dma_start3A_156 = arith.constant 0 : i32
        %dma_start3A_157 = arith.constant 0 : i32
        %dma_start3A_158 = tpu.memref_slice %arg9[%dma_start3A_155, %dma_start3A_156, %dma_start3A_157] : memref<4x128x64xf32, #tpu.memory_space<vmem>> -> memref<1x128x64xf32, #tpu.memory_space<vmem>>
        %dma_start3A_159 = tpu.memref_squeeze %dma_start3A_158 : memref<1x128x64xf32, #tpu.memory_space<vmem>> -> memref<128x64xf32, #tpu.memory_space<vmem>>
        %dma_start3A_160 = arith.constant 0 : i32
        %dma_start3A_161 = tpu.memref_slice %arg8[%add3A_154, %dma_start3A_160] : memref<116x128xi32, #tpu.memory_space<vmem>> -> memref<1x128xi32, #tpu.memory_space<vmem>>
        %dma_start3A_162 = tpu.memref_squeeze %dma_start3A_161 : memref<1x128xi32, #tpu.memory_space<vmem>> -> memref<128xi32, #tpu.memory_space<vmem>>
        %dma_start3A_163 = arith.constant 0 : i32
        %dma_start3A_164 = arith.constant 0 : i32
        %dma_start3A_165 = tpu.memref_slice %arg10[%dma_start3A_163, %dma_start3A_164] : memref<10240x64xf32, #tpu.memory_space<vmem_shared>> -> memref<10240x64xf32, #tpu.memory_space<vmem_shared>>
        tpu.enqueue_indirect_dma source(%dma_start3A_159 : memref<128x64xf32, #tpu.memory_space<vmem>>) target(%dma_start3A_165 : memref<10240x64xf32, #tpu.memory_space<vmem_shared>>) offsets(%dma_start3A_162 : memref<128xi32, #tpu.memory_space<vmem>>) semaphore(%arg12 : memref<!tpu.dma_semaphore, #tpu.memory_space<semaphore_mem>>) {add = true}
        %mul3A_166 = arith.constant 4 : i32
        %mul3A_167 = arith.muli %scan3A_18, %mul3A_166 : i32
        %add3A_168 = arith.constant 2 : i32
        %add3A_169 = arith.addi %mul3A_167, %add3A_168 : i32
        %dma_start3A_170 = arith.constant 2 : i32
        %dma_start3A_171 = arith.constant 0 : i32
        %dma_start3A_172 = arith.constant 0 : i32
        %dma_start3A_173 = tpu.memref_slice %arg9[%dma_start3A_170, %dma_start3A_171, %dma_start3A_172] : memref<4x128x64xf32, #tpu.memory_space<vmem>> -> memref<1x128x64xf32, #tpu.memory_space<vmem>>
        %dma_start3A_174 = tpu.memref_squeeze %dma_start3A_173 : memref<1x128x64xf32, #tpu.memory_space<vmem>> -> memref<128x64xf32, #tpu.memory_space<vmem>>
        %dma_start3A_175 = arith.constant 0 : i32
        %dma_start3A_176 = tpu.memref_slice %arg8[%add3A_169, %dma_start3A_175] : memref<116x128xi32, #tpu.memory_space<vmem>> -> memref<1x128xi32, #tpu.memory_space<vmem>>
        %dma_start3A_177 = tpu.memref_squeeze %dma_start3A_176 : memref<1x128xi32, #tpu.memory_space<vmem>> -> memref<128xi32, #tpu.memory_space<vmem>>
        %dma_start3A_178 = arith.constant 0 : i32
        %dma_start3A_179 = arith.constant 0 : i32
        %dma_start3A_180 = tpu.memref_slice %arg10[%dma_start3A_178, %dma_start3A_179] : memref<10240x64xf32, #tpu.memory_space<vmem_shared>> -> memref<10240x64xf32, #tpu.memory_space<vmem_shared>>
        tpu.enqueue_indirect_dma source(%dma_start3A_174 : memref<128x64xf32, #tpu.memory_space<vmem>>) target(%dma_start3A_180 : memref<10240x64xf32, #tpu.memory_space<vmem_shared>>) offsets(%dma_start3A_177 : memref<128xi32, #tpu.memory_space<vmem>>) semaphore(%arg12 : memref<!tpu.dma_semaphore, #tpu.memory_space<semaphore_mem>>) {add = true}
        %mul3A_181 = arith.constant 4 : i32
        %mul3A_182 = arith.muli %scan3A_18, %mul3A_181 : i32
        %add3A_183 = arith.constant 3 : i32
        %add3A_184 = arith.addi %mul3A_182, %add3A_183 : i32
        %dma_start3A_185 = arith.constant 3 : i32
        %dma_start3A_186 = arith.constant 0 : i32
        %dma_start3A_187 = arith.constant 0 : i32
        %dma_start3A_188 = tpu.memref_slice %arg9[%dma_start3A_185, %dma_start3A_186, %dma_start3A_187] : memref<4x128x64xf32, #tpu.memory_space<vmem>> -> memref<1x128x64xf32, #tpu.memory_space<vmem>>
        %dma_start3A_189 = tpu.memref_squeeze %dma_start3A_188 : memref<1x128x64xf32, #tpu.memory_space<vmem>> -> memref<128x64xf32, #tpu.memory_space<vmem>>
        %dma_start3A_190 = arith.constant 0 : i32
        %dma_start3A_191 = tpu.memref_slice %arg8[%add3A_184, %dma_start3A_190] : memref<116x128xi32, #tpu.memory_space<vmem>> -> memref<1x128xi32, #tpu.memory_space<vmem>>
        %dma_start3A_192 = tpu.memref_squeeze %dma_start3A_191 : memref<1x128xi32, #tpu.memory_space<vmem>> -> memref<128xi32, #tpu.memory_space<vmem>>
        %dma_start3A_193 = arith.constant 0 : i32
        %dma_start3A_194 = arith.constant 0 : i32
        %dma_start3A_195 = tpu.memref_slice %arg10[%dma_start3A_193, %dma_start3A_194] : memref<10240x64xf32, #tpu.memory_space<vmem_shared>> -> memref<10240x64xf32, #tpu.memory_space<vmem_shared>>
        tpu.enqueue_indirect_dma source(%dma_start3A_189 : memref<128x64xf32, #tpu.memory_space<vmem>>) target(%dma_start3A_195 : memref<10240x64xf32, #tpu.memory_space<vmem_shared>>) offsets(%dma_start3A_192 : memref<128xi32, #tpu.memory_space<vmem>>) semaphore(%arg12 : memref<!tpu.dma_semaphore, #tpu.memory_space<semaphore_mem>>) {add = true}
        %dma_wait3A_196 = arith.constant 0 : i32
        %dma_wait3A_197 = arith.constant 0 : i32
        %dma_wait3A_198 = arith.constant 0 : i32
        %dma_wait3A_199 = tpu.memref_slice %arg9[%dma_wait3A_196, %dma_wait3A_197, %dma_wait3A_198] : memref<4x128x64xf32, #tpu.memory_space<vmem>> -> memref<1x128x64xf32, #tpu.memory_space<vmem>>
        %dma_wait3A_200 = tpu.memref_squeeze %dma_wait3A_199 : memref<1x128x64xf32, #tpu.memory_space<vmem>> -> memref<128x64xf32, #tpu.memory_space<vmem>>
        %dma_wait3A_201 = arith.constant 0 : i32
        %dma_wait3A_202 = arith.constant 0 : i32
        %dma_wait3A_203 = tpu.memref_slice %arg10[%dma_wait3A_201, %dma_wait3A_202] : memref<10240x64xf32, #tpu.memory_space<vmem_shared>> -> memref<128x64xf32, #tpu.memory_space<vmem_shared>>
        %dma_wait3A_204 = arith.constant 0 : i32
        %dma_wait3A_205 = arith.constant 0 : i32
        %dma_wait3A_206 = tpu.memref_slice %arg10[%dma_wait3A_204, %dma_wait3A_205] : memref<10240x64xf32, #tpu.memory_space<vmem_shared>> -> memref<128x64xf32, #tpu.memory_space<vmem_shared>>
        %dma_wait3A_207 = arith.constant 0 : i32
        %dma_wait3A_208 = arith.constant 0 : i32
        %dma_wait3A_209 = tpu.memref_slice %arg9[%dma_wait3A_196, %dma_wait3A_207, %dma_wait3A_208] : memref<4x128x64xf32, #tpu.memory_space<vmem>> -> memref<1x128x64xf32, #tpu.memory_space<vmem>>
        %dma_wait3A_210 = tpu.memref_squeeze %dma_wait3A_209 : memref<1x128x64xf32, #tpu.memory_space<vmem>> -> memref<128x64xf32, #tpu.memory_space<vmem>>
        tpu.wait_dma2 semaphore(%arg12 : memref<!tpu.dma_semaphore, #tpu.memory_space<semaphore_mem>>) src(%dma_wait3A_210 : memref<128x64xf32, #tpu.memory_space<vmem>>) dst(%dma_wait3A_206 : memref<128x64xf32, #tpu.memory_space<vmem_shared>>)
        %dma_wait3A_211 = arith.constant 1 : i32
        %dma_wait3A_212 = arith.constant 0 : i32
        %dma_wait3A_213 = arith.constant 0 : i32
        %dma_wait3A_214 = tpu.memref_slice %arg9[%dma_wait3A_211, %dma_wait3A_212, %dma_wait3A_213] : memref<4x128x64xf32, #tpu.memory_space<vmem>> -> memref<1x128x64xf32, #tpu.memory_space<vmem>>
        %dma_wait3A_215 = tpu.memref_squeeze %dma_wait3A_214 : memref<1x128x64xf32, #tpu.memory_space<vmem>> -> memref<128x64xf32, #tpu.memory_space<vmem>>
        %dma_wait3A_216 = arith.constant 0 : i32
        %dma_wait3A_217 = arith.constant 0 : i32
        %dma_wait3A_218 = tpu.memref_slice %arg10[%dma_wait3A_216, %dma_wait3A_217] : memref<10240x64xf32, #tpu.memory_space<vmem_shared>> -> memref<128x64xf32, #tpu.memory_space<vmem_shared>>
        %dma_wait3A_219 = arith.constant 0 : i32
        %dma_wait3A_220 = arith.constant 0 : i32
        %dma_wait3A_221 = tpu.memref_slice %arg10[%dma_wait3A_219, %dma_wait3A_220] : memref<10240x64xf32, #tpu.memory_space<vmem_shared>> -> memref<128x64xf32, #tpu.memory_space<vmem_shared>>
        %dma_wait3A_222 = arith.constant 0 : i32
        %dma_wait3A_223 = arith.constant 0 : i32
        %dma_wait3A_224 = tpu.memref_slice %arg9[%dma_wait3A_211, %dma_wait3A_222, %dma_wait3A_223] : memref<4x128x64xf32, #tpu.memory_space<vmem>> -> memref<1x128x64xf32, #tpu.memory_space<vmem>>
        %dma_wait3A_225 = tpu.memref_squeeze %dma_wait3A_224 : memref<1x128x64xf32, #tpu.memory_space<vmem>> -> memref<128x64xf32, #tpu.memory_space<vmem>>
        tpu.wait_dma2 semaphore(%arg12 : memref<!tpu.dma_semaphore, #tpu.memory_space<semaphore_mem>>) src(%dma_wait3A_225 : memref<128x64xf32, #tpu.memory_space<vmem>>) dst(%dma_wait3A_221 : memref<128x64xf32, #tpu.memory_space<vmem_shared>>)
        %dma_wait3A_226 = arith.constant 2 : i32
        %dma_wait3A_227 = arith.constant 0 : i32
        %dma_wait3A_228 = arith.constant 0 : i32
        %dma_wait3A_229 = tpu.memref_slice %arg9[%dma_wait3A_226, %dma_wait3A_227, %dma_wait3A_228] : memref<4x128x64xf32, #tpu.memory_space<vmem>> -> memref<1x128x64xf32, #tpu.memory_space<vmem>>
        %dma_wait3A_230 = tpu.memref_squeeze %dma_wait3A_229 : memref<1x128x64xf32, #tpu.memory_space<vmem>> -> memref<128x64xf32, #tpu.memory_space<vmem>>
        %dma_wait3A_231 = arith.constant 0 : i32
        %dma_wait3A_232 = arith.constant 0 : i32
        %dma_wait3A_233 = tpu.memref_slice %arg10[%dma_wait3A_231, %dma_wait3A_232] : memref<10240x64xf32, #tpu.memory_space<vmem_shared>> -> memref<128x64xf32, #tpu.memory_space<vmem_shared>>
        %dma_wait3A_234 = arith.constant 0 : i32
        %dma_wait3A_235 = arith.constant 0 : i32
        %dma_wait3A_236 = tpu.memref_slice %arg10[%dma_wait3A_234, %dma_wait3A_235] : memref<10240x64xf32, #tpu.memory_space<vmem_shared>> -> memref<128x64xf32, #tpu.memory_space<vmem_shared>>
        %dma_wait3A_237 = arith.constant 0 : i32
        %dma_wait3A_238 = arith.constant 0 : i32
        %dma_wait3A_239 = tpu.memref_slice %arg9[%dma_wait3A_226, %dma_wait3A_237, %dma_wait3A_238] : memref<4x128x64xf32, #tpu.memory_space<vmem>> -> memref<1x128x64xf32, #tpu.memory_space<vmem>>
        %dma_wait3A_240 = tpu.memref_squeeze %dma_wait3A_239 : memref<1x128x64xf32, #tpu.memory_space<vmem>> -> memref<128x64xf32, #tpu.memory_space<vmem>>
        tpu.wait_dma2 semaphore(%arg12 : memref<!tpu.dma_semaphore, #tpu.memory_space<semaphore_mem>>) src(%dma_wait3A_240 : memref<128x64xf32, #tpu.memory_space<vmem>>) dst(%dma_wait3A_236 : memref<128x64xf32, #tpu.memory_space<vmem_shared>>)
        %dma_wait3A_241 = arith.constant 3 : i32
        %dma_wait3A_242 = arith.constant 0 : i32
        %dma_wait3A_243 = arith.constant 0 : i32
        %dma_wait3A_244 = tpu.memref_slice %arg9[%dma_wait3A_241, %dma_wait3A_242, %dma_wait3A_243] : memref<4x128x64xf32, #tpu.memory_space<vmem>> -> memref<1x128x64xf32, #tpu.memory_space<vmem>>
        %dma_wait3A_245 = tpu.memref_squeeze %dma_wait3A_244 : memref<1x128x64xf32, #tpu.memory_space<vmem>> -> memref<128x64xf32, #tpu.memory_space<vmem>>
        %dma_wait3A_246 = arith.constant 0 : i32
        %dma_wait3A_247 = arith.constant 0 : i32
        %dma_wait3A_248 = tpu.memref_slice %arg10[%dma_wait3A_246, %dma_wait3A_247] : memref<10240x64xf32, #tpu.memory_space<vmem_shared>> -> memref<128x64xf32, #tpu.memory_space<vmem_shared>>
        %dma_wait3A_249 = arith.constant 0 : i32
        %dma_wait3A_250 = arith.constant 0 : i32
        %dma_wait3A_251 = tpu.memref_slice %arg10[%dma_wait3A_249, %dma_wait3A_250] : memref<10240x64xf32, #tpu.memory_space<vmem_shared>> -> memref<128x64xf32, #tpu.memory_space<vmem_shared>>
        %dma_wait3A_252 = arith.constant 0 : i32
        %dma_wait3A_253 = arith.constant 0 : i32
        %dma_wait3A_254 = tpu.memref_slice %arg9[%dma_wait3A_241, %dma_wait3A_252, %dma_wait3A_253] : memref<4x128x64xf32, #tpu.memory_space<vmem>> -> memref<1x128x64xf32, #tpu.memory_space<vmem>>
        %dma_wait3A_255 = tpu.memref_squeeze %dma_wait3A_254 : memref<1x128x64xf32, #tpu.memory_space<vmem>> -> memref<128x64xf32, #tpu.memory_space<vmem>>
        tpu.wait_dma2 semaphore(%arg12 : memref<!tpu.dma_semaphore, #tpu.memory_space<semaphore_mem>>) src(%dma_wait3A_255 : memref<128x64xf32, #tpu.memory_space<vmem>>) dst(%dma_wait3A_251 : memref<128x64xf32, #tpu.memory_space<vmem_shared>>)
      }
      %scan3A_17 = arith.constant 29 : i32
    } else {
    }
    %eq3A_3 = arith.constant 1 : i32
    %eq3A_4 = arith.cmpi eq, %arg0, %eq3A_3 : i32
    %convert_element_type3A_5 = arith.extui %eq3A_4 : i1 to i32
    %cond3A_6 = arith.constant 0 : i32
    %cond3A_7 = arith.cmpi ne, %convert_element_type3A_5, %cond3A_6 : i32
    scf.if %cond3A_7 {
      "tpu.region"() ({
        %run_scoped3A = tpu.sem_alloc : memref<!tpu.dma_semaphore, #tpu.memory_space<semaphore_mem>>
        %dma_start3A = arith.constant 0 : i32
        %dma_start3A_18 = arith.constant 0 : i32
        %dma_start3A_19 = tpu.memref_slice %arg7[%dma_start3A, %dma_start3A_18] : memref<116x128xi32, #tpu.memory_space<vmem>> -> memref<44x128xi32, #tpu.memory_space<vmem>>
        %dma_start3A_20 = arith.constant 116 : i32
        %dma_start3A_21 = arith.constant 0 : i32
        %dma_start3A_22 = tpu.memref_slice %arg2[%arg1, %dma_start3A_20, %dma_start3A_21] : memref<16x160x128xi32, #tpu.memory_space<hbm>> -> memref<1x44x128xi32, #tpu.memory_space<hbm>>
        %dma_start3A_23 = tpu.memref_squeeze %dma_start3A_22 : memref<1x44x128xi32, #tpu.memory_space<hbm>> -> memref<44x128xi32, #tpu.memory_space<hbm>>
        %dma_start3A_24 = arith.constant 0 : i32
        %dma_start3A_25 = arith.constant 0 : i32
        %dma_start3A_26 = tpu.memref_slice %arg7[%dma_start3A_24, %dma_start3A_25] : memref<116x128xi32, #tpu.memory_space<vmem>> -> memref<44x128xi32, #tpu.memory_space<vmem>>
        %dma_start3A_27 = arith.constant 116 : i32
        %dma_start3A_28 = arith.constant 0 : i32
        %dma_start3A_29 = tpu.memref_slice %arg2[%arg1, %dma_start3A_27, %dma_start3A_28] : memref<16x160x128xi32, #tpu.memory_space<hbm>> -> memref<1x44x128xi32, #tpu.memory_space<hbm>>
        %dma_start3A_30 = tpu.memref_squeeze %dma_start3A_29 : memref<1x44x128xi32, #tpu.memory_space<hbm>> -> memref<44x128xi32, #tpu.memory_space<hbm>>
        tpu.enqueue_dma source(%dma_start3A_30 : memref<44x128xi32, #tpu.memory_space<hbm>>) target(%dma_start3A_26 : memref<44x128xi32, #tpu.memory_space<vmem>>) target_semaphore(%run_scoped3A : memref<!tpu.dma_semaphore, #tpu.memory_space<semaphore_mem>>)
        %dma_wait3A = arith.constant 0 : i32
        %dma_wait3A_31 = arith.constant 0 : i32
        %dma_wait3A_32 = tpu.memref_slice %arg7[%dma_wait3A, %dma_wait3A_31] : memref<116x128xi32, #tpu.memory_space<vmem>> -> memref<44x128xi32, #tpu.memory_space<vmem>>
        %dma_wait3A_33 = arith.constant 116 : i32
        %dma_wait3A_34 = arith.constant 0 : i32
        %dma_wait3A_35 = tpu.memref_slice %arg2[%arg1, %dma_wait3A_33, %dma_wait3A_34] : memref<16x160x128xi32, #tpu.memory_space<hbm>> -> memref<1x44x128xi32, #tpu.memory_space<hbm>>
        %dma_wait3A_36 = tpu.memref_squeeze %dma_wait3A_35 : memref<1x44x128xi32, #tpu.memory_space<hbm>> -> memref<44x128xi32, #tpu.memory_space<hbm>>
        %dma_wait3A_37 = arith.constant 0 : i32
        %dma_wait3A_38 = arith.constant 0 : i32
        %dma_wait3A_39 = tpu.memref_slice %arg7[%dma_wait3A_37, %dma_wait3A_38] : memref<116x128xi32, #tpu.memory_space<vmem>> -> memref<44x128xi32, #tpu.memory_space<vmem>>
        %dma_wait3A_40 = arith.constant 116 : i32
        %dma_wait3A_41 = arith.constant 0 : i32
        %dma_wait3A_42 = tpu.memref_slice %arg2[%arg1, %dma_wait3A_40, %dma_wait3A_41] : memref<16x160x128xi32, #tpu.memory_space<hbm>> -> memref<1x44x128xi32, #tpu.memory_space<hbm>>
        %dma_wait3A_43 = tpu.memref_squeeze %dma_wait3A_42 : memref<1x44x128xi32, #tpu.memory_space<hbm>> -> memref<44x128xi32, #tpu.memory_space<hbm>>
        tpu.wait_dma2 semaphore(%run_scoped3A : memref<!tpu.dma_semaphore, #tpu.memory_space<semaphore_mem>>) src(%dma_wait3A_43 : memref<44x128xi32, #tpu.memory_space<hbm>>) dst(%dma_wait3A_39 : memref<44x128xi32, #tpu.memory_space<vmem>>)
        tpu.yield
      }) : () -> ()
      "tpu.region"() ({
        %run_scoped3A = tpu.sem_alloc : memref<!tpu.dma_semaphore, #tpu.memory_space<semaphore_mem>>
        %dma_start3A = arith.constant 0 : i32
        %dma_start3A_18 = arith.constant 0 : i32
        %dma_start3A_19 = tpu.memref_slice %arg8[%dma_start3A, %dma_start3A_18] : memref<116x128xi32, #tpu.memory_space<vmem>> -> memref<44x128xi32, #tpu.memory_space<vmem>>
        %dma_start3A_20 = arith.constant 116 : i32
        %dma_start3A_21 = arith.constant 0 : i32
        %dma_start3A_22 = tpu.memref_slice %arg3[%arg1, %dma_start3A_20, %dma_start3A_21] : memref<16x160x128xi32, #tpu.memory_space<hbm>> -> memref<1x44x128xi32, #tpu.memory_space<hbm>>
        %dma_start3A_23 = tpu.memref_squeeze %dma_start3A_22 : memref<1x44x128xi32, #tpu.memory_space<hbm>> -> memref<44x128xi32, #tpu.memory_space<hbm>>
        %dma_start3A_24 = arith.constant 0 : i32
        %dma_start3A_25 = arith.constant 0 : i32
        %dma_start3A_26 = tpu.memref_slice %arg8[%dma_start3A_24, %dma_start3A_25] : memref<116x128xi32, #tpu.memory_space<vmem>> -> memref<44x128xi32, #tpu.memory_space<vmem>>
        %dma_start3A_27 = arith.constant 116 : i32
        %dma_start3A_28 = arith.constant 0 : i32
        %dma_start3A_29 = tpu.memref_slice %arg3[%arg1, %dma_start3A_27, %dma_start3A_28] : memref<16x160x128xi32, #tpu.memory_space<hbm>> -> memref<1x44x128xi32, #tpu.memory_space<hbm>>
        %dma_start3A_30 = tpu.memref_squeeze %dma_start3A_29 : memref<1x44x128xi32, #tpu.memory_space<hbm>> -> memref<44x128xi32, #tpu.memory_space<hbm>>
        tpu.enqueue_dma source(%dma_start3A_30 : memref<44x128xi32, #tpu.memory_space<hbm>>) target(%dma_start3A_26 : memref<44x128xi32, #tpu.memory_space<vmem>>) target_semaphore(%run_scoped3A : memref<!tpu.dma_semaphore, #tpu.memory_space<semaphore_mem>>)
        %dma_wait3A = arith.constant 0 : i32
        %dma_wait3A_31 = arith.constant 0 : i32
        %dma_wait3A_32 = tpu.memref_slice %arg8[%dma_wait3A, %dma_wait3A_31] : memref<116x128xi32, #tpu.memory_space<vmem>> -> memref<44x128xi32, #tpu.memory_space<vmem>>
        %dma_wait3A_33 = arith.constant 116 : i32
        %dma_wait3A_34 = arith.constant 0 : i32
        %dma_wait3A_35 = tpu.memref_slice %arg3[%arg1, %dma_wait3A_33, %dma_wait3A_34] : memref<16x160x128xi32, #tpu.memory_space<hbm>> -> memref<1x44x128xi32, #tpu.memory_space<hbm>>
        %dma_wait3A_36 = tpu.memref_squeeze %dma_wait3A_35 : memref<1x44x128xi32, #tpu.memory_space<hbm>> -> memref<44x128xi32, #tpu.memory_space<hbm>>
        %dma_wait3A_37 = arith.constant 0 : i32
        %dma_wait3A_38 = arith.constant 0 : i32
        %dma_wait3A_39 = tpu.memref_slice %arg8[%dma_wait3A_37, %dma_wait3A_38] : memref<116x128xi32, #tpu.memory_space<vmem>> -> memref<44x128xi32, #tpu.memory_space<vmem>>
        %dma_wait3A_40 = arith.constant 116 : i32
        %dma_wait3A_41 = arith.constant 0 : i32
        %dma_wait3A_42 = tpu.memref_slice %arg3[%arg1, %dma_wait3A_40, %dma_wait3A_41] : memref<16x160x128xi32, #tpu.memory_space<hbm>> -> memref<1x44x128xi32, #tpu.memory_space<hbm>>
        %dma_wait3A_43 = tpu.memref_squeeze %dma_wait3A_42 : memref<1x44x128xi32, #tpu.memory_space<hbm>> -> memref<44x128xi32, #tpu.memory_space<hbm>>
        tpu.wait_dma2 semaphore(%run_scoped3A : memref<!tpu.dma_semaphore, #tpu.memory_space<semaphore_mem>>) src(%dma_wait3A_43 : memref<44x128xi32, #tpu.memory_space<hbm>>) dst(%dma_wait3A_39 : memref<44x128xi32, #tpu.memory_space<vmem>>)
        tpu.yield
      }) : () -> ()
      %scan3A = arith.constant 0 : i32
      %scan3A_13 = arith.constant 0 : i32
      %scan3A_14 = arith.constant 11 : i32
      %scan3A_15 = arith.addi %scan3A_13, %scan3A_14 : i32
      %scan3A_16 = arith.constant 1 : i32
      scf.for %scan3A_18 = %scan3A_13 to %scan3A_15 step %scan3A_16  : i32 {
        %mul3A_19 = arith.constant 4 : i32
        %mul3A_20 = arith.muli %scan3A_18, %mul3A_19 : i32
        %add3A = arith.constant 0 : i32
        %add3A_21 = arith.addi %mul3A_20, %add3A : i32
        %dma_start3A = arith.constant 0 : i32
        %dma_start3A_22 = arith.constant 0 : i32
        %dma_start3A_23 = arith.constant 0 : i32
        %dma_start3A_24 = tpu.memref_slice %arg9[%dma_start3A, %dma_start3A_22, %dma_start3A_23] : memref<4x128x64xf32, #tpu.memory_space<vmem>> -> memref<1x128x64xf32, #tpu.memory_space<vmem>>
        %dma_start3A_25 = tpu.memref_squeeze %dma_start3A_24 : memref<1x128x64xf32, #tpu.memory_space<vmem>> -> memref<128x64xf32, #tpu.memory_space<vmem>>
        %dma_start3A_26 = arith.constant 0 : i32
        %dma_start3A_27 = tpu.memref_slice %arg7[%add3A_21, %dma_start3A_26] : memref<116x128xi32, #tpu.memory_space<vmem>> -> memref<1x128xi32, #tpu.memory_space<vmem>>
        %dma_start3A_28 = tpu.memref_squeeze %dma_start3A_27 : memref<1x128xi32, #tpu.memory_space<vmem>> -> memref<128xi32, #tpu.memory_space<vmem>>
        %dma_start3A_29 = arith.constant 0 : i32
        %dma_start3A_30 = arith.constant 0 : i32
        %dma_start3A_31 = tpu.memref_slice %arg4[%dma_start3A_29, %dma_start3A_30] : memref<10000x64xf32, #tpu.memory_space<hbm>> -> memref<10000x64xf32, #tpu.memory_space<hbm>>
        tpu.enqueue_indirect_dma source(%dma_start3A_31 : memref<10000x64xf32, #tpu.memory_space<hbm>>) target(%dma_start3A_25 : memref<128x64xf32, #tpu.memory_space<vmem>>) offsets(%dma_start3A_28 : memref<128xi32, #tpu.memory_space<vmem>>) semaphore(%arg11 : memref<!tpu.dma_semaphore, #tpu.memory_space<semaphore_mem>>)
        %mul3A_32 = arith.constant 4 : i32
        %mul3A_33 = arith.muli %scan3A_18, %mul3A_32 : i32
        %add3A_34 = arith.constant 1 : i32
        %add3A_35 = arith.addi %mul3A_33, %add3A_34 : i32
        %dma_start3A_36 = arith.constant 1 : i32
        %dma_start3A_37 = arith.constant 0 : i32
        %dma_start3A_38 = arith.constant 0 : i32
        %dma_start3A_39 = tpu.memref_slice %arg9[%dma_start3A_36, %dma_start3A_37, %dma_start3A_38] : memref<4x128x64xf32, #tpu.memory_space<vmem>> -> memref<1x128x64xf32, #tpu.memory_space<vmem>>
        %dma_start3A_40 = tpu.memref_squeeze %dma_start3A_39 : memref<1x128x64xf32, #tpu.memory_space<vmem>> -> memref<128x64xf32, #tpu.memory_space<vmem>>
        %dma_start3A_41 = arith.constant 0 : i32
        %dma_start3A_42 = tpu.memref_slice %arg7[%add3A_35, %dma_start3A_41] : memref<116x128xi32, #tpu.memory_space<vmem>> -> memref<1x128xi32, #tpu.memory_space<vmem>>
        %dma_start3A_43 = tpu.memref_squeeze %dma_start3A_42 : memref<1x128xi32, #tpu.memory_space<vmem>> -> memref<128xi32, #tpu.memory_space<vmem>>
        %dma_start3A_44 = arith.constant 0 : i32
        %dma_start3A_45 = arith.constant 0 : i32
        %dma_start3A_46 = tpu.memref_slice %arg4[%dma_start3A_44, %dma_start3A_45] : memref<10000x64xf32, #tpu.memory_space<hbm>> -> memref<10000x64xf32, #tpu.memory_space<hbm>>
        tpu.enqueue_indirect_dma source(%dma_start3A_46 : memref<10000x64xf32, #tpu.memory_space<hbm>>) target(%dma_start3A_40 : memref<128x64xf32, #tpu.memory_space<vmem>>) offsets(%dma_start3A_43 : memref<128xi32, #tpu.memory_space<vmem>>) semaphore(%arg11 : memref<!tpu.dma_semaphore, #tpu.memory_space<semaphore_mem>>)
        %mul3A_47 = arith.constant 4 : i32
        %mul3A_48 = arith.muli %scan3A_18, %mul3A_47 : i32
        %add3A_49 = arith.constant 2 : i32
        %add3A_50 = arith.addi %mul3A_48, %add3A_49 : i32
        %dma_start3A_51 = arith.constant 2 : i32
        %dma_start3A_52 = arith.constant 0 : i32
        %dma_start3A_53 = arith.constant 0 : i32
        %dma_start3A_54 = tpu.memref_slice %arg9[%dma_start3A_51, %dma_start3A_52, %dma_start3A_53] : memref<4x128x64xf32, #tpu.memory_space<vmem>> -> memref<1x128x64xf32, #tpu.memory_space<vmem>>
        %dma_start3A_55 = tpu.memref_squeeze %dma_start3A_54 : memref<1x128x64xf32, #tpu.memory_space<vmem>> -> memref<128x64xf32, #tpu.memory_space<vmem>>
        %dma_start3A_56 = arith.constant 0 : i32
        %dma_start3A_57 = tpu.memref_slice %arg7[%add3A_50, %dma_start3A_56] : memref<116x128xi32, #tpu.memory_space<vmem>> -> memref<1x128xi32, #tpu.memory_space<vmem>>
        %dma_start3A_58 = tpu.memref_squeeze %dma_start3A_57 : memref<1x128xi32, #tpu.memory_space<vmem>> -> memref<128xi32, #tpu.memory_space<vmem>>
        %dma_start3A_59 = arith.constant 0 : i32
        %dma_start3A_60 = arith.constant 0 : i32
        %dma_start3A_61 = tpu.memref_slice %arg4[%dma_start3A_59, %dma_start3A_60] : memref<10000x64xf32, #tpu.memory_space<hbm>> -> memref<10000x64xf32, #tpu.memory_space<hbm>>
        tpu.enqueue_indirect_dma source(%dma_start3A_61 : memref<10000x64xf32, #tpu.memory_space<hbm>>) target(%dma_start3A_55 : memref<128x64xf32, #tpu.memory_space<vmem>>) offsets(%dma_start3A_58 : memref<128xi32, #tpu.memory_space<vmem>>) semaphore(%arg11 : memref<!tpu.dma_semaphore, #tpu.memory_space<semaphore_mem>>)
        %mul3A_62 = arith.constant 4 : i32
        %mul3A_63 = arith.muli %scan3A_18, %mul3A_62 : i32
        %add3A_64 = arith.constant 3 : i32
        %add3A_65 = arith.addi %mul3A_63, %add3A_64 : i32
        %dma_start3A_66 = arith.constant 3 : i32
        %dma_start3A_67 = arith.constant 0 : i32
        %dma_start3A_68 = arith.constant 0 : i32
        %dma_start3A_69 = tpu.memref_slice %arg9[%dma_start3A_66, %dma_start3A_67, %dma_start3A_68] : memref<4x128x64xf32, #tpu.memory_space<vmem>> -> memref<1x128x64xf32, #tpu.memory_space<vmem>>
        %dma_start3A_70 = tpu.memref_squeeze %dma_start3A_69 : memref<1x128x64xf32, #tpu.memory_space<vmem>> -> memref<128x64xf32, #tpu.memory_space<vmem>>
        %dma_start3A_71 = arith.constant 0 : i32
        %dma_start3A_72 = tpu.memref_slice %arg7[%add3A_65, %dma_start3A_71] : memref<116x128xi32, #tpu.memory_space<vmem>> -> memref<1x128xi32, #tpu.memory_space<vmem>>
        %dma_start3A_73 = tpu.memref_squeeze %dma_start3A_72 : memref<1x128xi32, #tpu.memory_space<vmem>> -> memref<128xi32, #tpu.memory_space<vmem>>
        %dma_start3A_74 = arith.constant 0 : i32
        %dma_start3A_75 = arith.constant 0 : i32
        %dma_start3A_76 = tpu.memref_slice %arg4[%dma_start3A_74, %dma_start3A_75] : memref<10000x64xf32, #tpu.memory_space<hbm>> -> memref<10000x64xf32, #tpu.memory_space<hbm>>
        tpu.enqueue_indirect_dma source(%dma_start3A_76 : memref<10000x64xf32, #tpu.memory_space<hbm>>) target(%dma_start3A_70 : memref<128x64xf32, #tpu.memory_space<vmem>>) offsets(%dma_start3A_73 : memref<128xi32, #tpu.memory_space<vmem>>) semaphore(%arg11 : memref<!tpu.dma_semaphore, #tpu.memory_space<semaphore_mem>>)
        %dma_wait3A = arith.constant 0 : i32
        %dma_wait3A_77 = arith.constant 0 : i32
        %dma_wait3A_78 = arith.constant 0 : i32
        %dma_wait3A_79 = tpu.memref_slice %arg9[%dma_wait3A, %dma_wait3A_77, %dma_wait3A_78] : memref<4x128x64xf32, #tpu.memory_space<vmem>> -> memref<1x128x64xf32, #tpu.memory_space<vmem>>
        %dma_wait3A_80 = tpu.memref_squeeze %dma_wait3A_79 : memref<1x128x64xf32, #tpu.memory_space<vmem>> -> memref<128x64xf32, #tpu.memory_space<vmem>>
        %dma_wait3A_81 = arith.constant 0 : i32
        %dma_wait3A_82 = arith.constant 0 : i32
        %dma_wait3A_83 = tpu.memref_slice %arg4[%dma_wait3A_81, %dma_wait3A_82] : memref<10000x64xf32, #tpu.memory_space<hbm>> -> memref<128x64xf32, #tpu.memory_space<hbm>>
        %dma_wait3A_84 = arith.constant 0 : i32
        %dma_wait3A_85 = arith.constant 0 : i32
        %dma_wait3A_86 = tpu.memref_slice %arg9[%dma_wait3A, %dma_wait3A_84, %dma_wait3A_85] : memref<4x128x64xf32, #tpu.memory_space<vmem>> -> memref<1x128x64xf32, #tpu.memory_space<vmem>>
        %dma_wait3A_87 = tpu.memref_squeeze %dma_wait3A_86 : memref<1x128x64xf32, #tpu.memory_space<vmem>> -> memref<128x64xf32, #tpu.memory_space<vmem>>
        %dma_wait3A_88 = arith.constant 0 : i32
        %dma_wait3A_89 = arith.constant 0 : i32
        %dma_wait3A_90 = tpu.memref_slice %arg4[%dma_wait3A_88, %dma_wait3A_89] : memref<10000x64xf32, #tpu.memory_space<hbm>> -> memref<128x64xf32, #tpu.memory_space<hbm>>
        tpu.wait_dma2 semaphore(%arg11 : memref<!tpu.dma_semaphore, #tpu.memory_space<semaphore_mem>>) src(%dma_wait3A_90 : memref<128x64xf32, #tpu.memory_space<hbm>>) dst(%dma_wait3A_87 : memref<128x64xf32, #tpu.memory_space<vmem>>)
        %dma_wait3A_91 = arith.constant 1 : i32
        %dma_wait3A_92 = arith.constant 0 : i32
        %dma_wait3A_93 = arith.constant 0 : i32
        %dma_wait3A_94 = tpu.memref_slice %arg9[%dma_wait3A_91, %dma_wait3A_92, %dma_wait3A_93] : memref<4x128x64xf32, #tpu.memory_space<vmem>> -> memref<1x128x64xf32, #tpu.memory_space<vmem>>
        %dma_wait3A_95 = tpu.memref_squeeze %dma_wait3A_94 : memref<1x128x64xf32, #tpu.memory_space<vmem>> -> memref<128x64xf32, #tpu.memory_space<vmem>>
        %dma_wait3A_96 = arith.constant 0 : i32
        %dma_wait3A_97 = arith.constant 0 : i32
        %dma_wait3A_98 = tpu.memref_slice %arg4[%dma_wait3A_96, %dma_wait3A_97] : memref<10000x64xf32, #tpu.memory_space<hbm>> -> memref<128x64xf32, #tpu.memory_space<hbm>>
        %dma_wait3A_99 = arith.constant 0 : i32
        %dma_wait3A_100 = arith.constant 0 : i32
        %dma_wait3A_101 = tpu.memref_slice %arg9[%dma_wait3A_91, %dma_wait3A_99, %dma_wait3A_100] : memref<4x128x64xf32, #tpu.memory_space<vmem>> -> memref<1x128x64xf32, #tpu.memory_space<vmem>>
        %dma_wait3A_102 = tpu.memref_squeeze %dma_wait3A_101 : memref<1x128x64xf32, #tpu.memory_space<vmem>> -> memref<128x64xf32, #tpu.memory_space<vmem>>
        %dma_wait3A_103 = arith.constant 0 : i32
        %dma_wait3A_104 = arith.constant 0 : i32
        %dma_wait3A_105 = tpu.memref_slice %arg4[%dma_wait3A_103, %dma_wait3A_104] : memref<10000x64xf32, #tpu.memory_space<hbm>> -> memref<128x64xf32, #tpu.memory_space<hbm>>
        tpu.wait_dma2 semaphore(%arg11 : memref<!tpu.dma_semaphore, #tpu.memory_space<semaphore_mem>>) src(%dma_wait3A_105 : memref<128x64xf32, #tpu.memory_space<hbm>>) dst(%dma_wait3A_102 : memref<128x64xf32, #tpu.memory_space<vmem>>)
        %dma_wait3A_106 = arith.constant 2 : i32
        %dma_wait3A_107 = arith.constant 0 : i32
        %dma_wait3A_108 = arith.constant 0 : i32
        %dma_wait3A_109 = tpu.memref_slice %arg9[%dma_wait3A_106, %dma_wait3A_107, %dma_wait3A_108] : memref<4x128x64xf32, #tpu.memory_space<vmem>> -> memref<1x128x64xf32, #tpu.memory_space<vmem>>
        %dma_wait3A_110 = tpu.memref_squeeze %dma_wait3A_109 : memref<1x128x64xf32, #tpu.memory_space<vmem>> -> memref<128x64xf32, #tpu.memory_space<vmem>>
        %dma_wait3A_111 = arith.constant 0 : i32
        %dma_wait3A_112 = arith.constant 0 : i32
        %dma_wait3A_113 = tpu.memref_slice %arg4[%dma_wait3A_111, %dma_wait3A_112] : memref<10000x64xf32, #tpu.memory_space<hbm>> -> memref<128x64xf32, #tpu.memory_space<hbm>>
        %dma_wait3A_114 = arith.constant 0 : i32
        %dma_wait3A_115 = arith.constant 0 : i32
        %dma_wait3A_116 = tpu.memref_slice %arg9[%dma_wait3A_106, %dma_wait3A_114, %dma_wait3A_115] : memref<4x128x64xf32, #tpu.memory_space<vmem>> -> memref<1x128x64xf32, #tpu.memory_space<vmem>>
        %dma_wait3A_117 = tpu.memref_squeeze %dma_wait3A_116 : memref<1x128x64xf32, #tpu.memory_space<vmem>> -> memref<128x64xf32, #tpu.memory_space<vmem>>
        %dma_wait3A_118 = arith.constant 0 : i32
        %dma_wait3A_119 = arith.constant 0 : i32
        %dma_wait3A_120 = tpu.memref_slice %arg4[%dma_wait3A_118, %dma_wait3A_119] : memref<10000x64xf32, #tpu.memory_space<hbm>> -> memref<128x64xf32, #tpu.memory_space<hbm>>
        tpu.wait_dma2 semaphore(%arg11 : memref<!tpu.dma_semaphore, #tpu.memory_space<semaphore_mem>>) src(%dma_wait3A_120 : memref<128x64xf32, #tpu.memory_space<hbm>>) dst(%dma_wait3A_117 : memref<128x64xf32, #tpu.memory_space<vmem>>)
        %dma_wait3A_121 = arith.constant 3 : i32
        %dma_wait3A_122 = arith.constant 0 : i32
        %dma_wait3A_123 = arith.constant 0 : i32
        %dma_wait3A_124 = tpu.memref_slice %arg9[%dma_wait3A_121, %dma_wait3A_122, %dma_wait3A_123] : memref<4x128x64xf32, #tpu.memory_space<vmem>> -> memref<1x128x64xf32, #tpu.memory_space<vmem>>
        %dma_wait3A_125 = tpu.memref_squeeze %dma_wait3A_124 : memref<1x128x64xf32, #tpu.memory_space<vmem>> -> memref<128x64xf32, #tpu.memory_space<vmem>>
        %dma_wait3A_126 = arith.constant 0 : i32
        %dma_wait3A_127 = arith.constant 0 : i32
        %dma_wait3A_128 = tpu.memref_slice %arg4[%dma_wait3A_126, %dma_wait3A_127] : memref<10000x64xf32, #tpu.memory_space<hbm>> -> memref<128x64xf32, #tpu.memory_space<hbm>>
        %dma_wait3A_129 = arith.constant 0 : i32
        %dma_wait3A_130 = arith.constant 0 : i32
        %dma_wait3A_131 = tpu.memref_slice %arg9[%dma_wait3A_121, %dma_wait3A_129, %dma_wait3A_130] : memref<4x128x64xf32, #tpu.memory_space<vmem>> -> memref<1x128x64xf32, #tpu.memory_space<vmem>>
        %dma_wait3A_132 = tpu.memref_squeeze %dma_wait3A_131 : memref<1x128x64xf32, #tpu.memory_space<vmem>> -> memref<128x64xf32, #tpu.memory_space<vmem>>
        %dma_wait3A_133 = arith.constant 0 : i32
        %dma_wait3A_134 = arith.constant 0 : i32
        %dma_wait3A_135 = tpu.memref_slice %arg4[%dma_wait3A_133, %dma_wait3A_134] : memref<10000x64xf32, #tpu.memory_space<hbm>> -> memref<128x64xf32, #tpu.memory_space<hbm>>
        tpu.wait_dma2 semaphore(%arg11 : memref<!tpu.dma_semaphore, #tpu.memory_space<semaphore_mem>>) src(%dma_wait3A_135 : memref<128x64xf32, #tpu.memory_space<hbm>>) dst(%dma_wait3A_132 : memref<128x64xf32, #tpu.memory_space<vmem>>)
        %mul3A_136 = arith.constant 4 : i32
        %mul3A_137 = arith.muli %scan3A_18, %mul3A_136 : i32
        %add3A_138 = arith.constant 0 : i32
        %add3A_139 = arith.addi %mul3A_137, %add3A_138 : i32
        %dma_start3A_140 = arith.constant 0 : i32
        %dma_start3A_141 = arith.constant 0 : i32
        %dma_start3A_142 = arith.constant 0 : i32
        %dma_start3A_143 = tpu.memref_slice %arg9[%dma_start3A_140, %dma_start3A_141, %dma_start3A_142] : memref<4x128x64xf32, #tpu.memory_space<vmem>> -> memref<1x128x64xf32, #tpu.memory_space<vmem>>
        %dma_start3A_144 = tpu.memref_squeeze %dma_start3A_143 : memref<1x128x64xf32, #tpu.memory_space<vmem>> -> memref<128x64xf32, #tpu.memory_space<vmem>>
        %dma_start3A_145 = arith.constant 0 : i32
        %dma_start3A_146 = tpu.memref_slice %arg8[%add3A_139, %dma_start3A_145] : memref<116x128xi32, #tpu.memory_space<vmem>> -> memref<1x128xi32, #tpu.memory_space<vmem>>
        %dma_start3A_147 = tpu.memref_squeeze %dma_start3A_146 : memref<1x128xi32, #tpu.memory_space<vmem>> -> memref<128xi32, #tpu.memory_space<vmem>>
        %dma_start3A_148 = arith.constant 0 : i32
        %dma_start3A_149 = arith.constant 0 : i32
        %dma_start3A_150 = tpu.memref_slice %arg10[%dma_start3A_148, %dma_start3A_149] : memref<10240x64xf32, #tpu.memory_space<vmem_shared>> -> memref<10240x64xf32, #tpu.memory_space<vmem_shared>>
        tpu.enqueue_indirect_dma source(%dma_start3A_144 : memref<128x64xf32, #tpu.memory_space<vmem>>) target(%dma_start3A_150 : memref<10240x64xf32, #tpu.memory_space<vmem_shared>>) offsets(%dma_start3A_147 : memref<128xi32, #tpu.memory_space<vmem>>) semaphore(%arg12 : memref<!tpu.dma_semaphore, #tpu.memory_space<semaphore_mem>>) {add = true}
        %mul3A_151 = arith.constant 4 : i32
        %mul3A_152 = arith.muli %scan3A_18, %mul3A_151 : i32
        %add3A_153 = arith.constant 1 : i32
        %add3A_154 = arith.addi %mul3A_152, %add3A_153 : i32
        %dma_start3A_155 = arith.constant 1 : i32
        %dma_start3A_156 = arith.constant 0 : i32
        %dma_start3A_157 = arith.constant 0 : i32
        %dma_start3A_158 = tpu.memref_slice %arg9[%dma_start3A_155, %dma_start3A_156, %dma_start3A_157] : memref<4x128x64xf32, #tpu.memory_space<vmem>> -> memref<1x128x64xf32, #tpu.memory_space<vmem>>
        %dma_start3A_159 = tpu.memref_squeeze %dma_start3A_158 : memref<1x128x64xf32, #tpu.memory_space<vmem>> -> memref<128x64xf32, #tpu.memory_space<vmem>>
        %dma_start3A_160 = arith.constant 0 : i32
        %dma_start3A_161 = tpu.memref_slice %arg8[%add3A_154, %dma_start3A_160] : memref<116x128xi32, #tpu.memory_space<vmem>> -> memref<1x128xi32, #tpu.memory_space<vmem>>
        %dma_start3A_162 = tpu.memref_squeeze %dma_start3A_161 : memref<1x128xi32, #tpu.memory_space<vmem>> -> memref<128xi32, #tpu.memory_space<vmem>>
        %dma_start3A_163 = arith.constant 0 : i32
        %dma_start3A_164 = arith.constant 0 : i32
        %dma_start3A_165 = tpu.memref_slice %arg10[%dma_start3A_163, %dma_start3A_164] : memref<10240x64xf32, #tpu.memory_space<vmem_shared>> -> memref<10240x64xf32, #tpu.memory_space<vmem_shared>>
        tpu.enqueue_indirect_dma source(%dma_start3A_159 : memref<128x64xf32, #tpu.memory_space<vmem>>) target(%dma_start3A_165 : memref<10240x64xf32, #tpu.memory_space<vmem_shared>>) offsets(%dma_start3A_162 : memref<128xi32, #tpu.memory_space<vmem>>) semaphore(%arg12 : memref<!tpu.dma_semaphore, #tpu.memory_space<semaphore_mem>>) {add = true}
        %mul3A_166 = arith.constant 4 : i32
        %mul3A_167 = arith.muli %scan3A_18, %mul3A_166 : i32
        %add3A_168 = arith.constant 2 : i32
        %add3A_169 = arith.addi %mul3A_167, %add3A_168 : i32
        %dma_start3A_170 = arith.constant 2 : i32
        %dma_start3A_171 = arith.constant 0 : i32
        %dma_start3A_172 = arith.constant 0 : i32
        %dma_start3A_173 = tpu.memref_slice %arg9[%dma_start3A_170, %dma_start3A_171, %dma_start3A_172] : memref<4x128x64xf32, #tpu.memory_space<vmem>> -> memref<1x128x64xf32, #tpu.memory_space<vmem>>
        %dma_start3A_174 = tpu.memref_squeeze %dma_start3A_173 : memref<1x128x64xf32, #tpu.memory_space<vmem>> -> memref<128x64xf32, #tpu.memory_space<vmem>>
        %dma_start3A_175 = arith.constant 0 : i32
        %dma_start3A_176 = tpu.memref_slice %arg8[%add3A_169, %dma_start3A_175] : memref<116x128xi32, #tpu.memory_space<vmem>> -> memref<1x128xi32, #tpu.memory_space<vmem>>
        %dma_start3A_177 = tpu.memref_squeeze %dma_start3A_176 : memref<1x128xi32, #tpu.memory_space<vmem>> -> memref<128xi32, #tpu.memory_space<vmem>>
        %dma_start3A_178 = arith.constant 0 : i32
        %dma_start3A_179 = arith.constant 0 : i32
        %dma_start3A_180 = tpu.memref_slice %arg10[%dma_start3A_178, %dma_start3A_179] : memref<10240x64xf32, #tpu.memory_space<vmem_shared>> -> memref<10240x64xf32, #tpu.memory_space<vmem_shared>>
        tpu.enqueue_indirect_dma source(%dma_start3A_174 : memref<128x64xf32, #tpu.memory_space<vmem>>) target(%dma_start3A_180 : memref<10240x64xf32, #tpu.memory_space<vmem_shared>>) offsets(%dma_start3A_177 : memref<128xi32, #tpu.memory_space<vmem>>) semaphore(%arg12 : memref<!tpu.dma_semaphore, #tpu.memory_space<semaphore_mem>>) {add = true}
        %mul3A_181 = arith.constant 4 : i32
        %mul3A_182 = arith.muli %scan3A_18, %mul3A_181 : i32
        %add3A_183 = arith.constant 3 : i32
        %add3A_184 = arith.addi %mul3A_182, %add3A_183 : i32
        %dma_start3A_185 = arith.constant 3 : i32
        %dma_start3A_186 = arith.constant 0 : i32
        %dma_start3A_187 = arith.constant 0 : i32
        %dma_start3A_188 = tpu.memref_slice %arg9[%dma_start3A_185, %dma_start3A_186, %dma_start3A_187] : memref<4x128x64xf32, #tpu.memory_space<vmem>> -> memref<1x128x64xf32, #tpu.memory_space<vmem>>
        %dma_start3A_189 = tpu.memref_squeeze %dma_start3A_188 : memref<1x128x64xf32, #tpu.memory_space<vmem>> -> memref<128x64xf32, #tpu.memory_space<vmem>>
        %dma_start3A_190 = arith.constant 0 : i32
        %dma_start3A_191 = tpu.memref_slice %arg8[%add3A_184, %dma_start3A_190] : memref<116x128xi32, #tpu.memory_space<vmem>> -> memref<1x128xi32, #tpu.memory_space<vmem>>
        %dma_start3A_192 = tpu.memref_squeeze %dma_start3A_191 : memref<1x128xi32, #tpu.memory_space<vmem>> -> memref<128xi32, #tpu.memory_space<vmem>>
        %dma_start3A_193 = arith.constant 0 : i32
        %dma_start3A_194 = arith.constant 0 : i32
        %dma_start3A_195 = tpu.memref_slice %arg10[%dma_start3A_193, %dma_start3A_194] : memref<10240x64xf32, #tpu.memory_space<vmem_shared>> -> memref<10240x64xf32, #tpu.memory_space<vmem_shared>>
        tpu.enqueue_indirect_dma source(%dma_start3A_189 : memref<128x64xf32, #tpu.memory_space<vmem>>) target(%dma_start3A_195 : memref<10240x64xf32, #tpu.memory_space<vmem_shared>>) offsets(%dma_start3A_192 : memref<128xi32, #tpu.memory_space<vmem>>) semaphore(%arg12 : memref<!tpu.dma_semaphore, #tpu.memory_space<semaphore_mem>>) {add = true}
        %dma_wait3A_196 = arith.constant 0 : i32
        %dma_wait3A_197 = arith.constant 0 : i32
        %dma_wait3A_198 = arith.constant 0 : i32
        %dma_wait3A_199 = tpu.memref_slice %arg9[%dma_wait3A_196, %dma_wait3A_197, %dma_wait3A_198] : memref<4x128x64xf32, #tpu.memory_space<vmem>> -> memref<1x128x64xf32, #tpu.memory_space<vmem>>
        %dma_wait3A_200 = tpu.memref_squeeze %dma_wait3A_199 : memref<1x128x64xf32, #tpu.memory_space<vmem>> -> memref<128x64xf32, #tpu.memory_space<vmem>>
        %dma_wait3A_201 = arith.constant 0 : i32
        %dma_wait3A_202 = arith.constant 0 : i32
        %dma_wait3A_203 = tpu.memref_slice %arg10[%dma_wait3A_201, %dma_wait3A_202] : memref<10240x64xf32, #tpu.memory_space<vmem_shared>> -> memref<128x64xf32, #tpu.memory_space<vmem_shared>>
        %dma_wait3A_204 = arith.constant 0 : i32
        %dma_wait3A_205 = arith.constant 0 : i32
        %dma_wait3A_206 = tpu.memref_slice %arg10[%dma_wait3A_204, %dma_wait3A_205] : memref<10240x64xf32, #tpu.memory_space<vmem_shared>> -> memref<128x64xf32, #tpu.memory_space<vmem_shared>>
        %dma_wait3A_207 = arith.constant 0 : i32
        %dma_wait3A_208 = arith.constant 0 : i32
        %dma_wait3A_209 = tpu.memref_slice %arg9[%dma_wait3A_196, %dma_wait3A_207, %dma_wait3A_208] : memref<4x128x64xf32, #tpu.memory_space<vmem>> -> memref<1x128x64xf32, #tpu.memory_space<vmem>>
        %dma_wait3A_210 = tpu.memref_squeeze %dma_wait3A_209 : memref<1x128x64xf32, #tpu.memory_space<vmem>> -> memref<128x64xf32, #tpu.memory_space<vmem>>
        tpu.wait_dma2 semaphore(%arg12 : memref<!tpu.dma_semaphore, #tpu.memory_space<semaphore_mem>>) src(%dma_wait3A_210 : memref<128x64xf32, #tpu.memory_space<vmem>>) dst(%dma_wait3A_206 : memref<128x64xf32, #tpu.memory_space<vmem_shared>>)
        %dma_wait3A_211 = arith.constant 1 : i32
        %dma_wait3A_212 = arith.constant 0 : i32
        %dma_wait3A_213 = arith.constant 0 : i32
        %dma_wait3A_214 = tpu.memref_slice %arg9[%dma_wait3A_211, %dma_wait3A_212, %dma_wait3A_213] : memref<4x128x64xf32, #tpu.memory_space<vmem>> -> memref<1x128x64xf32, #tpu.memory_space<vmem>>
        %dma_wait3A_215 = tpu.memref_squeeze %dma_wait3A_214 : memref<1x128x64xf32, #tpu.memory_space<vmem>> -> memref<128x64xf32, #tpu.memory_space<vmem>>
        %dma_wait3A_216 = arith.constant 0 : i32
        %dma_wait3A_217 = arith.constant 0 : i32
        %dma_wait3A_218 = tpu.memref_slice %arg10[%dma_wait3A_216, %dma_wait3A_217] : memref<10240x64xf32, #tpu.memory_space<vmem_shared>> -> memref<128x64xf32, #tpu.memory_space<vmem_shared>>
        %dma_wait3A_219 = arith.constant 0 : i32
        %dma_wait3A_220 = arith.constant 0 : i32
        %dma_wait3A_221 = tpu.memref_slice %arg10[%dma_wait3A_219, %dma_wait3A_220] : memref<10240x64xf32, #tpu.memory_space<vmem_shared>> -> memref<128x64xf32, #tpu.memory_space<vmem_shared>>
        %dma_wait3A_222 = arith.constant 0 : i32
        %dma_wait3A_223 = arith.constant 0 : i32
        %dma_wait3A_224 = tpu.memref_slice %arg9[%dma_wait3A_211, %dma_wait3A_222, %dma_wait3A_223] : memref<4x128x64xf32, #tpu.memory_space<vmem>> -> memref<1x128x64xf32, #tpu.memory_space<vmem>>
        %dma_wait3A_225 = tpu.memref_squeeze %dma_wait3A_224 : memref<1x128x64xf32, #tpu.memory_space<vmem>> -> memref<128x64xf32, #tpu.memory_space<vmem>>
        tpu.wait_dma2 semaphore(%arg12 : memref<!tpu.dma_semaphore, #tpu.memory_space<semaphore_mem>>) src(%dma_wait3A_225 : memref<128x64xf32, #tpu.memory_space<vmem>>) dst(%dma_wait3A_221 : memref<128x64xf32, #tpu.memory_space<vmem_shared>>)
        %dma_wait3A_226 = arith.constant 2 : i32
        %dma_wait3A_227 = arith.constant 0 : i32
        %dma_wait3A_228 = arith.constant 0 : i32
        %dma_wait3A_229 = tpu.memref_slice %arg9[%dma_wait3A_226, %dma_wait3A_227, %dma_wait3A_228] : memref<4x128x64xf32, #tpu.memory_space<vmem>> -> memref<1x128x64xf32, #tpu.memory_space<vmem>>
        %dma_wait3A_230 = tpu.memref_squeeze %dma_wait3A_229 : memref<1x128x64xf32, #tpu.memory_space<vmem>> -> memref<128x64xf32, #tpu.memory_space<vmem>>
        %dma_wait3A_231 = arith.constant 0 : i32
        %dma_wait3A_232 = arith.constant 0 : i32
        %dma_wait3A_233 = tpu.memref_slice %arg10[%dma_wait3A_231, %dma_wait3A_232] : memref<10240x64xf32, #tpu.memory_space<vmem_shared>> -> memref<128x64xf32, #tpu.memory_space<vmem_shared>>
        %dma_wait3A_234 = arith.constant 0 : i32
        %dma_wait3A_235 = arith.constant 0 : i32
        %dma_wait3A_236 = tpu.memref_slice %arg10[%dma_wait3A_234, %dma_wait3A_235] : memref<10240x64xf32, #tpu.memory_space<vmem_shared>> -> memref<128x64xf32, #tpu.memory_space<vmem_shared>>
        %dma_wait3A_237 = arith.constant 0 : i32
        %dma_wait3A_238 = arith.constant 0 : i32
        %dma_wait3A_239 = tpu.memref_slice %arg9[%dma_wait3A_226, %dma_wait3A_237, %dma_wait3A_238] : memref<4x128x64xf32, #tpu.memory_space<vmem>> -> memref<1x128x64xf32, #tpu.memory_space<vmem>>
        %dma_wait3A_240 = tpu.memref_squeeze %dma_wait3A_239 : memref<1x128x64xf32, #tpu.memory_space<vmem>> -> memref<128x64xf32, #tpu.memory_space<vmem>>
        tpu.wait_dma2 semaphore(%arg12 : memref<!tpu.dma_semaphore, #tpu.memory_space<semaphore_mem>>) src(%dma_wait3A_240 : memref<128x64xf32, #tpu.memory_space<vmem>>) dst(%dma_wait3A_236 : memref<128x64xf32, #tpu.memory_space<vmem_shared>>)
        %dma_wait3A_241 = arith.constant 3 : i32
        %dma_wait3A_242 = arith.constant 0 : i32
        %dma_wait3A_243 = arith.constant 0 : i32
        %dma_wait3A_244 = tpu.memref_slice %arg9[%dma_wait3A_241, %dma_wait3A_242, %dma_wait3A_243] : memref<4x128x64xf32, #tpu.memory_space<vmem>> -> memref<1x128x64xf32, #tpu.memory_space<vmem>>
        %dma_wait3A_245 = tpu.memref_squeeze %dma_wait3A_244 : memref<1x128x64xf32, #tpu.memory_space<vmem>> -> memref<128x64xf32, #tpu.memory_space<vmem>>
        %dma_wait3A_246 = arith.constant 0 : i32
        %dma_wait3A_247 = arith.constant 0 : i32
        %dma_wait3A_248 = tpu.memref_slice %arg10[%dma_wait3A_246, %dma_wait3A_247] : memref<10240x64xf32, #tpu.memory_space<vmem_shared>> -> memref<128x64xf32, #tpu.memory_space<vmem_shared>>
        %dma_wait3A_249 = arith.constant 0 : i32
        %dma_wait3A_250 = arith.constant 0 : i32
        %dma_wait3A_251 = tpu.memref_slice %arg10[%dma_wait3A_249, %dma_wait3A_250] : memref<10240x64xf32, #tpu.memory_space<vmem_shared>> -> memref<128x64xf32, #tpu.memory_space<vmem_shared>>
        %dma_wait3A_252 = arith.constant 0 : i32
        %dma_wait3A_253 = arith.constant 0 : i32
        %dma_wait3A_254 = tpu.memref_slice %arg9[%dma_wait3A_241, %dma_wait3A_252, %dma_wait3A_253] : memref<4x128x64xf32, #tpu.memory_space<vmem>> -> memref<1x128x64xf32, #tpu.memory_space<vmem>>
        %dma_wait3A_255 = tpu.memref_squeeze %dma_wait3A_254 : memref<1x128x64xf32, #tpu.memory_space<vmem>> -> memref<128x64xf32, #tpu.memory_space<vmem>>
        tpu.wait_dma2 semaphore(%arg12 : memref<!tpu.dma_semaphore, #tpu.memory_space<semaphore_mem>>) src(%dma_wait3A_255 : memref<128x64xf32, #tpu.memory_space<vmem>>) dst(%dma_wait3A_251 : memref<128x64xf32, #tpu.memory_space<vmem_shared>>)
      }
      %scan3A_17 = arith.constant 11 : i32
    } else {
    }
    %barrier3A_8 = arith.constant 0 : index
    tpu.barrier barrier_id(%barrier3A_8)
    %mul3A_9 = arith.constant 640 : i32
    %mul3A_10 = arith.muli %arg1, %mul3A_9 : i32
    %mul3A_11 = arith.constant 640 : i32
    %mul3A_12 = arith.muli %arg1, %mul3A_11 : i32
    "tpu.region"() ({
      %run_scoped3A = tpu.sem_alloc : memref<!tpu.dma_semaphore, #tpu.memory_space<semaphore_mem>>
      %dma_start3A = arith.constant 0 : i32
      %dma_start3A_13 = tpu.memref_slice %arg6[%arg0, %mul3A_12, %dma_start3A] : memref<2x10240x64xf32, #tpu.memory_space<hbm>> -> memref<1x640x64xf32, #tpu.memory_space<hbm>>
      %dma_start3A_14 = tpu.memref_squeeze %dma_start3A_13 : memref<1x640x64xf32, #tpu.memory_space<hbm>> -> memref<640x64xf32, #tpu.memory_space<hbm>>
      %dma_start3A_15 = arith.constant 0 : i32
      %dma_start3A_16 = tpu.memref_slice %arg10[%mul3A_10, %dma_start3A_15] : memref<10240x64xf32, #tpu.memory_space<vmem_shared>> -> memref<640x64xf32, #tpu.memory_space<vmem_shared>>
      tpu.enqueue_dma source(%dma_start3A_16 : memref<640x64xf32, #tpu.memory_space<vmem_shared>>) target(%dma_start3A_14 : memref<640x64xf32, #tpu.memory_space<hbm>>) target_semaphore(%run_scoped3A : memref<!tpu.dma_semaphore, #tpu.memory_space<semaphore_mem>>)
      %dma_wait3A = arith.constant 0 : i32
      %dma_wait3A_17 = tpu.memref_slice %arg6[%arg0, %mul3A_12, %dma_wait3A] : memref<2x10240x64xf32, #tpu.memory_space<hbm>> -> memref<1x640x64xf32, #tpu.memory_space<hbm>>
      %dma_wait3A_18 = tpu.memref_squeeze %dma_wait3A_17 : memref<1x640x64xf32, #tpu.memory_space<hbm>> -> memref<640x64xf32, #tpu.memory_space<hbm>>
      %dma_wait3A_19 = arith.constant 0 : i32
      %dma_wait3A_20 = tpu.memref_slice %arg10[%mul3A_10, %dma_wait3A_19] : memref<10240x64xf32, #tpu.memory_space<vmem_shared>> -> memref<640x64xf32, #tpu.memory_space<vmem_shared>>
      tpu.wait_dma2 semaphore(%run_scoped3A : memref<!tpu.dma_semaphore, #tpu.memory_space<semaphore_mem>>) src(%dma_wait3A_20 : memref<640x64xf32, #tpu.memory_space<vmem_shared>>) dst(%dma_wait3A_18 : memref<640x64xf32, #tpu.memory_space<hbm>>)
      tpu.yield
    }) : () -> ()
    return
  }
}

#map = affine_map<(d0, d1) -> (0, 0, 0)>
#map1 = affine_map<(d0, d1) -> (0, 0)>
module attributes {stable_mosaic.version = 14 : i64} {
  func.func @_edge_agg_body(%arg0: i32, %arg1: i32, %arg2: memref<16x160x128xi32, #tpu.memory_space<hbm>>, %arg3: memref<16x160x128xi32, #tpu.memory_space<hbm>>, %arg4: memref<10000x64xf32, #tpu.memory_space<hbm>>, %arg5: memref<640x64xf32, #tpu.memory_space<hbm>>, %arg6: memref<2x10240x64xf32, #tpu.memory_space<hbm>>, %arg7: memref<116x128xi32, #tpu.memory_space<vmem>>, %arg8: memref<116x128xi32, #tpu.memory_space<vmem>>, %arg9: memref<4x128x64xf32, #tpu.memory_space<vmem>>, %arg10: memref<10240x64xf32, #tpu.memory_space<vmem_shared>>, %arg11: memref<!tpu.dma_semaphore, #tpu.memory_space<semaphore_mem>>, %arg12: memref<!tpu.dma_semaphore, #tpu.memory_space<semaphore_mem>>) attributes {dimension_semantics = [#tpu.dimension_semantics<core_parallel>, #tpu.dimension_semantics<subcore_parallel>], iteration_bounds = array<i64: 2, 16>, scalar_prefetch = 0 : i64, scratch_operands = 6 : i64, tpu.core_type = #tpu.core_type<sc_vector_subcore>, window_params = [{transform_indices = #map}, {transform_indices = #map}, {transform_indices = #map1}, {transform_indices = #map1}, {transform_indices = #map}]} {
    %mul3A = arith.constant 640 : i32
    %mul3A_0 = arith.muli %arg1, %mul3A : i32
    "tpu.region"() ({
      %run_scoped3A = tpu.sem_alloc : memref<!tpu.dma_semaphore, #tpu.memory_space<semaphore_mem>>
      %dma_start3A = arith.constant 0 : i32
      %dma_start3A_13 = tpu.memref_slice %arg10[%mul3A_0, %dma_start3A] : memref<10240x64xf32, #tpu.memory_space<vmem_shared>> -> memref<640x64xf32, #tpu.memory_space<vmem_shared>>
      tpu.enqueue_dma source(%arg5 : memref<640x64xf32, #tpu.memory_space<hbm>>) target(%dma_start3A_13 : memref<640x64xf32, #tpu.memory_space<vmem_shared>>) target_semaphore(%run_scoped3A : memref<!tpu.dma_semaphore, #tpu.memory_space<semaphore_mem>>)
      %dma_wait3A = arith.constant 0 : i32
      %dma_wait3A_14 = tpu.memref_slice %arg10[%mul3A_0, %dma_wait3A] : memref<10240x64xf32, #tpu.memory_space<vmem_shared>> -> memref<640x64xf32, #tpu.memory_space<vmem_shared>>
      tpu.wait_dma2 semaphore(%run_scoped3A : memref<!tpu.dma_semaphore, #tpu.memory_space<semaphore_mem>>) src(%arg5 : memref<640x64xf32, #tpu.memory_space<hbm>>) dst(%dma_wait3A_14 : memref<640x64xf32, #tpu.memory_space<vmem_shared>>)
      tpu.yield
    }) : () -> ()
    %barrier3A = arith.constant 0 : index
    tpu.barrier barrier_id(%barrier3A)
    %eq3A = arith.constant 0 : i32
    %eq3A_1 = arith.cmpi eq, %arg0, %eq3A : i32
    %convert_element_type3A = arith.extui %eq3A_1 : i1 to i32
    %cond3A = arith.constant 0 : i32
    %cond3A_2 = arith.cmpi ne, %convert_element_type3A, %cond3A : i32
    scf.if %cond3A_2 {
      "tpu.region"() ({
        %run_scoped3A = tpu.sem_alloc : memref<!tpu.dma_semaphore, #tpu.memory_space<semaphore_mem>>
        %dma_start3A = arith.constant 0 : i32
        %dma_start3A_18 = arith.constant 0 : i32
        %dma_start3A_19 = tpu.memref_slice %arg7[%dma_start3A, %dma_start3A_18] : memref<116x128xi32, #tpu.memory_space<vmem>> -> memref<116x128xi32, #tpu.memory_space<vmem>>
        %dma_start3A_20 = arith.constant 0 : i32
        %dma_start3A_21 = arith.constant 0 : i32
        %dma_start3A_22 = tpu.memref_slice %arg2[%arg1, %dma_start3A_20, %dma_start3A_21] : memref<16x160x128xi32, #tpu.memory_space<hbm>> -> memref<1x116x128xi32, #tpu.memory_space<hbm>>
        %dma_start3A_23 = tpu.memref_squeeze %dma_start3A_22 : memref<1x116x128xi32, #tpu.memory_space<hbm>> -> memref<116x128xi32, #tpu.memory_space<hbm>>
        %dma_start3A_24 = arith.constant 0 : i32
        %dma_start3A_25 = arith.constant 0 : i32
        %dma_start3A_26 = tpu.memref_slice %arg7[%dma_start3A_24, %dma_start3A_25] : memref<116x128xi32, #tpu.memory_space<vmem>> -> memref<116x128xi32, #tpu.memory_space<vmem>>
        %dma_start3A_27 = arith.constant 0 : i32
        %dma_start3A_28 = arith.constant 0 : i32
        %dma_start3A_29 = tpu.memref_slice %arg2[%arg1, %dma_start3A_27, %dma_start3A_28] : memref<16x160x128xi32, #tpu.memory_space<hbm>> -> memref<1x116x128xi32, #tpu.memory_space<hbm>>
        %dma_start3A_30 = tpu.memref_squeeze %dma_start3A_29 : memref<1x116x128xi32, #tpu.memory_space<hbm>> -> memref<116x128xi32, #tpu.memory_space<hbm>>
        tpu.enqueue_dma source(%dma_start3A_30 : memref<116x128xi32, #tpu.memory_space<hbm>>) target(%dma_start3A_26 : memref<116x128xi32, #tpu.memory_space<vmem>>) target_semaphore(%run_scoped3A : memref<!tpu.dma_semaphore, #tpu.memory_space<semaphore_mem>>)
        %dma_wait3A = arith.constant 0 : i32
        %dma_wait3A_31 = arith.constant 0 : i32
        %dma_wait3A_32 = tpu.memref_slice %arg7[%dma_wait3A, %dma_wait3A_31] : memref<116x128xi32, #tpu.memory_space<vmem>> -> memref<116x128xi32, #tpu.memory_space<vmem>>
        %dma_wait3A_33 = arith.constant 0 : i32
        %dma_wait3A_34 = arith.constant 0 : i32
        %dma_wait3A_35 = tpu.memref_slice %arg2[%arg1, %dma_wait3A_33, %dma_wait3A_34] : memref<16x160x128xi32, #tpu.memory_space<hbm>> -> memref<1x116x128xi32, #tpu.memory_space<hbm>>
        %dma_wait3A_36 = tpu.memref_squeeze %dma_wait3A_35 : memref<1x116x128xi32, #tpu.memory_space<hbm>> -> memref<116x128xi32, #tpu.memory_space<hbm>>
        %dma_wait3A_37 = arith.constant 0 : i32
        %dma_wait3A_38 = arith.constant 0 : i32
        %dma_wait3A_39 = tpu.memref_slice %arg7[%dma_wait3A_37, %dma_wait3A_38] : memref<116x128xi32, #tpu.memory_space<vmem>> -> memref<116x128xi32, #tpu.memory_space<vmem>>
        %dma_wait3A_40 = arith.constant 0 : i32
        %dma_wait3A_41 = arith.constant 0 : i32
        %dma_wait3A_42 = tpu.memref_slice %arg2[%arg1, %dma_wait3A_40, %dma_wait3A_41] : memref<16x160x128xi32, #tpu.memory_space<hbm>> -> memref<1x116x128xi32, #tpu.memory_space<hbm>>
        %dma_wait3A_43 = tpu.memref_squeeze %dma_wait3A_42 : memref<1x116x128xi32, #tpu.memory_space<hbm>> -> memref<116x128xi32, #tpu.memory_space<hbm>>
        tpu.wait_dma2 semaphore(%run_scoped3A : memref<!tpu.dma_semaphore, #tpu.memory_space<semaphore_mem>>) src(%dma_wait3A_43 : memref<116x128xi32, #tpu.memory_space<hbm>>) dst(%dma_wait3A_39 : memref<116x128xi32, #tpu.memory_space<vmem>>)
        tpu.yield
      }) : () -> ()
      "tpu.region"() ({
        %run_scoped3A = tpu.sem_alloc : memref<!tpu.dma_semaphore, #tpu.memory_space<semaphore_mem>>
        %dma_start3A = arith.constant 0 : i32
        %dma_start3A_18 = arith.constant 0 : i32
        %dma_start3A_19 = tpu.memref_slice %arg8[%dma_start3A, %dma_start3A_18] : memref<116x128xi32, #tpu.memory_space<vmem>> -> memref<116x128xi32, #tpu.memory_space<vmem>>
        %dma_start3A_20 = arith.constant 0 : i32
        %dma_start3A_21 = arith.constant 0 : i32
        %dma_start3A_22 = tpu.memref_slice %arg3[%arg1, %dma_start3A_20, %dma_start3A_21] : memref<16x160x128xi32, #tpu.memory_space<hbm>> -> memref<1x116x128xi32, #tpu.memory_space<hbm>>
        %dma_start3A_23 = tpu.memref_squeeze %dma_start3A_22 : memref<1x116x128xi32, #tpu.memory_space<hbm>> -> memref<116x128xi32, #tpu.memory_space<hbm>>
        %dma_start3A_24 = arith.constant 0 : i32
        %dma_start3A_25 = arith.constant 0 : i32
        %dma_start3A_26 = tpu.memref_slice %arg8[%dma_start3A_24, %dma_start3A_25] : memref<116x128xi32, #tpu.memory_space<vmem>> -> memref<116x128xi32, #tpu.memory_space<vmem>>
        %dma_start3A_27 = arith.constant 0 : i32
        %dma_start3A_28 = arith.constant 0 : i32
        %dma_start3A_29 = tpu.memref_slice %arg3[%arg1, %dma_start3A_27, %dma_start3A_28] : memref<16x160x128xi32, #tpu.memory_space<hbm>> -> memref<1x116x128xi32, #tpu.memory_space<hbm>>
        %dma_start3A_30 = tpu.memref_squeeze %dma_start3A_29 : memref<1x116x128xi32, #tpu.memory_space<hbm>> -> memref<116x128xi32, #tpu.memory_space<hbm>>
        tpu.enqueue_dma source(%dma_start3A_30 : memref<116x128xi32, #tpu.memory_space<hbm>>) target(%dma_start3A_26 : memref<116x128xi32, #tpu.memory_space<vmem>>) target_semaphore(%run_scoped3A : memref<!tpu.dma_semaphore, #tpu.memory_space<semaphore_mem>>)
        %dma_wait3A = arith.constant 0 : i32
        %dma_wait3A_31 = arith.constant 0 : i32
        %dma_wait3A_32 = tpu.memref_slice %arg8[%dma_wait3A, %dma_wait3A_31] : memref<116x128xi32, #tpu.memory_space<vmem>> -> memref<116x128xi32, #tpu.memory_space<vmem>>
        %dma_wait3A_33 = arith.constant 0 : i32
        %dma_wait3A_34 = arith.constant 0 : i32
        %dma_wait3A_35 = tpu.memref_slice %arg3[%arg1, %dma_wait3A_33, %dma_wait3A_34] : memref<16x160x128xi32, #tpu.memory_space<hbm>> -> memref<1x116x128xi32, #tpu.memory_space<hbm>>
        %dma_wait3A_36 = tpu.memref_squeeze %dma_wait3A_35 : memref<1x116x128xi32, #tpu.memory_space<hbm>> -> memref<116x128xi32, #tpu.memory_space<hbm>>
        %dma_wait3A_37 = arith.constant 0 : i32
        %dma_wait3A_38 = arith.constant 0 : i32
        %dma_wait3A_39 = tpu.memref_slice %arg8[%dma_wait3A_37, %dma_wait3A_38] : memref<116x128xi32, #tpu.memory_space<vmem>> -> memref<116x128xi32, #tpu.memory_space<vmem>>
        %dma_wait3A_40 = arith.constant 0 : i32
        %dma_wait3A_41 = arith.constant 0 : i32
        %dma_wait3A_42 = tpu.memref_slice %arg3[%arg1, %dma_wait3A_40, %dma_wait3A_41] : memref<16x160x128xi32, #tpu.memory_space<hbm>> -> memref<1x116x128xi32, #tpu.memory_space<hbm>>
        %dma_wait3A_43 = tpu.memref_squeeze %dma_wait3A_42 : memref<1x116x128xi32, #tpu.memory_space<hbm>> -> memref<116x128xi32, #tpu.memory_space<hbm>>
        tpu.wait_dma2 semaphore(%run_scoped3A : memref<!tpu.dma_semaphore, #tpu.memory_space<semaphore_mem>>) src(%dma_wait3A_43 : memref<116x128xi32, #tpu.memory_space<hbm>>) dst(%dma_wait3A_39 : memref<116x128xi32, #tpu.memory_space<vmem>>)
        tpu.yield
      }) : () -> ()
      %scan3A = arith.constant 0 : i32
      %scan3A_13 = arith.constant 0 : i32
      %scan3A_14 = arith.constant 29 : i32
      %scan3A_15 = arith.addi %scan3A_13, %scan3A_14 : i32
      %scan3A_16 = arith.constant 1 : i32
      scf.for %scan3A_18 = %scan3A_13 to %scan3A_15 step %scan3A_16  : i32 {
        %mul3A_19 = arith.constant 4 : i32
        %mul3A_20 = arith.muli %scan3A_18, %mul3A_19 : i32
        %add3A = arith.constant 0 : i32
        %add3A_21 = arith.addi %mul3A_20, %add3A : i32
        %dma_start3A = arith.constant 0 : i32
        %dma_start3A_22 = arith.constant 0 : i32
        %dma_start3A_23 = arith.constant 0 : i32
        %dma_start3A_24 = tpu.memref_slice %arg9[%dma_start3A, %dma_start3A_22, %dma_start3A_23] : memref<4x128x64xf32, #tpu.memory_space<vmem>> -> memref<1x128x64xf32, #tpu.memory_space<vmem>>
        %dma_start3A_25 = tpu.memref_squeeze %dma_start3A_24 : memref<1x128x64xf32, #tpu.memory_space<vmem>> -> memref<128x64xf32, #tpu.memory_space<vmem>>
        %dma_start3A_26 = arith.constant 0 : i32
        %dma_start3A_27 = tpu.memref_slice %arg7[%add3A_21, %dma_start3A_26] : memref<116x128xi32, #tpu.memory_space<vmem>> -> memref<1x128xi32, #tpu.memory_space<vmem>>
        %dma_start3A_28 = tpu.memref_squeeze %dma_start3A_27 : memref<1x128xi32, #tpu.memory_space<vmem>> -> memref<128xi32, #tpu.memory_space<vmem>>
        %dma_start3A_29 = arith.constant 0 : i32
        %dma_start3A_30 = arith.constant 0 : i32
        %dma_start3A_31 = tpu.memref_slice %arg4[%dma_start3A_29, %dma_start3A_30] : memref<10000x64xf32, #tpu.memory_space<hbm>> -> memref<10000x64xf32, #tpu.memory_space<hbm>>
        tpu.enqueue_indirect_dma source(%dma_start3A_31 : memref<10000x64xf32, #tpu.memory_space<hbm>>) target(%dma_start3A_25 : memref<128x64xf32, #tpu.memory_space<vmem>>) offsets(%dma_start3A_28 : memref<128xi32, #tpu.memory_space<vmem>>) semaphore(%arg11 : memref<!tpu.dma_semaphore, #tpu.memory_space<semaphore_mem>>)
        %mul3A_32 = arith.constant 4 : i32
        %mul3A_33 = arith.muli %scan3A_18, %mul3A_32 : i32
        %add3A_34 = arith.constant 1 : i32
        %add3A_35 = arith.addi %mul3A_33, %add3A_34 : i32
        %dma_start3A_36 = arith.constant 1 : i32
        %dma_start3A_37 = arith.constant 0 : i32
        %dma_start3A_38 = arith.constant 0 : i32
        %dma_start3A_39 = tpu.memref_slice %arg9[%dma_start3A_36, %dma_start3A_37, %dma_start3A_38] : memref<4x128x64xf32, #tpu.memory_space<vmem>> -> memref<1x128x64xf32, #tpu.memory_space<vmem>>
        %dma_start3A_40 = tpu.memref_squeeze %dma_start3A_39 : memref<1x128x64xf32, #tpu.memory_space<vmem>> -> memref<128x64xf32, #tpu.memory_space<vmem>>
        %dma_start3A_41 = arith.constant 0 : i32
        %dma_start3A_42 = tpu.memref_slice %arg7[%add3A_35, %dma_start3A_41] : memref<116x128xi32, #tpu.memory_space<vmem>> -> memref<1x128xi32, #tpu.memory_space<vmem>>
        %dma_start3A_43 = tpu.memref_squeeze %dma_start3A_42 : memref<1x128xi32, #tpu.memory_space<vmem>> -> memref<128xi32, #tpu.memory_space<vmem>>
        %dma_start3A_44 = arith.constant 0 : i32
        %dma_start3A_45 = arith.constant 0 : i32
        %dma_start3A_46 = tpu.memref_slice %arg4[%dma_start3A_44, %dma_start3A_45] : memref<10000x64xf32, #tpu.memory_space<hbm>> -> memref<10000x64xf32, #tpu.memory_space<hbm>>
        tpu.enqueue_indirect_dma source(%dma_start3A_46 : memref<10000x64xf32, #tpu.memory_space<hbm>>) target(%dma_start3A_40 : memref<128x64xf32, #tpu.memory_space<vmem>>) offsets(%dma_start3A_43 : memref<128xi32, #tpu.memory_space<vmem>>) semaphore(%arg11 : memref<!tpu.dma_semaphore, #tpu.memory_space<semaphore_mem>>)
        %mul3A_47 = arith.constant 4 : i32
        %mul3A_48 = arith.muli %scan3A_18, %mul3A_47 : i32
        %add3A_49 = arith.constant 2 : i32
        %add3A_50 = arith.addi %mul3A_48, %add3A_49 : i32
        %dma_start3A_51 = arith.constant 2 : i32
        %dma_start3A_52 = arith.constant 0 : i32
        %dma_start3A_53 = arith.constant 0 : i32
        %dma_start3A_54 = tpu.memref_slice %arg9[%dma_start3A_51, %dma_start3A_52, %dma_start3A_53] : memref<4x128x64xf32, #tpu.memory_space<vmem>> -> memref<1x128x64xf32, #tpu.memory_space<vmem>>
        %dma_start3A_55 = tpu.memref_squeeze %dma_start3A_54 : memref<1x128x64xf32, #tpu.memory_space<vmem>> -> memref<128x64xf32, #tpu.memory_space<vmem>>
        %dma_start3A_56 = arith.constant 0 : i32
        %dma_start3A_57 = tpu.memref_slice %arg7[%add3A_50, %dma_start3A_56] : memref<116x128xi32, #tpu.memory_space<vmem>> -> memref<1x128xi32, #tpu.memory_space<vmem>>
        %dma_start3A_58 = tpu.memref_squeeze %dma_start3A_57 : memref<1x128xi32, #tpu.memory_space<vmem>> -> memref<128xi32, #tpu.memory_space<vmem>>
        %dma_start3A_59 = arith.constant 0 : i32
        %dma_start3A_60 = arith.constant 0 : i32
        %dma_start3A_61 = tpu.memref_slice %arg4[%dma_start3A_59, %dma_start3A_60] : memref<10000x64xf32, #tpu.memory_space<hbm>> -> memref<10000x64xf32, #tpu.memory_space<hbm>>
        tpu.enqueue_indirect_dma source(%dma_start3A_61 : memref<10000x64xf32, #tpu.memory_space<hbm>>) target(%dma_start3A_55 : memref<128x64xf32, #tpu.memory_space<vmem>>) offsets(%dma_start3A_58 : memref<128xi32, #tpu.memory_space<vmem>>) semaphore(%arg11 : memref<!tpu.dma_semaphore, #tpu.memory_space<semaphore_mem>>)
        %mul3A_62 = arith.constant 4 : i32
        %mul3A_63 = arith.muli %scan3A_18, %mul3A_62 : i32
        %add3A_64 = arith.constant 3 : i32
        %add3A_65 = arith.addi %mul3A_63, %add3A_64 : i32
        %dma_start3A_66 = arith.constant 3 : i32
        %dma_start3A_67 = arith.constant 0 : i32
        %dma_start3A_68 = arith.constant 0 : i32
        %dma_start3A_69 = tpu.memref_slice %arg9[%dma_start3A_66, %dma_start3A_67, %dma_start3A_68] : memref<4x128x64xf32, #tpu.memory_space<vmem>> -> memref<1x128x64xf32, #tpu.memory_space<vmem>>
        %dma_start3A_70 = tpu.memref_squeeze %dma_start3A_69 : memref<1x128x64xf32, #tpu.memory_space<vmem>> -> memref<128x64xf32, #tpu.memory_space<vmem>>
        %dma_start3A_71 = arith.constant 0 : i32
        %dma_start3A_72 = tpu.memref_slice %arg7[%add3A_65, %dma_start3A_71] : memref<116x128xi32, #tpu.memory_space<vmem>> -> memref<1x128xi32, #tpu.memory_space<vmem>>
        %dma_start3A_73 = tpu.memref_squeeze %dma_start3A_72 : memref<1x128xi32, #tpu.memory_space<vmem>> -> memref<128xi32, #tpu.memory_space<vmem>>
        %dma_start3A_74 = arith.constant 0 : i32
        %dma_start3A_75 = arith.constant 0 : i32
        %dma_start3A_76 = tpu.memref_slice %arg4[%dma_start3A_74, %dma_start3A_75] : memref<10000x64xf32, #tpu.memory_space<hbm>> -> memref<10000x64xf32, #tpu.memory_space<hbm>>
        tpu.enqueue_indirect_dma source(%dma_start3A_76 : memref<10000x64xf32, #tpu.memory_space<hbm>>) target(%dma_start3A_70 : memref<128x64xf32, #tpu.memory_space<vmem>>) offsets(%dma_start3A_73 : memref<128xi32, #tpu.memory_space<vmem>>) semaphore(%arg11 : memref<!tpu.dma_semaphore, #tpu.memory_space<semaphore_mem>>)
        %dma_wait3A = arith.constant 0 : i32
        %dma_wait3A_77 = arith.constant 0 : i32
        %dma_wait3A_78 = arith.constant 0 : i32
        %dma_wait3A_79 = tpu.memref_slice %arg9[%dma_wait3A, %dma_wait3A_77, %dma_wait3A_78] : memref<4x128x64xf32, #tpu.memory_space<vmem>> -> memref<1x128x64xf32, #tpu.memory_space<vmem>>
        %dma_wait3A_80 = tpu.memref_squeeze %dma_wait3A_79 : memref<1x128x64xf32, #tpu.memory_space<vmem>> -> memref<128x64xf32, #tpu.memory_space<vmem>>
        %dma_wait3A_81 = arith.constant 0 : i32
        %dma_wait3A_82 = arith.constant 0 : i32
        %dma_wait3A_83 = tpu.memref_slice %arg4[%dma_wait3A_81, %dma_wait3A_82] : memref<10000x64xf32, #tpu.memory_space<hbm>> -> memref<128x64xf32, #tpu.memory_space<hbm>>
        %dma_wait3A_84 = arith.constant 0 : i32
        %dma_wait3A_85 = arith.constant 0 : i32
        %dma_wait3A_86 = tpu.memref_slice %arg9[%dma_wait3A, %dma_wait3A_84, %dma_wait3A_85] : memref<4x128x64xf32, #tpu.memory_space<vmem>> -> memref<1x128x64xf32, #tpu.memory_space<vmem>>
        %dma_wait3A_87 = tpu.memref_squeeze %dma_wait3A_86 : memref<1x128x64xf32, #tpu.memory_space<vmem>> -> memref<128x64xf32, #tpu.memory_space<vmem>>
        %dma_wait3A_88 = arith.constant 0 : i32
        %dma_wait3A_89 = arith.constant 0 : i32
        %dma_wait3A_90 = tpu.memref_slice %arg4[%dma_wait3A_88, %dma_wait3A_89] : memref<10000x64xf32, #tpu.memory_space<hbm>> -> memref<128x64xf32, #tpu.memory_space<hbm>>
        tpu.wait_dma2 semaphore(%arg11 : memref<!tpu.dma_semaphore, #tpu.memory_space<semaphore_mem>>) src(%dma_wait3A_90 : memref<128x64xf32, #tpu.memory_space<hbm>>) dst(%dma_wait3A_87 : memref<128x64xf32, #tpu.memory_space<vmem>>)
        %dma_wait3A_91 = arith.constant 1 : i32
        %dma_wait3A_92 = arith.constant 0 : i32
        %dma_wait3A_93 = arith.constant 0 : i32
        %dma_wait3A_94 = tpu.memref_slice %arg9[%dma_wait3A_91, %dma_wait3A_92, %dma_wait3A_93] : memref<4x128x64xf32, #tpu.memory_space<vmem>> -> memref<1x128x64xf32, #tpu.memory_space<vmem>>
        %dma_wait3A_95 = tpu.memref_squeeze %dma_wait3A_94 : memref<1x128x64xf32, #tpu.memory_space<vmem>> -> memref<128x64xf32, #tpu.memory_space<vmem>>
        %dma_wait3A_96 = arith.constant 0 : i32
        %dma_wait3A_97 = arith.constant 0 : i32
        %dma_wait3A_98 = tpu.memref_slice %arg4[%dma_wait3A_96, %dma_wait3A_97] : memref<10000x64xf32, #tpu.memory_space<hbm>> -> memref<128x64xf32, #tpu.memory_space<hbm>>
        %dma_wait3A_99 = arith.constant 0 : i32
        %dma_wait3A_100 = arith.constant 0 : i32
        %dma_wait3A_101 = tpu.memref_slice %arg9[%dma_wait3A_91, %dma_wait3A_99, %dma_wait3A_100] : memref<4x128x64xf32, #tpu.memory_space<vmem>> -> memref<1x128x64xf32, #tpu.memory_space<vmem>>
        %dma_wait3A_102 = tpu.memref_squeeze %dma_wait3A_101 : memref<1x128x64xf32, #tpu.memory_space<vmem>> -> memref<128x64xf32, #tpu.memory_space<vmem>>
        %dma_wait3A_103 = arith.constant 0 : i32
        %dma_wait3A_104 = arith.constant 0 : i32
        %dma_wait3A_105 = tpu.memref_slice %arg4[%dma_wait3A_103, %dma_wait3A_104] : memref<10000x64xf32, #tpu.memory_space<hbm>> -> memref<128x64xf32, #tpu.memory_space<hbm>>
        tpu.wait_dma2 semaphore(%arg11 : memref<!tpu.dma_semaphore, #tpu.memory_space<semaphore_mem>>) src(%dma_wait3A_105 : memref<128x64xf32, #tpu.memory_space<hbm>>) dst(%dma_wait3A_102 : memref<128x64xf32, #tpu.memory_space<vmem>>)
        %dma_wait3A_106 = arith.constant 2 : i32
        %dma_wait3A_107 = arith.constant 0 : i32
        %dma_wait3A_108 = arith.constant 0 : i32
        %dma_wait3A_109 = tpu.memref_slice %arg9[%dma_wait3A_106, %dma_wait3A_107, %dma_wait3A_108] : memref<4x128x64xf32, #tpu.memory_space<vmem>> -> memref<1x128x64xf32, #tpu.memory_space<vmem>>
        %dma_wait3A_110 = tpu.memref_squeeze %dma_wait3A_109 : memref<1x128x64xf32, #tpu.memory_space<vmem>> -> memref<128x64xf32, #tpu.memory_space<vmem>>
        %dma_wait3A_111 = arith.constant 0 : i32
        %dma_wait3A_112 = arith.constant 0 : i32
        %dma_wait3A_113 = tpu.memref_slice %arg4[%dma_wait3A_111, %dma_wait3A_112] : memref<10000x64xf32, #tpu.memory_space<hbm>> -> memref<128x64xf32, #tpu.memory_space<hbm>>
        %dma_wait3A_114 = arith.constant 0 : i32
        %dma_wait3A_115 = arith.constant 0 : i32
        %dma_wait3A_116 = tpu.memref_slice %arg9[%dma_wait3A_106, %dma_wait3A_114, %dma_wait3A_115] : memref<4x128x64xf32, #tpu.memory_space<vmem>> -> memref<1x128x64xf32, #tpu.memory_space<vmem>>
        %dma_wait3A_117 = tpu.memref_squeeze %dma_wait3A_116 : memref<1x128x64xf32, #tpu.memory_space<vmem>> -> memref<128x64xf32, #tpu.memory_space<vmem>>
        %dma_wait3A_118 = arith.constant 0 : i32
        %dma_wait3A_119 = arith.constant 0 : i32
        %dma_wait3A_120 = tpu.memref_slice %arg4[%dma_wait3A_118, %dma_wait3A_119] : memref<10000x64xf32, #tpu.memory_space<hbm>> -> memref<128x64xf32, #tpu.memory_space<hbm>>
        tpu.wait_dma2 semaphore(%arg11 : memref<!tpu.dma_semaphore, #tpu.memory_space<semaphore_mem>>) src(%dma_wait3A_120 : memref<128x64xf32, #tpu.memory_space<hbm>>) dst(%dma_wait3A_117 : memref<128x64xf32, #tpu.memory_space<vmem>>)
        %dma_wait3A_121 = arith.constant 3 : i32
        %dma_wait3A_122 = arith.constant 0 : i32
        %dma_wait3A_123 = arith.constant 0 : i32
        %dma_wait3A_124 = tpu.memref_slice %arg9[%dma_wait3A_121, %dma_wait3A_122, %dma_wait3A_123] : memref<4x128x64xf32, #tpu.memory_space<vmem>> -> memref<1x128x64xf32, #tpu.memory_space<vmem>>
        %dma_wait3A_125 = tpu.memref_squeeze %dma_wait3A_124 : memref<1x128x64xf32, #tpu.memory_space<vmem>> -> memref<128x64xf32, #tpu.memory_space<vmem>>
        %dma_wait3A_126 = arith.constant 0 : i32
        %dma_wait3A_127 = arith.constant 0 : i32
        %dma_wait3A_128 = tpu.memref_slice %arg4[%dma_wait3A_126, %dma_wait3A_127] : memref<10000x64xf32, #tpu.memory_space<hbm>> -> memref<128x64xf32, #tpu.memory_space<hbm>>
        %dma_wait3A_129 = arith.constant 0 : i32
        %dma_wait3A_130 = arith.constant 0 : i32
        %dma_wait3A_131 = tpu.memref_slice %arg9[%dma_wait3A_121, %dma_wait3A_129, %dma_wait3A_130] : memref<4x128x64xf32, #tpu.memory_space<vmem>> -> memref<1x128x64xf32, #tpu.memory_space<vmem>>
        %dma_wait3A_132 = tpu.memref_squeeze %dma_wait3A_131 : memref<1x128x64xf32, #tpu.memory_space<vmem>> -> memref<128x64xf32, #tpu.memory_space<vmem>>
        %dma_wait3A_133 = arith.constant 0 : i32
        %dma_wait3A_134 = arith.constant 0 : i32
        %dma_wait3A_135 = tpu.memref_slice %arg4[%dma_wait3A_133, %dma_wait3A_134] : memref<10000x64xf32, #tpu.memory_space<hbm>> -> memref<128x64xf32, #tpu.memory_space<hbm>>
        tpu.wait_dma2 semaphore(%arg11 : memref<!tpu.dma_semaphore, #tpu.memory_space<semaphore_mem>>) src(%dma_wait3A_135 : memref<128x64xf32, #tpu.memory_space<hbm>>) dst(%dma_wait3A_132 : memref<128x64xf32, #tpu.memory_space<vmem>>)
        %mul3A_136 = arith.constant 4 : i32
        %mul3A_137 = arith.muli %scan3A_18, %mul3A_136 : i32
        %add3A_138 = arith.constant 0 : i32
        %add3A_139 = arith.addi %mul3A_137, %add3A_138 : i32
        %dma_start3A_140 = arith.constant 0 : i32
        %dma_start3A_141 = arith.constant 0 : i32
        %dma_start3A_142 = arith.constant 0 : i32
        %dma_start3A_143 = tpu.memref_slice %arg9[%dma_start3A_140, %dma_start3A_141, %dma_start3A_142] : memref<4x128x64xf32, #tpu.memory_space<vmem>> -> memref<1x128x64xf32, #tpu.memory_space<vmem>>
        %dma_start3A_144 = tpu.memref_squeeze %dma_start3A_143 : memref<1x128x64xf32, #tpu.memory_space<vmem>> -> memref<128x64xf32, #tpu.memory_space<vmem>>
        %dma_start3A_145 = arith.constant 0 : i32
        %dma_start3A_146 = tpu.memref_slice %arg8[%add3A_139, %dma_start3A_145] : memref<116x128xi32, #tpu.memory_space<vmem>> -> memref<1x128xi32, #tpu.memory_space<vmem>>
        %dma_start3A_147 = tpu.memref_squeeze %dma_start3A_146 : memref<1x128xi32, #tpu.memory_space<vmem>> -> memref<128xi32, #tpu.memory_space<vmem>>
        %dma_start3A_148 = arith.constant 0 : i32
        %dma_start3A_149 = arith.constant 0 : i32
        %dma_start3A_150 = tpu.memref_slice %arg10[%dma_start3A_148, %dma_start3A_149] : memref<10240x64xf32, #tpu.memory_space<vmem_shared>> -> memref<10240x64xf32, #tpu.memory_space<vmem_shared>>
        tpu.enqueue_indirect_dma source(%dma_start3A_144 : memref<128x64xf32, #tpu.memory_space<vmem>>) target(%dma_start3A_150 : memref<10240x64xf32, #tpu.memory_space<vmem_shared>>) offsets(%dma_start3A_147 : memref<128xi32, #tpu.memory_space<vmem>>) semaphore(%arg12 : memref<!tpu.dma_semaphore, #tpu.memory_space<semaphore_mem>>) {add = true}
        %mul3A_151 = arith.constant 4 : i32
        %mul3A_152 = arith.muli %scan3A_18, %mul3A_151 : i32
        %add3A_153 = arith.constant 1 : i32
        %add3A_154 = arith.addi %mul3A_152, %add3A_153 : i32
        %dma_start3A_155 = arith.constant 1 : i32
        %dma_start3A_156 = arith.constant 0 : i32
        %dma_start3A_157 = arith.constant 0 : i32
        %dma_start3A_158 = tpu.memref_slice %arg9[%dma_start3A_155, %dma_start3A_156, %dma_start3A_157] : memref<4x128x64xf32, #tpu.memory_space<vmem>> -> memref<1x128x64xf32, #tpu.memory_space<vmem>>
        %dma_start3A_159 = tpu.memref_squeeze %dma_start3A_158 : memref<1x128x64xf32, #tpu.memory_space<vmem>> -> memref<128x64xf32, #tpu.memory_space<vmem>>
        %dma_start3A_160 = arith.constant 0 : i32
        %dma_start3A_161 = tpu.memref_slice %arg8[%add3A_154, %dma_start3A_160] : memref<116x128xi32, #tpu.memory_space<vmem>> -> memref<1x128xi32, #tpu.memory_space<vmem>>
        %dma_start3A_162 = tpu.memref_squeeze %dma_start3A_161 : memref<1x128xi32, #tpu.memory_space<vmem>> -> memref<128xi32, #tpu.memory_space<vmem>>
        %dma_start3A_163 = arith.constant 0 : i32
        %dma_start3A_164 = arith.constant 0 : i32
        %dma_start3A_165 = tpu.memref_slice %arg10[%dma_start3A_163, %dma_start3A_164] : memref<10240x64xf32, #tpu.memory_space<vmem_shared>> -> memref<10240x64xf32, #tpu.memory_space<vmem_shared>>
        tpu.enqueue_indirect_dma source(%dma_start3A_159 : memref<128x64xf32, #tpu.memory_space<vmem>>) target(%dma_start3A_165 : memref<10240x64xf32, #tpu.memory_space<vmem_shared>>) offsets(%dma_start3A_162 : memref<128xi32, #tpu.memory_space<vmem>>) semaphore(%arg12 : memref<!tpu.dma_semaphore, #tpu.memory_space<semaphore_mem>>) {add = true}
        %mul3A_166 = arith.constant 4 : i32
        %mul3A_167 = arith.muli %scan3A_18, %mul3A_166 : i32
        %add3A_168 = arith.constant 2 : i32
        %add3A_169 = arith.addi %mul3A_167, %add3A_168 : i32
        %dma_start3A_170 = arith.constant 2 : i32
        %dma_start3A_171 = arith.constant 0 : i32
        %dma_start3A_172 = arith.constant 0 : i32
        %dma_start3A_173 = tpu.memref_slice %arg9[%dma_start3A_170, %dma_start3A_171, %dma_start3A_172] : memref<4x128x64xf32, #tpu.memory_space<vmem>> -> memref<1x128x64xf32, #tpu.memory_space<vmem>>
        %dma_start3A_174 = tpu.memref_squeeze %dma_start3A_173 : memref<1x128x64xf32, #tpu.memory_space<vmem>> -> memref<128x64xf32, #tpu.memory_space<vmem>>
        %dma_start3A_175 = arith.constant 0 : i32
        %dma_start3A_176 = tpu.memref_slice %arg8[%add3A_169, %dma_start3A_175] : memref<116x128xi32, #tpu.memory_space<vmem>> -> memref<1x128xi32, #tpu.memory_space<vmem>>
        %dma_start3A_177 = tpu.memref_squeeze %dma_start3A_176 : memref<1x128xi32, #tpu.memory_space<vmem>> -> memref<128xi32, #tpu.memory_space<vmem>>
        %dma_start3A_178 = arith.constant 0 : i32
        %dma_start3A_179 = arith.constant 0 : i32
        %dma_start3A_180 = tpu.memref_slice %arg10[%dma_start3A_178, %dma_start3A_179] : memref<10240x64xf32, #tpu.memory_space<vmem_shared>> -> memref<10240x64xf32, #tpu.memory_space<vmem_shared>>
        tpu.enqueue_indirect_dma source(%dma_start3A_174 : memref<128x64xf32, #tpu.memory_space<vmem>>) target(%dma_start3A_180 : memref<10240x64xf32, #tpu.memory_space<vmem_shared>>) offsets(%dma_start3A_177 : memref<128xi32, #tpu.memory_space<vmem>>) semaphore(%arg12 : memref<!tpu.dma_semaphore, #tpu.memory_space<semaphore_mem>>) {add = true}
        %mul3A_181 = arith.constant 4 : i32
        %mul3A_182 = arith.muli %scan3A_18, %mul3A_181 : i32
        %add3A_183 = arith.constant 3 : i32
        %add3A_184 = arith.addi %mul3A_182, %add3A_183 : i32
        %dma_start3A_185 = arith.constant 3 : i32
        %dma_start3A_186 = arith.constant 0 : i32
        %dma_start3A_187 = arith.constant 0 : i32
        %dma_start3A_188 = tpu.memref_slice %arg9[%dma_start3A_185, %dma_start3A_186, %dma_start3A_187] : memref<4x128x64xf32, #tpu.memory_space<vmem>> -> memref<1x128x64xf32, #tpu.memory_space<vmem>>
        %dma_start3A_189 = tpu.memref_squeeze %dma_start3A_188 : memref<1x128x64xf32, #tpu.memory_space<vmem>> -> memref<128x64xf32, #tpu.memory_space<vmem>>
        %dma_start3A_190 = arith.constant 0 : i32
        %dma_start3A_191 = tpu.memref_slice %arg8[%add3A_184, %dma_start3A_190] : memref<116x128xi32, #tpu.memory_space<vmem>> -> memref<1x128xi32, #tpu.memory_space<vmem>>
        %dma_start3A_192 = tpu.memref_squeeze %dma_start3A_191 : memref<1x128xi32, #tpu.memory_space<vmem>> -> memref<128xi32, #tpu.memory_space<vmem>>
        %dma_start3A_193 = arith.constant 0 : i32
        %dma_start3A_194 = arith.constant 0 : i32
        %dma_start3A_195 = tpu.memref_slice %arg10[%dma_start3A_193, %dma_start3A_194] : memref<10240x64xf32, #tpu.memory_space<vmem_shared>> -> memref<10240x64xf32, #tpu.memory_space<vmem_shared>>
        tpu.enqueue_indirect_dma source(%dma_start3A_189 : memref<128x64xf32, #tpu.memory_space<vmem>>) target(%dma_start3A_195 : memref<10240x64xf32, #tpu.memory_space<vmem_shared>>) offsets(%dma_start3A_192 : memref<128xi32, #tpu.memory_space<vmem>>) semaphore(%arg12 : memref<!tpu.dma_semaphore, #tpu.memory_space<semaphore_mem>>) {add = true}
        %dma_wait3A_196 = arith.constant 0 : i32
        %dma_wait3A_197 = arith.constant 0 : i32
        %dma_wait3A_198 = arith.constant 0 : i32
        %dma_wait3A_199 = tpu.memref_slice %arg9[%dma_wait3A_196, %dma_wait3A_197, %dma_wait3A_198] : memref<4x128x64xf32, #tpu.memory_space<vmem>> -> memref<1x128x64xf32, #tpu.memory_space<vmem>>
        %dma_wait3A_200 = tpu.memref_squeeze %dma_wait3A_199 : memref<1x128x64xf32, #tpu.memory_space<vmem>> -> memref<128x64xf32, #tpu.memory_space<vmem>>
        %dma_wait3A_201 = arith.constant 0 : i32
        %dma_wait3A_202 = arith.constant 0 : i32
        %dma_wait3A_203 = tpu.memref_slice %arg10[%dma_wait3A_201, %dma_wait3A_202] : memref<10240x64xf32, #tpu.memory_space<vmem_shared>> -> memref<128x64xf32, #tpu.memory_space<vmem_shared>>
        %dma_wait3A_204 = arith.constant 0 : i32
        %dma_wait3A_205 = arith.constant 0 : i32
        %dma_wait3A_206 = tpu.memref_slice %arg10[%dma_wait3A_204, %dma_wait3A_205] : memref<10240x64xf32, #tpu.memory_space<vmem_shared>> -> memref<128x64xf32, #tpu.memory_space<vmem_shared>>
        %dma_wait3A_207 = arith.constant 0 : i32
        %dma_wait3A_208 = arith.constant 0 : i32
        %dma_wait3A_209 = tpu.memref_slice %arg9[%dma_wait3A_196, %dma_wait3A_207, %dma_wait3A_208] : memref<4x128x64xf32, #tpu.memory_space<vmem>> -> memref<1x128x64xf32, #tpu.memory_space<vmem>>
        %dma_wait3A_210 = tpu.memref_squeeze %dma_wait3A_209 : memref<1x128x64xf32, #tpu.memory_space<vmem>> -> memref<128x64xf32, #tpu.memory_space<vmem>>
        tpu.wait_dma2 semaphore(%arg12 : memref<!tpu.dma_semaphore, #tpu.memory_space<semaphore_mem>>) src(%dma_wait3A_210 : memref<128x64xf32, #tpu.memory_space<vmem>>) dst(%dma_wait3A_206 : memref<128x64xf32, #tpu.memory_space<vmem_shared>>)
        %dma_wait3A_211 = arith.constant 1 : i32
        %dma_wait3A_212 = arith.constant 0 : i32
        %dma_wait3A_213 = arith.constant 0 : i32
        %dma_wait3A_214 = tpu.memref_slice %arg9[%dma_wait3A_211, %dma_wait3A_212, %dma_wait3A_213] : memref<4x128x64xf32, #tpu.memory_space<vmem>> -> memref<1x128x64xf32, #tpu.memory_space<vmem>>
        %dma_wait3A_215 = tpu.memref_squeeze %dma_wait3A_214 : memref<1x128x64xf32, #tpu.memory_space<vmem>> -> memref<128x64xf32, #tpu.memory_space<vmem>>
        %dma_wait3A_216 = arith.constant 0 : i32
        %dma_wait3A_217 = arith.constant 0 : i32
        %dma_wait3A_218 = tpu.memref_slice %arg10[%dma_wait3A_216, %dma_wait3A_217] : memref<10240x64xf32, #tpu.memory_space<vmem_shared>> -> memref<128x64xf32, #tpu.memory_space<vmem_shared>>
        %dma_wait3A_219 = arith.constant 0 : i32
        %dma_wait3A_220 = arith.constant 0 : i32
        %dma_wait3A_221 = tpu.memref_slice %arg10[%dma_wait3A_219, %dma_wait3A_220] : memref<10240x64xf32, #tpu.memory_space<vmem_shared>> -> memref<128x64xf32, #tpu.memory_space<vmem_shared>>
        %dma_wait3A_222 = arith.constant 0 : i32
        %dma_wait3A_223 = arith.constant 0 : i32
        %dma_wait3A_224 = tpu.memref_slice %arg9[%dma_wait3A_211, %dma_wait3A_222, %dma_wait3A_223] : memref<4x128x64xf32, #tpu.memory_space<vmem>> -> memref<1x128x64xf32, #tpu.memory_space<vmem>>
        %dma_wait3A_225 = tpu.memref_squeeze %dma_wait3A_224 : memref<1x128x64xf32, #tpu.memory_space<vmem>> -> memref<128x64xf32, #tpu.memory_space<vmem>>
        tpu.wait_dma2 semaphore(%arg12 : memref<!tpu.dma_semaphore, #tpu.memory_space<semaphore_mem>>) src(%dma_wait3A_225 : memref<128x64xf32, #tpu.memory_space<vmem>>) dst(%dma_wait3A_221 : memref<128x64xf32, #tpu.memory_space<vmem_shared>>)
        %dma_wait3A_226 = arith.constant 2 : i32
        %dma_wait3A_227 = arith.constant 0 : i32
        %dma_wait3A_228 = arith.constant 0 : i32
        %dma_wait3A_229 = tpu.memref_slice %arg9[%dma_wait3A_226, %dma_wait3A_227, %dma_wait3A_228] : memref<4x128x64xf32, #tpu.memory_space<vmem>> -> memref<1x128x64xf32, #tpu.memory_space<vmem>>
        %dma_wait3A_230 = tpu.memref_squeeze %dma_wait3A_229 : memref<1x128x64xf32, #tpu.memory_space<vmem>> -> memref<128x64xf32, #tpu.memory_space<vmem>>
        %dma_wait3A_231 = arith.constant 0 : i32
        %dma_wait3A_232 = arith.constant 0 : i32
        %dma_wait3A_233 = tpu.memref_slice %arg10[%dma_wait3A_231, %dma_wait3A_232] : memref<10240x64xf32, #tpu.memory_space<vmem_shared>> -> memref<128x64xf32, #tpu.memory_space<vmem_shared>>
        %dma_wait3A_234 = arith.constant 0 : i32
        %dma_wait3A_235 = arith.constant 0 : i32
        %dma_wait3A_236 = tpu.memref_slice %arg10[%dma_wait3A_234, %dma_wait3A_235] : memref<10240x64xf32, #tpu.memory_space<vmem_shared>> -> memref<128x64xf32, #tpu.memory_space<vmem_shared>>
        %dma_wait3A_237 = arith.constant 0 : i32
        %dma_wait3A_238 = arith.constant 0 : i32
        %dma_wait3A_239 = tpu.memref_slice %arg9[%dma_wait3A_226, %dma_wait3A_237, %dma_wait3A_238] : memref<4x128x64xf32, #tpu.memory_space<vmem>> -> memref<1x128x64xf32, #tpu.memory_space<vmem>>
        %dma_wait3A_240 = tpu.memref_squeeze %dma_wait3A_239 : memref<1x128x64xf32, #tpu.memory_space<vmem>> -> memref<128x64xf32, #tpu.memory_space<vmem>>
        tpu.wait_dma2 semaphore(%arg12 : memref<!tpu.dma_semaphore, #tpu.memory_space<semaphore_mem>>) src(%dma_wait3A_240 : memref<128x64xf32, #tpu.memory_space<vmem>>) dst(%dma_wait3A_236 : memref<128x64xf32, #tpu.memory_space<vmem_shared>>)
        %dma_wait3A_241 = arith.constant 3 : i32
        %dma_wait3A_242 = arith.constant 0 : i32
        %dma_wait3A_243 = arith.constant 0 : i32
        %dma_wait3A_244 = tpu.memref_slice %arg9[%dma_wait3A_241, %dma_wait3A_242, %dma_wait3A_243] : memref<4x128x64xf32, #tpu.memory_space<vmem>> -> memref<1x128x64xf32, #tpu.memory_space<vmem>>
        %dma_wait3A_245 = tpu.memref_squeeze %dma_wait3A_244 : memref<1x128x64xf32, #tpu.memory_space<vmem>> -> memref<128x64xf32, #tpu.memory_space<vmem>>
        %dma_wait3A_246 = arith.constant 0 : i32
        %dma_wait3A_247 = arith.constant 0 : i32
        %dma_wait3A_248 = tpu.memref_slice %arg10[%dma_wait3A_246, %dma_wait3A_247] : memref<10240x64xf32, #tpu.memory_space<vmem_shared>> -> memref<128x64xf32, #tpu.memory_space<vmem_shared>>
        %dma_wait3A_249 = arith.constant 0 : i32
        %dma_wait3A_250 = arith.constant 0 : i32
        %dma_wait3A_251 = tpu.memref_slice %arg10[%dma_wait3A_249, %dma_wait3A_250] : memref<10240x64xf32, #tpu.memory_space<vmem_shared>> -> memref<128x64xf32, #tpu.memory_space<vmem_shared>>
        %dma_wait3A_252 = arith.constant 0 : i32
        %dma_wait3A_253 = arith.constant 0 : i32
        %dma_wait3A_254 = tpu.memref_slice %arg9[%dma_wait3A_241, %dma_wait3A_252, %dma_wait3A_253] : memref<4x128x64xf32, #tpu.memory_space<vmem>> -> memref<1x128x64xf32, #tpu.memory_space<vmem>>
        %dma_wait3A_255 = tpu.memref_squeeze %dma_wait3A_254 : memref<1x128x64xf32, #tpu.memory_space<vmem>> -> memref<128x64xf32, #tpu.memory_space<vmem>>
        tpu.wait_dma2 semaphore(%arg12 : memref<!tpu.dma_semaphore, #tpu.memory_space<semaphore_mem>>) src(%dma_wait3A_255 : memref<128x64xf32, #tpu.memory_space<vmem>>) dst(%dma_wait3A_251 : memref<128x64xf32, #tpu.memory_space<vmem_shared>>)
      }
      %scan3A_17 = arith.constant 29 : i32
    } else {
    }
    %eq3A_3 = arith.constant 1 : i32
    %eq3A_4 = arith.cmpi eq, %arg0, %eq3A_3 : i32
    %convert_element_type3A_5 = arith.extui %eq3A_4 : i1 to i32
    %cond3A_6 = arith.constant 0 : i32
    %cond3A_7 = arith.cmpi ne, %convert_element_type3A_5, %cond3A_6 : i32
    scf.if %cond3A_7 {
      "tpu.region"() ({
        %run_scoped3A = tpu.sem_alloc : memref<!tpu.dma_semaphore, #tpu.memory_space<semaphore_mem>>
        %dma_start3A = arith.constant 0 : i32
        %dma_start3A_18 = arith.constant 0 : i32
        %dma_start3A_19 = tpu.memref_slice %arg7[%dma_start3A, %dma_start3A_18] : memref<116x128xi32, #tpu.memory_space<vmem>> -> memref<44x128xi32, #tpu.memory_space<vmem>>
        %dma_start3A_20 = arith.constant 116 : i32
        %dma_start3A_21 = arith.constant 0 : i32
        %dma_start3A_22 = tpu.memref_slice %arg2[%arg1, %dma_start3A_20, %dma_start3A_21] : memref<16x160x128xi32, #tpu.memory_space<hbm>> -> memref<1x44x128xi32, #tpu.memory_space<hbm>>
        %dma_start3A_23 = tpu.memref_squeeze %dma_start3A_22 : memref<1x44x128xi32, #tpu.memory_space<hbm>> -> memref<44x128xi32, #tpu.memory_space<hbm>>
        %dma_start3A_24 = arith.constant 0 : i32
        %dma_start3A_25 = arith.constant 0 : i32
        %dma_start3A_26 = tpu.memref_slice %arg7[%dma_start3A_24, %dma_start3A_25] : memref<116x128xi32, #tpu.memory_space<vmem>> -> memref<44x128xi32, #tpu.memory_space<vmem>>
        %dma_start3A_27 = arith.constant 116 : i32
        %dma_start3A_28 = arith.constant 0 : i32
        %dma_start3A_29 = tpu.memref_slice %arg2[%arg1, %dma_start3A_27, %dma_start3A_28] : memref<16x160x128xi32, #tpu.memory_space<hbm>> -> memref<1x44x128xi32, #tpu.memory_space<hbm>>
        %dma_start3A_30 = tpu.memref_squeeze %dma_start3A_29 : memref<1x44x128xi32, #tpu.memory_space<hbm>> -> memref<44x128xi32, #tpu.memory_space<hbm>>
        tpu.enqueue_dma source(%dma_start3A_30 : memref<44x128xi32, #tpu.memory_space<hbm>>) target(%dma_start3A_26 : memref<44x128xi32, #tpu.memory_space<vmem>>) target_semaphore(%run_scoped3A : memref<!tpu.dma_semaphore, #tpu.memory_space<semaphore_mem>>)
        %dma_wait3A = arith.constant 0 : i32
        %dma_wait3A_31 = arith.constant 0 : i32
        %dma_wait3A_32 = tpu.memref_slice %arg7[%dma_wait3A, %dma_wait3A_31] : memref<116x128xi32, #tpu.memory_space<vmem>> -> memref<44x128xi32, #tpu.memory_space<vmem>>
        %dma_wait3A_33 = arith.constant 116 : i32
        %dma_wait3A_34 = arith.constant 0 : i32
        %dma_wait3A_35 = tpu.memref_slice %arg2[%arg1, %dma_wait3A_33, %dma_wait3A_34] : memref<16x160x128xi32, #tpu.memory_space<hbm>> -> memref<1x44x128xi32, #tpu.memory_space<hbm>>
        %dma_wait3A_36 = tpu.memref_squeeze %dma_wait3A_35 : memref<1x44x128xi32, #tpu.memory_space<hbm>> -> memref<44x128xi32, #tpu.memory_space<hbm>>
        %dma_wait3A_37 = arith.constant 0 : i32
        %dma_wait3A_38 = arith.constant 0 : i32
        %dma_wait3A_39 = tpu.memref_slice %arg7[%dma_wait3A_37, %dma_wait3A_38] : memref<116x128xi32, #tpu.memory_space<vmem>> -> memref<44x128xi32, #tpu.memory_space<vmem>>
        %dma_wait3A_40 = arith.constant 116 : i32
        %dma_wait3A_41 = arith.constant 0 : i32
        %dma_wait3A_42 = tpu.memref_slice %arg2[%arg1, %dma_wait3A_40, %dma_wait3A_41] : memref<16x160x128xi32, #tpu.memory_space<hbm>> -> memref<1x44x128xi32, #tpu.memory_space<hbm>>
        %dma_wait3A_43 = tpu.memref_squeeze %dma_wait3A_42 : memref<1x44x128xi32, #tpu.memory_space<hbm>> -> memref<44x128xi32, #tpu.memory_space<hbm>>
        tpu.wait_dma2 semaphore(%run_scoped3A : memref<!tpu.dma_semaphore, #tpu.memory_space<semaphore_mem>>) src(%dma_wait3A_43 : memref<44x128xi32, #tpu.memory_space<hbm>>) dst(%dma_wait3A_39 : memref<44x128xi32, #tpu.memory_space<vmem>>)
        tpu.yield
      }) : () -> ()
      "tpu.region"() ({
        %run_scoped3A = tpu.sem_alloc : memref<!tpu.dma_semaphore, #tpu.memory_space<semaphore_mem>>
        %dma_start3A = arith.constant 0 : i32
        %dma_start3A_18 = arith.constant 0 : i32
        %dma_start3A_19 = tpu.memref_slice %arg8[%dma_start3A, %dma_start3A_18] : memref<116x128xi32, #tpu.memory_space<vmem>> -> memref<44x128xi32, #tpu.memory_space<vmem>>
        %dma_start3A_20 = arith.constant 116 : i32
        %dma_start3A_21 = arith.constant 0 : i32
        %dma_start3A_22 = tpu.memref_slice %arg3[%arg1, %dma_start3A_20, %dma_start3A_21] : memref<16x160x128xi32, #tpu.memory_space<hbm>> -> memref<1x44x128xi32, #tpu.memory_space<hbm>>
        %dma_start3A_23 = tpu.memref_squeeze %dma_start3A_22 : memref<1x44x128xi32, #tpu.memory_space<hbm>> -> memref<44x128xi32, #tpu.memory_space<hbm>>
        %dma_start3A_24 = arith.constant 0 : i32
        %dma_start3A_25 = arith.constant 0 : i32
        %dma_start3A_26 = tpu.memref_slice %arg8[%dma_start3A_24, %dma_start3A_25] : memref<116x128xi32, #tpu.memory_space<vmem>> -> memref<44x128xi32, #tpu.memory_space<vmem>>
        %dma_start3A_27 = arith.constant 116 : i32
        %dma_start3A_28 = arith.constant 0 : i32
        %dma_start3A_29 = tpu.memref_slice %arg3[%arg1, %dma_start3A_27, %dma_start3A_28] : memref<16x160x128xi32, #tpu.memory_space<hbm>> -> memref<1x44x128xi32, #tpu.memory_space<hbm>>
        %dma_start3A_30 = tpu.memref_squeeze %dma_start3A_29 : memref<1x44x128xi32, #tpu.memory_space<hbm>> -> memref<44x128xi32, #tpu.memory_space<hbm>>
        tpu.enqueue_dma source(%dma_start3A_30 : memref<44x128xi32, #tpu.memory_space<hbm>>) target(%dma_start3A_26 : memref<44x128xi32, #tpu.memory_space<vmem>>) target_semaphore(%run_scoped3A : memref<!tpu.dma_semaphore, #tpu.memory_space<semaphore_mem>>)
        %dma_wait3A = arith.constant 0 : i32
        %dma_wait3A_31 = arith.constant 0 : i32
        %dma_wait3A_32 = tpu.memref_slice %arg8[%dma_wait3A, %dma_wait3A_31] : memref<116x128xi32, #tpu.memory_space<vmem>> -> memref<44x128xi32, #tpu.memory_space<vmem>>
        %dma_wait3A_33 = arith.constant 116 : i32
        %dma_wait3A_34 = arith.constant 0 : i32
        %dma_wait3A_35 = tpu.memref_slice %arg3[%arg1, %dma_wait3A_33, %dma_wait3A_34] : memref<16x160x128xi32, #tpu.memory_space<hbm>> -> memref<1x44x128xi32, #tpu.memory_space<hbm>>
        %dma_wait3A_36 = tpu.memref_squeeze %dma_wait3A_35 : memref<1x44x128xi32, #tpu.memory_space<hbm>> -> memref<44x128xi32, #tpu.memory_space<hbm>>
        %dma_wait3A_37 = arith.constant 0 : i32
        %dma_wait3A_38 = arith.constant 0 : i32
        %dma_wait3A_39 = tpu.memref_slice %arg8[%dma_wait3A_37, %dma_wait3A_38] : memref<116x128xi32, #tpu.memory_space<vmem>> -> memref<44x128xi32, #tpu.memory_space<vmem>>
        %dma_wait3A_40 = arith.constant 116 : i32
        %dma_wait3A_41 = arith.constant 0 : i32
        %dma_wait3A_42 = tpu.memref_slice %arg3[%arg1, %dma_wait3A_40, %dma_wait3A_41] : memref<16x160x128xi32, #tpu.memory_space<hbm>> -> memref<1x44x128xi32, #tpu.memory_space<hbm>>
        %dma_wait3A_43 = tpu.memref_squeeze %dma_wait3A_42 : memref<1x44x128xi32, #tpu.memory_space<hbm>> -> memref<44x128xi32, #tpu.memory_space<hbm>>
        tpu.wait_dma2 semaphore(%run_scoped3A : memref<!tpu.dma_semaphore, #tpu.memory_space<semaphore_mem>>) src(%dma_wait3A_43 : memref<44x128xi32, #tpu.memory_space<hbm>>) dst(%dma_wait3A_39 : memref<44x128xi32, #tpu.memory_space<vmem>>)
        tpu.yield
      }) : () -> ()
      %scan3A = arith.constant 0 : i32
      %scan3A_13 = arith.constant 0 : i32
      %scan3A_14 = arith.constant 11 : i32
      %scan3A_15 = arith.addi %scan3A_13, %scan3A_14 : i32
      %scan3A_16 = arith.constant 1 : i32
      scf.for %scan3A_18 = %scan3A_13 to %scan3A_15 step %scan3A_16  : i32 {
        %mul3A_19 = arith.constant 4 : i32
        %mul3A_20 = arith.muli %scan3A_18, %mul3A_19 : i32
        %add3A = arith.constant 0 : i32
        %add3A_21 = arith.addi %mul3A_20, %add3A : i32
        %dma_start3A = arith.constant 0 : i32
        %dma_start3A_22 = arith.constant 0 : i32
        %dma_start3A_23 = arith.constant 0 : i32
        %dma_start3A_24 = tpu.memref_slice %arg9[%dma_start3A, %dma_start3A_22, %dma_start3A_23] : memref<4x128x64xf32, #tpu.memory_space<vmem>> -> memref<1x128x64xf32, #tpu.memory_space<vmem>>
        %dma_start3A_25 = tpu.memref_squeeze %dma_start3A_24 : memref<1x128x64xf32, #tpu.memory_space<vmem>> -> memref<128x64xf32, #tpu.memory_space<vmem>>
        %dma_start3A_26 = arith.constant 0 : i32
        %dma_start3A_27 = tpu.memref_slice %arg7[%add3A_21, %dma_start3A_26] : memref<116x128xi32, #tpu.memory_space<vmem>> -> memref<1x128xi32, #tpu.memory_space<vmem>>
        %dma_start3A_28 = tpu.memref_squeeze %dma_start3A_27 : memref<1x128xi32, #tpu.memory_space<vmem>> -> memref<128xi32, #tpu.memory_space<vmem>>
        %dma_start3A_29 = arith.constant 0 : i32
        %dma_start3A_30 = arith.constant 0 : i32
        %dma_start3A_31 = tpu.memref_slice %arg4[%dma_start3A_29, %dma_start3A_30] : memref<10000x64xf32, #tpu.memory_space<hbm>> -> memref<10000x64xf32, #tpu.memory_space<hbm>>
        tpu.enqueue_indirect_dma source(%dma_start3A_31 : memref<10000x64xf32, #tpu.memory_space<hbm>>) target(%dma_start3A_25 : memref<128x64xf32, #tpu.memory_space<vmem>>) offsets(%dma_start3A_28 : memref<128xi32, #tpu.memory_space<vmem>>) semaphore(%arg11 : memref<!tpu.dma_semaphore, #tpu.memory_space<semaphore_mem>>)
        %mul3A_32 = arith.constant 4 : i32
        %mul3A_33 = arith.muli %scan3A_18, %mul3A_32 : i32
        %add3A_34 = arith.constant 1 : i32
        %add3A_35 = arith.addi %mul3A_33, %add3A_34 : i32
        %dma_start3A_36 = arith.constant 1 : i32
        %dma_start3A_37 = arith.constant 0 : i32
        %dma_start3A_38 = arith.constant 0 : i32
        %dma_start3A_39 = tpu.memref_slice %arg9[%dma_start3A_36, %dma_start3A_37, %dma_start3A_38] : memref<4x128x64xf32, #tpu.memory_space<vmem>> -> memref<1x128x64xf32, #tpu.memory_space<vmem>>
        %dma_start3A_40 = tpu.memref_squeeze %dma_start3A_39 : memref<1x128x64xf32, #tpu.memory_space<vmem>> -> memref<128x64xf32, #tpu.memory_space<vmem>>
        %dma_start3A_41 = arith.constant 0 : i32
        %dma_start3A_42 = tpu.memref_slice %arg7[%add3A_35, %dma_start3A_41] : memref<116x128xi32, #tpu.memory_space<vmem>> -> memref<1x128xi32, #tpu.memory_space<vmem>>
        %dma_start3A_43 = tpu.memref_squeeze %dma_start3A_42 : memref<1x128xi32, #tpu.memory_space<vmem>> -> memref<128xi32, #tpu.memory_space<vmem>>
        %dma_start3A_44 = arith.constant 0 : i32
        %dma_start3A_45 = arith.constant 0 : i32
        %dma_start3A_46 = tpu.memref_slice %arg4[%dma_start3A_44, %dma_start3A_45] : memref<10000x64xf32, #tpu.memory_space<hbm>> -> memref<10000x64xf32, #tpu.memory_space<hbm>>
        tpu.enqueue_indirect_dma source(%dma_start3A_46 : memref<10000x64xf32, #tpu.memory_space<hbm>>) target(%dma_start3A_40 : memref<128x64xf32, #tpu.memory_space<vmem>>) offsets(%dma_start3A_43 : memref<128xi32, #tpu.memory_space<vmem>>) semaphore(%arg11 : memref<!tpu.dma_semaphore, #tpu.memory_space<semaphore_mem>>)
        %mul3A_47 = arith.constant 4 : i32
        %mul3A_48 = arith.muli %scan3A_18, %mul3A_47 : i32
        %add3A_49 = arith.constant 2 : i32
        %add3A_50 = arith.addi %mul3A_48, %add3A_49 : i32
        %dma_start3A_51 = arith.constant 2 : i32
        %dma_start3A_52 = arith.constant 0 : i32
        %dma_start3A_53 = arith.constant 0 : i32
        %dma_start3A_54 = tpu.memref_slice %arg9[%dma_start3A_51, %dma_start3A_52, %dma_start3A_53] : memref<4x128x64xf32, #tpu.memory_space<vmem>> -> memref<1x128x64xf32, #tpu.memory_space<vmem>>
        %dma_start3A_55 = tpu.memref_squeeze %dma_start3A_54 : memref<1x128x64xf32, #tpu.memory_space<vmem>> -> memref<128x64xf32, #tpu.memory_space<vmem>>
        %dma_start3A_56 = arith.constant 0 : i32
        %dma_start3A_57 = tpu.memref_slice %arg7[%add3A_50, %dma_start3A_56] : memref<116x128xi32, #tpu.memory_space<vmem>> -> memref<1x128xi32, #tpu.memory_space<vmem>>
        %dma_start3A_58 = tpu.memref_squeeze %dma_start3A_57 : memref<1x128xi32, #tpu.memory_space<vmem>> -> memref<128xi32, #tpu.memory_space<vmem>>
        %dma_start3A_59 = arith.constant 0 : i32
        %dma_start3A_60 = arith.constant 0 : i32
        %dma_start3A_61 = tpu.memref_slice %arg4[%dma_start3A_59, %dma_start3A_60] : memref<10000x64xf32, #tpu.memory_space<hbm>> -> memref<10000x64xf32, #tpu.memory_space<hbm>>
        tpu.enqueue_indirect_dma source(%dma_start3A_61 : memref<10000x64xf32, #tpu.memory_space<hbm>>) target(%dma_start3A_55 : memref<128x64xf32, #tpu.memory_space<vmem>>) offsets(%dma_start3A_58 : memref<128xi32, #tpu.memory_space<vmem>>) semaphore(%arg11 : memref<!tpu.dma_semaphore, #tpu.memory_space<semaphore_mem>>)
        %mul3A_62 = arith.constant 4 : i32
        %mul3A_63 = arith.muli %scan3A_18, %mul3A_62 : i32
        %add3A_64 = arith.constant 3 : i32
        %add3A_65 = arith.addi %mul3A_63, %add3A_64 : i32
        %dma_start3A_66 = arith.constant 3 : i32
        %dma_start3A_67 = arith.constant 0 : i32
        %dma_start3A_68 = arith.constant 0 : i32
        %dma_start3A_69 = tpu.memref_slice %arg9[%dma_start3A_66, %dma_start3A_67, %dma_start3A_68] : memref<4x128x64xf32, #tpu.memory_space<vmem>> -> memref<1x128x64xf32, #tpu.memory_space<vmem>>
        %dma_start3A_70 = tpu.memref_squeeze %dma_start3A_69 : memref<1x128x64xf32, #tpu.memory_space<vmem>> -> memref<128x64xf32, #tpu.memory_space<vmem>>
        %dma_start3A_71 = arith.constant 0 : i32
        %dma_start3A_72 = tpu.memref_slice %arg7[%add3A_65, %dma_start3A_71] : memref<116x128xi32, #tpu.memory_space<vmem>> -> memref<1x128xi32, #tpu.memory_space<vmem>>
        %dma_start3A_73 = tpu.memref_squeeze %dma_start3A_72 : memref<1x128xi32, #tpu.memory_space<vmem>> -> memref<128xi32, #tpu.memory_space<vmem>>
        %dma_start3A_74 = arith.constant 0 : i32
        %dma_start3A_75 = arith.constant 0 : i32
        %dma_start3A_76 = tpu.memref_slice %arg4[%dma_start3A_74, %dma_start3A_75] : memref<10000x64xf32, #tpu.memory_space<hbm>> -> memref<10000x64xf32, #tpu.memory_space<hbm>>
        tpu.enqueue_indirect_dma source(%dma_start3A_76 : memref<10000x64xf32, #tpu.memory_space<hbm>>) target(%dma_start3A_70 : memref<128x64xf32, #tpu.memory_space<vmem>>) offsets(%dma_start3A_73 : memref<128xi32, #tpu.memory_space<vmem>>) semaphore(%arg11 : memref<!tpu.dma_semaphore, #tpu.memory_space<semaphore_mem>>)
        %dma_wait3A = arith.constant 0 : i32
        %dma_wait3A_77 = arith.constant 0 : i32
        %dma_wait3A_78 = arith.constant 0 : i32
        %dma_wait3A_79 = tpu.memref_slice %arg9[%dma_wait3A, %dma_wait3A_77, %dma_wait3A_78] : memref<4x128x64xf32, #tpu.memory_space<vmem>> -> memref<1x128x64xf32, #tpu.memory_space<vmem>>
        %dma_wait3A_80 = tpu.memref_squeeze %dma_wait3A_79 : memref<1x128x64xf32, #tpu.memory_space<vmem>> -> memref<128x64xf32, #tpu.memory_space<vmem>>
        %dma_wait3A_81 = arith.constant 0 : i32
        %dma_wait3A_82 = arith.constant 0 : i32
        %dma_wait3A_83 = tpu.memref_slice %arg4[%dma_wait3A_81, %dma_wait3A_82] : memref<10000x64xf32, #tpu.memory_space<hbm>> -> memref<128x64xf32, #tpu.memory_space<hbm>>
        %dma_wait3A_84 = arith.constant 0 : i32
        %dma_wait3A_85 = arith.constant 0 : i32
        %dma_wait3A_86 = tpu.memref_slice %arg9[%dma_wait3A, %dma_wait3A_84, %dma_wait3A_85] : memref<4x128x64xf32, #tpu.memory_space<vmem>> -> memref<1x128x64xf32, #tpu.memory_space<vmem>>
        %dma_wait3A_87 = tpu.memref_squeeze %dma_wait3A_86 : memref<1x128x64xf32, #tpu.memory_space<vmem>> -> memref<128x64xf32, #tpu.memory_space<vmem>>
        %dma_wait3A_88 = arith.constant 0 : i32
        %dma_wait3A_89 = arith.constant 0 : i32
        %dma_wait3A_90 = tpu.memref_slice %arg4[%dma_wait3A_88, %dma_wait3A_89] : memref<10000x64xf32, #tpu.memory_space<hbm>> -> memref<128x64xf32, #tpu.memory_space<hbm>>
        tpu.wait_dma2 semaphore(%arg11 : memref<!tpu.dma_semaphore, #tpu.memory_space<semaphore_mem>>) src(%dma_wait3A_90 : memref<128x64xf32, #tpu.memory_space<hbm>>) dst(%dma_wait3A_87 : memref<128x64xf32, #tpu.memory_space<vmem>>)
        %dma_wait3A_91 = arith.constant 1 : i32
        %dma_wait3A_92 = arith.constant 0 : i32
        %dma_wait3A_93 = arith.constant 0 : i32
        %dma_wait3A_94 = tpu.memref_slice %arg9[%dma_wait3A_91, %dma_wait3A_92, %dma_wait3A_93] : memref<4x128x64xf32, #tpu.memory_space<vmem>> -> memref<1x128x64xf32, #tpu.memory_space<vmem>>
        %dma_wait3A_95 = tpu.memref_squeeze %dma_wait3A_94 : memref<1x128x64xf32, #tpu.memory_space<vmem>> -> memref<128x64xf32, #tpu.memory_space<vmem>>
        %dma_wait3A_96 = arith.constant 0 : i32
        %dma_wait3A_97 = arith.constant 0 : i32
        %dma_wait3A_98 = tpu.memref_slice %arg4[%dma_wait3A_96, %dma_wait3A_97] : memref<10000x64xf32, #tpu.memory_space<hbm>> -> memref<128x64xf32, #tpu.memory_space<hbm>>
        %dma_wait3A_99 = arith.constant 0 : i32
        %dma_wait3A_100 = arith.constant 0 : i32
        %dma_wait3A_101 = tpu.memref_slice %arg9[%dma_wait3A_91, %dma_wait3A_99, %dma_wait3A_100] : memref<4x128x64xf32, #tpu.memory_space<vmem>> -> memref<1x128x64xf32, #tpu.memory_space<vmem>>
        %dma_wait3A_102 = tpu.memref_squeeze %dma_wait3A_101 : memref<1x128x64xf32, #tpu.memory_space<vmem>> -> memref<128x64xf32, #tpu.memory_space<vmem>>
        %dma_wait3A_103 = arith.constant 0 : i32
        %dma_wait3A_104 = arith.constant 0 : i32
        %dma_wait3A_105 = tpu.memref_slice %arg4[%dma_wait3A_103, %dma_wait3A_104] : memref<10000x64xf32, #tpu.memory_space<hbm>> -> memref<128x64xf32, #tpu.memory_space<hbm>>
        tpu.wait_dma2 semaphore(%arg11 : memref<!tpu.dma_semaphore, #tpu.memory_space<semaphore_mem>>) src(%dma_wait3A_105 : memref<128x64xf32, #tpu.memory_space<hbm>>) dst(%dma_wait3A_102 : memref<128x64xf32, #tpu.memory_space<vmem>>)
        %dma_wait3A_106 = arith.constant 2 : i32
        %dma_wait3A_107 = arith.constant 0 : i32
        %dma_wait3A_108 = arith.constant 0 : i32
        %dma_wait3A_109 = tpu.memref_slice %arg9[%dma_wait3A_106, %dma_wait3A_107, %dma_wait3A_108] : memref<4x128x64xf32, #tpu.memory_space<vmem>> -> memref<1x128x64xf32, #tpu.memory_space<vmem>>
        %dma_wait3A_110 = tpu.memref_squeeze %dma_wait3A_109 : memref<1x128x64xf32, #tpu.memory_space<vmem>> -> memref<128x64xf32, #tpu.memory_space<vmem>>
        %dma_wait3A_111 = arith.constant 0 : i32
        %dma_wait3A_112 = arith.constant 0 : i32
        %dma_wait3A_113 = tpu.memref_slice %arg4[%dma_wait3A_111, %dma_wait3A_112] : memref<10000x64xf32, #tpu.memory_space<hbm>> -> memref<128x64xf32, #tpu.memory_space<hbm>>
        %dma_wait3A_114 = arith.constant 0 : i32
        %dma_wait3A_115 = arith.constant 0 : i32
        %dma_wait3A_116 = tpu.memref_slice %arg9[%dma_wait3A_106, %dma_wait3A_114, %dma_wait3A_115] : memref<4x128x64xf32, #tpu.memory_space<vmem>> -> memref<1x128x64xf32, #tpu.memory_space<vmem>>
        %dma_wait3A_117 = tpu.memref_squeeze %dma_wait3A_116 : memref<1x128x64xf32, #tpu.memory_space<vmem>> -> memref<128x64xf32, #tpu.memory_space<vmem>>
        %dma_wait3A_118 = arith.constant 0 : i32
        %dma_wait3A_119 = arith.constant 0 : i32
        %dma_wait3A_120 = tpu.memref_slice %arg4[%dma_wait3A_118, %dma_wait3A_119] : memref<10000x64xf32, #tpu.memory_space<hbm>> -> memref<128x64xf32, #tpu.memory_space<hbm>>
        tpu.wait_dma2 semaphore(%arg11 : memref<!tpu.dma_semaphore, #tpu.memory_space<semaphore_mem>>) src(%dma_wait3A_120 : memref<128x64xf32, #tpu.memory_space<hbm>>) dst(%dma_wait3A_117 : memref<128x64xf32, #tpu.memory_space<vmem>>)
        %dma_wait3A_121 = arith.constant 3 : i32
        %dma_wait3A_122 = arith.constant 0 : i32
        %dma_wait3A_123 = arith.constant 0 : i32
        %dma_wait3A_124 = tpu.memref_slice %arg9[%dma_wait3A_121, %dma_wait3A_122, %dma_wait3A_123] : memref<4x128x64xf32, #tpu.memory_space<vmem>> -> memref<1x128x64xf32, #tpu.memory_space<vmem>>
        %dma_wait3A_125 = tpu.memref_squeeze %dma_wait3A_124 : memref<1x128x64xf32, #tpu.memory_space<vmem>> -> memref<128x64xf32, #tpu.memory_space<vmem>>
        %dma_wait3A_126 = arith.constant 0 : i32
        %dma_wait3A_127 = arith.constant 0 : i32
        %dma_wait3A_128 = tpu.memref_slice %arg4[%dma_wait3A_126, %dma_wait3A_127] : memref<10000x64xf32, #tpu.memory_space<hbm>> -> memref<128x64xf32, #tpu.memory_space<hbm>>
        %dma_wait3A_129 = arith.constant 0 : i32
        %dma_wait3A_130 = arith.constant 0 : i32
        %dma_wait3A_131 = tpu.memref_slice %arg9[%dma_wait3A_121, %dma_wait3A_129, %dma_wait3A_130] : memref<4x128x64xf32, #tpu.memory_space<vmem>> -> memref<1x128x64xf32, #tpu.memory_space<vmem>>
        %dma_wait3A_132 = tpu.memref_squeeze %dma_wait3A_131 : memref<1x128x64xf32, #tpu.memory_space<vmem>> -> memref<128x64xf32, #tpu.memory_space<vmem>>
        %dma_wait3A_133 = arith.constant 0 : i32
        %dma_wait3A_134 = arith.constant 0 : i32
        %dma_wait3A_135 = tpu.memref_slice %arg4[%dma_wait3A_133, %dma_wait3A_134] : memref<10000x64xf32, #tpu.memory_space<hbm>> -> memref<128x64xf32, #tpu.memory_space<hbm>>
        tpu.wait_dma2 semaphore(%arg11 : memref<!tpu.dma_semaphore, #tpu.memory_space<semaphore_mem>>) src(%dma_wait3A_135 : memref<128x64xf32, #tpu.memory_space<hbm>>) dst(%dma_wait3A_132 : memref<128x64xf32, #tpu.memory_space<vmem>>)
        %mul3A_136 = arith.constant 4 : i32
        %mul3A_137 = arith.muli %scan3A_18, %mul3A_136 : i32
        %add3A_138 = arith.constant 0 : i32
        %add3A_139 = arith.addi %mul3A_137, %add3A_138 : i32
        %dma_start3A_140 = arith.constant 0 : i32
        %dma_start3A_141 = arith.constant 0 : i32
        %dma_start3A_142 = arith.constant 0 : i32
        %dma_start3A_143 = tpu.memref_slice %arg9[%dma_start3A_140, %dma_start3A_141, %dma_start3A_142] : memref<4x128x64xf32, #tpu.memory_space<vmem>> -> memref<1x128x64xf32, #tpu.memory_space<vmem>>
        %dma_start3A_144 = tpu.memref_squeeze %dma_start3A_143 : memref<1x128x64xf32, #tpu.memory_space<vmem>> -> memref<128x64xf32, #tpu.memory_space<vmem>>
        %dma_start3A_145 = arith.constant 0 : i32
        %dma_start3A_146 = tpu.memref_slice %arg8[%add3A_139, %dma_start3A_145] : memref<116x128xi32, #tpu.memory_space<vmem>> -> memref<1x128xi32, #tpu.memory_space<vmem>>
        %dma_start3A_147 = tpu.memref_squeeze %dma_start3A_146 : memref<1x128xi32, #tpu.memory_space<vmem>> -> memref<128xi32, #tpu.memory_space<vmem>>
        %dma_start3A_148 = arith.constant 0 : i32
        %dma_start3A_149 = arith.constant 0 : i32
        %dma_start3A_150 = tpu.memref_slice %arg10[%dma_start3A_148, %dma_start3A_149] : memref<10240x64xf32, #tpu.memory_space<vmem_shared>> -> memref<10240x64xf32, #tpu.memory_space<vmem_shared>>
        tpu.enqueue_indirect_dma source(%dma_start3A_144 : memref<128x64xf32, #tpu.memory_space<vmem>>) target(%dma_start3A_150 : memref<10240x64xf32, #tpu.memory_space<vmem_shared>>) offsets(%dma_start3A_147 : memref<128xi32, #tpu.memory_space<vmem>>) semaphore(%arg12 : memref<!tpu.dma_semaphore, #tpu.memory_space<semaphore_mem>>) {add = true}
        %mul3A_151 = arith.constant 4 : i32
        %mul3A_152 = arith.muli %scan3A_18, %mul3A_151 : i32
        %add3A_153 = arith.constant 1 : i32
        %add3A_154 = arith.addi %mul3A_152, %add3A_153 : i32
        %dma_start3A_155 = arith.constant 1 : i32
        %dma_start3A_156 = arith.constant 0 : i32
        %dma_start3A_157 = arith.constant 0 : i32
        %dma_start3A_158 = tpu.memref_slice %arg9[%dma_start3A_155, %dma_start3A_156, %dma_start3A_157] : memref<4x128x64xf32, #tpu.memory_space<vmem>> -> memref<1x128x64xf32, #tpu.memory_space<vmem>>
        %dma_start3A_159 = tpu.memref_squeeze %dma_start3A_158 : memref<1x128x64xf32, #tpu.memory_space<vmem>> -> memref<128x64xf32, #tpu.memory_space<vmem>>
        %dma_start3A_160 = arith.constant 0 : i32
        %dma_start3A_161 = tpu.memref_slice %arg8[%add3A_154, %dma_start3A_160] : memref<116x128xi32, #tpu.memory_space<vmem>> -> memref<1x128xi32, #tpu.memory_space<vmem>>
        %dma_start3A_162 = tpu.memref_squeeze %dma_start3A_161 : memref<1x128xi32, #tpu.memory_space<vmem>> -> memref<128xi32, #tpu.memory_space<vmem>>
        %dma_start3A_163 = arith.constant 0 : i32
        %dma_start3A_164 = arith.constant 0 : i32
        %dma_start3A_165 = tpu.memref_slice %arg10[%dma_start3A_163, %dma_start3A_164] : memref<10240x64xf32, #tpu.memory_space<vmem_shared>> -> memref<10240x64xf32, #tpu.memory_space<vmem_shared>>
        tpu.enqueue_indirect_dma source(%dma_start3A_159 : memref<128x64xf32, #tpu.memory_space<vmem>>) target(%dma_start3A_165 : memref<10240x64xf32, #tpu.memory_space<vmem_shared>>) offsets(%dma_start3A_162 : memref<128xi32, #tpu.memory_space<vmem>>) semaphore(%arg12 : memref<!tpu.dma_semaphore, #tpu.memory_space<semaphore_mem>>) {add = true}
        %mul3A_166 = arith.constant 4 : i32
        %mul3A_167 = arith.muli %scan3A_18, %mul3A_166 : i32
        %add3A_168 = arith.constant 2 : i32
        %add3A_169 = arith.addi %mul3A_167, %add3A_168 : i32
        %dma_start3A_170 = arith.constant 2 : i32
        %dma_start3A_171 = arith.constant 0 : i32
        %dma_start3A_172 = arith.constant 0 : i32
        %dma_start3A_173 = tpu.memref_slice %arg9[%dma_start3A_170, %dma_start3A_171, %dma_start3A_172] : memref<4x128x64xf32, #tpu.memory_space<vmem>> -> memref<1x128x64xf32, #tpu.memory_space<vmem>>
        %dma_start3A_174 = tpu.memref_squeeze %dma_start3A_173 : memref<1x128x64xf32, #tpu.memory_space<vmem>> -> memref<128x64xf32, #tpu.memory_space<vmem>>
        %dma_start3A_175 = arith.constant 0 : i32
        %dma_start3A_176 = tpu.memref_slice %arg8[%add3A_169, %dma_start3A_175] : memref<116x128xi32, #tpu.memory_space<vmem>> -> memref<1x128xi32, #tpu.memory_space<vmem>>
        %dma_start3A_177 = tpu.memref_squeeze %dma_start3A_176 : memref<1x128xi32, #tpu.memory_space<vmem>> -> memref<128xi32, #tpu.memory_space<vmem>>
        %dma_start3A_178 = arith.constant 0 : i32
        %dma_start3A_179 = arith.constant 0 : i32
        %dma_start3A_180 = tpu.memref_slice %arg10[%dma_start3A_178, %dma_start3A_179] : memref<10240x64xf32, #tpu.memory_space<vmem_shared>> -> memref<10240x64xf32, #tpu.memory_space<vmem_shared>>
        tpu.enqueue_indirect_dma source(%dma_start3A_174 : memref<128x64xf32, #tpu.memory_space<vmem>>) target(%dma_start3A_180 : memref<10240x64xf32, #tpu.memory_space<vmem_shared>>) offsets(%dma_start3A_177 : memref<128xi32, #tpu.memory_space<vmem>>) semaphore(%arg12 : memref<!tpu.dma_semaphore, #tpu.memory_space<semaphore_mem>>) {add = true}
        %mul3A_181 = arith.constant 4 : i32
        %mul3A_182 = arith.muli %scan3A_18, %mul3A_181 : i32
        %add3A_183 = arith.constant 3 : i32
        %add3A_184 = arith.addi %mul3A_182, %add3A_183 : i32
        %dma_start3A_185 = arith.constant 3 : i32
        %dma_start3A_186 = arith.constant 0 : i32
        %dma_start3A_187 = arith.constant 0 : i32
        %dma_start3A_188 = tpu.memref_slice %arg9[%dma_start3A_185, %dma_start3A_186, %dma_start3A_187] : memref<4x128x64xf32, #tpu.memory_space<vmem>> -> memref<1x128x64xf32, #tpu.memory_space<vmem>>
        %dma_start3A_189 = tpu.memref_squeeze %dma_start3A_188 : memref<1x128x64xf32, #tpu.memory_space<vmem>> -> memref<128x64xf32, #tpu.memory_space<vmem>>
        %dma_start3A_190 = arith.constant 0 : i32
        %dma_start3A_191 = tpu.memref_slice %arg8[%add3A_184, %dma_start3A_190] : memref<116x128xi32, #tpu.memory_space<vmem>> -> memref<1x128xi32, #tpu.memory_space<vmem>>
        %dma_start3A_192 = tpu.memref_squeeze %dma_start3A_191 : memref<1x128xi32, #tpu.memory_space<vmem>> -> memref<128xi32, #tpu.memory_space<vmem>>
        %dma_start3A_193 = arith.constant 0 : i32
        %dma_start3A_194 = arith.constant 0 : i32
        %dma_start3A_195 = tpu.memref_slice %arg10[%dma_start3A_193, %dma_start3A_194] : memref<10240x64xf32, #tpu.memory_space<vmem_shared>> -> memref<10240x64xf32, #tpu.memory_space<vmem_shared>>
        tpu.enqueue_indirect_dma source(%dma_start3A_189 : memref<128x64xf32, #tpu.memory_space<vmem>>) target(%dma_start3A_195 : memref<10240x64xf32, #tpu.memory_space<vmem_shared>>) offsets(%dma_start3A_192 : memref<128xi32, #tpu.memory_space<vmem>>) semaphore(%arg12 : memref<!tpu.dma_semaphore, #tpu.memory_space<semaphore_mem>>) {add = true}
        %dma_wait3A_196 = arith.constant 0 : i32
        %dma_wait3A_197 = arith.constant 0 : i32
        %dma_wait3A_198 = arith.constant 0 : i32
        %dma_wait3A_199 = tpu.memref_slice %arg9[%dma_wait3A_196, %dma_wait3A_197, %dma_wait3A_198] : memref<4x128x64xf32, #tpu.memory_space<vmem>> -> memref<1x128x64xf32, #tpu.memory_space<vmem>>
        %dma_wait3A_200 = tpu.memref_squeeze %dma_wait3A_199 : memref<1x128x64xf32, #tpu.memory_space<vmem>> -> memref<128x64xf32, #tpu.memory_space<vmem>>
        %dma_wait3A_201 = arith.constant 0 : i32
        %dma_wait3A_202 = arith.constant 0 : i32
        %dma_wait3A_203 = tpu.memref_slice %arg10[%dma_wait3A_201, %dma_wait3A_202] : memref<10240x64xf32, #tpu.memory_space<vmem_shared>> -> memref<128x64xf32, #tpu.memory_space<vmem_shared>>
        %dma_wait3A_204 = arith.constant 0 : i32
        %dma_wait3A_205 = arith.constant 0 : i32
        %dma_wait3A_206 = tpu.memref_slice %arg10[%dma_wait3A_204, %dma_wait3A_205] : memref<10240x64xf32, #tpu.memory_space<vmem_shared>> -> memref<128x64xf32, #tpu.memory_space<vmem_shared>>
        %dma_wait3A_207 = arith.constant 0 : i32
        %dma_wait3A_208 = arith.constant 0 : i32
        %dma_wait3A_209 = tpu.memref_slice %arg9[%dma_wait3A_196, %dma_wait3A_207, %dma_wait3A_208] : memref<4x128x64xf32, #tpu.memory_space<vmem>> -> memref<1x128x64xf32, #tpu.memory_space<vmem>>
        %dma_wait3A_210 = tpu.memref_squeeze %dma_wait3A_209 : memref<1x128x64xf32, #tpu.memory_space<vmem>> -> memref<128x64xf32, #tpu.memory_space<vmem>>
        tpu.wait_dma2 semaphore(%arg12 : memref<!tpu.dma_semaphore, #tpu.memory_space<semaphore_mem>>) src(%dma_wait3A_210 : memref<128x64xf32, #tpu.memory_space<vmem>>) dst(%dma_wait3A_206 : memref<128x64xf32, #tpu.memory_space<vmem_shared>>)
        %dma_wait3A_211 = arith.constant 1 : i32
        %dma_wait3A_212 = arith.constant 0 : i32
        %dma_wait3A_213 = arith.constant 0 : i32
        %dma_wait3A_214 = tpu.memref_slice %arg9[%dma_wait3A_211, %dma_wait3A_212, %dma_wait3A_213] : memref<4x128x64xf32, #tpu.memory_space<vmem>> -> memref<1x128x64xf32, #tpu.memory_space<vmem>>
        %dma_wait3A_215 = tpu.memref_squeeze %dma_wait3A_214 : memref<1x128x64xf32, #tpu.memory_space<vmem>> -> memref<128x64xf32, #tpu.memory_space<vmem>>
        %dma_wait3A_216 = arith.constant 0 : i32
        %dma_wait3A_217 = arith.constant 0 : i32
        %dma_wait3A_218 = tpu.memref_slice %arg10[%dma_wait3A_216, %dma_wait3A_217] : memref<10240x64xf32, #tpu.memory_space<vmem_shared>> -> memref<128x64xf32, #tpu.memory_space<vmem_shared>>
        %dma_wait3A_219 = arith.constant 0 : i32
        %dma_wait3A_220 = arith.constant 0 : i32
        %dma_wait3A_221 = tpu.memref_slice %arg10[%dma_wait3A_219, %dma_wait3A_220] : memref<10240x64xf32, #tpu.memory_space<vmem_shared>> -> memref<128x64xf32, #tpu.memory_space<vmem_shared>>
        %dma_wait3A_222 = arith.constant 0 : i32
        %dma_wait3A_223 = arith.constant 0 : i32
        %dma_wait3A_224 = tpu.memref_slice %arg9[%dma_wait3A_211, %dma_wait3A_222, %dma_wait3A_223] : memref<4x128x64xf32, #tpu.memory_space<vmem>> -> memref<1x128x64xf32, #tpu.memory_space<vmem>>
        %dma_wait3A_225 = tpu.memref_squeeze %dma_wait3A_224 : memref<1x128x64xf32, #tpu.memory_space<vmem>> -> memref<128x64xf32, #tpu.memory_space<vmem>>
        tpu.wait_dma2 semaphore(%arg12 : memref<!tpu.dma_semaphore, #tpu.memory_space<semaphore_mem>>) src(%dma_wait3A_225 : memref<128x64xf32, #tpu.memory_space<vmem>>) dst(%dma_wait3A_221 : memref<128x64xf32, #tpu.memory_space<vmem_shared>>)
        %dma_wait3A_226 = arith.constant 2 : i32
        %dma_wait3A_227 = arith.constant 0 : i32
        %dma_wait3A_228 = arith.constant 0 : i32
        %dma_wait3A_229 = tpu.memref_slice %arg9[%dma_wait3A_226, %dma_wait3A_227, %dma_wait3A_228] : memref<4x128x64xf32, #tpu.memory_space<vmem>> -> memref<1x128x64xf32, #tpu.memory_space<vmem>>
        %dma_wait3A_230 = tpu.memref_squeeze %dma_wait3A_229 : memref<1x128x64xf32, #tpu.memory_space<vmem>> -> memref<128x64xf32, #tpu.memory_space<vmem>>
        %dma_wait3A_231 = arith.constant 0 : i32
        %dma_wait3A_232 = arith.constant 0 : i32
        %dma_wait3A_233 = tpu.memref_slice %arg10[%dma_wait3A_231, %dma_wait3A_232] : memref<10240x64xf32, #tpu.memory_space<vmem_shared>> -> memref<128x64xf32, #tpu.memory_space<vmem_shared>>
        %dma_wait3A_234 = arith.constant 0 : i32
        %dma_wait3A_235 = arith.constant 0 : i32
        %dma_wait3A_236 = tpu.memref_slice %arg10[%dma_wait3A_234, %dma_wait3A_235] : memref<10240x64xf32, #tpu.memory_space<vmem_shared>> -> memref<128x64xf32, #tpu.memory_space<vmem_shared>>
        %dma_wait3A_237 = arith.constant 0 : i32
        %dma_wait3A_238 = arith.constant 0 : i32
        %dma_wait3A_239 = tpu.memref_slice %arg9[%dma_wait3A_226, %dma_wait3A_237, %dma_wait3A_238] : memref<4x128x64xf32, #tpu.memory_space<vmem>> -> memref<1x128x64xf32, #tpu.memory_space<vmem>>
        %dma_wait3A_240 = tpu.memref_squeeze %dma_wait3A_239 : memref<1x128x64xf32, #tpu.memory_space<vmem>> -> memref<128x64xf32, #tpu.memory_space<vmem>>
        tpu.wait_dma2 semaphore(%arg12 : memref<!tpu.dma_semaphore, #tpu.memory_space<semaphore_mem>>) src(%dma_wait3A_240 : memref<128x64xf32, #tpu.memory_space<vmem>>) dst(%dma_wait3A_236 : memref<128x64xf32, #tpu.memory_space<vmem_shared>>)
        %dma_wait3A_241 = arith.constant 3 : i32
        %dma_wait3A_242 = arith.constant 0 : i32
        %dma_wait3A_243 = arith.constant 0 : i32
        %dma_wait3A_244 = tpu.memref_slice %arg9[%dma_wait3A_241, %dma_wait3A_242, %dma_wait3A_243] : memref<4x128x64xf32, #tpu.memory_space<vmem>> -> memref<1x128x64xf32, #tpu.memory_space<vmem>>
        %dma_wait3A_245 = tpu.memref_squeeze %dma_wait3A_244 : memref<1x128x64xf32, #tpu.memory_space<vmem>> -> memref<128x64xf32, #tpu.memory_space<vmem>>
        %dma_wait3A_246 = arith.constant 0 : i32
        %dma_wait3A_247 = arith.constant 0 : i32
        %dma_wait3A_248 = tpu.memref_slice %arg10[%dma_wait3A_246, %dma_wait3A_247] : memref<10240x64xf32, #tpu.memory_space<vmem_shared>> -> memref<128x64xf32, #tpu.memory_space<vmem_shared>>
        %dma_wait3A_249 = arith.constant 0 : i32
        %dma_wait3A_250 = arith.constant 0 : i32
        %dma_wait3A_251 = tpu.memref_slice %arg10[%dma_wait3A_249, %dma_wait3A_250] : memref<10240x64xf32, #tpu.memory_space<vmem_shared>> -> memref<128x64xf32, #tpu.memory_space<vmem_shared>>
        %dma_wait3A_252 = arith.constant 0 : i32
        %dma_wait3A_253 = arith.constant 0 : i32
        %dma_wait3A_254 = tpu.memref_slice %arg9[%dma_wait3A_241, %dma_wait3A_252, %dma_wait3A_253] : memref<4x128x64xf32, #tpu.memory_space<vmem>> -> memref<1x128x64xf32, #tpu.memory_space<vmem>>
        %dma_wait3A_255 = tpu.memref_squeeze %dma_wait3A_254 : memref<1x128x64xf32, #tpu.memory_space<vmem>> -> memref<128x64xf32, #tpu.memory_space<vmem>>
        tpu.wait_dma2 semaphore(%arg12 : memref<!tpu.dma_semaphore, #tpu.memory_space<semaphore_mem>>) src(%dma_wait3A_255 : memref<128x64xf32, #tpu.memory_space<vmem>>) dst(%dma_wait3A_251 : memref<128x64xf32, #tpu.memory_space<vmem_shared>>)
      }
      %scan3A_17 = arith.constant 11 : i32
    } else {
    }
    %barrier3A_8 = arith.constant 0 : index
    tpu.barrier barrier_id(%barrier3A_8)
    %mul3A_9 = arith.constant 640 : i32
    %mul3A_10 = arith.muli %arg1, %mul3A_9 : i32
    %mul3A_11 = arith.constant 640 : i32
    %mul3A_12 = arith.muli %arg1, %mul3A_11 : i32
    "tpu.region"() ({
      %run_scoped3A = tpu.sem_alloc : memref<!tpu.dma_semaphore, #tpu.memory_space<semaphore_mem>>
      %dma_start3A = arith.constant 0 : i32
      %dma_start3A_13 = tpu.memref_slice %arg6[%arg0, %mul3A_12, %dma_start3A] : memref<2x10240x64xf32, #tpu.memory_space<hbm>> -> memref<1x640x64xf32, #tpu.memory_space<hbm>>
      %dma_start3A_14 = tpu.memref_squeeze %dma_start3A_13 : memref<1x640x64xf32, #tpu.memory_space<hbm>> -> memref<640x64xf32, #tpu.memory_space<hbm>>
      %dma_start3A_15 = arith.constant 0 : i32
      %dma_start3A_16 = tpu.memref_slice %arg10[%mul3A_10, %dma_start3A_15] : memref<10240x64xf32, #tpu.memory_space<vmem_shared>> -> memref<640x64xf32, #tpu.memory_space<vmem_shared>>
      tpu.enqueue_dma source(%dma_start3A_16 : memref<640x64xf32, #tpu.memory_space<vmem_shared>>) target(%dma_start3A_14 : memref<640x64xf32, #tpu.memory_space<hbm>>) target_semaphore(%run_scoped3A : memref<!tpu.dma_semaphore, #tpu.memory_space<semaphore_mem>>)
      %dma_wait3A = arith.constant 0 : i32
      %dma_wait3A_17 = tpu.memref_slice %arg6[%arg0, %mul3A_12, %dma_wait3A] : memref<2x10240x64xf32, #tpu.memory_space<hbm>> -> memref<1x640x64xf32, #tpu.memory_space<hbm>>
      %dma_wait3A_18 = tpu.memref_squeeze %dma_wait3A_17 : memref<1x640x64xf32, #tpu.memory_space<hbm>> -> memref<640x64xf32, #tpu.memory_space<hbm>>
      %dma_wait3A_19 = arith.constant 0 : i32
      %dma_wait3A_20 = tpu.memref_slice %arg10[%mul3A_10, %dma_wait3A_19] : memref<10240x64xf32, #tpu.memory_space<vmem_shared>> -> memref<640x64xf32, #tpu.memory_space<vmem_shared>>
      tpu.wait_dma2 semaphore(%run_scoped3A : memref<!tpu.dma_semaphore, #tpu.memory_space<semaphore_mem>>) src(%dma_wait3A_20 : memref<640x64xf32, #tpu.memory_space<vmem_shared>>) dst(%dma_wait3A_18 : memref<640x64xf32, #tpu.memory_space<hbm>>)
      tpu.yield
    }) : () -> ()
    return
  }
}

module attributes {stable_mosaic.version = 14 : i64} {
  func.func @_l1_body(%arg0: i32, %arg1: memref<1000x128xf32, #tpu.memory_space<vmem>>, %arg2: memref<128x64xf32, #tpu.memory_space<vmem>>, %arg3: memref<128x64xf32, #tpu.memory_space<vmem>>, %arg4: memref<1000x64xf32, #tpu.memory_space<vmem>>, %arg5: memref<1000x64xf32, #tpu.memory_space<vmem>>) attributes {dimension_semantics = [#tpu.dimension_semantics<arbitrary>], iteration_bounds = array<i64: 10>, scalar_prefetch = 0 : i64, scratch_operands = 0 : i64, tpu.core_type = #tpu.core_type<tc>, window_params = [{transform_indices = @transform_0, window_bounds = array<i64: 1000, 128>}, {pipeline_mode = #tpu.pipeline_mode<synchronous>, transform_indices = @transform_1, window_bounds = array<i64: 128, 64>}, {pipeline_mode = #tpu.pipeline_mode<synchronous>, transform_indices = @transform_2, window_bounds = array<i64: 128, 64>}, {transform_indices = @transform_3, window_bounds = array<i64: 1000, 64>}, {transform_indices = @transform_4, window_bounds = array<i64: 1000, 64>}]} {
    %get3A = arith.constant 0 : index
    %get3A_0 = arith.constant 0 : index
    %get3A_1 = vector.load %arg1[%get3A, %get3A_0] : memref<1000x128xf32, #tpu.memory_space<vmem>>, vector<1000x128xf32>
    %get3A_2 = arith.constant 0 : index
    %get3A_3 = arith.constant 0 : index
    %get3A_4 = vector.load %arg2[%get3A_2, %get3A_3] : memref<128x64xf32, #tpu.memory_space<vmem>>, vector<128x64xf32>
    %dot_general3A = arith.constant dense<0.000000e+00> : vector<1000x64xf32>
    %dot_general3A_5 = tpu.matmul %get3A_1, %get3A_4, %dot_general3A {dimension_numbers = #tpu.dot_dimension_numbers<[1], [0], [0], [1], [0, 0, 1, 1], [], []>, transpose_lhs_hint = false} : vector<1000x128xf32>, vector<128x64xf32>, vector<1000x64xf32> -> vector<1000x64xf32>
    %swap3A = arith.constant 0 : index
    %swap3A_6 = arith.constant 0 : index
    %swap3A_7 = vector.load %arg4[%swap3A, %swap3A_6] : memref<1000x64xf32, #tpu.memory_space<vmem>>, vector<1000x64xf32>
    tpu.vector_store %arg4[%swap3A, %swap3A_6], %dot_general3A_5 {strides = array<i32>} : memref<1000x64xf32, #tpu.memory_space<vmem>>, vector<1000x64xf32>,
    %get3A_8 = arith.constant 0 : index
    %get3A_9 = arith.constant 0 : index
    %get3A_10 = vector.load %arg3[%get3A_8, %get3A_9] : memref<128x64xf32, #tpu.memory_space<vmem>>, vector<128x64xf32>
    %dot_general3A_11 = arith.constant dense<0.000000e+00> : vector<1000x64xf32>
    %dot_general3A_12 = tpu.matmul %get3A_1, %get3A_10, %dot_general3A_11 {dimension_numbers = #tpu.dot_dimension_numbers<[1], [0], [0], [1], [0, 0, 1, 1], [], []>, transpose_lhs_hint = false} : vector<1000x128xf32>, vector<128x64xf32>, vector<1000x64xf32> -> vector<1000x64xf32>
    %swap3A_13 = arith.constant 0 : index
    %swap3A_14 = arith.constant 0 : index
    %swap3A_15 = vector.load %arg5[%swap3A_13, %swap3A_14] : memref<1000x64xf32, #tpu.memory_space<vmem>>, vector<1000x64xf32>
    tpu.vector_store %arg5[%swap3A_13, %swap3A_14], %dot_general3A_12 {strides = array<i32>} : memref<1000x64xf32, #tpu.memory_space<vmem>>, vector<1000x64xf32>,
    return
  }
  func.func @transform_0(%arg0: i32) -> (i32, i32) {
    %c0_i32 = arith.constant 0 : i32
    %c0_i32_0 = arith.constant 0 : i32
    return %arg0, %c0_i32 : i32, i32
  }
  func.func @transform_1(%arg0: i32) -> (i32, i32) {
    %c0_i32 = arith.constant 0 : i32
    %c0_i32_0 = arith.constant 0 : i32
    %c0_i32_1 = arith.constant 0 : i32
    return %c0_i32, %c0_i32_0 : i32, i32
  }
  func.func @transform_2(%arg0: i32) -> (i32, i32) {
    %c0_i32 = arith.constant 0 : i32
    %c0_i32_0 = arith.constant 0 : i32
    %c0_i32_1 = arith.constant 0 : i32
    return %c0_i32, %c0_i32_0 : i32, i32
  }
  func.func @transform_3(%arg0: i32) -> (i32, i32) {
    %c0_i32 = arith.constant 0 : i32
    %c0_i32_0 = arith.constant 0 : i32
    return %arg0, %c0_i32 : i32, i32
  }
  func.func @transform_4(%arg0: i32) -> (i32, i32) {
    %c0_i32 = arith.constant 0 : i32
    %c0_i32_0 = arith.constant 0 : i32
    return %arg0, %c0_i32 : i32, i32
  }
}

module attributes {stable_mosaic.version = 14 : i64} {
  func.func @_mid_body(%arg0: i32, %arg1: memref<2x1000x64xf32, #tpu.memory_space<vmem>>, %arg2: memref<1000x64xf32, #tpu.memory_space<vmem>>, %arg3: memref<64x64xf32, #tpu.memory_space<vmem>>, %arg4: memref<64x64xf32, #tpu.memory_space<vmem>>, %arg5: memref<1000x64xf32, #tpu.memory_space<vmem>>, %arg6: memref<1000x64xf32, #tpu.memory_space<vmem>>) attributes {dimension_semantics = [#tpu.dimension_semantics<arbitrary>], iteration_bounds = array<i64: 10>, scalar_prefetch = 0 : i64, scratch_operands = 0 : i64, tpu.core_type = #tpu.core_type<tc>, window_params = [{transform_indices = @transform_0, window_bounds = array<i64: 2, 1000, 64>}, {transform_indices = @transform_1, window_bounds = array<i64: 1000, 64>}, {pipeline_mode = #tpu.pipeline_mode<synchronous>, transform_indices = @transform_2, window_bounds = array<i64: 64, 64>}, {pipeline_mode = #tpu.pipeline_mode<synchronous>, transform_indices = @transform_3, window_bounds = array<i64: 64, 64>}, {transform_indices = @transform_4, window_bounds = array<i64: 1000, 64>}, {transform_indices = @transform_5, window_bounds = array<i64: 1000, 64>}]} {
    %get3A = arith.constant 0 : index
    %get3A_0 = arith.constant 0 : index
    %get3A_1 = arith.constant 0 : index
    %get3A_2 = vector.load %arg1[%get3A, %get3A_0, %get3A_1] : memref<2x1000x64xf32, #tpu.memory_space<vmem>>, vector<1x1000x64xf32>
    %get3A_3 = vector.shape_cast %get3A_2 : vector<1x1000x64xf32> to vector<1000x64xf32>
    %get3A_4 = arith.constant 1 : index
    %get3A_5 = arith.constant 0 : index
    %get3A_6 = arith.constant 0 : index
    %get3A_7 = vector.load %arg1[%get3A_4, %get3A_5, %get3A_6] : memref<2x1000x64xf32, #tpu.memory_space<vmem>>, vector<1x1000x64xf32>
    %get3A_8 = vector.shape_cast %get3A_7 : vector<1x1000x64xf32> to vector<1000x64xf32>
    %add3A = arith.addf %get3A_3, %get3A_8 : vector<1000x64xf32>
    %get3A_9 = arith.constant 0 : index
    %get3A_10 = arith.constant 0 : index
    %get3A_11 = vector.load %arg2[%get3A_9, %get3A_10] : memref<1000x64xf32, #tpu.memory_space<vmem>>, vector<1000x64xf32>
    %add3A_12 = arith.addf %add3A, %get3A_11 : vector<1000x64xf32>
    %max3A = arith.constant 0.000000e+00 : f32
    %max3A_13 = vector.broadcast %max3A : f32 to vector<1000x64xf32>
    %max3A_14 = arith.maximumf %add3A_12, %max3A_13 : vector<1000x64xf32>
    %get3A_15 = arith.constant 0 : index
    %get3A_16 = arith.constant 0 : index
    %get3A_17 = vector.load %arg3[%get3A_15, %get3A_16] : memref<64x64xf32, #tpu.memory_space<vmem>>, vector<64x64xf32>
    %dot_general3A = arith.constant dense<0.000000e+00> : vector<1000x64xf32>
    %dot_general3A_18 = tpu.matmul %max3A_14, %get3A_17, %dot_general3A {dimension_numbers = #tpu.dot_dimension_numbers<[1], [0], [0], [1], [0, 0, 1, 1], [], []>, transpose_lhs_hint = false} : vector<1000x64xf32>, vector<64x64xf32>, vector<1000x64xf32> -> vector<1000x64xf32>
    %swap3A = arith.constant 0 : index
    %swap3A_19 = arith.constant 0 : index
    %swap3A_20 = vector.load %arg5[%swap3A, %swap3A_19] : memref<1000x64xf32, #tpu.memory_space<vmem>>, vector<1000x64xf32>
    tpu.vector_store %arg5[%swap3A, %swap3A_19], %dot_general3A_18 {strides = array<i32>} : memref<1000x64xf32, #tpu.memory_space<vmem>>, vector<1000x64xf32>,
    %get3A_21 = arith.constant 0 : index
    %get3A_22 = arith.constant 0 : index
    %get3A_23 = vector.load %arg4[%get3A_21, %get3A_22] : memref<64x64xf32, #tpu.memory_space<vmem>>, vector<64x64xf32>
    %dot_general3A_24 = arith.constant dense<0.000000e+00> : vector<1000x64xf32>
    %dot_general3A_25 = tpu.matmul %max3A_14, %get3A_23, %dot_general3A_24 {dimension_numbers = #tpu.dot_dimension_numbers<[1], [0], [0], [1], [0, 0, 1, 1], [], []>, transpose_lhs_hint = false} : vector<1000x64xf32>, vector<64x64xf32>, vector<1000x64xf32> -> vector<1000x64xf32>
    %swap3A_26 = arith.constant 0 : index
    %swap3A_27 = arith.constant 0 : index
    %swap3A_28 = vector.load %arg6[%swap3A_26, %swap3A_27] : memref<1000x64xf32, #tpu.memory_space<vmem>>, vector<1000x64xf32>
    tpu.vector_store %arg6[%swap3A_26, %swap3A_27], %dot_general3A_25 {strides = array<i32>} : memref<1000x64xf32, #tpu.memory_space<vmem>>, vector<1000x64xf32>,
    return
  }
  func.func @transform_0(%arg0: i32) -> (i32, i32, i32) {
    %c0_i32 = arith.constant 0 : i32
    %c0_i32_0 = arith.constant 0 : i32
    %c0_i32_1 = arith.constant 0 : i32
    return %c0_i32, %arg0, %c0_i32_0 : i32, i32, i32
  }
  func.func @transform_1(%arg0: i32) -> (i32, i32) {
    %c0_i32 = arith.constant 0 : i32
    %c0_i32_0 = arith.constant 0 : i32
    return %arg0, %c0_i32 : i32, i32
  }
  func.func @transform_2(%arg0: i32) -> (i32, i32) {
    %c0_i32 = arith.constant 0 : i32
    %c0_i32_0 = arith.constant 0 : i32
    %c0_i32_1 = arith.constant 0 : i32
    return %c0_i32, %c0_i32_0 : i32, i32
  }
  func.func @transform_3(%arg0: i32) -> (i32, i32) {
    %c0_i32 = arith.constant 0 : i32
    %c0_i32_0 = arith.constant 0 : i32
    %c0_i32_1 = arith.constant 0 : i32
    return %c0_i32, %c0_i32_0 : i32, i32
  }
  func.func @transform_4(%arg0: i32) -> (i32, i32) {
    %c0_i32 = arith.constant 0 : i32
    %c0_i32_0 = arith.constant 0 : i32
    return %arg0, %c0_i32 : i32, i32
  }
  func.func @transform_5(%arg0: i32) -> (i32, i32) {
    %c0_i32 = arith.constant 0 : i32
    %c0_i32_0 = arith.constant 0 : i32
    return %arg0, %c0_i32 : i32, i32
  }
}

module attributes {stable_mosaic.version = 14 : i64} {
  func.func @_final_body(%arg0: i32, %arg1: memref<2x10000x64xf32, #tpu.memory_space<vmem>>, %arg2: memref<10000x64xf32, #tpu.memory_space<vmem>>, %arg3: memref<10000x1xi32, #tpu.memory_space<vmem>>, %arg4: memref<64x10xf32, #tpu.memory_space<vmem>>, %arg5: memref<1x10xf32, #tpu.memory_space<vmem>>, %arg6: memref<1x10xf32, #tpu.memory_space<vmem>>) attributes {dimension_semantics = [#tpu.dimension_semantics<arbitrary>], iteration_bounds = array<i64: 1>, scalar_prefetch = 0 : i64, scratch_operands = 0 : i64, tpu.core_type = #tpu.core_type<tc>, window_params = [{transform_indices = @transform_0, window_bounds = array<i64: 2, 10000, 64>}, {pipeline_mode = #tpu.pipeline_mode<synchronous>, transform_indices = @transform_1, window_bounds = array<i64: 10000, 64>}, {pipeline_mode = #tpu.pipeline_mode<synchronous>, transform_indices = @transform_2, window_bounds = array<i64: 10000, 1>}, {pipeline_mode = #tpu.pipeline_mode<synchronous>, transform_indices = @transform_3, window_bounds = array<i64: 64, 10>}, {pipeline_mode = #tpu.pipeline_mode<synchronous>, transform_indices = @transform_4, window_bounds = array<i64: 1, 10>}, {pipeline_mode = #tpu.pipeline_mode<synchronous>, transform_indices = @transform_5, window_bounds = array<i64: 1, 10>}]} {
    %get3A = arith.constant 0 : index
    %get3A_0 = arith.constant 0 : index
    %get3A_1 = vector.load %arg3[%get3A, %get3A_0] : memref<10000x1xi32, #tpu.memory_space<vmem>>, vector<10000x1xi32>
    %eq3A = arith.constant 0 : i32
    %eq3A_2 = vector.broadcast %eq3A : i32 to vector<10000x1xi32>
    %eq3A_3 = arith.cmpi eq, %get3A_1, %eq3A_2 : vector<10000x1xi32>
    %convert_element_type3A = arith.extui %eq3A_3 : vector<10000x1xi1> to vector<10000x1xi32>
    %convert_element_type3A_4 = arith.sitofp %convert_element_type3A : vector<10000x1xi32> to vector<10000x1xf32>
    %get3A_5 = arith.constant 0 : index
    %get3A_6 = arith.constant 0 : index
    %get3A_7 = arith.constant 0 : index
    %get3A_8 = vector.load %arg1[%get3A_5, %get3A_6, %get3A_7] : memref<2x10000x64xf32, #tpu.memory_space<vmem>>, vector<1x10000x64xf32>
    %get3A_9 = vector.shape_cast %get3A_8 : vector<1x10000x64xf32> to vector<10000x64xf32>
    %get3A_10 = arith.constant 1 : index
    %get3A_11 = arith.constant 0 : index
    %get3A_12 = arith.constant 0 : index
    %get3A_13 = vector.load %arg1[%get3A_10, %get3A_11, %get3A_12] : memref<2x10000x64xf32, #tpu.memory_space<vmem>>, vector<1x10000x64xf32>
    %get3A_14 = vector.shape_cast %get3A_13 : vector<1x10000x64xf32> to vector<10000x64xf32>
    %add3A = arith.addf %get3A_9, %get3A_14 : vector<10000x64xf32>
    %get3A_15 = arith.constant 0 : index
    %get3A_16 = arith.constant 0 : index
    %get3A_17 = vector.load %arg2[%get3A_15, %get3A_16] : memref<10000x64xf32, #tpu.memory_space<vmem>>, vector<10000x64xf32>
    %add3A_18 = arith.addf %add3A, %get3A_17 : vector<10000x64xf32>
    %max3A = arith.constant 0.000000e+00 : f32
    %max3A_19 = vector.broadcast %max3A : f32 to vector<10000x64xf32>
    %max3A_20 = arith.maximumf %add3A_18, %max3A_19 : vector<10000x64xf32>
    %mul3A = vector.broadcast %convert_element_type3A_4 : vector<10000x1xf32> to vector<10000x64xf32>
    %mul3A_21 = arith.mulf %max3A_20, %mul3A : vector<10000x64xf32>
    %reduce_sum3A = arith.constant dense<0.000000e+00> : vector<64xf32>
    %reduce_sum3A_22 = vector.multi_reduction <add>, %mul3A_21, %reduce_sum3A [0] : vector<10000x64xf32> to vector<64xf32>
    %broadcast_in_dim3A = vector.shape_cast %reduce_sum3A_22 : vector<64xf32> to vector<1x64xf32>
    %reduce_sum3A_23 = vector.shape_cast %convert_element_type3A_4 : vector<10000x1xf32> to vector<1x10000x1xf32>
    %reduce_sum3A_24 = arith.constant dense<0.000000e+00> : vector<1xf32>
    %reduce_sum3A_25 = vector.multi_reduction <add>, %reduce_sum3A_23, %reduce_sum3A_24 [1, 2] : vector<1x10000x1xf32> to vector<1xf32>
    %reduce_sum3A_26 = vector.shape_cast %reduce_sum3A_25 : vector<1xf32> to vector<1x1x1xf32>
    %reduce_sum3A_27 = vector.extract %reduce_sum3A_26[0, 0, 0] : f32 from vector<1x1x1xf32>
    %max3A_28 = arith.constant 1.000000e+00 : f32
    %max3A_29 = arith.maximumf %reduce_sum3A_27, %max3A_28 : f32
    %div3A = vector.broadcast %max3A_29 : f32 to vector<1x64xf32>
    %div3A_30 = arith.divf %broadcast_in_dim3A, %div3A : vector<1x64xf32>
    %get3A_31 = arith.constant 0 : index
    %get3A_32 = arith.constant 0 : index
    %get3A_33 = vector.load %arg4[%get3A_31, %get3A_32] : memref<64x10xf32, #tpu.memory_space<vmem>>, vector<64x10xf32>
    %dot_general3A = arith.constant dense<0.000000e+00> : vector<1x10xf32>
    %dot_general3A_34 = tpu.matmul %div3A_30, %get3A_33, %dot_general3A {dimension_numbers = #tpu.dot_dimension_numbers<[1], [0], [0], [1], [0, 0, 1, 1], [], []>, transpose_lhs_hint = false} : vector<1x64xf32>, vector<64x10xf32>, vector<1x10xf32> -> vector<1x10xf32>
    %get3A_35 = arith.constant 0 : index
    %get3A_36 = arith.constant 0 : index
    %get3A_37 = vector.load %arg5[%get3A_35, %get3A_36] : memref<1x10xf32, #tpu.memory_space<vmem>>, vector<1x10xf32>
    %add3A_38 = arith.addf %dot_general3A_34, %get3A_37 : vector<1x10xf32>
    %reduce_max3A = arith.constant dense<0xFF800000> : vector<1xf32>
    %reduce_max3A_39 = vector.multi_reduction <maximumf>, %add3A_38, %reduce_max3A [1] : vector<1x10xf32> to vector<1xf32>
    %broadcast_in_dim3A_40 = vector.shape_cast %reduce_max3A_39 : vector<1xf32> to vector<1x1xf32>
    %sub3A = vector.broadcast %broadcast_in_dim3A_40 : vector<1x1xf32> to vector<1x10xf32>
    %sub3A_41 = arith.subf %add3A_38, %sub3A : vector<1x10xf32>
    %exp3A = math.exp %sub3A_41 : vector<1x10xf32>
    %reduce_sum3A_42 = arith.constant dense<0.000000e+00> : vector<1xf32>
    %reduce_sum3A_43 = vector.multi_reduction <add>, %exp3A, %reduce_sum3A_42 [1] : vector<1x10xf32> to vector<1xf32>
    %broadcast_in_dim3A_44 = vector.shape_cast %reduce_sum3A_43 : vector<1xf32> to vector<1x1xf32>
    %div3A_45 = vector.broadcast %broadcast_in_dim3A_44 : vector<1x1xf32> to vector<1x10xf32>
    %div3A_46 = arith.divf %exp3A, %div3A_45 : vector<1x10xf32>
    %swap3A = arith.constant 0 : index
    %swap3A_47 = arith.constant 0 : index
    %swap3A_48 = vector.load %arg6[%swap3A, %swap3A_47] : memref<1x10xf32, #tpu.memory_space<vmem>>, vector<1x10xf32>
    tpu.vector_store %arg6[%swap3A, %swap3A_47], %div3A_46 {strides = array<i32>} : memref<1x10xf32, #tpu.memory_space<vmem>>, vector<1x10xf32>,
    return
  }
  func.func @transform_0(%arg0: i32) -> (i32, i32, i32) {
    %c0_i32 = arith.constant 0 : i32
    %c0_i32_0 = arith.constant 0 : i32
    %c0_i32_1 = arith.constant 0 : i32
    %c0_i32_2 = arith.constant 0 : i32
    return %c0_i32, %c0_i32_0, %c0_i32_1 : i32, i32, i32
  }
  func.func @transform_1(%arg0: i32) -> (i32, i32) {
    %c0_i32 = arith.constant 0 : i32
    %c0_i32_0 = arith.constant 0 : i32
    %c0_i32_1 = arith.constant 0 : i32
    return %c0_i32, %c0_i32_0 : i32, i32
  }
  func.func @transform_2(%arg0: i32) -> (i32, i32) {
    %c0_i32 = arith.constant 0 : i32
    %c0_i32_0 = arith.constant 0 : i32
    %c0_i32_1 = arith.constant 0 : i32
    return %c0_i32, %c0_i32_0 : i32, i32
  }
  func.func @transform_3(%arg0: i32) -> (i32, i32) {
    %c0_i32 = arith.constant 0 : i32
    %c0_i32_0 = arith.constant 0 : i32
    %c0_i32_1 = arith.constant 0 : i32
    return %c0_i32, %c0_i32_0 : i32, i32
  }
  func.func @transform_4(%arg0: i32) -> (i32, i32) {
    %c0_i32 = arith.constant 0 : i32
    %c0_i32_0 = arith.constant 0 : i32
    %c0_i32_1 = arith.constant 0 : i32
    return %c0_i32, %c0_i32_0 : i32, i32
  }
  func.func @transform_5(%arg0: i32) -> (i32, i32) {
    %c0_i32 = arith.constant 0 : i32
    %c0_i32_0 = arith.constant 0 : i32
    %c0_i32_1 = arith.constant 0 : i32
    return %c0_i32, %c0_i32_0 : i32, i32
  }
}

</mosaic_0001>

<sc_bundles>
// kernel: kernel.12.cloned.1.call-start
scs
__scs_entry_jumppad:
0x0: {  	(pc) =	sbr.rel $0x88, $3  }
0x1: {  	(tag) =	ssettag $0x0;
	lr =	simm.s32 $0x1  }
0x2: {  	[smem:$0x3F96] =	sst lr;
	_ =	strace $0xD0000000  }
0x3: {  	_ = 	snop  }
0x4: {  	_ = 	snop  }
0x5: {  	_ = 	snop  }
0x6: {  	_ = 	snop  }
0x7: {  	_ = 	snop  }
__scs_overlays_trampoline_lowered:
0x8: {  	[smem:$0x3FA5] =	sst s0  }
0x9: {  	[smem:$0x3FA6] =	sst s1  }
0xa: {  	[smem:$0x3FA7] =	sst s2  }
0xb: {  	[smem:$0x3FA8] =	sst s3  }
0xc: {  	[smem:$0x3FA9] =	sst s4  }
0xd: {  	[smem:$0x3FAA] =	sst s5  }
0xe: {  	[smem:$0x3FAB] =	sst s6  }
0xf: {  	[smem:$0x3FAC] =	sst s7  }
0x10: {  	[smem:$0x3FAD] =	sst s8  }
0x11: {  	[smem:$0x3FAE] =	sst s9;
	s0 =	simm.s32 @!p0 $0x0  }
0x12: {  	s1 =	sld [smem:$0x3F94];
	s0 =	simm.s32 @p0 $0x1  }
0x13: {  	[smem:$0x3FAF] =	sst s0;
	s0 =	simm.s32 @!p1 $0x0  }
0x14: {  	s2 =	sld [smem:$0x3F93];
	s0 =	simm.s32 @p1 $0x1  }
0x15: {  	[smem:$0x3FB0] =	sst s0;
	s0 =	simm.s32 @!p2 $0x0  }
0x16: {  	s3 =	sld [smem:$0x3FDB];
	s0 =	simm.s32 @p2 $0x1  }
0x17: {  	s4 =	simm.s32 $0x1BF5;
	[smem:$0x3FB2] =	sst s0  }
0x18: {  	s0 =	sld [smem:$0x3F95];
	_ =	swait.ge [sflag:s4], $0x0  }
0x19: {  	s7 =	sld [smem:$0x3F96]  }
0x1a: {  	s8 =	sadd.s32 $0xFFFFE003, lr  }
0x1b: {  	s9 =	sadd.s32 $0xFFFFFEF7, lr;
	s5 =	simm.s32 $0xFFFFFFFF;
	p2 =	slt.u32 s8, $0xFFFFF086  }
0x1c: {  	p1 =	slt.u32 s9, $0xF7A;
	s5 =	simm.s32 @!p2 $0x0  }
0x1d: {  	s5 =	simm.s32 @p1 $0x1;
	p0 =	seq.s32 s7, s2  }
0x1e: {  	s7 =	smul.u32 @!p0 $0xF7A, s2;
	p2 =	seq.s32 @!p0 s5, $0x0  }
0x1f: {  	s9 =	smul.u32 $0xF7A, s1;
	s8 =	simm.s32 @!p0 $0x1BF5;
	p2 =	por !p2, p0  }
0x20: {  	[sflag:s8] =	ssyncset.s32 @!p0 $0xFFFFF086;
	s6 =	sadd.s32 @!p0 s3, s7;
	s7 =	simm.s32 @!p0 $0x108  }
0x21: {  	s3 =	sadd.s32 s3, s9;
	s6 =	sadd.s32 @!p0 $0x88, s6;
	s7 =	simm.s32 @p2 $0x1082  }
0x22: {  	[simem:s7], [sflag:s8] =	dma.local @!p0 [hbm:s6], $0xF7A  }
0x23: {  	s9 =	sor.u32 $0xD0000000, s2;
	s6 =	simm.s32 $0x108;
	_ =	swait.ge @!p0 [sflag:s8], $0x0  }
0x24: {  	s3 =	sadd.s32 $0x88, s3;
	s6 =	simm.s32 @!p1 $0x1082;
	[sflag:s4] =	ssyncset.s32 $0xFFFFF086  }
0x25: {  	[simem:s6], [sflag:s4] =	dma.local [hbm:s3], $0xF7A  }
0x26: {  	[smem:$0x3F96] =	sst s1;
	(tag) =	ssettag s2;
	_ =	strace s9  }
0x27: {  	s1 =	sld [smem:$0x3FA6]  }
0x28: {  	s2 =	sld [smem:$0x3FA7]  }
0x29: {  	s4 =	sld [smem:$0x3FA9]  }
0x2a: {  	p0 =	seq.s32 s5, $0x0;
	s5 =	sld [smem:$0x3FAA]  }
0x2b: {  	s6 =	sld [smem:$0x3FAB]  }
0x2c: {  	s7 =	sld [smem:$0x3FAC]  }
0x2d: {  	s3 =	simm.s32 $0x108;
	s8 =	sld [smem:$0x3FAD]  }
0x2e: {  	s3 =	simm.s32 @!p0 $0x1082;
	s9 =	sld [smem:$0x3FAE]  }
0x2f: {  	lr =	sadd.s32 s0, s3;
	s0 =	sld [smem:$0x3FA5]  }
0x30: {  	s3 =	sld [smem:$0x3FA8]  }
0x31: {  	[smem:$0x3FB1] =	sst s10  }
0x32: {  	s10 =	sld [smem:$0x3FAF];
	_ =	sdelay $0x3  }
0x33: {  	p0 =	seq.s32 s10, $0x1;
	s10 =	sld [smem:$0x3FB1];
	_ =	sdelay $0x3  }
0x34: {  	[smem:$0x3FB1] =	sst s10  }
0x35: {  	s10 =	sld [smem:$0x3FB0];
	_ =	sdelay $0x3  }
0x36: {  	p1 =	seq.s32 s10, $0x1;
	s10 =	sld [smem:$0x3FB1];
	_ =	sdelay $0x3  }
0x37: {  	[smem:$0x3FB1] =	sst s10  }
0x38: {  	s10 =	sld [smem:$0x3FB2]  }
0x39: {  	_ = 	snop;
	(pc) =	sbr.ind lr, $3  }
0x3a: {  	_ = 	snop  }
0x3b: {  	_ = 	snop  }
0x3c: {  	p2 =	seq.s32 s10, $0x1;
	s10 =	sld [smem:$0x3FB1]  }
0x3d: {  	_ =	shalt  }
0x3e: {  	_ =	shalt  }
0x3f: {  	_ =	shalt  }
0x40: {  	_ =	shalt  }
0x41: {  	_ =	shalt  }
0x42: {  	_ =	shalt  }
0x43: {  	_ =	shalt  }
0x44: {  	_ =	shalt  }
0x45: {  	_ =	shalt  }
0x46: {  	_ =	shalt  }
0x47: {  	_ =	shalt  }
0x48: {  	_ =	shalt  }
0x49: {  	_ =	shalt  }
0x4a: {  	_ =	shalt  }
0x4b: {  	_ =	shalt  }
0x4c: {  	_ =	shalt  }
0x4d: {  	_ =	shalt  }
0x4e: {  	_ =	shalt  }
0x4f: {  	_ =	shalt  }
0x50: {  	_ =	shalt  }
0x51: {  	_ =	shalt  }
0x52: {  	_ =	shalt  }
0x53: {  	_ =	shalt  }
0x54: {  	_ =	shalt  }
0x55: {  	_ =	shalt  }
0x56: {  	_ =	shalt  }
0x57: {  	_ =	shalt  }
0x58: {  	_ =	shalt  }
0x59: {  	_ =	shalt  }
0x5a: {  	_ =	shalt  }
0x5b: {  	_ =	shalt  }
0x5c: {  	_ =	shalt  }
0x5d: {  	_ =	shalt  }
0x5e: {  	_ =	shalt  }
0x5f: {  	_ =	shalt  }
0x60: {  	_ =	shalt  }
0x61: {  	_ =	shalt  }
0x62: {  	_ =	shalt  }
0x63: {  	_ =	shalt  }
0x64: {  	_ =	shalt  }
0x65: {  	_ =	shalt  }
0x66: {  	_ =	shalt  }
0x67: {  	_ =	shalt  }
0x68: {  	_ =	shalt  }
0x69: {  	_ =	shalt  }
0x6a: {  	_ =	shalt  }
0x6b: {  	_ =	shalt  }
0x6c: {  	_ =	shalt  }
0x6d: {  	_ =	shalt  }
0x6e: {  	_ =	shalt  }
0x6f: {  	_ =	shalt  }
0x70: {  	_ =	shalt  }
0x71: {  	_ =	shalt  }
0x72: {  	_ =	shalt  }
0x73: {  	_ =	shalt  }
0x74: {  	_ =	shalt  }
0x75: {  	_ =	shalt  }
0x76: {  	_ =	shalt  }
0x77: {  	_ =	shalt  }
0x78: {  	_ =	shalt  }
0x79: {  	_ =	shalt  }
0x7a: {  	_ =	shalt  }
0x7b: {  	_ =	shalt  }
0x7c: {  	_ =	shalt  }
0x7d: {  	_ =	shalt  }
0x7e: {  	_ =	shalt  }
0x7f: {  	_ =	shalt  }
0x80: {  	_ =	shalt  }
0x81: {  	_ =	shalt  }
0x82: {  	_ =	shalt  }
0x83: {  	_ =	shalt  }
0x84: {  	_ =	shalt  }
0x85: {  	_ =	shalt  }
0x86: {  	_ =	shalt  }
0x87: {  	_ =	shalt  }
.Lfunc_end0:
.L_simem_size_0:
called_computation.1_lowered:
.L_overlay_start_0:
0x88: {  	s2 =	sld [smem:$0x3FD9]  }
0x89: {  	s3 =	sld [smem:$0x3FFE];
	_ =	sdelay $0x1  }
0x8a: {  	s1 =	srdreg.scid  }
0x8b: {  	s0 =	sand.u32 $0x1, s1  }
0x8c: {  	s16 =	sshll.u32 s0, $0xA;
	s2 =	sadd.s32 s3, s2  }
0x8d: {  	s2 =	sadd.s32 s2, s16  }
0x8e: {  	[smem:$0x3FBD] =	sst s2  }
0x8f: {  	_ = 	snop  }
0x90: {  	(tm) =	ssettm $0x1  }
0x91: {  	s17 =	sld [smem:$0x3FFB];
	_ =	sdelay $0x3  }
0x92: {  	_ =	strace s17  }
0x93: {  	s2 =	sld [smem:$0x3FFC];
	_ =	sdelay $0x3  }
0x94: {  	_ =	strace s2  }
0x95: {  	s2 =	sld [smem:$0x3FFD];
	_ =	sdelay $0x3  }
0x96: {  	_ =	strace s2  }
0x97: {  	_ =	strace $0x8FFFFFFF  }
0x98: {  	s18 =	sld [smem:$0x3FDB];
	_ =	sdelay $0x1  }
0x99: {  	s19 =	simm.s32 $_scs_section_size  }
0x9a: {  	s4 =	simm.s32 $_size__tile_overlayer_lowered;
	s5 =	simm.s32 $_tile_overlayer_lowered  }
0x9b: {  	s22 =	simm.s32 $0x1BFF;
	s21 =	sshll.u32 s5, $0x1;
	s2 =	sadd.s32 s19, s18  }
0x9c: {  	s6 =	simm.s32 $0x0;
	s20 =	sshll.u32 s4, $0x1;
	s4 =	sadd.s32 s21, s2  }
0x9d: {  	[timem:s6], [sflag:s22] =	dma.local [hbm:s4], s20  }
0x9e: {  	_ =	swait.ge [sflag:s22], s20  }
0x9f: {  	s3 =	ssub.s32 $0x0, s20;
	[sflag:s22] =	ssyncset.done $0x0  }
0xa0: {  	[sflag:s22] =	ssyncadd.s32 s3;
	_ =	sdelay $0x1  }
0xa1: {  	s23 =	simm.s32 $0x1B8B  }
0xa2: {  	_ =	swait.ge [sflag:s23], $0x1  }
0xa3: {  	[sflag:s23] =	ssyncset.done $0x0  }
0xa4: {  	s25 =	simm.s32 $0x1B8E;
	s24 =	sld [smem:$0x3FFE];
	[sflag:s23] =	ssyncadd.s32 $0xFFFFFFFF  }
0xa5: {  	s26 =	simm.s32 $execute0_lowered;
	[smem:$0x3FD2] =	sst s25  }
0xa6: {  	s4 =	sshll.u32 s26, $0x1;
	_ =	strace $0x80000049;
	[dreg:$0x1] =	wrdreg $0xFFFFFFFF  }
0xa7: {  	s28 =	simm.s32 $_size_execute0_lowered;
	s2 =	sadd.s32 s2, s4;
	[dreg:$0x0] =	wrdreg $0x0  }
0xa8: {  	s4 =	sshll.u32 s28, $0x1;
	[dreg:$0x2] =	wrdreg s2  }
0xa9: {  	[dreg:$0x3] =	wrdreg s4  }
0xaa: {  	[dreg:$0x4] =	wrdreg $0xC0  }
0xab: {  	_ =	task [dreg:s6], $0x5FFFF  }
0xac: {  	[dreg:$0x1] =	wrdreg $0xFFFFFFFF  }
0xad: {  	[dreg:$0x0] =	wrdreg $0x60  }
0xae: {  	[dreg:$0x2] =	wrdreg s24  }
0xaf: {  	[dreg:$0x3] =	wrdreg $0xF4000  }
0xb0: {  	[dreg:$0x4] =	wrdreg $0x9  }
0xb1: {  	_ =	task.clear_ibuf [dreg:s6], $0x5FFFF;
	_ =	strace $0x90000049  }
0xb2: {  	s29 =	simm.s32 $0x9;
	_ =	strace $0x8000004B  }
0xb3: {  	_ =	swait.ge [sflag:s29], $0x1  }
0xb4: {  	[sflag:s29] =	ssyncadd.s32 $0xFFFFFFFF  }
0xb5: {  	_ =	strace $0x9000004B  }
0xb6: {  	_ =	sfence  }
0xb7: {  	s30 =	sld [smem:$0x0];
	_ =	sdelay $0x2  }
0xb8: {  	s31 =	sshll.u32 s1, $0xD;
	s1 =	sshrl.u32 s1, $0x2  }
0xb9: {  	s3 =	sand.u32 $0x4000, s31;
	s1 =	sadd.s32 s1, s30  }
0xba: {  	s0 =	sor.u32 s3, s0;
	s1 =	sshll.u32 s1, $0x11  }
0xbb: {  	s0 =	sor.u32 s1, s0  }
0xbc: {  	s0 =	sadd.s32 $0x8F2B, s0  }
0xbd: {  	[sflag:s0] =	ssyncadd.remote.s32 $0x1  }
0xbe: {  	_ =	sfence.sel $0xFFFF  }
0xbf: {  	[dreg:$0x0] =	wrdreg $0xFFFFFFFF;
	(pc) =	sbr.abs _section_cstart, $3  }
0xc0: {  	[dreg:$0x1] =	wrdreg $0xFFFFFFFF  }
0xc1: {  	_ =	task.clear_ibuf [dreg:s6], $0x2FFFF;
	_ =	strace $0x9FFFFFFF  }
0xc2: {  	(tm) =	ssettm $0x7FFFFFFF  }
0xc3: {  	_ =	shalt  }
tec
execute0_lowered:
.L_overlay_start_1:
0x0: {  	(tag) =	ssettag $0x1  }
0x1: {  	s6 =	rddreg [dreg:$0x0]  }
0x2: {  	s2 =	rddreg [dreg:$0x1]  }
0x3: {  	s0 =	rddreg [dreg:$0x2];
	s4 =	srdreg.scid  }
0x4: {  	s1 =	stileid.u32;
	s3 =	simm.s32 $0x0;
	s16 =	simm.s32 $0x80  }
0x5: {  	s17 =	simm.s32 $0x7400;
	s18 =	simm.s32 $0x9400;
	s19 =	simm.s32 $0xB400  }
0x6: {  	s20 =	simm.s32 $0xD400;
	s21 =	simm.s32 $0x1;
	s22 =	simm.s32 $0x2  }
0x7: {  	s7 =	sand.u32 $0x1, s4;
	s8 =	smul.u32 $0xA000, s1;
	[smem:$0x7FF] =	sst s3  }
0x8: {  	s9 =	sadd.s32 $0x1F600, s6;
	s10 =	sadd.s32 $0x15600, s6;
	s13 =	smul.u32 $0x5000, s1  }
0x9: {  	s4 =	sadd.s32 $0x1C00, s6;
	s30 =	sshll.u32 s1, $0x6;
	s14 =	smul.u32 $0xA00, s1  }
0xa: {  	s5 =	smul.u32 $0xA0000, s7;
	_ =	strace $0x8000004A;
	s12 =	ssub.s32 $0x2, s7  }
0xb: {  	p0 =	seq.s32 s7, $0x1;
	s29 =	sshrl.u32 s12, $0x1;
	s15 =	sadd.s32 s8, s2  }
0xc: {  	s31 =	sshrl.u32 s13, $0x3;
	s7 =	sadd.s32 s9, s14;
	s11 =	sadd.s32 s8, s5  }
.Ltmp0:
0xd: {  	s5 =	sadd.s32 $0x29600, s6;
	s12 =	ssub.s32 s12, s29;
	(pc) =	sbr.rel .LBB2_1-.Ltmp0, $4  }
0xe: {  	s13 =	sadd.s32 $0x740, s31;
	s8 =	sadd.s32 s10, s14;
	s14 =	simm.s32 $0x3  }
0xf: {  	s11 =	sshrl.u32 s11, $0x3;
	s9 =	sadd.s32 s9, s13;
	s10 =	sadd.s32 s10, s13  }
0x10: {  	s12 =	smax.u32 s12, $0x1;
	s13 =	sshrl.u32 s15, $0x3;
	s11 =	sadd.s32 s11, s6  }
0x11: {  	s15 =	simm.s32 $0x3A00;
	s6 =	sor.u32 $0x1C03, s30;
	s11 =	sadd.s32 $0x2AA00, s11  }
.LBB2_7:
0x12: {  	s23 =	sshra.s32 s23, $0x2;
	[sflag:s22] =	ssyncadd.s32 $0xFFFFE000  }
0x13: {  	[tilespmem:s17], [sflag:$0x1] =	stream.indirect.gather [hbm4b:s4+s16], $0x40, s23, s16, $0xb8;
	[tilespmem:$0x19400] =	vst v63  }
0x14: {  	s24 =	sadd.s32 $0x80, s23  }
0x15: {  	[tilespmem:s18], [sflag:$0x1] =	stream.indirect.gather [hbm4b:s4+s16], $0x40, s24, s16, $0xb8;
	[tilespmem:$0x19400] =	vst v63  }
0x16: {  	s26 =	sadd.s32 $0x100, s23  }
0x17: {  	[tilespmem:s19], [sflag:$0x1] =	stream.indirect.gather [hbm4b:s4+s16], $0x40, s26, s16, $0xb8;
	[tilespmem:$0x19400] =	vst v63  }
0x18: {  	s28 =	sadd.s32 $0x180, s23  }
0x19: {  	[tilespmem:s20], [sflag:$0x1] =	stream.indirect.gather [hbm4b:s4+s16], $0x40, s28, s16, $0xb8;
	[tilespmem:$0x19400] =	vst v63  }
0x1a: {  	_ =	swait.ge [sflag:s21], $0x2000  }
0x1b: {  	[sflag:s21] =	ssyncset.done $0x0  }
0x1c: {  	[sflag:s21] =	ssyncadd.s32 $0xFFFFE000  }
0x1d: {  	_ =	swait.ge [sflag:s21], $0x2000  }
0x1e: {  	[sflag:s21] =	ssyncset.done $0x0  }
0x1f: {  	[sflag:s21] =	ssyncadd.s32 $0xFFFFE000  }
0x20: {  	_ =	swait.ge [sflag:s21], $0x2000  }
0x21: {  	[sflag:s21] =	ssyncset.done $0x0  }
0x22: {  	[sflag:s21] =	ssyncadd.s32 $0xFFFFE000  }
0x23: {  	_ =	swait.ge [sflag:s21], $0x2000  }
0x24: {  	[sflag:s21] =	ssyncset.done $0x0  }
0x25: {  	s29 =	sadd.s32 $0x3A00, s23;
	[sflag:s21] =	ssyncadd.s32 $0xFFFFE000  }
0x26: {  	[spmem:s2] =	stream.indirect.scatter.add.f32 [tilespmem:s17], [sflag:$0x2], $0x40, s29, s16, $0xb8;
	[tilespmem:$0x19400] =	vst v63  }
0x27: {  	s30 =	sadd.s32 $0x3A80, s23  }
0x28: {  	[spmem:s2] =	stream.indirect.scatter.add.f32 [tilespmem:s18], [sflag:$0x2], $0x40, s30, s16, $0xb8;
	[tilespmem:$0x19400] =	vst v63  }
0x29: {  	s31 =	sadd.s32 $0x3B00, s23  }
0x2a: {  	[spmem:s2] =	stream.indirect.scatter.add.f32 [tilespmem:s19], [sflag:$0x2], $0x40, s31, s16, $0xb8;
	[tilespmem:$0x19400] =	vst v63  }
0x2b: {  	s23 =	sadd.s32 $0x3B80, s23  }
0x2c: {  	[spmem:s2] =	stream.indirect.scatter.add.f32 [tilespmem:s20], [sflag:$0x2], $0x40, s23, s16, $0xb8;
	[tilespmem:$0x19400] =	vst v63  }
0x2d: {  	_ =	swait.ge [sflag:s22], $0x2000  }
0x2e: {  	[sflag:s22] =	ssyncset.done $0x0  }
0x2f: {  	[sflag:s22] =	ssyncadd.s32 $0xFFFFE000  }
0x30: {  	_ =	swait.ge [sflag:s22], $0x2000  }
0x31: {  	[sflag:s22] =	ssyncset.done $0x0  }
0x32: {  	[sflag:s22] =	ssyncadd.s32 $0xFFFFE000  }
0x33: {  	_ =	swait.ge [sflag:s22], $0x2000  }
0x34: {  	[sflag:s22] =	ssyncset.done $0x0  }
0x35: {  	[sflag:s22] =	ssyncadd.s32 $0xFFFFE000  }
0x36: {  	_ =	swait.ge [sflag:s22], $0x2000  }
0x37: {  	[sflag:s22] =	ssyncset.done $0x0  }
0x38: {  	[sflag:s22] =	ssyncadd.s32 $0xFFFFE000  }
.LBB2_8:
0x39: {  	s3 =	sadd.s32 $0x1, s3  }
0x3a: {  	p1 =	sne.s32 s3, s12  }
.Ltmp1:
0x3b: {  	[bflag:$0x0] =	sbarrier.arrive $0xFFFF;
	(pc) =	sbr.rel @!p1 .LBB2_9-.Ltmp1, $4  }
0x3c: {  	[hbm:s11], [sflag:s6] =	dma.local [spmem:s13], $0x1400  }
0x3d: {  	_ =	swait.ge [sflag:s14], $0x1400  }
0x3e: {  	[sflag:s14] =	ssyncset.done $0x0  }
0x3f: {  	[sflag:s14] =	ssyncadd.s32 $0xFFFFEC00  }
.LBB2_1:
0x40: {  	[spmem:s13], [sflag:s6] =	dma.local [hbm:s5], $0x1400  }
.Ltmp2:
0x41: {  	_ =	swait.ge [sflag:s14], $0x1400;
	(pc) =	sbr.rel @!p0 .LBB2_2-.Ltmp2, $4  }
0x42: {  	[sflag:s14] =	ssyncset.done $0x0  }
0x43: {  	[sflag:s14] =	ssyncadd.s32 $0xFFFFEC00  }
0x44: {  	[bflag:$0x0] =	sbarrier.arrive $0xFFFF  }
0x45: {  	s23 =	simm.s32 $0x0  }
0x46: {  	[tilespmem:s23], [sflag:$0x3] =	stream.linear.gather [hbm4b:s9+s23], $0x1600, $0x38;
	[tilespmem:$0x19400] =	vst v63  }
0x47: {  	_ =	swait.ge [sflag:s14], $0x1600  }
0x48: {  	[sflag:s14] =	ssyncset.done $0x0  }
0x49: {  	[sflag:s14] =	ssyncadd.s32 $0xFFFFEA00  }
0x4a: {  	[tilespmem:s15], [sflag:$0x3] =	stream.linear.gather [hbm4b:s10+s23], $0x1600, $0x38;
	[tilespmem:$0x19400] =	vst v63  }
0x4b: {  	_ =	swait.ge [sflag:s14], $0x1600  }
0x4c: {  	[sflag:s14] =	ssyncset.done $0x0  }
0x4d: {  	s31 =	simm.s32 $0x0;
	[sflag:s14] =	ssyncadd.s32 $0xFFFFEA00  }
0x4e: {  	[tilespmem:s17], [sflag:$0x1] =	stream.indirect.gather [hbm4b:s4+s16], $0x40, s31, s16, $0xb8;
	[tilespmem:$0x19400] =	vst v63  }
0x4f: {  	s24 =	simm.s32 $0x80  }
0x50: {  	[tilespmem:s18], [sflag:$0x1] =	stream.indirect.gather [hbm4b:s4+s16], $0x40, s24, s16, $0xb8;
	[tilespmem:$0x19400] =	vst v63  }
0x51: {  	s25 =	simm.s32 $0x100  }
0x52: {  	[tilespmem:s19], [sflag:$0x1] =	stream.indirect.gather [hbm4b:s4+s16], $0x40, s25, s16, $0xb8;
	[tilespmem:$0x19400] =	vst v63  }
0x53: {  	s26 =	simm.s32 $0x180  }
0x54: {  	[tilespmem:s20], [sflag:$0x1] =	stream.indirect.gather [hbm4b:s4+s16], $0x40, s26, s16, $0xb8;
	[tilespmem:$0x19400] =	vst v63  }
0x55: {  	_ =	swait.ge [sflag:s21], $0x2000  }
0x56: {  	[sflag:s21] =	ssyncset.done $0x0  }
0x57: {  	[sflag:s21] =	ssyncadd.s32 $0xFFFFE000  }
0x58: {  	_ =	swait.ge [sflag:s21], $0x2000  }
0x59: {  	[sflag:s21] =	ssyncset.done $0x0  }
0x5a: {  	[sflag:s21] =	ssyncadd.s32 $0xFFFFE000  }
0x5b: {  	_ =	swait.ge [sflag:s21], $0x2000  }
0x5c: {  	[sflag:s21] =	ssyncset.done $0x0  }
0x5d: {  	[sflag:s21] =	ssyncadd.s32 $0xFFFFE000  }
0x5e: {  	_ =	swait.ge [sflag:s21], $0x2000  }
0x5f: {  	[sflag:s21] =	ssyncset.done $0x0  }
0x60: {  	s28 =	simm.s32 $0x3A00;
	[sflag:s21] =	ssyncadd.s32 $0xFFFFE000  }
0x61: {  	[spmem:s2] =	stream.indirect.scatter.add.f32 [tilespmem:s17], [sflag:$0x2], $0x40, s28, s16, $0xb8;
	[tilespmem:$0x19400] =	vst v63  }
0x62: {  	s29 =	simm.s32 $0x3A80  }
0x63: {  	[spmem:s2] =	stream.indirect.scatter.add.f32 [tilespmem:s18], [sflag:$0x2], $0x40, s29, s16, $0xb8;
	[tilespmem:$0x19400] =	vst v63  }
0x64: {  	s30 =	simm.s32 $0x3B00  }
0x65: {  	[spmem:s2] =	stream.indirect.scatter.add.f32 [tilespmem:s19], [sflag:$0x2], $0x40, s30, s16, $0xb8;
	[tilespmem:$0x19400] =	vst v63  }
0x66: {  	s31 =	simm.s32 $0x3B80  }
0x67: {  	[spmem:s2] =	stream.indirect.scatter.add.f32 [tilespmem:s20], [sflag:$0x2], $0x40, s31, s16, $0xb8;
	[tilespmem:$0x19400] =	vst v63  }
0x68: {  	_ =	swait.ge [sflag:s22], $0x2000  }
0x69: {  	[sflag:s22] =	ssyncset.done $0x0  }
0x6a: {  	[sflag:s22] =	ssyncadd.s32 $0xFFFFE000  }
0x6b: {  	_ =	swait.ge [sflag:s22], $0x2000  }
0x6c: {  	[sflag:s22] =	ssyncset.done $0x0  }
0x6d: {  	[sflag:s22] =	ssyncadd.s32 $0xFFFFE000  }
0x6e: {  	_ =	swait.ge [sflag:s22], $0x2000  }
0x6f: {  	[sflag:s22] =	ssyncset.done $0x0  }
0x70: {  	[sflag:s22] =	ssyncadd.s32 $0xFFFFE000  }
0x71: {  	_ =	swait.ge [sflag:s22], $0x2000  }
0x72: {  	s23 =	simm.s32 $0x800;
	s25 =	simm.s32 $0x1000;
	[sflag:s22] =	ssyncset.done $0x0  }
.LBB2_6:
0x73: {  	s26 =	sshra.s32 s23, $0x2  }
0x74: {  	[sflag:s22] =	ssyncadd.s32 $0xFFFFE000;
	s23 =	smov.u32 s25;
	s24 =	sadd.s32 $0x800, s25  }
0x75: {  	[tilespmem:s17], [sflag:$0x1] =	stream.indirect.gather [hbm4b:s4+s16], $0x40, s26, s16, $0xb8;
	[tilespmem:$0x19400] =	vst v63  }
0x76: {  	p1 =	sne.s32 s25, $0x5000;
	s25 =	sadd.s32 $0x80, s26  }
0x77: {  	[tilespmem:s18], [sflag:$0x1] =	stream.indirect.gather [hbm4b:s4+s16], $0x40, s25, s16, $0xb8;
	[tilespmem:$0x19400] =	vst v63  }
0x78: {  	s25 =	sadd.s32 $0x100, s26  }
0x79: {  	[tilespmem:s19], [sflag:$0x1] =	stream.indirect.gather [hbm4b:s4+s16], $0x40, s25, s16, $0xb8;
	[tilespmem:$0x19400] =	vst v63  }
0x7a: {  	s25 =	sadd.s32 $0x180, s26  }
0x7b: {  	[tilespmem:s20], [sflag:$0x1] =	stream.indirect.gather [hbm4b:s4+s16], $0x40, s25, s16, $0xb8;
	[tilespmem:$0x19400] =	vst v63  }
0x7c: {  	_ =	swait.ge [sflag:s21], $0x2000  }
0x7d: {  	[sflag:s21] =	ssyncset.done $0x0  }
0x7e: {  	[sflag:s21] =	ssyncadd.s32 $0xFFFFE000  }
0x7f: {  	_ =	swait.ge [sflag:s21], $0x2000  }
0x80: {  	[sflag:s21] =	ssyncset.done $0x0  }
0x81: {  	[sflag:s21] =	ssyncadd.s32 $0xFFFFE000  }
0x82: {  	_ =	swait.ge [sflag:s21], $0x2000  }
0x83: {  	[sflag:s21] =	ssyncset.done $0x0  }
0x84: {  	[sflag:s21] =	ssyncadd.s32 $0xFFFFE000  }
0x85: {  	_ =	swait.ge [sflag:s21], $0x2000  }
0x86: {  	[sflag:s21] =	ssyncset.done $0x0  }
0x87: {  	s25 =	sadd.s32 $0x3A00, s26;
	[sflag:s21] =	ssyncadd.s32 $0xFFFFE000  }
0x88: {  	[spmem:s2] =	stream.indirect.scatter.add.f32 [tilespmem:s17], [sflag:$0x2], $0x40, s25, s16, $0xb8;
	[tilespmem:$0x19400] =	vst v63  }
0x89: {  	s25 =	sadd.s32 $0x3A80, s26  }
0x8a: {  	[spmem:s2] =	stream.indirect.scatter.add.f32 [tilespmem:s18], [sflag:$0x2], $0x40, s25, s16, $0xb8;
	[tilespmem:$0x19400] =	vst v63  }
0x8b: {  	s25 =	sadd.s32 $0x3B00, s26  }
0x8c: {  	[spmem:s2] =	stream.indirect.scatter.add.f32 [tilespmem:s19], [sflag:$0x2], $0x40, s25, s16, $0xb8;
	[tilespmem:$0x19400] =	vst v63  }
0x8d: {  	s25 =	sadd.s32 $0x3B80, s26  }
0x8e: {  	[spmem:s2] =	stream.indirect.scatter.add.f32 [tilespmem:s20], [sflag:$0x2], $0x40, s25, s16, $0xb8;
	[tilespmem:$0x19400] =	vst v63  }
0x8f: {  	_ =	swait.ge [sflag:s22], $0x2000  }
0x90: {  	[sflag:s22] =	ssyncset.done $0x0  }
0x91: {  	[sflag:s22] =	ssyncadd.s32 $0xFFFFE000  }
0x92: {  	_ =	swait.ge [sflag:s22], $0x2000  }
0x93: {  	[sflag:s22] =	ssyncset.done $0x0  }
0x94: {  	[sflag:s22] =	ssyncadd.s32 $0xFFFFE000  }
.Ltmp3:
0x95: {  	_ =	swait.ge [sflag:s22], $0x2000;
	(pc) =	sbr.rel @p1 .LBB2_6-.Ltmp3, $4  }
0x96: {  	[sflag:s22] =	ssyncset.done $0x0  }
0x97: {  	[sflag:s22] =	ssyncadd.s32 $0xFFFFE000  }
0x98: {  	_ =	swait.ge [sflag:s22], $0x2000  }
0x99: {  	s25 =	smov.u32 s24;
	[sflag:s22] =	ssyncset.done $0x0  }
.Ltmp4:
0x9a: {  	_ = 	snop;
	(pc) =	sbr.rel .LBB2_7-.Ltmp4, $1  }
0x9b: {  	_ =	sdelay $0x3  }
.LBB2_2:
0x9c: {  	[tilespmem:s23], [sflag:$0x3] =	stream.linear.gather [hbm4b:s7+s23], $0x3A00, $0x38;
	[tilespmem:$0x19400] =	vst v63  }
0x9d: {  	_ =	swait.ge [sflag:s14], $0x3A00  }
0x9e: {  	[sflag:s14] =	ssyncset.done $0x0  }
0x9f: {  	[sflag:s14] =	ssyncadd.s32 $0xFFFFC600  }
0xa0: {  	[tilespmem:s15], [sflag:$0x3] =	stream.linear.gather [hbm4b:s8+s23], $0x3A00, $0x38;
	[tilespmem:$0x19400] =	vst v63  }
0xa1: {  	_ =	swait.ge [sflag:s14], $0x3A00  }
0xa2: {  	[sflag:s14] =	ssyncset.done $0x0  }
0xa3: {  	s31 =	simm.s32 $0x0;
	[sflag:s14] =	ssyncadd.s32 $0xFFFFC600  }
0xa4: {  	[tilespmem:s17], [sflag:$0x1] =	stream.indirect.gather [hbm4b:s4+s16], $0x40, s31, s16, $0xb8;
	[tilespmem:$0x19400] =	vst v63  }
0xa5: {  	s24 =	simm.s32 $0x80  }
0xa6: {  	[tilespmem:s18], [sflag:$0x1] =	stream.indirect.gather [hbm4b:s4+s16], $0x40, s24, s16, $0xb8;
	[tilespmem:$0x19400] =	vst v63  }
0xa7: {  	s25 =	simm.s32 $0x100  }
0xa8: {  	[tilespmem:s19], [sflag:$0x1] =	stream.indirect.gather [hbm4b:s4+s16], $0x40, s25, s16, $0xb8;
	[tilespmem:$0x19400] =	vst v63  }
0xa9: {  	s26 =	simm.s32 $0x180  }
0xaa: {  	[tilespmem:s20], [sflag:$0x1] =	stream.indirect.gather [hbm4b:s4+s16], $0x40, s26, s16, $0xb8;
	[tilespmem:$0x19400] =	vst v63  }
0xab: {  	_ =	swait.ge [sflag:s21], $0x2000  }
0xac: {  	[sflag:s21] =	ssyncset.done $0x0  }
0xad: {  	[sflag:s21] =	ssyncadd.s32 $0xFFFFE000  }
0xae: {  	_ =	swait.ge [sflag:s21], $0x2000  }
0xaf: {  	[sflag:s21] =	ssyncset.done $0x0  }
0xb0: {  	[sflag:s21] =	ssyncadd.s32 $0xFFFFE000  }
0xb1: {  	_ =	swait.ge [sflag:s21], $0x2000  }
0xb2: {  	[sflag:s21] =	ssyncset.done $0x0  }
0xb3: {  	[sflag:s21] =	ssyncadd.s32 $0xFFFFE000  }
0xb4: {  	_ =	swait.ge [sflag:s21], $0x2000  }
0xb5: {  	[sflag:s21] =	ssyncset.done $0x0  }
0xb6: {  	s28 =	simm.s32 $0x3A00;
	[sflag:s21] =	ssyncadd.s32 $0xFFFFE000  }
0xb7: {  	[spmem:s2] =	stream.indirect.scatter.add.f32 [tilespmem:s17], [sflag:$0x2], $0x40, s28, s16, $0xb8;
	[tilespmem:$0x19400] =	vst v63  }
0xb8: {  	s29 =	simm.s32 $0x3A80  }
0xb9: {  	[spmem:s2] =	stream.indirect.scatter.add.f32 [tilespmem:s18], [sflag:$0x2], $0x40, s29, s16, $0xb8;
	[tilespmem:$0x19400] =	vst v63  }
0xba: {  	s30 =	simm.s32 $0x3B00  }
0xbb: {  	[spmem:s2] =	stream.indirect.scatter.add.f32 [tilespmem:s19], [sflag:$0x2], $0x40, s30, s16, $0xb8;
	[tilespmem:$0x19400] =	vst v63  }
0xbc: {  	s31 =	simm.s32 $0x3B80  }
0xbd: {  	[spmem:s2] =	stream.indirect.scatter.add.f32 [tilespmem:s20], [sflag:$0x2], $0x40, s31, s16, $0xb8;
	[tilespmem:$0x19400] =	vst v63  }
0xbe: {  	_ =	swait.ge [sflag:s22], $0x2000  }
0xbf: {  	[sflag:s22] =	ssyncset.done $0x0  }
0xc0: {  	[sflag:s22] =	ssyncadd.s32 $0xFFFFE000  }
0xc1: {  	_ =	swait.ge [sflag:s22], $0x2000  }
0xc2: {  	[sflag:s22] =	ssyncset.done $0x0  }
0xc3: {  	[sflag:s22] =	ssyncadd.s32 $0xFFFFE000  }
0xc4: {  	_ =	swait.ge [sflag:s22], $0x2000  }
0xc5: {  	[sflag:s22] =	ssyncset.done $0x0  }
0xc6: {  	[sflag:s22] =	ssyncadd.s32 $0xFFFFE000  }
0xc7: {  	_ =	swait.ge [sflag:s22], $0x2000  }
0xc8: {  	s23 =	simm.s32 $0x800;
	s25 =	simm.s32 $0x1000;
	[sflag:s22] =	ssyncset.done $0x0  }
.LBB2_3:
0xc9: {  	s26 =	sshra.s32 s23, $0x2  }
0xca: {  	[sflag:s22] =	ssyncadd.s32 $0xFFFFE000;
	s23 =	smov.u32 s25;
	s24 =	sadd.s32 $0x800, s25  }
0xcb: {  	[tilespmem:s17], [sflag:$0x1] =	stream.indirect.gather [hbm4b:s4+s16], $0x40, s26, s16, $0xb8;
	[tilespmem:$0x19400] =	vst v63  }
0xcc: {  	p1 =	seq.s32 s25, $0xE000;
	s25 =	sadd.s32 $0x80, s26  }
0xcd: {  	[tilespmem:s18], [sflag:$0x1] =	stream.indirect.gather [hbm4b:s4+s16], $0x40, s25, s16, $0xb8;
	[tilespmem:$0x19400] =	vst v63  }
0xce: {  	s25 =	sadd.s32 $0x100, s26  }
0xcf: {  	[tilespmem:s19], [sflag:$0x1] =	stream.indirect.gather [hbm4b:s4+s16], $0x40, s25, s16, $0xb8;
	[tilespmem:$0x19400] =	vst v63  }
0xd0: {  	s25 =	sadd.s32 $0x180, s26  }
0xd1: {  	[tilespmem:s20], [sflag:$0x1] =	stream.indirect.gather [hbm4b:s4+s16], $0x40, s25, s16, $0xb8;
	[tilespmem:$0x19400] =	vst v63  }
0xd2: {  	_ =	swait.ge [sflag:s21], $0x2000  }
0xd3: {  	[sflag:s21] =	ssyncset.done $0x0  }
0xd4: {  	[sflag:s21] =	ssyncadd.s32 $0xFFFFE000  }
0xd5: {  	_ =	swait.ge [sflag:s21], $0x2000  }
0xd6: {  	[sflag:s21] =	ssyncset.done $0x0  }
0xd7: {  	[sflag:s21] =	ssyncadd.s32 $0xFFFFE000  }
0xd8: {  	_ =	swait.ge [sflag:s21], $0x2000  }
0xd9: {  	[sflag:s21] =	ssyncset.done $0x0  }
0xda: {  	[sflag:s21] =	ssyncadd.s32 $0xFFFFE000  }
0xdb: {  	_ =	swait.ge [sflag:s21], $0x2000  }
0xdc: {  	[sflag:s21] =	ssyncset.done $0x0  }
0xdd: {  	s25 =	sadd.s32 $0x3A00, s26;
	[sflag:s21] =	ssyncadd.s32 $0xFFFFE000  }
0xde: {  	[spmem:s2] =	stream.indirect.scatter.add.f32 [tilespmem:s17], [sflag:$0x2], $0x40, s25, s16, $0xb8;
	[tilespmem:$0x19400] =	vst v63  }
0xdf: {  	s25 =	sadd.s32 $0x3A80, s26  }
0xe0: {  	[spmem:s2] =	stream.indirect.scatter.add.f32 [tilespmem:s18], [sflag:$0x2], $0x40, s25, s16, $0xb8;
	[tilespmem:$0x19400] =	vst v63  }
0xe1: {  	s25 =	sadd.s32 $0x3B00, s26  }
0xe2: {  	[spmem:s2] =	stream.indirect.scatter.add.f32 [tilespmem:s19], [sflag:$0x2], $0x40, s25, s16, $0xb8;
	[tilespmem:$0x19400] =	vst v63  }
0xe3: {  	s25 =	sadd.s32 $0x3B80, s26  }
0xe4: {  	[spmem:s2] =	stream.indirect.scatter.add.f32 [tilespmem:s20], [sflag:$0x2], $0x40, s25, s16, $0xb8;
	[tilespmem:$0x19400] =	vst v63  }
0xe5: {  	_ =	swait.ge [sflag:s22], $0x2000  }
0xe6: {  	[sflag:s22] =	ssyncset.done $0x0  }
0xe7: {  	[sflag:s22] =	ssyncadd.s32 $0xFFFFE000  }
0xe8: {  	_ =	swait.ge [sflag:s22], $0x2000  }
0xe9: {  	[sflag:s22] =	ssyncset.done $0x0  }
0xea: {  	[sflag:s22] =	ssyncadd.s32 $0xFFFFE000  }
.Ltmp5:
0xeb: {  	_ =	swait.ge [sflag:s22], $0x2000;
	(pc) =	sbr.rel @!p1 .LBB2_3-.Ltmp5, $4  }
0xec: {  	[sflag:s22] =	ssyncset.done $0x0  }
0xed: {  	[sflag:s22] =	ssyncadd.s32 $0xFFFFE000  }
0xee: {  	_ =	swait.ge [sflag:s22], $0x2000  }
0xef: {  	s25 =	smov.u32 s24;
	[sflag:s22] =	ssyncset.done $0x0  }
0xf0: {  	s23 =	sshra.s32 s23, $0x2;
	[sflag:s22] =	ssyncadd.s32 $0xFFFFE000  }
0xf1: {  	[tilespmem:s17], [sflag:$0x1] =	stream.indirect.gather [hbm4b:s4+s16], $0x40, s23, s16, $0xb8;
	[tilespmem:$0x19400] =	vst v63  }
0xf2: {  	s24 =	sadd.s32 $0x80, s23  }
0xf3: {  	[tilespmem:s18], [sflag:$0x1] =	stream.indirect.gather [hbm4b:s4+s16], $0x40, s24, s16, $0xb8;
	[tilespmem:$0x19400] =	vst v63  }
0xf4: {  	s26 =	sadd.s32 $0x100, s23  }
0xf5: {  	[tilespmem:s19], [sflag:$0x1] =	stream.indirect.gather [hbm4b:s4+s16], $0x40, s26, s16, $0xb8;
	[tilespmem:$0x19400] =	vst v63  }
0xf6: {  	s28 =	sadd.s32 $0x180, s23  }
0xf7: {  	[tilespmem:s20], [sflag:$0x1] =	stream.indirect.gather [hbm4b:s4+s16], $0x40, s28, s16, $0xb8;
	[tilespmem:$0x19400] =	vst v63  }
0xf8: {  	_ =	swait.ge [sflag:s21], $0x2000  }
0xf9: {  	[sflag:s21] =	ssyncset.done $0x0  }
0xfa: {  	[sflag:s21] =	ssyncadd.s32 $0xFFFFE000  }
0xfb: {  	_ =	swait.ge [sflag:s21], $0x2000  }
0xfc: {  	[sflag:s21] =	ssyncset.done $0x0  }
0xfd: {  	[sflag:s21] =	ssyncadd.s32 $0xFFFFE000  }
0xfe: {  	_ =	swait.ge [sflag:s21], $0x2000  }
0xff: {  	[sflag:s21] =	ssyncset.done $0x0  }
0x100: {  	[sflag:s21] =	ssyncadd.s32 $0xFFFFE000  }
0x101: {  	_ =	swait.ge [sflag:s21], $0x2000  }
0x102: {  	[sflag:s21] =	ssyncset.done $0x0  }
0x103: {  	s29 =	sadd.s32 $0x3A00, s23;
	[sflag:s21] =	ssyncadd.s32 $0xFFFFE000  }
0x104: {  	[spmem:s2] =	stream.indirect.scatter.add.f32 [tilespmem:s17], [sflag:$0x2], $0x40, s29, s16, $0xb8;
	[tilespmem:$0x19400] =	vst v63  }
0x105: {  	s30 =	sadd.s32 $0x3A80, s23  }
0x106: {  	[spmem:s2] =	stream.indirect.scatter.add.f32 [tilespmem:s18], [sflag:$0x2], $0x40, s30, s16, $0xb8;
	[tilespmem:$0x19400] =	vst v63  }
0x107: {  	s31 =	sadd.s32 $0x3B00, s23  }
0x108: {  	[spmem:s2] =	stream.indirect.scatter.add.f32 [tilespmem:s19], [sflag:$0x2], $0x40, s31, s16, $0xb8;
	[tilespmem:$0x19400] =	vst v63  }
0x109: {  	s23 =	sadd.s32 $0x3B80, s23  }
0x10a: {  	[spmem:s2] =	stream.indirect.scatter.add.f32 [tilespmem:s20], [sflag:$0x2], $0x40, s23, s16, $0xb8;
	[tilespmem:$0x19400] =	vst v63  }
0x10b: {  	_ =	swait.ge [sflag:s22], $0x2000  }
0x10c: {  	[sflag:s22] =	ssyncset.done $0x0  }
0x10d: {  	[sflag:s22] =	ssyncadd.s32 $0xFFFFE000  }
0x10e: {  	_ =	swait.ge [sflag:s22], $0x2000  }
0x10f: {  	[sflag:s22] =	ssyncset.done $0x0  }
0x110: {  	[sflag:s22] =	ssyncadd.s32 $0xFFFFE000  }
0x111: {  	_ =	swait.ge [sflag:s22], $0x2000  }
.Ltmp6:
0x112: {  	[sflag:s22] =	ssyncset.done $0x0;
	(pc) =	sbr.rel .LBB2_8-.Ltmp6, $4  }
0x113: {  	[sflag:s22] =	ssyncadd.s32 $0xFFFFE000  }
0x114: {  	_ =	swait.ge [sflag:s22], $0x2000  }
0x115: {  	[sflag:s22] =	ssyncset.done $0x0  }
0x116: {  	[sflag:s22] =	ssyncadd.s32 $0xFFFFE000  }
.LBB2_9:
0x117: {  	_ =	sfence.sel $0x180000  }
0x118: {  	[bflag:$0x0] =	sbarrier.arrive $0xFFFF  }
0x119: {  	p0 =	sne.s32 s1, $0x0;
	_ =	strace $0x9000004A  }
0x11a: {  	s0 =	sadd.s32 @!p0 $0x100000, s0;
	[bflag:$0x2] =	sbarrier.arrive $0xFFFF  }
0x11b: {  	[sflag:s0] =	ssyncadd.tile.s32 @!p0 $0x1;
	_ =	shalt  }
.Lfunc_end2:
_tile_overlayer_lowered:
.L_overlay_start_2:
0x11c: {  	(tag) =	ssettag $0x2  }
0x11d: {  	s0 =	rddreg [dreg:$0x0];
	s2 =	stileid.u32  }
0x11e: {  	s1 =	rddreg [dreg:$0x1];
	p0 =	sne.s32 s2, $0x0  }
0x11f: {  	s3 =	rddreg [dreg:$0x2];
	[bflag:$0x3] =	sbarrier.arrive $0xFFFF;
	s2 =	simm.s32 @!p0 $0x1C03  }
0x120: {  	[timem:s3], [sflag:s2] =	dma.local @!p0 [hbm:s0], s1  }
0x121: {  	s0 =	simm.s32 @!p0 $0x3  }
0x122: {  	_ =	swait.ge @!p0 [sflag:s0], s1  }
0x123: {  	s1 =	ssub.s32 @!p0 $0x0, s1;
	[sflag:s0] =	ssyncset.done @!p0 $0x0  }
0x124: {  	[sflag:s0] =	ssyncadd.s32 @!p0 s1  }
0x125: {  	[bflag:$0x3] =	sbarrier.arrive $0xFFFF  }
0x126: {  	_ =	shalt  }

// kernel: kernel.15.cloned.1.call-start
scs
__scs_entry_jumppad:
0x0: {  	(pc) =	sbr.rel $0x88, $3  }
0x1: {  	(tag) =	ssettag $0x0;
	lr =	simm.s32 $0x1  }
0x2: {  	[smem:$0x3F96] =	sst lr;
	_ =	strace $0xD0000000  }
0x3: {  	_ = 	snop  }
0x4: {  	_ = 	snop  }
0x5: {  	_ = 	snop  }
0x6: {  	_ = 	snop  }
0x7: {  	_ = 	snop  }
__scs_overlays_trampoline_lowered:
0x8: {  	[smem:$0x3FA5] =	sst s0  }
0x9: {  	[smem:$0x3FA6] =	sst s1  }
0xa: {  	[smem:$0x3FA7] =	sst s2  }
0xb: {  	[smem:$0x3FA8] =	sst s3  }
0xc: {  	[smem:$0x3FA9] =	sst s4  }
0xd: {  	[smem:$0x3FAA] =	sst s5  }
0xe: {  	[smem:$0x3FAB] =	sst s6  }
0xf: {  	[smem:$0x3FAC] =	sst s7  }
0x10: {  	[smem:$0x3FAD] =	sst s8  }
0x11: {  	[smem:$0x3FAE] =	sst s9;
	s0 =	simm.s32 @!p0 $0x0  }
0x12: {  	s1 =	sld [smem:$0x3F94];
	s0 =	simm.s32 @p0 $0x1  }
0x13: {  	[smem:$0x3FAF] =	sst s0;
	s0 =	simm.s32 @!p1 $0x0  }
0x14: {  	s2 =	sld [smem:$0x3F93];
	s0 =	simm.s32 @p1 $0x1  }
0x15: {  	[smem:$0x3FB0] =	sst s0;
	s0 =	simm.s32 @!p2 $0x0  }
0x16: {  	s3 =	sld [smem:$0x3FDB];
	s0 =	simm.s32 @p2 $0x1  }
0x17: {  	s4 =	simm.s32 $0x1BF5;
	[smem:$0x3FB2] =	sst s0  }
0x18: {  	s0 =	sld [smem:$0x3F95];
	_ =	swait.ge [sflag:s4], $0x0  }
0x19: {  	s7 =	sld [smem:$0x3F96]  }
0x1a: {  	s8 =	sadd.s32 $0xFFFFE003, lr  }
0x1b: {  	s9 =	sadd.s32 $0xFFFFFEF7, lr;
	s5 =	simm.s32 $0xFFFFFFFF;
	p2 =	slt.u32 s8, $0xFFFFF086  }
0x1c: {  	p1 =	slt.u32 s9, $0xF7A;
	s5 =	simm.s32 @!p2 $0x0  }
0x1d: {  	s5 =	simm.s32 @p1 $0x1;
	p0 =	seq.s32 s7, s2  }
0x1e: {  	s7 =	smul.u32 @!p0 $0xF7A, s2;
	p2 =	seq.s32 @!p0 s5, $0x0  }
0x1f: {  	s9 =	smul.u32 $0xF7A, s1;
	s8 =	simm.s32 @!p0 $0x1BF5;
	p2 =	por !p2, p0  }
0x20: {  	[sflag:s8] =	ssyncset.s32 @!p0 $0xFFFFF086;
	s6 =	sadd.s32 @!p0 s3, s7;
	s7 =	simm.s32 @!p0 $0x108  }
0x21: {  	s3 =	sadd.s32 s3, s9;
	s6 =	sadd.s32 @!p0 $0x88, s6;
	s7 =	simm.s32 @p2 $0x1082  }
0x22: {  	[simem:s7], [sflag:s8] =	dma.local @!p0 [hbm:s6], $0xF7A  }
0x23: {  	s9 =	sor.u32 $0xD0000000, s2;
	s6 =	simm.s32 $0x108;
	_ =	swait.ge @!p0 [sflag:s8], $0x0  }
0x24: {  	s3 =	sadd.s32 $0x88, s3;
	s6 =	simm.s32 @!p1 $0x1082;
	[sflag:s4] =	ssyncset.s32 $0xFFFFF086  }
0x25: {  	[simem:s6], [sflag:s4] =	dma.local [hbm:s3], $0xF7A  }
0x26: {  	[smem:$0x3F96] =	sst s1;
	(tag) =	ssettag s2;
	_ =	strace s9  }
0x27: {  	s1 =	sld [smem:$0x3FA6]  }
0x28: {  	s2 =	sld [smem:$0x3FA7]  }
0x29: {  	s4 =	sld [smem:$0x3FA9]  }
0x2a: {  	p0 =	seq.s32 s5, $0x0;
	s5 =	sld [smem:$0x3FAA]  }
0x2b: {  	s6 =	sld [smem:$0x3FAB]  }
0x2c: {  	s7 =	sld [smem:$0x3FAC]  }
0x2d: {  	s3 =	simm.s32 $0x108;
	s8 =	sld [smem:$0x3FAD]  }
0x2e: {  	s3 =	simm.s32 @!p0 $0x1082;
	s9 =	sld [smem:$0x3FAE]  }
0x2f: {  	lr =	sadd.s32 s0, s3;
	s0 =	sld [smem:$0x3FA5]  }
0x30: {  	s3 =	sld [smem:$0x3FA8]  }
0x31: {  	[smem:$0x3FB1] =	sst s10  }
0x32: {  	s10 =	sld [smem:$0x3FAF];
	_ =	sdelay $0x3  }
0x33: {  	p0 =	seq.s32 s10, $0x1;
	s10 =	sld [smem:$0x3FB1];
	_ =	sdelay $0x3  }
0x34: {  	[smem:$0x3FB1] =	sst s10  }
0x35: {  	s10 =	sld [smem:$0x3FB0];
	_ =	sdelay $0x3  }
0x36: {  	p1 =	seq.s32 s10, $0x1;
	s10 =	sld [smem:$0x3FB1];
	_ =	sdelay $0x3  }
0x37: {  	[smem:$0x3FB1] =	sst s10  }
0x38: {  	s10 =	sld [smem:$0x3FB2]  }
0x39: {  	_ = 	snop;
	(pc) =	sbr.ind lr, $3  }
0x3a: {  	_ = 	snop  }
0x3b: {  	_ = 	snop  }
0x3c: {  	p2 =	seq.s32 s10, $0x1;
	s10 =	sld [smem:$0x3FB1]  }
0x3d: {  	_ =	shalt  }
0x3e: {  	_ =	shalt  }
0x3f: {  	_ =	shalt  }
0x40: {  	_ =	shalt  }
0x41: {  	_ =	shalt  }
0x42: {  	_ =	shalt  }
0x43: {  	_ =	shalt  }
0x44: {  	_ =	shalt  }
0x45: {  	_ =	shalt  }
0x46: {  	_ =	shalt  }
0x47: {  	_ =	shalt  }
0x48: {  	_ =	shalt  }
0x49: {  	_ =	shalt  }
0x4a: {  	_ =	shalt  }
0x4b: {  	_ =	shalt  }
0x4c: {  	_ =	shalt  }
0x4d: {  	_ =	shalt  }
0x4e: {  	_ =	shalt  }
0x4f: {  	_ =	shalt  }
0x50: {  	_ =	shalt  }
0x51: {  	_ =	shalt  }
0x52: {  	_ =	shalt  }
0x53: {  	_ =	shalt  }
0x54: {  	_ =	shalt  }
0x55: {  	_ =	shalt  }
0x56: {  	_ =	shalt  }
0x57: {  	_ =	shalt  }
0x58: {  	_ =	shalt  }
0x59: {  	_ =	shalt  }
0x5a: {  	_ =	shalt  }
0x5b: {  	_ =	shalt  }
0x5c: {  	_ =	shalt  }
0x5d: {  	_ =	shalt  }
0x5e: {  	_ =	shalt  }
0x5f: {  	_ =	shalt  }
0x60: {  	_ =	shalt  }
0x61: {  	_ =	shalt  }
0x62: {  	_ =	shalt  }
0x63: {  	_ =	shalt  }
0x64: {  	_ =	shalt  }
0x65: {  	_ =	shalt  }
0x66: {  	_ =	shalt  }
0x67: {  	_ =	shalt  }
0x68: {  	_ =	shalt  }
0x69: {  	_ =	shalt  }
0x6a: {  	_ =	shalt  }
0x6b: {  	_ =	shalt  }
0x6c: {  	_ =	shalt  }
0x6d: {  	_ =	shalt  }
0x6e: {  	_ =	shalt  }
0x6f: {  	_ =	shalt  }
0x70: {  	_ =	shalt  }
0x71: {  	_ =	shalt  }
0x72: {  	_ =	shalt  }
0x73: {  	_ =	shalt  }
0x74: {  	_ =	shalt  }
0x75: {  	_ =	shalt  }
0x76: {  	_ =	shalt  }
0x77: {  	_ =	shalt  }
0x78: {  	_ =	shalt  }
0x79: {  	_ =	shalt  }
0x7a: {  	_ =	shalt  }
0x7b: {  	_ =	shalt  }
0x7c: {  	_ =	shalt  }
0x7d: {  	_ =	shalt  }
0x7e: {  	_ =	shalt  }
0x7f: {  	_ =	shalt  }
0x80: {  	_ =	shalt  }
0x81: {  	_ =	shalt  }
0x82: {  	_ =	shalt  }
0x83: {  	_ =	shalt  }
0x84: {  	_ =	shalt  }
0x85: {  	_ =	shalt  }
0x86: {  	_ =	shalt  }
0x87: {  	_ =	shalt  }
.Lfunc_end0:
.L_simem_size_0:
called_computation.2_lowered:
.L_overlay_start_0:
0x88: {  	s2 =	sld [smem:$0x3FD9]  }
0x89: {  	s3 =	sld [smem:$0x3FFE];
	_ =	sdelay $0x1  }
0x8a: {  	s1 =	srdreg.scid  }
0x8b: {  	s0 =	sand.u32 $0x1, s1  }
0x8c: {  	s16 =	sshll.u32 s0, $0xA;
	s2 =	sadd.s32 s3, s2  }
0x8d: {  	s2 =	sadd.s32 s2, s16  }
0x8e: {  	[smem:$0x3FBD] =	sst s2  }
0x8f: {  	_ = 	snop  }
0x90: {  	(tm) =	ssettm $0x1  }
0x91: {  	s17 =	sld [smem:$0x3FFB];
	_ =	sdelay $0x3  }
0x92: {  	_ =	strace s17  }
0x93: {  	s2 =	sld [smem:$0x3FFC];
	_ =	sdelay $0x3  }
0x94: {  	_ =	strace s2  }
0x95: {  	s2 =	sld [smem:$0x3FFD];
	_ =	sdelay $0x3  }
0x96: {  	_ =	strace s2  }
0x97: {  	_ =	strace $0x8FFFFFFF  }
0x98: {  	s18 =	sld [smem:$0x3FDB];
	_ =	sdelay $0x1  }
0x99: {  	s19 =	simm.s32 $_scs_section_size  }
0x9a: {  	s4 =	simm.s32 $_size__tile_overlayer_lowered;
	s5 =	simm.s32 $_tile_overlayer_lowered  }
0x9b: {  	s22 =	simm.s32 $0x1BFF;
	s21 =	sshll.u32 s5, $0x1;
	s2 =	sadd.s32 s19, s18  }
0x9c: {  	s6 =	simm.s32 $0x0;
	s20 =	sshll.u32 s4, $0x1;
	s4 =	sadd.s32 s21, s2  }
0x9d: {  	[timem:s6], [sflag:s22] =	dma.local [hbm:s4], s20  }
0x9e: {  	_ =	swait.ge [sflag:s22], s20  }
0x9f: {  	s3 =	ssub.s32 $0x0, s20;
	[sflag:s22] =	ssyncset.done $0x0  }
0xa0: {  	[sflag:s22] =	ssyncadd.s32 s3;
	_ =	sdelay $0x1  }
0xa1: {  	s23 =	simm.s32 $0x1B8B  }
0xa2: {  	_ =	swait.ge [sflag:s23], $0x1  }
0xa3: {  	[sflag:s23] =	ssyncset.done $0x0  }
0xa4: {  	s25 =	simm.s32 $0x1B8E;
	s24 =	sld [smem:$0x3FFE];
	[sflag:s23] =	ssyncadd.s32 $0xFFFFFFFF  }
0xa5: {  	s26 =	simm.s32 $execute0_lowered;
	[smem:$0x3FD2] =	sst s25  }
0xa6: {  	s4 =	sshll.u32 s26, $0x1;
	_ =	strace $0x8000004C;
	[dreg:$0x1] =	wrdreg $0xFFFFFFFF  }
0xa7: {  	s28 =	simm.s32 $_size_execute0_lowered;
	s2 =	sadd.s32 s2, s4;
	[dreg:$0x0] =	wrdreg $0x0  }
0xa8: {  	s4 =	sshll.u32 s28, $0x1;
	[dreg:$0x2] =	wrdreg s2  }
0xa9: {  	[dreg:$0x3] =	wrdreg s4  }
0xaa: {  	[dreg:$0x4] =	wrdreg $0xC0  }
0xab: {  	_ =	task [dreg:s6], $0x5FFFF  }
0xac: {  	[dreg:$0x1] =	wrdreg $0xFFFFFFFF  }
0xad: {  	[dreg:$0x0] =	wrdreg $0x60  }
0xae: {  	[dreg:$0x2] =	wrdreg s24  }
0xaf: {  	[dreg:$0x3] =	wrdreg $0xF4000  }
0xb0: {  	[dreg:$0x4] =	wrdreg $0x9  }
0xb1: {  	_ =	task.clear_ibuf [dreg:s6], $0x5FFFF;
	_ =	strace $0x9000004C  }
0xb2: {  	s29 =	simm.s32 $0x9;
	_ =	strace $0x8000004E  }
0xb3: {  	_ =	swait.ge [sflag:s29], $0x1  }
0xb4: {  	[sflag:s29] =	ssyncadd.s32 $0xFFFFFFFF  }
0xb5: {  	_ =	strace $0x9000004E  }
0xb6: {  	_ =	sfence  }
0xb7: {  	s30 =	sld [smem:$0x0];
	_ =	sdelay $0x2  }
0xb8: {  	s31 =	sshll.u32 s1, $0xD;
	s1 =	sshrl.u32 s1, $0x2  }
0xb9: {  	s3 =	sand.u32 $0x4000, s31;
	s1 =	sadd.s32 s1, s30  }
0xba: {  	s0 =	sor.u32 s3, s0;
	s1 =	sshll.u32 s1, $0x11  }
0xbb: {  	s0 =	sor.u32 s1, s0  }
0xbc: {  	s0 =	sadd.s32 $0x8F2B, s0  }
0xbd: {  	[sflag:s0] =	ssyncadd.remote.s32 $0x1  }
0xbe: {  	_ =	sfence.sel $0xFFFF  }
0xbf: {  	[dreg:$0x0] =	wrdreg $0xFFFFFFFF;
	(pc) =	sbr.abs _section_cstart, $3  }
0xc0: {  	[dreg:$0x1] =	wrdreg $0xFFFFFFFF  }
0xc1: {  	_ =	task.clear_ibuf [dreg:s6], $0x2FFFF;
	_ =	strace $0x9FFFFFFF  }
0xc2: {  	(tm) =	ssettm $0x7FFFFFFF  }
0xc3: {  	_ =	shalt  }
tec
execute0_lowered:
.L_overlay_start_1:
0x0: {  	(tag) =	ssettag $0x1  }
0x1: {  	s6 =	rddreg [dreg:$0x0]  }
0x2: {  	s2 =	rddreg [dreg:$0x1]  }
0x3: {  	s0 =	rddreg [dreg:$0x2];
	s4 =	srdreg.scid  }
0x4: {  	s1 =	stileid.u32;
	s3 =	simm.s32 $0x0;
	s16 =	simm.s32 $0x80  }
0x5: {  	s17 =	simm.s32 $0x7400;
	s18 =	simm.s32 $0x9400;
	s19 =	simm.s32 $0xB400  }
0x6: {  	s20 =	simm.s32 $0xD400;
	s21 =	simm.s32 $0x1;
	s22 =	simm.s32 $0x2  }
0x7: {  	s7 =	sand.u32 $0x1, s4;
	s8 =	smul.u32 $0xA000, s1;
	[smem:$0x7FF] =	sst s3  }
0x8: {  	s9 =	sadd.s32 $0x1F600, s6;
	s10 =	sadd.s32 $0x15600, s6;
	s13 =	smul.u32 $0x5000, s1  }
0x9: {  	s4 =	sadd.s32 $0x1C00, s6;
	s30 =	sshll.u32 s1, $0x6;
	s14 =	smul.u32 $0xA00, s1  }
0xa: {  	s5 =	smul.u32 $0xA0000, s7;
	_ =	strace $0x8000004D;
	s12 =	ssub.s32 $0x2, s7  }
0xb: {  	p0 =	seq.s32 s7, $0x1;
	s29 =	sshrl.u32 s12, $0x1;
	s15 =	sadd.s32 s8, s2  }
0xc: {  	s31 =	sshrl.u32 s13, $0x3;
	s7 =	sadd.s32 s9, s14;
	s11 =	sadd.s32 s8, s5  }
.Ltmp0:
0xd: {  	s5 =	sadd.s32 $0x29600, s6;
	s12 =	ssub.s32 s12, s29;
	(pc) =	sbr.rel .LBB2_1-.Ltmp0, $4  }
0xe: {  	s13 =	sadd.s32 $0x740, s31;
	s8 =	sadd.s32 s10, s14;
	s14 =	simm.s32 $0x3  }
0xf: {  	s11 =	sshrl.u32 s11, $0x3;
	s9 =	sadd.s32 s9, s13;
	s10 =	sadd.s32 s10, s13  }
0x10: {  	s12 =	smax.u32 s12, $0x1;
	s13 =	sshrl.u32 s15, $0x3;
	s11 =	sadd.s32 s11, s6  }
0x11: {  	s15 =	simm.s32 $0x3A00;
	s6 =	sor.u32 $0x1C03, s30;
	s11 =	sadd.s32 $0x2AA00, s11  }
.LBB2_7:
0x12: {  	s23 =	sshra.s32 s23, $0x2;
	[sflag:s22] =	ssyncadd.s32 $0xFFFFE000  }
0x13: {  	[tilespmem:s17], [sflag:$0x1] =	stream.indirect.gather [hbm4b:s4+s16], $0x40, s23, s16, $0xb8;
	[tilespmem:$0x19400] =	vst v63  }
0x14: {  	s24 =	sadd.s32 $0x80, s23  }
0x15: {  	[tilespmem:s18], [sflag:$0x1] =	stream.indirect.gather [hbm4b:s4+s16], $0x40, s24, s16, $0xb8;
	[tilespmem:$0x19400] =	vst v63  }
0x16: {  	s26 =	sadd.s32 $0x100, s23  }
0x17: {  	[tilespmem:s19], [sflag:$0x1] =	stream.indirect.gather [hbm4b:s4+s16], $0x40, s26, s16, $0xb8;
	[tilespmem:$0x19400] =	vst v63  }
0x18: {  	s28 =	sadd.s32 $0x180, s23  }
0x19: {  	[tilespmem:s20], [sflag:$0x1] =	stream.indirect.gather [hbm4b:s4+s16], $0x40, s28, s16, $0xb8;
	[tilespmem:$0x19400] =	vst v63  }
0x1a: {  	_ =	swait.ge [sflag:s21], $0x2000  }
0x1b: {  	[sflag:s21] =	ssyncset.done $0x0  }
0x1c: {  	[sflag:s21] =	ssyncadd.s32 $0xFFFFE000  }
0x1d: {  	_ =	swait.ge [sflag:s21], $0x2000  }
0x1e: {  	[sflag:s21] =	ssyncset.done $0x0  }
0x1f: {  	[sflag:s21] =	ssyncadd.s32 $0xFFFFE000  }
0x20: {  	_ =	swait.ge [sflag:s21], $0x2000  }
0x21: {  	[sflag:s21] =	ssyncset.done $0x0  }
0x22: {  	[sflag:s21] =	ssyncadd.s32 $0xFFFFE000  }
0x23: {  	_ =	swait.ge [sflag:s21], $0x2000  }
0x24: {  	[sflag:s21] =	ssyncset.done $0x0  }
0x25: {  	s29 =	sadd.s32 $0x3A00, s23;
	[sflag:s21] =	ssyncadd.s32 $0xFFFFE000  }
0x26: {  	[spmem:s2] =	stream.indirect.scatter.add.f32 [tilespmem:s17], [sflag:$0x2], $0x40, s29, s16, $0xb8;
	[tilespmem:$0x19400] =	vst v63  }
0x27: {  	s30 =	sadd.s32 $0x3A80, s23  }
0x28: {  	[spmem:s2] =	stream.indirect.scatter.add.f32 [tilespmem:s18], [sflag:$0x2], $0x40, s30, s16, $0xb8;
	[tilespmem:$0x19400] =	vst v63  }
0x29: {  	s31 =	sadd.s32 $0x3B00, s23  }
0x2a: {  	[spmem:s2] =	stream.indirect.scatter.add.f32 [tilespmem:s19], [sflag:$0x2], $0x40, s31, s16, $0xb8;
	[tilespmem:$0x19400] =	vst v63  }
0x2b: {  	s23 =	sadd.s32 $0x3B80, s23  }
0x2c: {  	[spmem:s2] =	stream.indirect.scatter.add.f32 [tilespmem:s20], [sflag:$0x2], $0x40, s23, s16, $0xb8;
	[tilespmem:$0x19400] =	vst v63  }
0x2d: {  	_ =	swait.ge [sflag:s22], $0x2000  }
0x2e: {  	[sflag:s22] =	ssyncset.done $0x0  }
0x2f: {  	[sflag:s22] =	ssyncadd.s32 $0xFFFFE000  }
0x30: {  	_ =	swait.ge [sflag:s22], $0x2000  }
0x31: {  	[sflag:s22] =	ssyncset.done $0x0  }
0x32: {  	[sflag:s22] =	ssyncadd.s32 $0xFFFFE000  }
0x33: {  	_ =	swait.ge [sflag:s22], $0x2000  }
0x34: {  	[sflag:s22] =	ssyncset.done $0x0  }
0x35: {  	[sflag:s22] =	ssyncadd.s32 $0xFFFFE000  }
0x36: {  	_ =	swait.ge [sflag:s22], $0x2000  }
0x37: {  	[sflag:s22] =	ssyncset.done $0x0  }
0x38: {  	[sflag:s22] =	ssyncadd.s32 $0xFFFFE000  }
.LBB2_8:
0x39: {  	s3 =	sadd.s32 $0x1, s3  }
0x3a: {  	p1 =	sne.s32 s3, s12  }
.Ltmp1:
0x3b: {  	[bflag:$0x0] =	sbarrier.arrive $0xFFFF;
	(pc) =	sbr.rel @!p1 .LBB2_9-.Ltmp1, $4  }
0x3c: {  	[hbm:s11], [sflag:s6] =	dma.local [spmem:s13], $0x1400  }
0x3d: {  	_ =	swait.ge [sflag:s14], $0x1400  }
0x3e: {  	[sflag:s14] =	ssyncset.done $0x0  }
0x3f: {  	[sflag:s14] =	ssyncadd.s32 $0xFFFFEC00  }
.LBB2_1:
0x40: {  	[spmem:s13], [sflag:s6] =	dma.local [hbm:s5], $0x1400  }
.Ltmp2:
0x41: {  	_ =	swait.ge [sflag:s14], $0x1400;
	(pc) =	sbr.rel @!p0 .LBB2_2-.Ltmp2, $4  }
0x42: {  	[sflag:s14] =	ssyncset.done $0x0  }
0x43: {  	[sflag:s14] =	ssyncadd.s32 $0xFFFFEC00  }
0x44: {  	[bflag:$0x0] =	sbarrier.arrive $0xFFFF  }
0x45: {  	s23 =	simm.s32 $0x0  }
0x46: {  	[tilespmem:s23], [sflag:$0x3] =	stream.linear.gather [hbm4b:s9+s23], $0x1600, $0x38;
	[tilespmem:$0x19400] =	vst v63  }
0x47: {  	_ =	swait.ge [sflag:s14], $0x1600  }
0x48: {  	[sflag:s14] =	ssyncset.done $0x0  }
0x49: {  	[sflag:s14] =	ssyncadd.s32 $0xFFFFEA00  }
0x4a: {  	[tilespmem:s15], [sflag:$0x3] =	stream.linear.gather [hbm4b:s10+s23], $0x1600, $0x38;
	[tilespmem:$0x19400] =	vst v63  }
0x4b: {  	_ =	swait.ge [sflag:s14], $0x1600  }
0x4c: {  	[sflag:s14] =	ssyncset.done $0x0  }
0x4d: {  	s31 =	simm.s32 $0x0;
	[sflag:s14] =	ssyncadd.s32 $0xFFFFEA00  }
0x4e: {  	[tilespmem:s17], [sflag:$0x1] =	stream.indirect.gather [hbm4b:s4+s16], $0x40, s31, s16, $0xb8;
	[tilespmem:$0x19400] =	vst v63  }
0x4f: {  	s24 =	simm.s32 $0x80  }
0x50: {  	[tilespmem:s18], [sflag:$0x1] =	stream.indirect.gather [hbm4b:s4+s16], $0x40, s24, s16, $0xb8;
	[tilespmem:$0x19400] =	vst v63  }
0x51: {  	s25 =	simm.s32 $0x100  }
0x52: {  	[tilespmem:s19], [sflag:$0x1] =	stream.indirect.gather [hbm4b:s4+s16], $0x40, s25, s16, $0xb8;
	[tilespmem:$0x19400] =	vst v63  }
0x53: {  	s26 =	simm.s32 $0x180  }
0x54: {  	[tilespmem:s20], [sflag:$0x1] =	stream.indirect.gather [hbm4b:s4+s16], $0x40, s26, s16, $0xb8;
	[tilespmem:$0x19400] =	vst v63  }
0x55: {  	_ =	swait.ge [sflag:s21], $0x2000  }
0x56: {  	[sflag:s21] =	ssyncset.done $0x0  }
0x57: {  	[sflag:s21] =	ssyncadd.s32 $0xFFFFE000  }
0x58: {  	_ =	swait.ge [sflag:s21], $0x2000  }
0x59: {  	[sflag:s21] =	ssyncset.done $0x0  }
0x5a: {  	[sflag:s21] =	ssyncadd.s32 $0xFFFFE000  }
0x5b: {  	_ =	swait.ge [sflag:s21], $0x2000  }
0x5c: {  	[sflag:s21] =	ssyncset.done $0x0  }
0x5d: {  	[sflag:s21] =	ssyncadd.s32 $0xFFFFE000  }
0x5e: {  	_ =	swait.ge [sflag:s21], $0x2000  }
0x5f: {  	[sflag:s21] =	ssyncset.done $0x0  }
0x60: {  	s28 =	simm.s32 $0x3A00;
	[sflag:s21] =	ssyncadd.s32 $0xFFFFE000  }
0x61: {  	[spmem:s2] =	stream.indirect.scatter.add.f32 [tilespmem:s17], [sflag:$0x2], $0x40, s28, s16, $0xb8;
	[tilespmem:$0x19400] =	vst v63  }
0x62: {  	s29 =	simm.s32 $0x3A80  }
0x63: {  	[spmem:s2] =	stream.indirect.scatter.add.f32 [tilespmem:s18], [sflag:$0x2], $0x40, s29, s16, $0xb8;
	[tilespmem:$0x19400] =	vst v63  }
0x64: {  	s30 =	simm.s32 $0x3B00  }
0x65: {  	[spmem:s2] =	stream.indirect.scatter.add.f32 [tilespmem:s19], [sflag:$0x2], $0x40, s30, s16, $0xb8;
	[tilespmem:$0x19400] =	vst v63  }
0x66: {  	s31 =	simm.s32 $0x3B80  }
0x67: {  	[spmem:s2] =	stream.indirect.scatter.add.f32 [tilespmem:s20], [sflag:$0x2], $0x40, s31, s16, $0xb8;
	[tilespmem:$0x19400] =	vst v63  }
0x68: {  	_ =	swait.ge [sflag:s22], $0x2000  }
0x69: {  	[sflag:s22] =	ssyncset.done $0x0  }
0x6a: {  	[sflag:s22] =	ssyncadd.s32 $0xFFFFE000  }
0x6b: {  	_ =	swait.ge [sflag:s22], $0x2000  }
0x6c: {  	[sflag:s22] =	ssyncset.done $0x0  }
0x6d: {  	[sflag:s22] =	ssyncadd.s32 $0xFFFFE000  }
0x6e: {  	_ =	swait.ge [sflag:s22], $0x2000  }
0x6f: {  	[sflag:s22] =	ssyncset.done $0x0  }
0x70: {  	[sflag:s22] =	ssyncadd.s32 $0xFFFFE000  }
0x71: {  	_ =	swait.ge [sflag:s22], $0x2000  }
0x72: {  	s23 =	simm.s32 $0x800;
	s25 =	simm.s32 $0x1000;
	[sflag:s22] =	ssyncset.done $0x0  }
.LBB2_6:
0x73: {  	s26 =	sshra.s32 s23, $0x2  }
0x74: {  	[sflag:s22] =	ssyncadd.s32 $0xFFFFE000;
	s23 =	smov.u32 s25;
	s24 =	sadd.s32 $0x800, s25  }
0x75: {  	[tilespmem:s17], [sflag:$0x1] =	stream.indirect.gather [hbm4b:s4+s16], $0x40, s26, s16, $0xb8;
	[tilespmem:$0x19400] =	vst v63  }
0x76: {  	p1 =	sne.s32 s25, $0x5000;
	s25 =	sadd.s32 $0x80, s26  }
0x77: {  	[tilespmem:s18], [sflag:$0x1] =	stream.indirect.gather [hbm4b:s4+s16], $0x40, s25, s16, $0xb8;
	[tilespmem:$0x19400] =	vst v63  }
0x78: {  	s25 =	sadd.s32 $0x100, s26  }
0x79: {  	[tilespmem:s19], [sflag:$0x1] =	stream.indirect.gather [hbm4b:s4+s16], $0x40, s25, s16, $0xb8;
	[tilespmem:$0x19400] =	vst v63  }
0x7a: {  	s25 =	sadd.s32 $0x180, s26  }
0x7b: {  	[tilespmem:s20], [sflag:$0x1] =	stream.indirect.gather [hbm4b:s4+s16], $0x40, s25, s16, $0xb8;
	[tilespmem:$0x19400] =	vst v63  }
0x7c: {  	_ =	swait.ge [sflag:s21], $0x2000  }
0x7d: {  	[sflag:s21] =	ssyncset.done $0x0  }
0x7e: {  	[sflag:s21] =	ssyncadd.s32 $0xFFFFE000  }
0x7f: {  	_ =	swait.ge [sflag:s21], $0x2000  }
0x80: {  	[sflag:s21] =	ssyncset.done $0x0  }
0x81: {  	[sflag:s21] =	ssyncadd.s32 $0xFFFFE000  }
0x82: {  	_ =	swait.ge [sflag:s21], $0x2000  }
0x83: {  	[sflag:s21] =	ssyncset.done $0x0  }
0x84: {  	[sflag:s21] =	ssyncadd.s32 $0xFFFFE000  }
0x85: {  	_ =	swait.ge [sflag:s21], $0x2000  }
0x86: {  	[sflag:s21] =	ssyncset.done $0x0  }
0x87: {  	s25 =	sadd.s32 $0x3A00, s26;
	[sflag:s21] =	ssyncadd.s32 $0xFFFFE000  }
0x88: {  	[spmem:s2] =	stream.indirect.scatter.add.f32 [tilespmem:s17], [sflag:$0x2], $0x40, s25, s16, $0xb8;
	[tilespmem:$0x19400] =	vst v63  }
0x89: {  	s25 =	sadd.s32 $0x3A80, s26  }
0x8a: {  	[spmem:s2] =	stream.indirect.scatter.add.f32 [tilespmem:s18], [sflag:$0x2], $0x40, s25, s16, $0xb8;
	[tilespmem:$0x19400] =	vst v63  }
0x8b: {  	s25 =	sadd.s32 $0x3B00, s26  }
0x8c: {  	[spmem:s2] =	stream.indirect.scatter.add.f32 [tilespmem:s19], [sflag:$0x2], $0x40, s25, s16, $0xb8;
	[tilespmem:$0x19400] =	vst v63  }
0x8d: {  	s25 =	sadd.s32 $0x3B80, s26  }
0x8e: {  	[spmem:s2] =	stream.indirect.scatter.add.f32 [tilespmem:s20], [sflag:$0x2], $0x40, s25, s16, $0xb8;
	[tilespmem:$0x19400] =	vst v63  }
0x8f: {  	_ =	swait.ge [sflag:s22], $0x2000  }
0x90: {  	[sflag:s22] =	ssyncset.done $0x0  }
0x91: {  	[sflag:s22] =	ssyncadd.s32 $0xFFFFE000  }
0x92: {  	_ =	swait.ge [sflag:s22], $0x2000  }
0x93: {  	[sflag:s22] =	ssyncset.done $0x0  }
0x94: {  	[sflag:s22] =	ssyncadd.s32 $0xFFFFE000  }
.Ltmp3:
0x95: {  	_ =	swait.ge [sflag:s22], $0x2000;
	(pc) =	sbr.rel @p1 .LBB2_6-.Ltmp3, $4  }
0x96: {  	[sflag:s22] =	ssyncset.done $0x0  }
0x97: {  	[sflag:s22] =	ssyncadd.s32 $0xFFFFE000  }
0x98: {  	_ =	swait.ge [sflag:s22], $0x2000  }
0x99: {  	s25 =	smov.u32 s24;
	[sflag:s22] =	ssyncset.done $0x0  }
.Ltmp4:
0x9a: {  	_ = 	snop;
	(pc) =	sbr.rel .LBB2_7-.Ltmp4, $1  }
0x9b: {  	_ =	sdelay $0x3  }
.LBB2_2:
0x9c: {  	[tilespmem:s23], [sflag:$0x3] =	stream.linear.gather [hbm4b:s7+s23], $0x3A00, $0x38;
	[tilespmem:$0x19400] =	vst v63  }
0x9d: {  	_ =	swait.ge [sflag:s14], $0x3A00  }
0x9e: {  	[sflag:s14] =	ssyncset.done $0x0  }
0x9f: {  	[sflag:s14] =	ssyncadd.s32 $0xFFFFC600  }
0xa0: {  	[tilespmem:s15], [sflag:$0x3] =	stream.linear.gather [hbm4b:s8+s23], $0x3A00, $0x38;
	[tilespmem:$0x19400] =	vst v63  }
0xa1: {  	_ =	swait.ge [sflag:s14], $0x3A00  }
0xa2: {  	[sflag:s14] =	ssyncset.done $0x0  }
0xa3: {  	s31 =	simm.s32 $0x0;
	[sflag:s14] =	ssyncadd.s32 $0xFFFFC600  }
0xa4: {  	[tilespmem:s17], [sflag:$0x1] =	stream.indirect.gather [hbm4b:s4+s16], $0x40, s31, s16, $0xb8;
	[tilespmem:$0x19400] =	vst v63  }
0xa5: {  	s24 =	simm.s32 $0x80  }
0xa6: {  	[tilespmem:s18], [sflag:$0x1] =	stream.indirect.gather [hbm4b:s4+s16], $0x40, s24, s16, $0xb8;
	[tilespmem:$0x19400] =	vst v63  }
0xa7: {  	s25 =	simm.s32 $0x100  }
0xa8: {  	[tilespmem:s19], [sflag:$0x1] =	stream.indirect.gather [hbm4b:s4+s16], $0x40, s25, s16, $0xb8;
	[tilespmem:$0x19400] =	vst v63  }
0xa9: {  	s26 =	simm.s32 $0x180  }
0xaa: {  	[tilespmem:s20], [sflag:$0x1] =	stream.indirect.gather [hbm4b:s4+s16], $0x40, s26, s16, $0xb8;
	[tilespmem:$0x19400] =	vst v63  }
0xab: {  	_ =	swait.ge [sflag:s21], $0x2000  }
0xac: {  	[sflag:s21] =	ssyncset.done $0x0  }
0xad: {  	[sflag:s21] =	ssyncadd.s32 $0xFFFFE000  }
0xae: {  	_ =	swait.ge [sflag:s21], $0x2000  }
0xaf: {  	[sflag:s21] =	ssyncset.done $0x0  }
0xb0: {  	[sflag:s21] =	ssyncadd.s32 $0xFFFFE000  }
0xb1: {  	_ =	swait.ge [sflag:s21], $0x2000  }
0xb2: {  	[sflag:s21] =	ssyncset.done $0x0  }
0xb3: {  	[sflag:s21] =	ssyncadd.s32 $0xFFFFE000  }
0xb4: {  	_ =	swait.ge [sflag:s21], $0x2000  }
0xb5: {  	[sflag:s21] =	ssyncset.done $0x0  }
0xb6: {  	s28 =	simm.s32 $0x3A00;
	[sflag:s21] =	ssyncadd.s32 $0xFFFFE000  }
0xb7: {  	[spmem:s2] =	stream.indirect.scatter.add.f32 [tilespmem:s17], [sflag:$0x2], $0x40, s28, s16, $0xb8;
	[tilespmem:$0x19400] =	vst v63  }
0xb8: {  	s29 =	simm.s32 $0x3A80  }
0xb9: {  	[spmem:s2] =	stream.indirect.scatter.add.f32 [tilespmem:s18], [sflag:$0x2], $0x40, s29, s16, $0xb8;
	[tilespmem:$0x19400] =	vst v63  }
0xba: {  	s30 =	simm.s32 $0x3B00  }
0xbb: {  	[spmem:s2] =	stream.indirect.scatter.add.f32 [tilespmem:s19], [sflag:$0x2], $0x40, s30, s16, $0xb8;
	[tilespmem:$0x19400] =	vst v63  }
0xbc: {  	s31 =	simm.s32 $0x3B80  }
0xbd: {  	[spmem:s2] =	stream.indirect.scatter.add.f32 [tilespmem:s20], [sflag:$0x2], $0x40, s31, s16, $0xb8;
	[tilespmem:$0x19400] =	vst v63  }
0xbe: {  	_ =	swait.ge [sflag:s22], $0x2000  }
0xbf: {  	[sflag:s22] =	ssyncset.done $0x0  }
0xc0: {  	[sflag:s22] =	ssyncadd.s32 $0xFFFFE000  }
0xc1: {  	_ =	swait.ge [sflag:s22], $0x2000  }
0xc2: {  	[sflag:s22] =	ssyncset.done $0x0  }
0xc3: {  	[sflag:s22] =	ssyncadd.s32 $0xFFFFE000  }
0xc4: {  	_ =	swait.ge [sflag:s22], $0x2000  }
0xc5: {  	[sflag:s22] =	ssyncset.done $0x0  }
0xc6: {  	[sflag:s22] =	ssyncadd.s32 $0xFFFFE000  }
0xc7: {  	_ =	swait.ge [sflag:s22], $0x2000  }
0xc8: {  	s23 =	simm.s32 $0x800;
	s25 =	simm.s32 $0x1000;
	[sflag:s22] =	ssyncset.done $0x0  }
.LBB2_3:
0xc9: {  	s26 =	sshra.s32 s23, $0x2  }
0xca: {  	[sflag:s22] =	ssyncadd.s32 $0xFFFFE000;
	s23 =	smov.u32 s25;
	s24 =	sadd.s32 $0x800, s25  }
0xcb: {  	[tilespmem:s17], [sflag:$0x1] =	stream.indirect.gather [hbm4b:s4+s16], $0x40, s26, s16, $0xb8;
	[tilespmem:$0x19400] =	vst v63  }
0xcc: {  	p1 =	seq.s32 s25, $0xE000;
	s25 =	sadd.s32 $0x80, s26  }
0xcd: {  	[tilespmem:s18], [sflag:$0x1] =	stream.indirect.gather [hbm4b:s4+s16], $0x40, s25, s16, $0xb8;
	[tilespmem:$0x19400] =	vst v63  }
0xce: {  	s25 =	sadd.s32 $0x100, s26  }
0xcf: {  	[tilespmem:s19], [sflag:$0x1] =	stream.indirect.gather [hbm4b:s4+s16], $0x40, s25, s16, $0xb8;
	[tilespmem:$0x19400] =	vst v63  }
0xd0: {  	s25 =	sadd.s32 $0x180, s26  }
0xd1: {  	[tilespmem:s20], [sflag:$0x1] =	stream.indirect.gather [hbm4b:s4+s16], $0x40, s25, s16, $0xb8;
	[tilespmem:$0x19400] =	vst v63  }
0xd2: {  	_ =	swait.ge [sflag:s21], $0x2000  }
0xd3: {  	[sflag:s21] =	ssyncset.done $0x0  }
0xd4: {  	[sflag:s21] =	ssyncadd.s32 $0xFFFFE000  }
0xd5: {  	_ =	swait.ge [sflag:s21], $0x2000  }
0xd6: {  	[sflag:s21] =	ssyncset.done $0x0  }
0xd7: {  	[sflag:s21] =	ssyncadd.s32 $0xFFFFE000  }
0xd8: {  	_ =	swait.ge [sflag:s21], $0x2000  }
0xd9: {  	[sflag:s21] =	ssyncset.done $0x0  }
0xda: {  	[sflag:s21] =	ssyncadd.s32 $0xFFFFE000  }
0xdb: {  	_ =	swait.ge [sflag:s21], $0x2000  }
0xdc: {  	[sflag:s21] =	ssyncset.done $0x0  }
0xdd: {  	s25 =	sadd.s32 $0x3A00, s26;
	[sflag:s21] =	ssyncadd.s32 $0xFFFFE000  }
0xde: {  	[spmem:s2] =	stream.indirect.scatter.add.f32 [tilespmem:s17], [sflag:$0x2], $0x40, s25, s16, $0xb8;
	[tilespmem:$0x19400] =	vst v63  }
0xdf: {  	s25 =	sadd.s32 $0x3A80, s26  }
0xe0: {  	[spmem:s2] =	stream.indirect.scatter.add.f32 [tilespmem:s18], [sflag:$0x2], $0x40, s25, s16, $0xb8;
	[tilespmem:$0x19400] =	vst v63  }
0xe1: {  	s25 =	sadd.s32 $0x3B00, s26  }
0xe2: {  	[spmem:s2] =	stream.indirect.scatter.add.f32 [tilespmem:s19], [sflag:$0x2], $0x40, s25, s16, $0xb8;
	[tilespmem:$0x19400] =	vst v63  }
0xe3: {  	s25 =	sadd.s32 $0x3B80, s26  }
0xe4: {  	[spmem:s2] =	stream.indirect.scatter.add.f32 [tilespmem:s20], [sflag:$0x2], $0x40, s25, s16, $0xb8;
	[tilespmem:$0x19400] =	vst v63  }
0xe5: {  	_ =	swait.ge [sflag:s22], $0x2000  }
0xe6: {  	[sflag:s22] =	ssyncset.done $0x0  }
0xe7: {  	[sflag:s22] =	ssyncadd.s32 $0xFFFFE000  }
0xe8: {  	_ =	swait.ge [sflag:s22], $0x2000  }
0xe9: {  	[sflag:s22] =	ssyncset.done $0x0  }
0xea: {  	[sflag:s22] =	ssyncadd.s32 $0xFFFFE000  }
.Ltmp5:
0xeb: {  	_ =	swait.ge [sflag:s22], $0x2000;
	(pc) =	sbr.rel @!p1 .LBB2_3-.Ltmp5, $4  }
0xec: {  	[sflag:s22] =	ssyncset.done $0x0  }
0xed: {  	[sflag:s22] =	ssyncadd.s32 $0xFFFFE000  }
0xee: {  	_ =	swait.ge [sflag:s22], $0x2000  }
0xef: {  	s25 =	smov.u32 s24;
	[sflag:s22] =	ssyncset.done $0x0  }
0xf0: {  	s23 =	sshra.s32 s23, $0x2;
	[sflag:s22] =	ssyncadd.s32 $0xFFFFE000  }
0xf1: {  	[tilespmem:s17], [sflag:$0x1] =	stream.indirect.gather [hbm4b:s4+s16], $0x40, s23, s16, $0xb8;
	[tilespmem:$0x19400] =	vst v63  }
0xf2: {  	s24 =	sadd.s32 $0x80, s23  }
0xf3: {  	[tilespmem:s18], [sflag:$0x1] =	stream.indirect.gather [hbm4b:s4+s16], $0x40, s24, s16, $0xb8;
	[tilespmem:$0x19400] =	vst v63  }
0xf4: {  	s26 =	sadd.s32 $0x100, s23  }
0xf5: {  	[tilespmem:s19], [sflag:$0x1] =	stream.indirect.gather [hbm4b:s4+s16], $0x40, s26, s16, $0xb8;
	[tilespmem:$0x19400] =	vst v63  }
0xf6: {  	s28 =	sadd.s32 $0x180, s23  }
0xf7: {  	[tilespmem:s20], [sflag:$0x1] =	stream.indirect.gather [hbm4b:s4+s16], $0x40, s28, s16, $0xb8;
	[tilespmem:$0x19400] =	vst v63  }
0xf8: {  	_ =	swait.ge [sflag:s21], $0x2000  }
0xf9: {  	[sflag:s21] =	ssyncset.done $0x0  }
0xfa: {  	[sflag:s21] =	ssyncadd.s32 $0xFFFFE000  }
0xfb: {  	_ =	swait.ge [sflag:s21], $0x2000  }
0xfc: {  	[sflag:s21] =	ssyncset.done $0x0  }
0xfd: {  	[sflag:s21] =	ssyncadd.s32 $0xFFFFE000  }
0xfe: {  	_ =	swait.ge [sflag:s21], $0x2000  }
0xff: {  	[sflag:s21] =	ssyncset.done $0x0  }
0x100: {  	[sflag:s21] =	ssyncadd.s32 $0xFFFFE000  }
0x101: {  	_ =	swait.ge [sflag:s21], $0x2000  }
0x102: {  	[sflag:s21] =	ssyncset.done $0x0  }
0x103: {  	s29 =	sadd.s32 $0x3A00, s23;
	[sflag:s21] =	ssyncadd.s32 $0xFFFFE000  }
0x104: {  	[spmem:s2] =	stream.indirect.scatter.add.f32 [tilespmem:s17], [sflag:$0x2], $0x40, s29, s16, $0xb8;
	[tilespmem:$0x19400] =	vst v63  }
0x105: {  	s30 =	sadd.s32 $0x3A80, s23  }
0x106: {  	[spmem:s2] =	stream.indirect.scatter.add.f32 [tilespmem:s18], [sflag:$0x2], $0x40, s30, s16, $0xb8;
	[tilespmem:$0x19400] =	vst v63  }
0x107: {  	s31 =	sadd.s32 $0x3B00, s23  }
0x108: {  	[spmem:s2] =	stream.indirect.scatter.add.f32 [tilespmem:s19], [sflag:$0x2], $0x40, s31, s16, $0xb8;
	[tilespmem:$0x19400] =	vst v63  }
0x109: {  	s23 =	sadd.s32 $0x3B80, s23  }
0x10a: {  	[spmem:s2] =	stream.indirect.scatter.add.f32 [tilespmem:s20], [sflag:$0x2], $0x40, s23, s16, $0xb8;
	[tilespmem:$0x19400] =	vst v63  }
0x10b: {  	_ =	swait.ge [sflag:s22], $0x2000  }
0x10c: {  	[sflag:s22] =	ssyncset.done $0x0  }
0x10d: {  	[sflag:s22] =	ssyncadd.s32 $0xFFFFE000  }
0x10e: {  	_ =	swait.ge [sflag:s22], $0x2000  }
0x10f: {  	[sflag:s22] =	ssyncset.done $0x0  }
0x110: {  	[sflag:s22] =	ssyncadd.s32 $0xFFFFE000  }
0x111: {  	_ =	swait.ge [sflag:s22], $0x2000  }
.Ltmp6:
0x112: {  	[sflag:s22] =	ssyncset.done $0x0;
	(pc) =	sbr.rel .LBB2_8-.Ltmp6, $4  }
0x113: {  	[sflag:s22] =	ssyncadd.s32 $0xFFFFE000  }
0x114: {  	_ =	swait.ge [sflag:s22], $0x2000  }
0x115: {  	[sflag:s22] =	ssyncset.done $0x0  }
0x116: {  	[sflag:s22] =	ssyncadd.s32 $0xFFFFE000  }
.LBB2_9:
0x117: {  	_ =	sfence.sel $0x180000  }
0x118: {  	[bflag:$0x0] =	sbarrier.arrive $0xFFFF  }
0x119: {  	p0 =	sne.s32 s1, $0x0;
	_ =	strace $0x9000004D  }
0x11a: {  	s0 =	sadd.s32 @!p0 $0x100000, s0;
	[bflag:$0x2] =	sbarrier.arrive $0xFFFF  }
0x11b: {  	[sflag:s0] =	ssyncadd.tile.s32 @!p0 $0x1;
	_ =	shalt  }
.Lfunc_end2:
_tile_overlayer_lowered:
.L_overlay_start_2:
0x11c: {  	(tag) =	ssettag $0x2  }
0x11d: {  	s0 =	rddreg [dreg:$0x0];
	s2 =	stileid.u32  }
0x11e: {  	s1 =	rddreg [dreg:$0x1];
	p0 =	sne.s32 s2, $0x0  }
0x11f: {  	s3 =	rddreg [dreg:$0x2];
	[bflag:$0x3] =	sbarrier.arrive $0xFFFF;
	s2 =	simm.s32 @!p0 $0x1C03  }
0x120: {  	[timem:s3], [sflag:s2] =	dma.local @!p0 [hbm:s0], s1  }
0x121: {  	s0 =	simm.s32 @!p0 $0x3  }
0x122: {  	_ =	swait.ge @!p0 [sflag:s0], s1  }
0x123: {  	s1 =	ssub.s32 @!p0 $0x0, s1;
	[sflag:s0] =	ssyncset.done @!p0 $0x0  }
0x124: {  	[sflag:s0] =	ssyncadd.s32 @!p0 s1  }
0x125: {  	[bflag:$0x3] =	sbarrier.arrive $0xFFFF  }
0x126: {  	_ =	shalt  }

// kernel: kernel.9.cloned.1.call-start
scs
__scs_entry_jumppad:
0x0: {  	(pc) =	sbr.rel $0x88, $3  }
0x1: {  	(tag) =	ssettag $0x0;
	lr =	simm.s32 $0x1  }
0x2: {  	[smem:$0x3F96] =	sst lr;
	_ =	strace $0xD0000000  }
0x3: {  	_ = 	snop  }
0x4: {  	_ = 	snop  }
0x5: {  	_ = 	snop  }
0x6: {  	_ = 	snop  }
0x7: {  	_ = 	snop  }
__scs_overlays_trampoline_lowered:
0x8: {  	[smem:$0x3FA5] =	sst s0  }
0x9: {  	[smem:$0x3FA6] =	sst s1  }
0xa: {  	[smem:$0x3FA7] =	sst s2  }
0xb: {  	[smem:$0x3FA8] =	sst s3  }
0xc: {  	[smem:$0x3FA9] =	sst s4  }
0xd: {  	[smem:$0x3FAA] =	sst s5  }
0xe: {  	[smem:$0x3FAB] =	sst s6  }
0xf: {  	[smem:$0x3FAC] =	sst s7  }
0x10: {  	[smem:$0x3FAD] =	sst s8  }
0x11: {  	[smem:$0x3FAE] =	sst s9;
	s0 =	simm.s32 @!p0 $0x0  }
0x12: {  	s1 =	sld [smem:$0x3F94];
	s0 =	simm.s32 @p0 $0x1  }
0x13: {  	[smem:$0x3FAF] =	sst s0;
	s0 =	simm.s32 @!p1 $0x0  }
0x14: {  	s2 =	sld [smem:$0x3F93];
	s0 =	simm.s32 @p1 $0x1  }
0x15: {  	[smem:$0x3FB0] =	sst s0;
	s0 =	simm.s32 @!p2 $0x0  }
0x16: {  	s3 =	sld [smem:$0x3FDB];
	s0 =	simm.s32 @p2 $0x1  }
0x17: {  	s4 =	simm.s32 $0x1BF5;
	[smem:$0x3FB2] =	sst s0  }
0x18: {  	s0 =	sld [smem:$0x3F95];
	_ =	swait.ge [sflag:s4], $0x0  }
0x19: {  	s7 =	sld [smem:$0x3F96]  }
0x1a: {  	s8 =	sadd.s32 $0xFFFFE003, lr  }
0x1b: {  	s9 =	sadd.s32 $0xFFFFFEF7, lr;
	s5 =	simm.s32 $0xFFFFFFFF;
	p2 =	slt.u32 s8, $0xFFFFF086  }
0x1c: {  	p1 =	slt.u32 s9, $0xF7A;
	s5 =	simm.s32 @!p2 $0x0  }
0x1d: {  	s5 =	simm.s32 @p1 $0x1;
	p0 =	seq.s32 s7, s2  }
0x1e: {  	s7 =	smul.u32 @!p0 $0xF7A, s2;
	p2 =	seq.s32 @!p0 s5, $0x0  }
0x1f: {  	s9 =	smul.u32 $0xF7A, s1;
	s8 =	simm.s32 @!p0 $0x1BF5;
	p2 =	por !p2, p0  }
0x20: {  	[sflag:s8] =	ssyncset.s32 @!p0 $0xFFFFF086;
	s6 =	sadd.s32 @!p0 s3, s7;
	s7 =	simm.s32 @!p0 $0x108  }
0x21: {  	s3 =	sadd.s32 s3, s9;
	s6 =	sadd.s32 @!p0 $0x88, s6;
	s7 =	simm.s32 @p2 $0x1082  }
0x22: {  	[simem:s7], [sflag:s8] =	dma.local @!p0 [hbm:s6], $0xF7A  }
0x23: {  	s9 =	sor.u32 $0xD0000000, s2;
	s6 =	simm.s32 $0x108;
	_ =	swait.ge @!p0 [sflag:s8], $0x0  }
0x24: {  	s3 =	sadd.s32 $0x88, s3;
	s6 =	simm.s32 @!p1 $0x1082;
	[sflag:s4] =	ssyncset.s32 $0xFFFFF086  }
0x25: {  	[simem:s6], [sflag:s4] =	dma.local [hbm:s3], $0xF7A  }
0x26: {  	[smem:$0x3F96] =	sst s1;
	(tag) =	ssettag s2;
	_ =	strace s9  }
0x27: {  	s1 =	sld [smem:$0x3FA6]  }
0x28: {  	s2 =	sld [smem:$0x3FA7]  }
0x29: {  	s4 =	sld [smem:$0x3FA9]  }
0x2a: {  	p0 =	seq.s32 s5, $0x0;
	s5 =	sld [smem:$0x3FAA]  }
0x2b: {  	s6 =	sld [smem:$0x3FAB]  }
0x2c: {  	s7 =	sld [smem:$0x3FAC]  }
0x2d: {  	s3 =	simm.s32 $0x108;
	s8 =	sld [smem:$0x3FAD]  }
0x2e: {  	s3 =	simm.s32 @!p0 $0x1082;
	s9 =	sld [smem:$0x3FAE]  }
0x2f: {  	lr =	sadd.s32 s0, s3;
	s0 =	sld [smem:$0x3FA5]  }
0x30: {  	s3 =	sld [smem:$0x3FA8]  }
0x31: {  	[smem:$0x3FB1] =	sst s10  }
0x32: {  	s10 =	sld [smem:$0x3FAF];
	_ =	sdelay $0x3  }
0x33: {  	p0 =	seq.s32 s10, $0x1;
	s10 =	sld [smem:$0x3FB1];
	_ =	sdelay $0x3  }
0x34: {  	[smem:$0x3FB1] =	sst s10  }
0x35: {  	s10 =	sld [smem:$0x3FB0];
	_ =	sdelay $0x3  }
0x36: {  	p1 =	seq.s32 s10, $0x1;
	s10 =	sld [smem:$0x3FB1];
	_ =	sdelay $0x3  }
0x37: {  	[smem:$0x3FB1] =	sst s10  }
0x38: {  	s10 =	sld [smem:$0x3FB2]  }
0x39: {  	_ = 	snop;
	(pc) =	sbr.ind lr, $3  }
0x3a: {  	_ = 	snop  }
0x3b: {  	_ = 	snop  }
0x3c: {  	p2 =	seq.s32 s10, $0x1;
	s10 =	sld [smem:$0x3FB1]  }
0x3d: {  	_ =	shalt  }
0x3e: {  	_ =	shalt  }
0x3f: {  	_ =	shalt  }
0x40: {  	_ =	shalt  }
0x41: {  	_ =	shalt  }
0x42: {  	_ =	shalt  }
0x43: {  	_ =	shalt  }
0x44: {  	_ =	shalt  }
0x45: {  	_ =	shalt  }
0x46: {  	_ =	shalt  }
0x47: {  	_ =	shalt  }
0x48: {  	_ =	shalt  }
0x49: {  	_ =	shalt  }
0x4a: {  	_ =	shalt  }
0x4b: {  	_ =	shalt  }
0x4c: {  	_ =	shalt  }
0x4d: {  	_ =	shalt  }
0x4e: {  	_ =	shalt  }
0x4f: {  	_ =	shalt  }
0x50: {  	_ =	shalt  }
0x51: {  	_ =	shalt  }
0x52: {  	_ =	shalt  }
0x53: {  	_ =	shalt  }
0x54: {  	_ =	shalt  }
0x55: {  	_ =	shalt  }
0x56: {  	_ =	shalt  }
0x57: {  	_ =	shalt  }
0x58: {  	_ =	shalt  }
0x59: {  	_ =	shalt  }
0x5a: {  	_ =	shalt  }
0x5b: {  	_ =	shalt  }
0x5c: {  	_ =	shalt  }
0x5d: {  	_ =	shalt  }
0x5e: {  	_ =	shalt  }
0x5f: {  	_ =	shalt  }
0x60: {  	_ =	shalt  }
0x61: {  	_ =	shalt  }
0x62: {  	_ =	shalt  }
0x63: {  	_ =	shalt  }
0x64: {  	_ =	shalt  }
0x65: {  	_ =	shalt  }
0x66: {  	_ =	shalt  }
0x67: {  	_ =	shalt  }
0x68: {  	_ =	shalt  }
0x69: {  	_ =	shalt  }
0x6a: {  	_ =	shalt  }
0x6b: {  	_ =	shalt  }
0x6c: {  	_ =	shalt  }
0x6d: {  	_ =	shalt  }
0x6e: {  	_ =	shalt  }
0x6f: {  	_ =	shalt  }
0x70: {  	_ =	shalt  }
0x71: {  	_ =	shalt  }
0x72: {  	_ =	shalt  }
0x73: {  	_ =	shalt  }
0x74: {  	_ =	shalt  }
0x75: {  	_ =	shalt  }
0x76: {  	_ =	shalt  }
0x77: {  	_ =	shalt  }
0x78: {  	_ =	shalt  }
0x79: {  	_ =	shalt  }
0x7a: {  	_ =	shalt  }
0x7b: {  	_ =	shalt  }
0x7c: {  	_ =	shalt  }
0x7d: {  	_ =	shalt  }
0x7e: {  	_ =	shalt  }
0x7f: {  	_ =	shalt  }
0x80: {  	_ =	shalt  }
0x81: {  	_ =	shalt  }
0x82: {  	_ =	shalt  }
0x83: {  	_ =	shalt  }
0x84: {  	_ =	shalt  }
0x85: {  	_ =	shalt  }
0x86: {  	_ =	shalt  }
0x87: {  	_ =	shalt  }
.Lfunc_end0:
.L_simem_size_0:
called_computation_lowered:
.L_overlay_start_0:
0x88: {  	s2 =	sld [smem:$0x3FD9]  }
0x89: {  	s3 =	sld [smem:$0x3FFE];
	_ =	sdelay $0x1  }
0x8a: {  	s1 =	srdreg.scid  }
0x8b: {  	s0 =	sand.u32 $0x1, s1  }
0x8c: {  	s16 =	sshll.u32 s0, $0xA;
	s2 =	sadd.s32 s3, s2  }
0x8d: {  	s2 =	sadd.s32 s2, s16  }
0x8e: {  	[smem:$0x3FBD] =	sst s2  }
0x8f: {  	_ = 	snop  }
0x90: {  	(tm) =	ssettm $0x1  }
0x91: {  	s17 =	sld [smem:$0x3FFB];
	_ =	sdelay $0x3  }
0x92: {  	_ =	strace s17  }
0x93: {  	s2 =	sld [smem:$0x3FFC];
	_ =	sdelay $0x3  }
0x94: {  	_ =	strace s2  }
0x95: {  	s2 =	sld [smem:$0x3FFD];
	_ =	sdelay $0x3  }
0x96: {  	_ =	strace s2  }
0x97: {  	_ =	strace $0x8FFFFFFF  }
0x98: {  	s18 =	sld [smem:$0x3FDB];
	_ =	sdelay $0x1  }
0x99: {  	s19 =	simm.s32 $_scs_section_size  }
0x9a: {  	s4 =	simm.s32 $_size__tile_overlayer_lowered;
	s5 =	simm.s32 $_tile_overlayer_lowered  }
0x9b: {  	s22 =	simm.s32 $0x1BFF;
	s21 =	sshll.u32 s5, $0x1;
	s2 =	sadd.s32 s19, s18  }
0x9c: {  	s6 =	simm.s32 $0x0;
	s20 =	sshll.u32 s4, $0x1;
	s4 =	sadd.s32 s21, s2  }
0x9d: {  	[timem:s6], [sflag:s22] =	dma.local [hbm:s4], s20  }
0x9e: {  	_ =	swait.ge [sflag:s22], s20  }
0x9f: {  	s3 =	ssub.s32 $0x0, s20;
	[sflag:s22] =	ssyncset.done $0x0  }
0xa0: {  	[sflag:s22] =	ssyncadd.s32 s3;
	_ =	sdelay $0x1  }
0xa1: {  	s23 =	simm.s32 $0x1B8B  }
0xa2: {  	_ =	swait.ge [sflag:s23], $0x1  }
0xa3: {  	[sflag:s23] =	ssyncset.done $0x0  }
0xa4: {  	s25 =	simm.s32 $0x1B8E;
	s24 =	sld [smem:$0x3FFE];
	[sflag:s23] =	ssyncadd.s32 $0xFFFFFFFF  }
0xa5: {  	s26 =	simm.s32 $execute0_lowered;
	[smem:$0x3FD2] =	sst s25  }
0xa6: {  	s4 =	sshll.u32 s26, $0x1;
	_ =	strace $0x80000046;
	[dreg:$0x1] =	wrdreg $0xFFFFFFFF  }
0xa7: {  	s28 =	simm.s32 $_size_execute0_lowered;
	s2 =	sadd.s32 s2, s4;
	[dreg:$0x0] =	wrdreg $0x0  }
0xa8: {  	s4 =	sshll.u32 s28, $0x1;
	[dreg:$0x2] =	wrdreg s2  }
0xa9: {  	[dreg:$0x3] =	wrdreg s4  }
0xaa: {  	[dreg:$0x4] =	wrdreg $0xC0  }
0xab: {  	_ =	task [dreg:s6], $0x5FFFF  }
0xac: {  	[dreg:$0x1] =	wrdreg $0xFFFFFFFF  }
0xad: {  	[dreg:$0x0] =	wrdreg $0x60  }
0xae: {  	[dreg:$0x2] =	wrdreg s24  }
0xaf: {  	[dreg:$0x3] =	wrdreg $0xF4000  }
0xb0: {  	[dreg:$0x4] =	wrdreg $0x9  }
0xb1: {  	_ =	task.clear_ibuf [dreg:s6], $0x5FFFF;
	_ =	strace $0x90000046  }
0xb2: {  	s29 =	simm.s32 $0x9;
	_ =	strace $0x80000048  }
0xb3: {  	_ =	swait.ge [sflag:s29], $0x1  }
0xb4: {  	[sflag:s29] =	ssyncadd.s32 $0xFFFFFFFF  }
0xb5: {  	_ =	strace $0x90000048  }
0xb6: {  	_ =	sfence  }
0xb7: {  	s30 =	sld [smem:$0x0];
	_ =	sdelay $0x2  }
0xb8: {  	s31 =	sshll.u32 s1, $0xD;
	s1 =	sshrl.u32 s1, $0x2  }
0xb9: {  	s3 =	sand.u32 $0x4000, s31;
	s1 =	sadd.s32 s1, s30  }
0xba: {  	s0 =	sor.u32 s3, s0;
	s1 =	sshll.u32 s1, $0x11  }
0xbb: {  	s0 =	sor.u32 s1, s0  }
0xbc: {  	s0 =	sadd.s32 $0x8F2B, s0  }
0xbd: {  	[sflag:s0] =	ssyncadd.remote.s32 $0x1  }
0xbe: {  	_ =	sfence.sel $0xFFFF  }
0xbf: {  	[dreg:$0x0] =	wrdreg $0xFFFFFFFF;
	(pc) =	sbr.abs _section_cstart, $3  }
0xc0: {  	[dreg:$0x1] =	wrdreg $0xFFFFFFFF  }
0xc1: {  	_ =	task.clear_ibuf [dreg:s6], $0x2FFFF;
	_ =	strace $0x9FFFFFFF  }
0xc2: {  	(tm) =	ssettm $0x7FFFFFFF  }
0xc3: {  	_ =	shalt  }
tec
execute0_lowered:
.L_overlay_start_1:
0x0: {  	(tag) =	ssettag $0x1  }
0x1: {  	s6 =	rddreg [dreg:$0x0]  }
0x2: {  	s2 =	rddreg [dreg:$0x1]  }
0x3: {  	s0 =	rddreg [dreg:$0x2];
	s4 =	srdreg.scid  }
0x4: {  	s1 =	stileid.u32;
	s3 =	simm.s32 $0x0;
	s16 =	simm.s32 $0x80  }
0x5: {  	s17 =	simm.s32 $0x7400;
	s18 =	simm.s32 $0x9400;
	s19 =	simm.s32 $0xB400  }
0x6: {  	s20 =	simm.s32 $0xD400;
	s21 =	simm.s32 $0x1;
	s22 =	simm.s32 $0x2  }
0x7: {  	s7 =	sand.u32 $0x1, s4;
	s8 =	smul.u32 $0xA000, s1;
	[smem:$0x7FF] =	sst s3  }
0x8: {  	s9 =	sadd.s32 $0x1F600, s6;
	s10 =	sadd.s32 $0x15600, s6;
	s13 =	smul.u32 $0x5000, s1  }
0x9: {  	s4 =	sadd.s32 $0x1C00, s6;
	s30 =	sshll.u32 s1, $0x6;
	s14 =	smul.u32 $0xA00, s1  }
0xa: {  	s5 =	smul.u32 $0xA0000, s7;
	_ =	strace $0x80000047;
	s12 =	ssub.s32 $0x2, s7  }
0xb: {  	p0 =	seq.s32 s7, $0x1;
	s29 =	sshrl.u32 s12, $0x1;
	s15 =	sadd.s32 s8, s2  }
0xc: {  	s31 =	sshrl.u32 s13, $0x3;
	s7 =	sadd.s32 s9, s14;
	s11 =	sadd.s32 s8, s5  }
.Ltmp0:
0xd: {  	s5 =	sadd.s32 $0x29600, s6;
	s12 =	ssub.s32 s12, s29;
	(pc) =	sbr.rel .LBB2_1-.Ltmp0, $4  }
0xe: {  	s13 =	sadd.s32 $0x740, s31;
	s8 =	sadd.s32 s10, s14;
	s14 =	simm.s32 $0x3  }
0xf: {  	s11 =	sshrl.u32 s11, $0x3;
	s9 =	sadd.s32 s9, s13;
	s10 =	sadd.s32 s10, s13  }
0x10: {  	s12 =	smax.u32 s12, $0x1;
	s13 =	sshrl.u32 s15, $0x3;
	s11 =	sadd.s32 s11, s6  }
0x11: {  	s15 =	simm.s32 $0x3A00;
	s6 =	sor.u32 $0x1C03, s30;
	s11 =	sadd.s32 $0x2AA00, s11  }
.LBB2_7:
0x12: {  	s23 =	sshra.s32 s23, $0x2;
	[sflag:s22] =	ssyncadd.s32 $0xFFFFE000  }
0x13: {  	[tilespmem:s17], [sflag:$0x1] =	stream.indirect.gather [hbm4b:s4+s16], $0x40, s23, s16, $0xb8;
	[tilespmem:$0x19400] =	vst v63  }
0x14: {  	s24 =	sadd.s32 $0x80, s23  }
0x15: {  	[tilespmem:s18], [sflag:$0x1] =	stream.indirect.gather [hbm4b:s4+s16], $0x40, s24, s16, $0xb8;
	[tilespmem:$0x19400] =	vst v63  }
0x16: {  	s26 =	sadd.s32 $0x100, s23  }
0x17: {  	[tilespmem:s19], [sflag:$0x1] =	stream.indirect.gather [hbm4b:s4+s16], $0x40, s26, s16, $0xb8;
	[tilespmem:$0x19400] =	vst v63  }
0x18: {  	s28 =	sadd.s32 $0x180, s23  }
0x19: {  	[tilespmem:s20], [sflag:$0x1] =	stream.indirect.gather [hbm4b:s4+s16], $0x40, s28, s16, $0xb8;
	[tilespmem:$0x19400] =	vst v63  }
0x1a: {  	_ =	swait.ge [sflag:s21], $0x2000  }
0x1b: {  	[sflag:s21] =	ssyncset.done $0x0  }
0x1c: {  	[sflag:s21] =	ssyncadd.s32 $0xFFFFE000  }
0x1d: {  	_ =	swait.ge [sflag:s21], $0x2000  }
0x1e: {  	[sflag:s21] =	ssyncset.done $0x0  }
0x1f: {  	[sflag:s21] =	ssyncadd.s32 $0xFFFFE000  }
0x20: {  	_ =	swait.ge [sflag:s21], $0x2000  }
0x21: {  	[sflag:s21] =	ssyncset.done $0x0  }
0x22: {  	[sflag:s21] =	ssyncadd.s32 $0xFFFFE000  }
0x23: {  	_ =	swait.ge [sflag:s21], $0x2000  }
0x24: {  	[sflag:s21] =	ssyncset.done $0x0  }
0x25: {  	s29 =	sadd.s32 $0x3A00, s23;
	[sflag:s21] =	ssyncadd.s32 $0xFFFFE000  }
0x26: {  	[spmem:s2] =	stream.indirect.scatter.add.f32 [tilespmem:s17], [sflag:$0x2], $0x40, s29, s16, $0xb8;
	[tilespmem:$0x19400] =	vst v63  }
0x27: {  	s30 =	sadd.s32 $0x3A80, s23  }
0x28: {  	[spmem:s2] =	stream.indirect.scatter.add.f32 [tilespmem:s18], [sflag:$0x2], $0x40, s30, s16, $0xb8;
	[tilespmem:$0x19400] =	vst v63  }
0x29: {  	s31 =	sadd.s32 $0x3B00, s23  }
0x2a: {  	[spmem:s2] =	stream.indirect.scatter.add.f32 [tilespmem:s19], [sflag:$0x2], $0x40, s31, s16, $0xb8;
	[tilespmem:$0x19400] =	vst v63  }
0x2b: {  	s23 =	sadd.s32 $0x3B80, s23  }
0x2c: {  	[spmem:s2] =	stream.indirect.scatter.add.f32 [tilespmem:s20], [sflag:$0x2], $0x40, s23, s16, $0xb8;
	[tilespmem:$0x19400] =	vst v63  }
0x2d: {  	_ =	swait.ge [sflag:s22], $0x2000  }
0x2e: {  	[sflag:s22] =	ssyncset.done $0x0  }
0x2f: {  	[sflag:s22] =	ssyncadd.s32 $0xFFFFE000  }
0x30: {  	_ =	swait.ge [sflag:s22], $0x2000  }
0x31: {  	[sflag:s22] =	ssyncset.done $0x0  }
0x32: {  	[sflag:s22] =	ssyncadd.s32 $0xFFFFE000  }
0x33: {  	_ =	swait.ge [sflag:s22], $0x2000  }
0x34: {  	[sflag:s22] =	ssyncset.done $0x0  }
0x35: {  	[sflag:s22] =	ssyncadd.s32 $0xFFFFE000  }
0x36: {  	_ =	swait.ge [sflag:s22], $0x2000  }
0x37: {  	[sflag:s22] =	ssyncset.done $0x0  }
0x38: {  	[sflag:s22] =	ssyncadd.s32 $0xFFFFE000  }
.LBB2_8:
0x39: {  	s3 =	sadd.s32 $0x1, s3  }
0x3a: {  	p1 =	sne.s32 s3, s12  }
.Ltmp1:
0x3b: {  	[bflag:$0x0] =	sbarrier.arrive $0xFFFF;
	(pc) =	sbr.rel @!p1 .LBB2_9-.Ltmp1, $4  }
0x3c: {  	[hbm:s11], [sflag:s6] =	dma.local [spmem:s13], $0x1400  }
0x3d: {  	_ =	swait.ge [sflag:s14], $0x1400  }
0x3e: {  	[sflag:s14] =	ssyncset.done $0x0  }
0x3f: {  	[sflag:s14] =	ssyncadd.s32 $0xFFFFEC00  }
.LBB2_1:
0x40: {  	[spmem:s13], [sflag:s6] =	dma.local [hbm:s5], $0x1400  }
.Ltmp2:
0x41: {  	_ =	swait.ge [sflag:s14], $0x1400;
	(pc) =	sbr.rel @!p0 .LBB2_2-.Ltmp2, $4  }
0x42: {  	[sflag:s14] =	ssyncset.done $0x0  }
0x43: {  	[sflag:s14] =	ssyncadd.s32 $0xFFFFEC00  }
0x44: {  	[bflag:$0x0] =	sbarrier.arrive $0xFFFF  }
0x45: {  	s23 =	simm.s32 $0x0  }
0x46: {  	[tilespmem:s23], [sflag:$0x3] =	stream.linear.gather [hbm4b:s9+s23], $0x1600, $0x38;
	[tilespmem:$0x19400] =	vst v63  }
0x47: {  	_ =	swait.ge [sflag:s14], $0x1600  }
0x48: {  	[sflag:s14] =	ssyncset.done $0x0  }
0x49: {  	[sflag:s14] =	ssyncadd.s32 $0xFFFFEA00  }
0x4a: {  	[tilespmem:s15], [sflag:$0x3] =	stream.linear.gather [hbm4b:s10+s23], $0x1600, $0x38;
	[tilespmem:$0x19400] =	vst v63  }
0x4b: {  	_ =	swait.ge [sflag:s14], $0x1600  }
0x4c: {  	[sflag:s14] =	ssyncset.done $0x0  }
0x4d: {  	s31 =	simm.s32 $0x0;
	[sflag:s14] =	ssyncadd.s32 $0xFFFFEA00  }
0x4e: {  	[tilespmem:s17], [sflag:$0x1] =	stream.indirect.gather [hbm4b:s4+s16], $0x40, s31, s16, $0xb8;
	[tilespmem:$0x19400] =	vst v63  }
0x4f: {  	s24 =	simm.s32 $0x80  }
0x50: {  	[tilespmem:s18], [sflag:$0x1] =	stream.indirect.gather [hbm4b:s4+s16], $0x40, s24, s16, $0xb8;
	[tilespmem:$0x19400] =	vst v63  }
0x51: {  	s25 =	simm.s32 $0x100  }
0x52: {  	[tilespmem:s19], [sflag:$0x1] =	stream.indirect.gather [hbm4b:s4+s16], $0x40, s25, s16, $0xb8;
	[tilespmem:$0x19400] =	vst v63  }
0x53: {  	s26 =	simm.s32 $0x180  }
0x54: {  	[tilespmem:s20], [sflag:$0x1] =	stream.indirect.gather [hbm4b:s4+s16], $0x40, s26, s16, $0xb8;
	[tilespmem:$0x19400] =	vst v63  }
0x55: {  	_ =	swait.ge [sflag:s21], $0x2000  }
0x56: {  	[sflag:s21] =	ssyncset.done $0x0  }
0x57: {  	[sflag:s21] =	ssyncadd.s32 $0xFFFFE000  }
0x58: {  	_ =	swait.ge [sflag:s21], $0x2000  }
0x59: {  	[sflag:s21] =	ssyncset.done $0x0  }
0x5a: {  	[sflag:s21] =	ssyncadd.s32 $0xFFFFE000  }
0x5b: {  	_ =	swait.ge [sflag:s21], $0x2000  }
0x5c: {  	[sflag:s21] =	ssyncset.done $0x0  }
0x5d: {  	[sflag:s21] =	ssyncadd.s32 $0xFFFFE000  }
0x5e: {  	_ =	swait.ge [sflag:s21], $0x2000  }
0x5f: {  	[sflag:s21] =	ssyncset.done $0x0  }
0x60: {  	s28 =	simm.s32 $0x3A00;
	[sflag:s21] =	ssyncadd.s32 $0xFFFFE000  }
0x61: {  	[spmem:s2] =	stream.indirect.scatter.add.f32 [tilespmem:s17], [sflag:$0x2], $0x40, s28, s16, $0xb8;
	[tilespmem:$0x19400] =	vst v63  }
0x62: {  	s29 =	simm.s32 $0x3A80  }
0x63: {  	[spmem:s2] =	stream.indirect.scatter.add.f32 [tilespmem:s18], [sflag:$0x2], $0x40, s29, s16, $0xb8;
	[tilespmem:$0x19400] =	vst v63  }
0x64: {  	s30 =	simm.s32 $0x3B00  }
0x65: {  	[spmem:s2] =	stream.indirect.scatter.add.f32 [tilespmem:s19], [sflag:$0x2], $0x40, s30, s16, $0xb8;
	[tilespmem:$0x19400] =	vst v63  }
0x66: {  	s31 =	simm.s32 $0x3B80  }
0x67: {  	[spmem:s2] =	stream.indirect.scatter.add.f32 [tilespmem:s20], [sflag:$0x2], $0x40, s31, s16, $0xb8;
	[tilespmem:$0x19400] =	vst v63  }
0x68: {  	_ =	swait.ge [sflag:s22], $0x2000  }
0x69: {  	[sflag:s22] =	ssyncset.done $0x0  }
0x6a: {  	[sflag:s22] =	ssyncadd.s32 $0xFFFFE000  }
0x6b: {  	_ =	swait.ge [sflag:s22], $0x2000  }
0x6c: {  	[sflag:s22] =	ssyncset.done $0x0  }
0x6d: {  	[sflag:s22] =	ssyncadd.s32 $0xFFFFE000  }
0x6e: {  	_ =	swait.ge [sflag:s22], $0x2000  }
0x6f: {  	[sflag:s22] =	ssyncset.done $0x0  }
0x70: {  	[sflag:s22] =	ssyncadd.s32 $0xFFFFE000  }
0x71: {  	_ =	swait.ge [sflag:s22], $0x2000  }
0x72: {  	s23 =	simm.s32 $0x800;
	s25 =	simm.s32 $0x1000;
	[sflag:s22] =	ssyncset.done $0x0  }
.LBB2_6:
0x73: {  	s26 =	sshra.s32 s23, $0x2  }
0x74: {  	[sflag:s22] =	ssyncadd.s32 $0xFFFFE000;
	s23 =	smov.u32 s25;
	s24 =	sadd.s32 $0x800, s25  }
0x75: {  	[tilespmem:s17], [sflag:$0x1] =	stream.indirect.gather [hbm4b:s4+s16], $0x40, s26, s16, $0xb8;
	[tilespmem:$0x19400] =	vst v63  }
0x76: {  	p1 =	sne.s32 s25, $0x5000;
	s25 =	sadd.s32 $0x80, s26  }
0x77: {  	[tilespmem:s18], [sflag:$0x1] =	stream.indirect.gather [hbm4b:s4+s16], $0x40, s25, s16, $0xb8;
	[tilespmem:$0x19400] =	vst v63  }
0x78: {  	s25 =	sadd.s32 $0x100, s26  }
0x79: {  	[tilespmem:s19], [sflag:$0x1] =	stream.indirect.gather [hbm4b:s4+s16], $0x40, s25, s16, $0xb8;
	[tilespmem:$0x19400] =	vst v63  }
0x7a: {  	s25 =	sadd.s32 $0x180, s26  }
0x7b: {  	[tilespmem:s20], [sflag:$0x1] =	stream.indirect.gather [hbm4b:s4+s16], $0x40, s25, s16, $0xb8;
	[tilespmem:$0x19400] =	vst v63  }
0x7c: {  	_ =	swait.ge [sflag:s21], $0x2000  }
0x7d: {  	[sflag:s21] =	ssyncset.done $0x0  }
0x7e: {  	[sflag:s21] =	ssyncadd.s32 $0xFFFFE000  }
0x7f: {  	_ =	swait.ge [sflag:s21], $0x2000  }
0x80: {  	[sflag:s21] =	ssyncset.done $0x0  }
0x81: {  	[sflag:s21] =	ssyncadd.s32 $0xFFFFE000  }
0x82: {  	_ =	swait.ge [sflag:s21], $0x2000  }
0x83: {  	[sflag:s21] =	ssyncset.done $0x0  }
0x84: {  	[sflag:s21] =	ssyncadd.s32 $0xFFFFE000  }
0x85: {  	_ =	swait.ge [sflag:s21], $0x2000  }
0x86: {  	[sflag:s21] =	ssyncset.done $0x0  }
0x87: {  	s25 =	sadd.s32 $0x3A00, s26;
	[sflag:s21] =	ssyncadd.s32 $0xFFFFE000  }
0x88: {  	[spmem:s2] =	stream.indirect.scatter.add.f32 [tilespmem:s17], [sflag:$0x2], $0x40, s25, s16, $0xb8;
	[tilespmem:$0x19400] =	vst v63  }
0x89: {  	s25 =	sadd.s32 $0x3A80, s26  }
0x8a: {  	[spmem:s2] =	stream.indirect.scatter.add.f32 [tilespmem:s18], [sflag:$0x2], $0x40, s25, s16, $0xb8;
	[tilespmem:$0x19400] =	vst v63  }
0x8b: {  	s25 =	sadd.s32 $0x3B00, s26  }
0x8c: {  	[spmem:s2] =	stream.indirect.scatter.add.f32 [tilespmem:s19], [sflag:$0x2], $0x40, s25, s16, $0xb8;
	[tilespmem:$0x19400] =	vst v63  }
0x8d: {  	s25 =	sadd.s32 $0x3B80, s26  }
0x8e: {  	[spmem:s2] =	stream.indirect.scatter.add.f32 [tilespmem:s20], [sflag:$0x2], $0x40, s25, s16, $0xb8;
	[tilespmem:$0x19400] =	vst v63  }
0x8f: {  	_ =	swait.ge [sflag:s22], $0x2000  }
0x90: {  	[sflag:s22] =	ssyncset.done $0x0  }
0x91: {  	[sflag:s22] =	ssyncadd.s32 $0xFFFFE000  }
0x92: {  	_ =	swait.ge [sflag:s22], $0x2000  }
0x93: {  	[sflag:s22] =	ssyncset.done $0x0  }
0x94: {  	[sflag:s22] =	ssyncadd.s32 $0xFFFFE000  }
.Ltmp3:
0x95: {  	_ =	swait.ge [sflag:s22], $0x2000;
	(pc) =	sbr.rel @p1 .LBB2_6-.Ltmp3, $4  }
0x96: {  	[sflag:s22] =	ssyncset.done $0x0  }
0x97: {  	[sflag:s22] =	ssyncadd.s32 $0xFFFFE000  }
0x98: {  	_ =	swait.ge [sflag:s22], $0x2000  }
0x99: {  	s25 =	smov.u32 s24;
	[sflag:s22] =	ssyncset.done $0x0  }
.Ltmp4:
0x9a: {  	_ = 	snop;
	(pc) =	sbr.rel .LBB2_7-.Ltmp4, $1  }
0x9b: {  	_ =	sdelay $0x3  }
.LBB2_2:
0x9c: {  	[tilespmem:s23], [sflag:$0x3] =	stream.linear.gather [hbm4b:s7+s23], $0x3A00, $0x38;
	[tilespmem:$0x19400] =	vst v63  }
0x9d: {  	_ =	swait.ge [sflag:s14], $0x3A00  }
0x9e: {  	[sflag:s14] =	ssyncset.done $0x0  }
0x9f: {  	[sflag:s14] =	ssyncadd.s32 $0xFFFFC600  }
0xa0: {  	[tilespmem:s15], [sflag:$0x3] =	stream.linear.gather [hbm4b:s8+s23], $0x3A00, $0x38;
	[tilespmem:$0x19400] =	vst v63  }
0xa1: {  	_ =	swait.ge [sflag:s14], $0x3A00  }
0xa2: {  	[sflag:s14] =	ssyncset.done $0x0  }
0xa3: {  	s31 =	simm.s32 $0x0;
	[sflag:s14] =	ssyncadd.s32 $0xFFFFC600  }
0xa4: {  	[tilespmem:s17], [sflag:$0x1] =	stream.indirect.gather [hbm4b:s4+s16], $0x40, s31, s16, $0xb8;
	[tilespmem:$0x19400] =	vst v63  }
0xa5: {  	s24 =	simm.s32 $0x80  }
0xa6: {  	[tilespmem:s18], [sflag:$0x1] =	stream.indirect.gather [hbm4b:s4+s16], $0x40, s24, s16, $0xb8;
	[tilespmem:$0x19400] =	vst v63  }
0xa7: {  	s25 =	simm.s32 $0x100  }
0xa8: {  	[tilespmem:s19], [sflag:$0x1] =	stream.indirect.gather [hbm4b:s4+s16], $0x40, s25, s16, $0xb8;
	[tilespmem:$0x19400] =	vst v63  }
0xa9: {  	s26 =	simm.s32 $0x180  }
0xaa: {  	[tilespmem:s20], [sflag:$0x1] =	stream.indirect.gather [hbm4b:s4+s16], $0x40, s26, s16, $0xb8;
	[tilespmem:$0x19400] =	vst v63  }
0xab: {  	_ =	swait.ge [sflag:s21], $0x2000  }
0xac: {  	[sflag:s21] =	ssyncset.done $0x0  }
0xad: {  	[sflag:s21] =	ssyncadd.s32 $0xFFFFE000  }
0xae: {  	_ =	swait.ge [sflag:s21], $0x2000  }
0xaf: {  	[sflag:s21] =	ssyncset.done $0x0  }
0xb0: {  	[sflag:s21] =	ssyncadd.s32 $0xFFFFE000  }
0xb1: {  	_ =	swait.ge [sflag:s21], $0x2000  }
0xb2: {  	[sflag:s21] =	ssyncset.done $0x0  }
0xb3: {  	[sflag:s21] =	ssyncadd.s32 $0xFFFFE000  }
0xb4: {  	_ =	swait.ge [sflag:s21], $0x2000  }
0xb5: {  	[sflag:s21] =	ssyncset.done $0x0  }
0xb6: {  	s28 =	simm.s32 $0x3A00;
	[sflag:s21] =	ssyncadd.s32 $0xFFFFE000  }
0xb7: {  	[spmem:s2] =	stream.indirect.scatter.add.f32 [tilespmem:s17], [sflag:$0x2], $0x40, s28, s16, $0xb8;
	[tilespmem:$0x19400] =	vst v63  }
0xb8: {  	s29 =	simm.s32 $0x3A80  }
0xb9: {  	[spmem:s2] =	stream.indirect.scatter.add.f32 [tilespmem:s18], [sflag:$0x2], $0x40, s29, s16, $0xb8;
	[tilespmem:$0x19400] =	vst v63  }
0xba: {  	s30 =	simm.s32 $0x3B00  }
0xbb: {  	[spmem:s2] =	stream.indirect.scatter.add.f32 [tilespmem:s19], [sflag:$0x2], $0x40, s30, s16, $0xb8;
	[tilespmem:$0x19400] =	vst v63  }
0xbc: {  	s31 =	simm.s32 $0x3B80  }
0xbd: {  	[spmem:s2] =	stream.indirect.scatter.add.f32 [tilespmem:s20], [sflag:$0x2], $0x40, s31, s16, $0xb8;
	[tilespmem:$0x19400] =	vst v63  }
0xbe: {  	_ =	swait.ge [sflag:s22], $0x2000  }
0xbf: {  	[sflag:s22] =	ssyncset.done $0x0  }
0xc0: {  	[sflag:s22] =	ssyncadd.s32 $0xFFFFE000  }
0xc1: {  	_ =	swait.ge [sflag:s22], $0x2000  }
0xc2: {  	[sflag:s22] =	ssyncset.done $0x0  }
0xc3: {  	[sflag:s22] =	ssyncadd.s32 $0xFFFFE000  }
0xc4: {  	_ =	swait.ge [sflag:s22], $0x2000  }
0xc5: {  	[sflag:s22] =	ssyncset.done $0x0  }
0xc6: {  	[sflag:s22] =	ssyncadd.s32 $0xFFFFE000  }
0xc7: {  	_ =	swait.ge [sflag:s22], $0x2000  }
0xc8: {  	s23 =	simm.s32 $0x800;
	s25 =	simm.s32 $0x1000;
	[sflag:s22] =	ssyncset.done $0x0  }
.LBB2_3:
0xc9: {  	s26 =	sshra.s32 s23, $0x2  }
0xca: {  	[sflag:s22] =	ssyncadd.s32 $0xFFFFE000;
	s23 =	smov.u32 s25;
	s24 =	sadd.s32 $0x800, s25  }
0xcb: {  	[tilespmem:s17], [sflag:$0x1] =	stream.indirect.gather [hbm4b:s4+s16], $0x40, s26, s16, $0xb8;
	[tilespmem:$0x19400] =	vst v63  }
0xcc: {  	p1 =	seq.s32 s25, $0xE000;
	s25 =	sadd.s32 $0x80, s26  }
0xcd: {  	[tilespmem:s18], [sflag:$0x1] =	stream.indirect.gather [hbm4b:s4+s16], $0x40, s25, s16, $0xb8;
	[tilespmem:$0x19400] =	vst v63  }
0xce: {  	s25 =	sadd.s32 $0x100, s26  }
0xcf: {  	[tilespmem:s19], [sflag:$0x1] =	stream.indirect.gather [hbm4b:s4+s16], $0x40, s25, s16, $0xb8;
	[tilespmem:$0x19400] =	vst v63  }
0xd0: {  	s25 =	sadd.s32 $0x180, s26  }
0xd1: {  	[tilespmem:s20], [sflag:$0x1] =	stream.indirect.gather [hbm4b:s4+s16], $0x40, s25, s16, $0xb8;
	[tilespmem:$0x19400] =	vst v63  }
0xd2: {  	_ =	swait.ge [sflag:s21], $0x2000  }
0xd3: {  	[sflag:s21] =	ssyncset.done $0x0  }
0xd4: {  	[sflag:s21] =	ssyncadd.s32 $0xFFFFE000  }
0xd5: {  	_ =	swait.ge [sflag:s21], $0x2000  }
0xd6: {  	[sflag:s21] =	ssyncset.done $0x0  }
0xd7: {  	[sflag:s21] =	ssyncadd.s32 $0xFFFFE000  }
0xd8: {  	_ =	swait.ge [sflag:s21], $0x2000  }
0xd9: {  	[sflag:s21] =	ssyncset.done $0x0  }
0xda: {  	[sflag:s21] =	ssyncadd.s32 $0xFFFFE000  }
0xdb: {  	_ =	swait.ge [sflag:s21], $0x2000  }
0xdc: {  	[sflag:s21] =	ssyncset.done $0x0  }
0xdd: {  	s25 =	sadd.s32 $0x3A00, s26;
	[sflag:s21] =	ssyncadd.s32 $0xFFFFE000  }
0xde: {  	[spmem:s2] =	stream.indirect.scatter.add.f32 [tilespmem:s17], [sflag:$0x2], $0x40, s25, s16, $0xb8;
	[tilespmem:$0x19400] =	vst v63  }
0xdf: {  	s25 =	sadd.s32 $0x3A80, s26  }
0xe0: {  	[spmem:s2] =	stream.indirect.scatter.add.f32 [tilespmem:s18], [sflag:$0x2], $0x40, s25, s16, $0xb8;
	[tilespmem:$0x19400] =	vst v63  }
0xe1: {  	s25 =	sadd.s32 $0x3B00, s26  }
0xe2: {  	[spmem:s2] =	stream.indirect.scatter.add.f32 [tilespmem:s19], [sflag:$0x2], $0x40, s25, s16, $0xb8;
	[tilespmem:$0x19400] =	vst v63  }
0xe3: {  	s25 =	sadd.s32 $0x3B80, s26  }
0xe4: {  	[spmem:s2] =	stream.indirect.scatter.add.f32 [tilespmem:s20], [sflag:$0x2], $0x40, s25, s16, $0xb8;
	[tilespmem:$0x19400] =	vst v63  }
0xe5: {  	_ =	swait.ge [sflag:s22], $0x2000  }
0xe6: {  	[sflag:s22] =	ssyncset.done $0x0  }
0xe7: {  	[sflag:s22] =	ssyncadd.s32 $0xFFFFE000  }
0xe8: {  	_ =	swait.ge [sflag:s22], $0x2000  }
0xe9: {  	[sflag:s22] =	ssyncset.done $0x0  }
0xea: {  	[sflag:s22] =	ssyncadd.s32 $0xFFFFE000  }
.Ltmp5:
0xeb: {  	_ =	swait.ge [sflag:s22], $0x2000;
	(pc) =	sbr.rel @!p1 .LBB2_3-.Ltmp5, $4  }
0xec: {  	[sflag:s22] =	ssyncset.done $0x0  }
0xed: {  	[sflag:s22] =	ssyncadd.s32 $0xFFFFE000  }
0xee: {  	_ =	swait.ge [sflag:s22], $0x2000  }
0xef: {  	s25 =	smov.u32 s24;
	[sflag:s22] =	ssyncset.done $0x0  }
0xf0: {  	s23 =	sshra.s32 s23, $0x2;
	[sflag:s22] =	ssyncadd.s32 $0xFFFFE000  }
0xf1: {  	[tilespmem:s17], [sflag:$0x1] =	stream.indirect.gather [hbm4b:s4+s16], $0x40, s23, s16, $0xb8;
	[tilespmem:$0x19400] =	vst v63  }
0xf2: {  	s24 =	sadd.s32 $0x80, s23  }
0xf3: {  	[tilespmem:s18], [sflag:$0x1] =	stream.indirect.gather [hbm4b:s4+s16], $0x40, s24, s16, $0xb8;
	[tilespmem:$0x19400] =	vst v63  }
0xf4: {  	s26 =	sadd.s32 $0x100, s23  }
0xf5: {  	[tilespmem:s19], [sflag:$0x1] =	stream.indirect.gather [hbm4b:s4+s16], $0x40, s26, s16, $0xb8;
	[tilespmem:$0x19400] =	vst v63  }
0xf6: {  	s28 =	sadd.s32 $0x180, s23  }
0xf7: {  	[tilespmem:s20], [sflag:$0x1] =	stream.indirect.gather [hbm4b:s4+s16], $0x40, s28, s16, $0xb8;
	[tilespmem:$0x19400] =	vst v63  }
0xf8: {  	_ =	swait.ge [sflag:s21], $0x2000  }
0xf9: {  	[sflag:s21] =	ssyncset.done $0x0  }
0xfa: {  	[sflag:s21] =	ssyncadd.s32 $0xFFFFE000  }
0xfb: {  	_ =	swait.ge [sflag:s21], $0x2000  }
0xfc: {  	[sflag:s21] =	ssyncset.done $0x0  }
0xfd: {  	[sflag:s21] =	ssyncadd.s32 $0xFFFFE000  }
0xfe: {  	_ =	swait.ge [sflag:s21], $0x2000  }
0xff: {  	[sflag:s21] =	ssyncset.done $0x0  }
0x100: {  	[sflag:s21] =	ssyncadd.s32 $0xFFFFE000  }
0x101: {  	_ =	swait.ge [sflag:s21], $0x2000  }
0x102: {  	[sflag:s21] =	ssyncset.done $0x0  }
0x103: {  	s29 =	sadd.s32 $0x3A00, s23;
	[sflag:s21] =	ssyncadd.s32 $0xFFFFE000  }
0x104: {  	[spmem:s2] =	stream.indirect.scatter.add.f32 [tilespmem:s17], [sflag:$0x2], $0x40, s29, s16, $0xb8;
	[tilespmem:$0x19400] =	vst v63  }
0x105: {  	s30 =	sadd.s32 $0x3A80, s23  }
0x106: {  	[spmem:s2] =	stream.indirect.scatter.add.f32 [tilespmem:s18], [sflag:$0x2], $0x40, s30, s16, $0xb8;
	[tilespmem:$0x19400] =	vst v63  }
0x107: {  	s31 =	sadd.s32 $0x3B00, s23  }
0x108: {  	[spmem:s2] =	stream.indirect.scatter.add.f32 [tilespmem:s19], [sflag:$0x2], $0x40, s31, s16, $0xb8;
	[tilespmem:$0x19400] =	vst v63  }
0x109: {  	s23 =	sadd.s32 $0x3B80, s23  }
0x10a: {  	[spmem:s2] =	stream.indirect.scatter.add.f32 [tilespmem:s20], [sflag:$0x2], $0x40, s23, s16, $0xb8;
	[tilespmem:$0x19400] =	vst v63  }
0x10b: {  	_ =	swait.ge [sflag:s22], $0x2000  }
0x10c: {  	[sflag:s22] =	ssyncset.done $0x0  }
0x10d: {  	[sflag:s22] =	ssyncadd.s32 $0xFFFFE000  }
0x10e: {  	_ =	swait.ge [sflag:s22], $0x2000  }
0x10f: {  	[sflag:s22] =	ssyncset.done $0x0  }
0x110: {  	[sflag:s22] =	ssyncadd.s32 $0xFFFFE000  }
0x111: {  	_ =	swait.ge [sflag:s22], $0x2000  }
.Ltmp6:
0x112: {  	[sflag:s22] =	ssyncset.done $0x0;
	(pc) =	sbr.rel .LBB2_8-.Ltmp6, $4  }
0x113: {  	[sflag:s22] =	ssyncadd.s32 $0xFFFFE000  }
0x114: {  	_ =	swait.ge [sflag:s22], $0x2000  }
0x115: {  	[sflag:s22] =	ssyncset.done $0x0  }
0x116: {  	[sflag:s22] =	ssyncadd.s32 $0xFFFFE000  }
.LBB2_9:
0x117: {  	_ =	sfence.sel $0x180000  }
0x118: {  	[bflag:$0x0] =	sbarrier.arrive $0xFFFF  }
0x119: {  	p0 =	sne.s32 s1, $0x0;
	_ =	strace $0x90000047  }
0x11a: {  	s0 =	sadd.s32 @!p0 $0x100000, s0;
	[bflag:$0x2] =	sbarrier.arrive $0xFFFF  }
0x11b: {  	[sflag:s0] =	ssyncadd.tile.s32 @!p0 $0x1;
	_ =	shalt  }
.Lfunc_end2:
_tile_overlayer_lowered:
.L_overlay_start_2:
0x11c: {  	(tag) =	ssettag $0x2  }
0x11d: {  	s0 =	rddreg [dreg:$0x0];
	s2 =	stileid.u32  }
0x11e: {  	s1 =	rddreg [dreg:$0x1];
	p0 =	sne.s32 s2, $0x0  }
0x11f: {  	s3 =	rddreg [dreg:$0x2];
	[bflag:$0x3] =	sbarrier.arrive $0xFFFF;
	s2 =	simm.s32 @!p0 $0x1C03  }
0x120: {  	[timem:s3], [sflag:s2] =	dma.local @!p0 [hbm:s0], s1  }
0x121: {  	s0 =	simm.s32 @!p0 $0x3  }
0x122: {  	_ =	swait.ge @!p0 [sflag:s0], s1  }
0x123: {  	s1 =	ssub.s32 @!p0 $0x0, s1;
	[sflag:s0] =	ssyncset.done @!p0 $0x0  }
0x124: {  	[sflag:s0] =	ssyncadd.s32 @!p0 s1  }
0x125: {  	[bflag:$0x3] =	sbarrier.arrive $0xFFFF  }
0x126: {  	_ =	shalt  }

</sc_bundles>
